<compile_context>
chip_gen: v7x
topology: tpu7x:2x2x1
jax: 0.10.2.dev20260603
libtpu: 0.0.44.dev20260713+nightly
codegen_flags: <defaults>
</compile_context>

<pallas_src>
import functools

import jax
import jax.numpy as jnp
from jax import lax
from jax.experimental import pallas as pl
from jax.experimental.pallas import tpu as pltpu
from jax.experimental.pallas import tpu_sc as plsc

_N = 10000
_E = 320000
_D = 128
_H = 32
_NC = 2
_NS = 16
_NTILES = _NC * _NS
_EC = 128
_REDGE = _E // _EC
_RNOM = 80
_DH = _D // 2
_NSLICE = 632
_NPAD = _NS * _NSLICE
_PADIDX = 10008
_BM = 2000

_HIGH = lax.Precision.HIGHEST


def _fill_pad(idx_v, lo, hi):

    def fill(i, _):
        for l in range(_EC // 16):
            idx_v[i, pl.ds(l * 16, 16)] = jnp.full((16,), _PADIDX, jnp.int32)
        return 0

    lax.fori_loop(lo, hi, fill, 0)


def _sc_degree(e3):
    mesh = plsc.VectorSubcoreMesh(core_axis_name="c", subcore_axis_name="s")
    nbuf = 2

    @functools.partial(
        pl.kernel,
        out_type=jax.ShapeDtypeStruct((_NC * _NPAD,), jnp.float32),
        mesh=mesh,
        scratch_types=[
            pltpu.VMEM((_RNOM, _EC), jnp.int32),
            pltpu.VMEM((_EC,), jnp.float32),
            pltpu.VMEM((640,), jnp.float32),
            pltpu.VMEM_SHARED((_NPAD,), jnp.float32),
            [pltpu.SemaphoreType.DMA for _ in range(nbuf)],
        ],
        compiler_params=pltpu.CompilerParams(use_tc_tiling_on_sc=False),
    )
    def k(e_hbm, out_hbm, idx_v, ones_v, z_v, deg_sh, dsem):
        c = lax.axis_index("c")
        s = lax.axis_index("s")
        wid = s * _NC + c

        def zfill(i, _):
            z_v[pl.ds(i * 16, 16)] = jnp.zeros((16,), jnp.float32)
            return 0

        lax.fori_loop(0, 40, zfill, 0)
        for l in range(_EC // 16):
            ones_v[pl.ds(l * 16, 16)] = jnp.ones((16,), jnp.float32)
        base = s * _NSLICE
        pltpu.sync_copy(z_v.at[pl.ds(0, _NSLICE)],
                        deg_sh.at[pl.ds(base, _NSLICE)])
        plsc.subcore_barrier()

        dst_hbm = e_hbm.at[1]
        row0 = wid * _RNOM

        nreal = _REDGE - (_NTILES - 1) * _RNOM

        @pl.when(wid < _NTILES - 1)
        def _():
            pltpu.sync_copy(dst_hbm.at[pl.ds(row0, _RNOM)], idx_v)

        @pl.when(wid == _NTILES - 1)
        def _():
            pltpu.sync_copy(dst_hbm.at[pl.ds(row0, nreal)],
                            idx_v.at[pl.ds(0, nreal)])
            _fill_pad(idx_v, nreal, _RNOM)

        def scat(j, b):
            pltpu.async_copy(ones_v, deg_sh.at[idx_v.at[j]], dsem[b],
                             add=True)

        def scat_wait(j, b):
            pltpu.make_async_copy(ones_v, deg_sh.at[idx_v.at[j]],
                                  dsem[b]).wait()

        for b in range(nbuf):
            scat(b, b)

        def pair(i, _):
            j0 = i * nbuf
            for b in range(nbuf):
                scat_wait(j0 + b, b)
                scat(j0 + nbuf + b, b)
            return 0

        lax.fori_loop(0, _RNOM // nbuf - 1, pair, 0)
        j0 = _RNOM - nbuf
        for b in range(nbuf):
            scat_wait(j0 + b, b)
        plsc.subcore_barrier()
        pltpu.sync_copy(deg_sh.at[pl.ds(base, _NSLICE)],
                        z_v.at[pl.ds(0, _NSLICE)])
        pltpu.sync_copy(z_v.at[pl.ds(0, _NSLICE)],
                        out_hbm.at[pl.ds(c * _NPAD + base, _NSLICE)])

    return k(e3).reshape(_NC, _NPAD)


def _sc_scatter(y2, e3):
    mesh = plsc.VectorSubcoreMesh(core_axis_name="c", subcore_axis_name="s")

    nbuf = 8
    nphase = 2
    rphase = _RNOM // nphase
    nquad = rphase // nbuf

    @functools.partial(
        pl.kernel,
        out_type=jax.ShapeDtypeStruct((_NC, _NPAD, _D), jnp.bfloat16),
        mesh=mesh,
        scratch_types=[
            pltpu.VMEM((rphase, _EC), jnp.int32),
            pltpu.VMEM((rphase, _EC), jnp.int32),
            [pltpu.VMEM((_EC, _D), jnp.bfloat16) for _ in range(nbuf)],
            pltpu.VMEM_SHARED((_NPAD, _D), jnp.bfloat16),
            [pltpu.SemaphoreType.DMA for _ in range(nbuf)],
            [pltpu.SemaphoreType.DMA for _ in range(nbuf)],
        ],
        compiler_params=pltpu.CompilerParams(use_tc_tiling_on_sc=False),
    )
    def k(y_hbm, e_hbm, out_hbm, src_v, dst_v, rows, agg_sh, gsem, ssem):
        c = lax.axis_index("c")
        s = lax.axis_index("s")
        wid = s * _NC + c

        def zrow(i, _):
            for l in range(_D // 32):
                rows[0][i, pl.ds(l * 32, 32)] = jnp.zeros((32,),
                                                          jnp.bfloat16)
            return 0

        lax.fori_loop(0, _EC, zrow, 0)
        base = s * _NSLICE
        for q in range(_NSLICE // _EC):
            pltpu.sync_copy(rows[0], agg_sh.at[pl.ds(base + q * _EC, _EC)])
        rem = _NSLICE % _EC
        pltpu.sync_copy(rows[0].at[pl.ds(0, rem)],
                        agg_sh.at[pl.ds(base + _NSLICE - rem, rem)])
        plsc.subcore_barrier()

        ytab = y_hbm
        src_hbm = e_hbm.at[0]
        dst_hbm = e_hbm.at[1]

        def gather(j, b):
            pltpu.async_copy(ytab.at[src_v.at[j]], rows[b], gsem[b])

        def gather_wait(j, b):
            pltpu.make_async_copy(ytab.at[src_v.at[j]], rows[b],
                                  gsem[b]).wait()

        def scatter(j, b):
            pltpu.async_copy(rows[b], agg_sh.at[dst_v.at[j]], ssem[b],
                             add=True)

        def scatter_wait(j, b):
            pltpu.make_async_copy(rows[b], agg_sh.at[dst_v.at[j]],
                                  ssem[b]).wait()

        for p in range(nphase):
            row0 = wid * _RNOM + p * rphase
            tail0 = (_NTILES - 1) * _RNOM + p * rphase
            if tail0 + rphase <= _REDGE:
                pltpu.sync_copy(src_hbm.at[pl.ds(row0, rphase)], src_v)
                pltpu.sync_copy(dst_hbm.at[pl.ds(row0, rphase)], dst_v)
            elif tail0 < _REDGE:
                nreal = _REDGE - tail0

                @pl.when(wid < _NTILES - 1)
                def _():
                    pltpu.sync_copy(src_hbm.at[pl.ds(row0, rphase)], src_v)
                    pltpu.sync_copy(dst_hbm.at[pl.ds(row0, rphase)], dst_v)

                @pl.when(wid == _NTILES - 1)
                def _():
                    pltpu.sync_copy(src_hbm.at[pl.ds(row0, nreal)],
                                    src_v.at[pl.ds(0, nreal)])
                    pltpu.sync_copy(dst_hbm.at[pl.ds(row0, nreal)],
                                    dst_v.at[pl.ds(0, nreal)])
                    _fill_pad(src_v, nreal, rphase)
                    _fill_pad(dst_v, nreal, rphase)
            else:

                @pl.when(wid < _NTILES - 1)
                def _():
                    pltpu.sync_copy(src_hbm.at[pl.ds(row0, rphase)], src_v)
                    pltpu.sync_copy(dst_hbm.at[pl.ds(row0, rphase)], dst_v)

                @pl.when(wid == _NTILES - 1)
                def _():
                    _fill_pad(src_v, 0, rphase)
                    _fill_pad(dst_v, 0, rphase)

            for b in range(nbuf):
                gather(b, b)

            def quad(i, _):
                j0 = i * nbuf
                for b in range(nbuf):
                    gather_wait(j0 + b, b)
                    scatter(j0 + b, b)
                for b in range(nbuf):
                    scatter_wait(j0 + b, b)
                    gather(j0 + nbuf + b, b)
                return 0

            lax.fori_loop(0, nquad - 1, quad, 0)
            j0 = (nquad - 1) * nbuf
            for b in range(nbuf):
                gather_wait(j0 + b, b)
                scatter(j0 + b, b)
            for b in range(nbuf):
                scatter_wait(j0 + b, b)
        plsc.subcore_barrier()
        for q in range(_NSLICE // _EC):
            b = q % nbuf
            pltpu.sync_copy(agg_sh.at[pl.ds(base + q * _EC, _EC)], rows[b])
            pltpu.sync_copy(rows[b],
                            out_hbm.at[c, pl.ds(base + q * _EC, _EC)])
        pltpu.sync_copy(agg_sh.at[pl.ds(base + _NSLICE - rem, rem)],
                        rows[0].at[pl.ds(0, rem)])
        pltpu.sync_copy(rows[0].at[pl.ds(0, rem)],
                        out_hbm.at[c, pl.ds(base + _NSLICE - rem, rem)])

    return k(y2, e3)


def _tc_prep(x, Wg, degT):

    def body(x_ref, wg_ref, deg_ref, y_ref):
        deg = deg_ref[:, 0:1] + deg_ref[:, 1:2] + 1.0
        dinv = lax.rsqrt(deg)
        xw = jnp.dot(x_ref[...], wg_ref[...], precision=_HIGH,
                     preferred_element_type=jnp.float32)
        y_ref[...] = (xw * dinv).astype(jnp.bfloat16)

    return pl.pallas_call(
        body,
        grid=(_N // _BM,),
        in_specs=[
            pl.BlockSpec((_BM, _D), lambda i: (i, 0)),
            pl.BlockSpec((_D, _D), lambda i: (0, 0)),
            pl.BlockSpec((_BM, 2), lambda i: (i, 0)),
        ],
        out_specs=pl.BlockSpec((_BM, _D), lambda i: (i, 0)),
        out_shape=jax.ShapeDtypeStruct((_NPAD, _D), jnp.bfloat16),
    )(x, Wg, degT)


def _tc_head(agg, y2, degT, x, act2, price2, bg2, w1a, w1t, b12, W2, b22,
             W3, b32):
    grid_n = _N // _BM

    def body(agg_ref, y_ref, deg_ref, x_ref, act_ref, price_ref, bg_ref,
             w1a_ref, w1t_ref, b1_ref, w2_ref, b2_ref, w3_ref, b3_ref,
             o_ref, acc_ref):
        i = pl.program_id(0)
        deg = deg_ref[:, 0:1] + deg_ref[:, 1:2] + 1.0
        dinv = lax.rsqrt(deg)
        aggsum = (agg_ref[0].astype(jnp.float32)
                  + agg_ref[1].astype(jnp.float32)
                  + y_ref[...].astype(jnp.float32))
        out_pre = aggsum * dinv + bg_ref[...]
        h = jnp.maximum(out_pre, 0.0) + x_ref[...]
        z1 = (jnp.dot(h, w1a_ref[...], precision=_HIGH,
                      preferred_element_type=jnp.float32)
              + act_ref[...] * w1t_ref[0:1, :]
              + price_ref[...] * w1t_ref[1:2, :]
              + b1_ref[...])
        z1 = jnp.maximum(z1, 0.0)
        z2 = jnp.dot(z1, w2_ref[...], precision=_HIGH,
                     preferred_element_type=jnp.float32) + b2_ref[...]
        z2 = jnp.maximum(z2, 0.0)
        part = jnp.sum(z2, axis=0, keepdims=True)

        @pl.when(i == 0)
        def _():
            acc_ref[...] = part

        @pl.when(i > 0)
        def _():
            acc_ref[...] = acc_ref[...] + part

        @pl.when(i == grid_n - 1)
        def _():
            o_ref[...] = jnp.dot(acc_ref[...], w3_ref[...], precision=_HIGH,
                                 preferred_element_type=jnp.float32) + b3_ref[...]

    return pl.pallas_call(
        body,
        grid=(grid_n,),
        in_specs=[
            pl.BlockSpec((_NC, _BM, _D), lambda i: (0, i, 0)),
            pl.BlockSpec((_BM, _D), lambda i: (i, 0)),
            pl.BlockSpec((_BM, 2), lambda i: (i, 0)),
            pl.BlockSpec((_BM, _D), lambda i: (i, 0)),
            pl.BlockSpec((_BM, 1), lambda i: (i, 0)),
            pl.BlockSpec((1, 1), lambda i: (0, 0)),
            pl.BlockSpec((1, _D), lambda i: (0, 0)),
            pl.BlockSpec((_D, _H), lambda i: (0, 0)),
            pl.BlockSpec((2, _H), lambda i: (0, 0)),
            pl.BlockSpec((1, _H), lambda i: (0, 0)),
            pl.BlockSpec((_H, _H), lambda i: (0, 0)),
            pl.BlockSpec((1, _H), lambda i: (0, 0)),
            pl.BlockSpec((_H, 1), lambda i: (0, 0)),
            pl.BlockSpec((1, 1), lambda i: (0, 0)),
        ],
        out_specs=pl.BlockSpec((1, 1), lambda i: (0, 0)),
        out_shape=jax.ShapeDtypeStruct((1, 1), jnp.float32),
        scratch_shapes=[pltpu.VMEM((1, _H), jnp.float32)],
    )(agg, y2, degT, x, act2, price2, bg2, w1a, w1t, b12, W2, b22, W3, b32)


def kernel(x, edge_index, action, price, Wg, bg, W1, b1, W2, b2, W3, b3):
    e3 = edge_index.reshape(2, _REDGE, _EC)

    degp = _sc_degree(e3)
    degT = degp.T
    y2 = _tc_prep(x, Wg, degT)
    agg = _sc_scatter(y2, e3)

    v2 = _tc_head(
        agg, y2, degT, x,
        action[:, None],
        price.reshape(1, 1),
        bg[None, :],
        W1[:_D],
        W1[_D:],
        b1[None, :],
        W2,
        b2[None, :],
        W3,
        b3[None, :],
    )
    return v2[0, 0]

# --- scband reference (transcript-rebuilt; emitter-appended) ---
"""Pipeline reference for scband-gnncritic-60258391162971 (READ-ONLY COPY).

The authoritative reference and input builder live on the scoring server;
editing this copy changes nothing except your own understanding.
"""

import jax, jax.numpy as jnp
import numpy as np

N = 10000
E = 320000
D = 128
H = 32


def setup_inputs(seed: int = 0) -> dict:
    key = jax.random.key(seed)
    ks = jax.random.split(key, 12)
    x = jax.random.normal(ks[0], (N, D), dtype=jnp.float32)
    edge_index = jax.random.randint(ks[1], (2, E), 0, N, dtype=jnp.int32)
    action = jax.random.uniform(ks[2], (N,), dtype=jnp.float32)
    price = jax.random.uniform(ks[3], (1, 1, 1), dtype=jnp.float32)
    # learned parameters
    Wg = jax.random.normal(ks[4], (D, D), dtype=jnp.float32) * (1.0 / np.sqrt(D))
    bg = jnp.zeros((D,), dtype=jnp.float32)
    W1 = jax.random.normal(ks[5], (D + 2, H), dtype=jnp.float32) * (1.0 / np.sqrt(D + 2))
    b1 = jnp.zeros((H,), dtype=jnp.float32)
    W2 = jax.random.normal(ks[6], (H, H), dtype=jnp.float32) * (1.0 / np.sqrt(H))
    b2 = jnp.zeros((H,), dtype=jnp.float32)
    W3 = jax.random.normal(ks[7], (H, 1), dtype=jnp.float32) * (1.0 / np.sqrt(H))
    b3 = jnp.zeros((1,), dtype=jnp.float32)
    return {"x": x, "edge_index": edge_index, "action": action, "price": price,
            "Wg": Wg, "bg": bg, "W1": W1, "b1": b1, "W2": W2, "b2": b2, "W3": W3, "b3": b3}


def _gcn_conv(x, src, dst, Wg, bg):
    # PyG GCNConv: linear transform, add self loops, symmetric normalization, scatter-add
    loop = jnp.arange(N, dtype=src.dtype)
    s = jnp.concatenate([src, loop])
    d = jnp.concatenate([dst, loop])
    xw = x @ Wg
    deg = jnp.zeros((N,), dtype=x.dtype).at[d].add(1.0)
    dinv = jnp.where(deg > 0, jax.lax.rsqrt(deg), 0.0)
    norm = dinv[s] * dinv[d]
    msg = jnp.take(xw, s, axis=0) * norm[:, None]
    out = jnp.zeros_like(xw).at[d].add(msg)
    return out + bg


def reference(x, edge_index, action, price, Wg, bg, W1, b1, W2, b2, W3, b3):
    out = jax.nn.relu(_gcn_conv(x, edge_index[0], edge_index[1], Wg, bg))
    h = out + x
    # price[0][0][0].repeat(1, N).T -> column vector [N, 1] of the scalar price
    p = jnp.broadcast_to(price[0, 0, 0], (N,))[:, None]
    concat = jnp.concatenate([h, action[:, None], p], axis=-1)
    z = jax.nn.relu(concat @ W1 + b1)
    z = jax.nn.relu(z @ W2 + b2)
    z = jnp.sum(z, axis=0)
    v = (z @ W3 + b3).squeeze(-1)
    return v

if __name__ == "__main__":
    import jax
    _d = setup_inputs()
    print(jax.jit(kernel)(*tuple(_d.values())))

</pallas_src>

<mosaic_0001>
#map = affine_map<(d0, d1) -> (0, 0, 0)>
#map1 = affine_map<(d0, d1) -> (0)>
module attributes {stable_mosaic.version = 14 : i64} {
  func.func @k(%arg0: i32, %arg1: i32, %arg2: memref<2x2500x128xi32, #tpu.memory_space<hbm>>, %arg3: memref<20224xf32, #tpu.memory_space<hbm>>, %arg4: memref<80x128xi32, #tpu.memory_space<vmem>>, %arg5: memref<128xf32, #tpu.memory_space<vmem>>, %arg6: memref<640xf32, #tpu.memory_space<vmem>>, %arg7: memref<10112xf32, #tpu.memory_space<vmem_shared>>, %arg8: memref<!tpu.dma_semaphore, #tpu.memory_space<semaphore_mem>>, %arg9: memref<!tpu.dma_semaphore, #tpu.memory_space<semaphore_mem>>) attributes {dimension_semantics = [#tpu.dimension_semantics<core_parallel>, #tpu.dimension_semantics<subcore_parallel>], iteration_bounds = array<i64: 2, 16>, scalar_prefetch = 0 : i64, scratch_operands = 6 : i64, tpu.core_type = #tpu.core_type<sc_vector_subcore>, window_params = [{transform_indices = #map}, {transform_indices = #map1}]} {
    %mul3A = arith.constant 2 : i32
    %mul3A_0 = arith.muli %arg1, %mul3A : i32
    %add3A = arith.addi %mul3A_0, %arg0 : i32
    %scan3A = arith.constant 0 : i32
    %scan3A_1 = arith.constant 0 : i32
    %scan3A_2 = arith.constant 40 : i32
    %scan3A_3 = arith.addi %scan3A_1, %scan3A_2 : i32
    %scan3A_4 = arith.constant 1 : i32
    %scan3A_5 = scf.for %scan3A_98 = %scan3A_1 to %scan3A_3 step %scan3A_4 iter_args(%scan3A_99 = %scan3A) -> (i32)  : i32 {
      %broadcast_in_dim3A_100 = arith.constant 0.000000e+00 : f32
      %broadcast_in_dim3A_101 = vector.broadcast %broadcast_in_dim3A_100 : f32 to vector<16xf32>
      %mul3A_102 = arith.constant 16 : i32
      %mul3A_103 = arith.muli %scan3A_98, %mul3A_102 : i32
      %swap3A_104 = arith.index_cast %mul3A_103 : i32 to index
      %swap3A_105 = tpu.vector_load %arg6[%swap3A_104] {strides = array<i32>} : memref<640xf32, #tpu.memory_space<vmem>>, vector<16xf32>,
      %swap3A_106 = vector.shape_cast %swap3A_105 : vector<16xf32> to vector<16xf32>
      %swap3A_107 = vector.shape_cast %broadcast_in_dim3A_101 : vector<16xf32> to vector<16xf32>
      tpu.vector_store %arg6[%swap3A_104], %swap3A_107 {strides = array<i32>} : memref<640xf32, #tpu.memory_space<vmem>>, vector<16xf32>,
      %scan3A_108 = arith.constant 0 : i32
      scf.yield %scan3A_108 : i32
    }
    %scan3A_6 = arith.constant 40 : i32
    %broadcast_in_dim3A = arith.constant 1.000000e+00 : f32
    %broadcast_in_dim3A_7 = vector.broadcast %broadcast_in_dim3A : f32 to vector<16xf32>
    %swap3A = arith.constant 0 : index
    %swap3A_8 = tpu.vector_load %arg5[%swap3A] {strides = array<i32>} : memref<128xf32, #tpu.memory_space<vmem>>, vector<16xf32>,
    %swap3A_9 = vector.shape_cast %swap3A_8 : vector<16xf32> to vector<16xf32>
    %swap3A_10 = vector.shape_cast %broadcast_in_dim3A_7 : vector<16xf32> to vector<16xf32>
    tpu.vector_store %arg5[%swap3A], %swap3A_10 {strides = array<i32>} : memref<128xf32, #tpu.memory_space<vmem>>, vector<16xf32>,
    %broadcast_in_dim3A_11 = arith.constant 1.000000e+00 : f32
    %broadcast_in_dim3A_12 = vector.broadcast %broadcast_in_dim3A_11 : f32 to vector<16xf32>
    %swap3A_13 = arith.constant 16 : index
    %swap3A_14 = tpu.vector_load %arg5[%swap3A_13] {strides = array<i32>} : memref<128xf32, #tpu.memory_space<vmem>>, vector<16xf32>,
    %swap3A_15 = vector.shape_cast %swap3A_14 : vector<16xf32> to vector<16xf32>
    %swap3A_16 = vector.shape_cast %broadcast_in_dim3A_12 : vector<16xf32> to vector<16xf32>
    tpu.vector_store %arg5[%swap3A_13], %swap3A_16 {strides = array<i32>} : memref<128xf32, #tpu.memory_space<vmem>>, vector<16xf32>,
    %broadcast_in_dim3A_17 = arith.constant 1.000000e+00 : f32
    %broadcast_in_dim3A_18 = vector.broadcast %broadcast_in_dim3A_17 : f32 to vector<16xf32>
    %swap3A_19 = arith.constant 32 : index
    %swap3A_20 = tpu.vector_load %arg5[%swap3A_19] {strides = array<i32>} : memref<128xf32, #tpu.memory_space<vmem>>, vector<16xf32>,
    %swap3A_21 = vector.shape_cast %swap3A_20 : vector<16xf32> to vector<16xf32>
    %swap3A_22 = vector.shape_cast %broadcast_in_dim3A_18 : vector<16xf32> to vector<16xf32>
    tpu.vector_store %arg5[%swap3A_19], %swap3A_22 {strides = array<i32>} : memref<128xf32, #tpu.memory_space<vmem>>, vector<16xf32>,
    %broadcast_in_dim3A_23 = arith.constant 1.000000e+00 : f32
    %broadcast_in_dim3A_24 = vector.broadcast %broadcast_in_dim3A_23 : f32 to vector<16xf32>
    %swap3A_25 = arith.constant 48 : index
    %swap3A_26 = tpu.vector_load %arg5[%swap3A_25] {strides = array<i32>} : memref<128xf32, #tpu.memory_space<vmem>>, vector<16xf32>,
    %swap3A_27 = vector.shape_cast %swap3A_26 : vector<16xf32> to vector<16xf32>
    %swap3A_28 = vector.shape_cast %broadcast_in_dim3A_24 : vector<16xf32> to vector<16xf32>
    tpu.vector_store %arg5[%swap3A_25], %swap3A_28 {strides = array<i32>} : memref<128xf32, #tpu.memory_space<vmem>>, vector<16xf32>,
    %broadcast_in_dim3A_29 = arith.constant 1.000000e+00 : f32
    %broadcast_in_dim3A_30 = vector.broadcast %broadcast_in_dim3A_29 : f32 to vector<16xf32>
    %swap3A_31 = arith.constant 64 : index
    %swap3A_32 = tpu.vector_load %arg5[%swap3A_31] {strides = array<i32>} : memref<128xf32, #tpu.memory_space<vmem>>, vector<16xf32>,
    %swap3A_33 = vector.shape_cast %swap3A_32 : vector<16xf32> to vector<16xf32>
    %swap3A_34 = vector.shape_cast %broadcast_in_dim3A_30 : vector<16xf32> to vector<16xf32>
    tpu.vector_store %arg5[%swap3A_31], %swap3A_34 {strides = array<i32>} : memref<128xf32, #tpu.memory_space<vmem>>, vector<16xf32>,
    %broadcast_in_dim3A_35 = arith.constant 1.000000e+00 : f32
    %broadcast_in_dim3A_36 = vector.broadcast %broadcast_in_dim3A_35 : f32 to vector<16xf32>
    %swap3A_37 = arith.constant 80 : index
    %swap3A_38 = tpu.vector_load %arg5[%swap3A_37] {strides = array<i32>} : memref<128xf32, #tpu.memory_space<vmem>>, vector<16xf32>,
    %swap3A_39 = vector.shape_cast %swap3A_38 : vector<16xf32> to vector<16xf32>
    %swap3A_40 = vector.shape_cast %broadcast_in_dim3A_36 : vector<16xf32> to vector<16xf32>
    tpu.vector_store %arg5[%swap3A_37], %swap3A_40 {strides = array<i32>} : memref<128xf32, #tpu.memory_space<vmem>>, vector<16xf32>,
    %broadcast_in_dim3A_41 = arith.constant 1.000000e+00 : f32
    %broadcast_in_dim3A_42 = vector.broadcast %broadcast_in_dim3A_41 : f32 to vector<16xf32>
    %swap3A_43 = arith.constant 96 : index
    %swap3A_44 = tpu.vector_load %arg5[%swap3A_43] {strides = array<i32>} : memref<128xf32, #tpu.memory_space<vmem>>, vector<16xf32>,
    %swap3A_45 = vector.shape_cast %swap3A_44 : vector<16xf32> to vector<16xf32>
    %swap3A_46 = vector.shape_cast %broadcast_in_dim3A_42 : vector<16xf32> to vector<16xf32>
    tpu.vector_store %arg5[%swap3A_43], %swap3A_46 {strides = array<i32>} : memref<128xf32, #tpu.memory_space<vmem>>, vector<16xf32>,
    %broadcast_in_dim3A_47 = arith.constant 1.000000e+00 : f32
    %broadcast_in_dim3A_48 = vector.broadcast %broadcast_in_dim3A_47 : f32 to vector<16xf32>
    %swap3A_49 = arith.constant 112 : index
    %swap3A_50 = tpu.vector_load %arg5[%swap3A_49] {strides = array<i32>} : memref<128xf32, #tpu.memory_space<vmem>>, vector<16xf32>,
    %swap3A_51 = vector.shape_cast %swap3A_50 : vector<16xf32> to vector<16xf32>
    %swap3A_52 = vector.shape_cast %broadcast_in_dim3A_48 : vector<16xf32> to vector<16xf32>
    tpu.vector_store %arg5[%swap3A_49], %swap3A_52 {strides = array<i32>} : memref<128xf32, #tpu.memory_space<vmem>>, vector<16xf32>,
    %mul3A_53 = arith.constant 632 : i32
    %mul3A_54 = arith.muli %arg1, %mul3A_53 : i32
    "tpu.region"() ({
      %run_scoped3A = tpu.sem_alloc : memref<!tpu.dma_semaphore, #tpu.memory_space<semaphore_mem>>
      %dma_start3A_98 = arith.constant 0 : i32
      %dma_start3A_99 = tpu.memref_slice %arg6[%dma_start3A_98] : memref<640xf32, #tpu.memory_space<vmem>> -> memref<632xf32, #tpu.memory_space<vmem>>
      %dma_start3A_100 = tpu.memref_slice %arg7[%mul3A_54] : memref<10112xf32, #tpu.memory_space<vmem_shared>> -> memref<632xf32, #tpu.memory_space<vmem_shared>>
      %dma_start3A_101 = tpu.memref_slice %arg7[%mul3A_54] : memref<10112xf32, #tpu.memory_space<vmem_shared>> -> memref<632xf32, #tpu.memory_space<vmem_shared>>
      %dma_start3A_102 = arith.constant 0 : i32
      %dma_start3A_103 = tpu.memref_slice %arg6[%dma_start3A_102] : memref<640xf32, #tpu.memory_space<vmem>> -> memref<632xf32, #tpu.memory_space<vmem>>
      tpu.enqueue_dma source(%dma_start3A_103 : memref<632xf32, #tpu.memory_space<vmem>>) target(%dma_start3A_101 : memref<632xf32, #tpu.memory_space<vmem_shared>>) target_semaphore(%run_scoped3A : memref<!tpu.dma_semaphore, #tpu.memory_space<semaphore_mem>>)
      %dma_wait3A_104 = arith.constant 0 : i32
      %dma_wait3A_105 = tpu.memref_slice %arg6[%dma_wait3A_104] : memref<640xf32, #tpu.memory_space<vmem>> -> memref<632xf32, #tpu.memory_space<vmem>>
      %dma_wait3A_106 = tpu.memref_slice %arg7[%mul3A_54] : memref<10112xf32, #tpu.memory_space<vmem_shared>> -> memref<632xf32, #tpu.memory_space<vmem_shared>>
      %dma_wait3A_107 = tpu.memref_slice %arg7[%mul3A_54] : memref<10112xf32, #tpu.memory_space<vmem_shared>> -> memref<632xf32, #tpu.memory_space<vmem_shared>>
      %dma_wait3A_108 = arith.constant 0 : i32
      %dma_wait3A_109 = tpu.memref_slice %arg6[%dma_wait3A_108] : memref<640xf32, #tpu.memory_space<vmem>> -> memref<632xf32, #tpu.memory_space<vmem>>
      tpu.wait_dma2 semaphore(%run_scoped3A : memref<!tpu.dma_semaphore, #tpu.memory_space<semaphore_mem>>) src(%dma_wait3A_109 : memref<632xf32, #tpu.memory_space<vmem>>) dst(%dma_wait3A_107 : memref<632xf32, #tpu.memory_space<vmem_shared>>)
      tpu.yield
    }) : () -> ()
    %barrier3A = arith.constant 0 : index
    tpu.barrier barrier_id(%barrier3A)
    %mul3A_55 = arith.constant 80 : i32
    %mul3A_56 = arith.muli %add3A, %mul3A_55 : i32
    %lt3A = arith.constant 31 : i32
    %lt3A_57 = arith.cmpi slt, %add3A, %lt3A : i32
    %convert_element_type3A = arith.extui %lt3A_57 : i1 to i32
    %cond3A = arith.constant 1 : i32
    %cond3A_58 = arith.constant 0 : i32
    %cond3A_59 = arith.cmpi ne, %convert_element_type3A, %cond3A_58 : i32
    scf.if %cond3A_59 {
      "tpu.region"() ({
        %run_scoped3A = tpu.sem_alloc : memref<!tpu.dma_semaphore, #tpu.memory_space<semaphore_mem>>
        %dma_start3A_98 = arith.constant 0 : i32
        %dma_start3A_99 = arith.constant 0 : i32
        %dma_start3A_100 = tpu.memref_slice %arg2[%cond3A, %dma_start3A_98, %dma_start3A_99] : memref<2x2500x128xi32, #tpu.memory_space<hbm>> -> memref<1x2500x128xi32, #tpu.memory_space<hbm>>
        %dma_start3A_101 = tpu.memref_squeeze %dma_start3A_100 : memref<1x2500x128xi32, #tpu.memory_space<hbm>> -> memref<2500x128xi32, #tpu.memory_space<hbm>>
        %dma_start3A_102 = arith.constant 0 : i32
        %dma_start3A_103 = tpu.memref_slice %dma_start3A_101[%mul3A_56, %dma_start3A_102] : memref<2500x128xi32, #tpu.memory_space<hbm>> -> memref<80x128xi32, #tpu.memory_space<hbm>>
        %dma_start3A_104 = arith.constant 0 : i32
        %dma_start3A_105 = arith.constant 0 : i32
        %dma_start3A_106 = tpu.memref_slice %arg2[%cond3A, %dma_start3A_104, %dma_start3A_105] : memref<2x2500x128xi32, #tpu.memory_space<hbm>> -> memref<1x2500x128xi32, #tpu.memory_space<hbm>>
        %dma_start3A_107 = tpu.memref_squeeze %dma_start3A_106 : memref<1x2500x128xi32, #tpu.memory_space<hbm>> -> memref<2500x128xi32, #tpu.memory_space<hbm>>
        %dma_start3A_108 = arith.constant 0 : i32
        %dma_start3A_109 = tpu.memref_slice %dma_start3A_107[%mul3A_56, %dma_start3A_108] : memref<2500x128xi32, #tpu.memory_space<hbm>> -> memref<80x128xi32, #tpu.memory_space<hbm>>
        tpu.enqueue_dma source(%dma_start3A_109 : memref<80x128xi32, #tpu.memory_space<hbm>>) target(%arg4 : memref<80x128xi32, #tpu.memory_space<vmem>>) target_semaphore(%run_scoped3A : memref<!tpu.dma_semaphore, #tpu.memory_space<semaphore_mem>>)
        %dma_wait3A_110 = arith.constant 0 : i32
        %dma_wait3A_111 = arith.constant 0 : i32
        %dma_wait3A_112 = tpu.memref_slice %arg2[%cond3A, %dma_wait3A_110, %dma_wait3A_111] : memref<2x2500x128xi32, #tpu.memory_space<hbm>> -> memref<1x2500x128xi32, #tpu.memory_space<hbm>>
        %dma_wait3A_113 = tpu.memref_squeeze %dma_wait3A_112 : memref<1x2500x128xi32, #tpu.memory_space<hbm>> -> memref<2500x128xi32, #tpu.memory_space<hbm>>
        %dma_wait3A_114 = arith.constant 0 : i32
        %dma_wait3A_115 = tpu.memref_slice %dma_wait3A_113[%mul3A_56, %dma_wait3A_114] : memref<2500x128xi32, #tpu.memory_space<hbm>> -> memref<80x128xi32, #tpu.memory_space<hbm>>
        %dma_wait3A_116 = arith.constant 0 : i32
        %dma_wait3A_117 = arith.constant 0 : i32
        %dma_wait3A_118 = tpu.memref_slice %arg2[%cond3A, %dma_wait3A_116, %dma_wait3A_117] : memref<2x2500x128xi32, #tpu.memory_space<hbm>> -> memref<1x2500x128xi32, #tpu.memory_space<hbm>>
        %dma_wait3A_119 = tpu.memref_squeeze %dma_wait3A_118 : memref<1x2500x128xi32, #tpu.memory_space<hbm>> -> memref<2500x128xi32, #tpu.memory_space<hbm>>
        %dma_wait3A_120 = arith.constant 0 : i32
        %dma_wait3A_121 = tpu.memref_slice %dma_wait3A_119[%mul3A_56, %dma_wait3A_120] : memref<2500x128xi32, #tpu.memory_space<hbm>> -> memref<80x128xi32, #tpu.memory_space<hbm>>
        tpu.wait_dma2 semaphore(%run_scoped3A : memref<!tpu.dma_semaphore, #tpu.memory_space<semaphore_mem>>) src(%dma_wait3A_121 : memref<80x128xi32, #tpu.memory_space<hbm>>) dst(%arg4 : memref<80x128xi32, #tpu.memory_space<vmem>>)
        tpu.yield
      }) : () -> ()
    } else {
    }
    %eq3A = arith.constant 31 : i32
    %eq3A_60 = arith.cmpi eq, %add3A, %eq3A : i32
    %convert_element_type3A_61 = arith.extui %eq3A_60 : i1 to i32
    %cond3A_62 = arith.constant 1 : i32
    %cond3A_63 = arith.constant 0 : i32
    %cond3A_64 = arith.cmpi ne, %convert_element_type3A_61, %cond3A_63 : i32
    scf.if %cond3A_64 {
      "tpu.region"() ({
        %run_scoped3A = tpu.sem_alloc : memref<!tpu.dma_semaphore, #tpu.memory_space<semaphore_mem>>
        %dma_start3A_105 = arith.constant 0 : i32
        %dma_start3A_106 = arith.constant 0 : i32
        %dma_start3A_107 = tpu.memref_slice %arg4[%dma_start3A_105, %dma_start3A_106] : memref<80x128xi32, #tpu.memory_space<vmem>> -> memref<20x128xi32, #tpu.memory_space<vmem>>
        %dma_start3A_108 = arith.constant 0 : i32
        %dma_start3A_109 = arith.constant 0 : i32
        %dma_start3A_110 = tpu.memref_slice %arg2[%cond3A_62, %dma_start3A_108, %dma_start3A_109] : memref<2x2500x128xi32, #tpu.memory_space<hbm>> -> memref<1x2500x128xi32, #tpu.memory_space<hbm>>
        %dma_start3A_111 = tpu.memref_squeeze %dma_start3A_110 : memref<1x2500x128xi32, #tpu.memory_space<hbm>> -> memref<2500x128xi32, #tpu.memory_space<hbm>>
        %dma_start3A_112 = arith.constant 0 : i32
        %dma_start3A_113 = tpu.memref_slice %dma_start3A_111[%mul3A_56, %dma_start3A_112] : memref<2500x128xi32, #tpu.memory_space<hbm>> -> memref<20x128xi32, #tpu.memory_space<hbm>>
        %dma_start3A_114 = arith.constant 0 : i32
        %dma_start3A_115 = arith.constant 0 : i32
        %dma_start3A_116 = tpu.memref_slice %arg4[%dma_start3A_114, %dma_start3A_115] : memref<80x128xi32, #tpu.memory_space<vmem>> -> memref<20x128xi32, #tpu.memory_space<vmem>>
        %dma_start3A_117 = arith.constant 0 : i32
        %dma_start3A_118 = arith.constant 0 : i32
        %dma_start3A_119 = tpu.memref_slice %arg2[%cond3A_62, %dma_start3A_117, %dma_start3A_118] : memref<2x2500x128xi32, #tpu.memory_space<hbm>> -> memref<1x2500x128xi32, #tpu.memory_space<hbm>>
        %dma_start3A_120 = tpu.memref_squeeze %dma_start3A_119 : memref<1x2500x128xi32, #tpu.memory_space<hbm>> -> memref<2500x128xi32, #tpu.memory_space<hbm>>
        %dma_start3A_121 = arith.constant 0 : i32
        %dma_start3A_122 = tpu.memref_slice %dma_start3A_120[%mul3A_56, %dma_start3A_121] : memref<2500x128xi32, #tpu.memory_space<hbm>> -> memref<20x128xi32, #tpu.memory_space<hbm>>
        tpu.enqueue_dma source(%dma_start3A_122 : memref<20x128xi32, #tpu.memory_space<hbm>>) target(%dma_start3A_116 : memref<20x128xi32, #tpu.memory_space<vmem>>) target_semaphore(%run_scoped3A : memref<!tpu.dma_semaphore, #tpu.memory_space<semaphore_mem>>)
        %dma_wait3A_123 = arith.constant 0 : i32
        %dma_wait3A_124 = arith.constant 0 : i32
        %dma_wait3A_125 = tpu.memref_slice %arg4[%dma_wait3A_123, %dma_wait3A_124] : memref<80x128xi32, #tpu.memory_space<vmem>> -> memref<20x128xi32, #tpu.memory_space<vmem>>
        %dma_wait3A_126 = arith.constant 0 : i32
        %dma_wait3A_127 = arith.constant 0 : i32
        %dma_wait3A_128 = tpu.memref_slice %arg2[%cond3A_62, %dma_wait3A_126, %dma_wait3A_127] : memref<2x2500x128xi32, #tpu.memory_space<hbm>> -> memref<1x2500x128xi32, #tpu.memory_space<hbm>>
        %dma_wait3A_129 = tpu.memref_squeeze %dma_wait3A_128 : memref<1x2500x128xi32, #tpu.memory_space<hbm>> -> memref<2500x128xi32, #tpu.memory_space<hbm>>
        %dma_wait3A_130 = arith.constant 0 : i32
        %dma_wait3A_131 = tpu.memref_slice %dma_wait3A_129[%mul3A_56, %dma_wait3A_130] : memref<2500x128xi32, #tpu.memory_space<hbm>> -> memref<20x128xi32, #tpu.memory_space<hbm>>
        %dma_wait3A_132 = arith.constant 0 : i32
        %dma_wait3A_133 = arith.constant 0 : i32
        %dma_wait3A_134 = tpu.memref_slice %arg4[%dma_wait3A_132, %dma_wait3A_133] : memref<80x128xi32, #tpu.memory_space<vmem>> -> memref<20x128xi32, #tpu.memory_space<vmem>>
        %dma_wait3A_135 = arith.constant 0 : i32
        %dma_wait3A_136 = arith.constant 0 : i32
        %dma_wait3A_137 = tpu.memref_slice %arg2[%cond3A_62, %dma_wait3A_135, %dma_wait3A_136] : memref<2x2500x128xi32, #tpu.memory_space<hbm>> -> memref<1x2500x128xi32, #tpu.memory_space<hbm>>
        %dma_wait3A_138 = tpu.memref_squeeze %dma_wait3A_137 : memref<1x2500x128xi32, #tpu.memory_space<hbm>> -> memref<2500x128xi32, #tpu.memory_space<hbm>>
        %dma_wait3A_139 = arith.constant 0 : i32
        %dma_wait3A_140 = tpu.memref_slice %dma_wait3A_138[%mul3A_56, %dma_wait3A_139] : memref<2500x128xi32, #tpu.memory_space<hbm>> -> memref<20x128xi32, #tpu.memory_space<hbm>>
        tpu.wait_dma2 semaphore(%run_scoped3A : memref<!tpu.dma_semaphore, #tpu.memory_space<semaphore_mem>>) src(%dma_wait3A_140 : memref<20x128xi32, #tpu.memory_space<hbm>>) dst(%dma_wait3A_134 : memref<20x128xi32, #tpu.memory_space<vmem>>)
        tpu.yield
      }) : () -> ()
      %scan3A_98 = arith.constant 0 : i32
      %scan3A_99 = arith.constant 20 : i32
      %scan3A_100 = arith.constant 60 : i32
      %scan3A_101 = arith.addi %scan3A_99, %scan3A_100 : i32
      %scan3A_102 = arith.constant 1 : i32
      %scan3A_103 = scf.for %scan3A_105 = %scan3A_99 to %scan3A_101 step %scan3A_102 iter_args(%scan3A_106 = %scan3A_98) -> (i32)  : i32 {
        %broadcast_in_dim3A_107 = arith.constant 10008 : i32
        %broadcast_in_dim3A_108 = vector.broadcast %broadcast_in_dim3A_107 : i32 to vector<16xi32>
        %swap3A_109 = arith.index_cast %scan3A_105 : i32 to index
        %swap3A_110 = arith.constant 0 : index
        %swap3A_111 = tpu.vector_load %arg4[%swap3A_109, %swap3A_110] {strides = array<i32>} : memref<80x128xi32, #tpu.memory_space<vmem>>, vector<1x16xi32>,
        %swap3A_112 = vector.shape_cast %swap3A_111 : vector<1x16xi32> to vector<16xi32>
        %swap3A_113 = vector.shape_cast %broadcast_in_dim3A_108 : vector<16xi32> to vector<1x16xi32>
        tpu.vector_store %arg4[%swap3A_109, %swap3A_110], %swap3A_113 {strides = array<i32>} : memref<80x128xi32, #tpu.memory_space<vmem>>, vector<1x16xi32>,
        %broadcast_in_dim3A_114 = arith.constant 10008 : i32
        %broadcast_in_dim3A_115 = vector.broadcast %broadcast_in_dim3A_114 : i32 to vector<16xi32>
        %swap3A_116 = arith.index_cast %scan3A_105 : i32 to index
        %swap3A_117 = arith.constant 16 : index
        %swap3A_118 = tpu.vector_load %arg4[%swap3A_116, %swap3A_117] {strides = array<i32>} : memref<80x128xi32, #tpu.memory_space<vmem>>, vector<1x16xi32>,
        %swap3A_119 = vector.shape_cast %swap3A_118 : vector<1x16xi32> to vector<16xi32>
        %swap3A_120 = vector.shape_cast %broadcast_in_dim3A_115 : vector<16xi32> to vector<1x16xi32>
        tpu.vector_store %arg4[%swap3A_116, %swap3A_117], %swap3A_120 {strides = array<i32>} : memref<80x128xi32, #tpu.memory_space<vmem>>, vector<1x16xi32>,
        %broadcast_in_dim3A_121 = arith.constant 10008 : i32
        %broadcast_in_dim3A_122 = vector.broadcast %broadcast_in_dim3A_121 : i32 to vector<16xi32>
        %swap3A_123 = arith.index_cast %scan3A_105 : i32 to index
        %swap3A_124 = arith.constant 32 : index
        %swap3A_125 = tpu.vector_load %arg4[%swap3A_123, %swap3A_124] {strides = array<i32>} : memref<80x128xi32, #tpu.memory_space<vmem>>, vector<1x16xi32>,
        %swap3A_126 = vector.shape_cast %swap3A_125 : vector<1x16xi32> to vector<16xi32>
        %swap3A_127 = vector.shape_cast %broadcast_in_dim3A_122 : vector<16xi32> to vector<1x16xi32>
        tpu.vector_store %arg4[%swap3A_123, %swap3A_124], %swap3A_127 {strides = array<i32>} : memref<80x128xi32, #tpu.memory_space<vmem>>, vector<1x16xi32>,
        %broadcast_in_dim3A_128 = arith.constant 10008 : i32
        %broadcast_in_dim3A_129 = vector.broadcast %broadcast_in_dim3A_128 : i32 to vector<16xi32>
        %swap3A_130 = arith.index_cast %scan3A_105 : i32 to index
        %swap3A_131 = arith.constant 48 : index
        %swap3A_132 = tpu.vector_load %arg4[%swap3A_130, %swap3A_131] {strides = array<i32>} : memref<80x128xi32, #tpu.memory_space<vmem>>, vector<1x16xi32>,
        %swap3A_133 = vector.shape_cast %swap3A_132 : vector<1x16xi32> to vector<16xi32>
        %swap3A_134 = vector.shape_cast %broadcast_in_dim3A_129 : vector<16xi32> to vector<1x16xi32>
        tpu.vector_store %arg4[%swap3A_130, %swap3A_131], %swap3A_134 {strides = array<i32>} : memref<80x128xi32, #tpu.memory_space<vmem>>, vector<1x16xi32>,
        %broadcast_in_dim3A_135 = arith.constant 10008 : i32
        %broadcast_in_dim3A_136 = vector.broadcast %broadcast_in_dim3A_135 : i32 to vector<16xi32>
        %swap3A_137 = arith.index_cast %scan3A_105 : i32 to index
        %swap3A_138 = arith.constant 64 : index
        %swap3A_139 = tpu.vector_load %arg4[%swap3A_137, %swap3A_138] {strides = array<i32>} : memref<80x128xi32, #tpu.memory_space<vmem>>, vector<1x16xi32>,
        %swap3A_140 = vector.shape_cast %swap3A_139 : vector<1x16xi32> to vector<16xi32>
        %swap3A_141 = vector.shape_cast %broadcast_in_dim3A_136 : vector<16xi32> to vector<1x16xi32>
        tpu.vector_store %arg4[%swap3A_137, %swap3A_138], %swap3A_141 {strides = array<i32>} : memref<80x128xi32, #tpu.memory_space<vmem>>, vector<1x16xi32>,
        %broadcast_in_dim3A_142 = arith.constant 10008 : i32
        %broadcast_in_dim3A_143 = vector.broadcast %broadcast_in_dim3A_142 : i32 to vector<16xi32>
        %swap3A_144 = arith.index_cast %scan3A_105 : i32 to index
        %swap3A_145 = arith.constant 80 : index
        %swap3A_146 = tpu.vector_load %arg4[%swap3A_144, %swap3A_145] {strides = array<i32>} : memref<80x128xi32, #tpu.memory_space<vmem>>, vector<1x16xi32>,
        %swap3A_147 = vector.shape_cast %swap3A_146 : vector<1x16xi32> to vector<16xi32>
        %swap3A_148 = vector.shape_cast %broadcast_in_dim3A_143 : vector<16xi32> to vector<1x16xi32>
        tpu.vector_store %arg4[%swap3A_144, %swap3A_145], %swap3A_148 {strides = array<i32>} : memref<80x128xi32, #tpu.memory_space<vmem>>, vector<1x16xi32>,
        %broadcast_in_dim3A_149 = arith.constant 10008 : i32
        %broadcast_in_dim3A_150 = vector.broadcast %broadcast_in_dim3A_149 : i32 to vector<16xi32>
        %swap3A_151 = arith.index_cast %scan3A_105 : i32 to index
        %swap3A_152 = arith.constant 96 : index
        %swap3A_153 = tpu.vector_load %arg4[%swap3A_151, %swap3A_152] {strides = array<i32>} : memref<80x128xi32, #tpu.memory_space<vmem>>, vector<1x16xi32>,
        %swap3A_154 = vector.shape_cast %swap3A_153 : vector<1x16xi32> to vector<16xi32>
        %swap3A_155 = vector.shape_cast %broadcast_in_dim3A_150 : vector<16xi32> to vector<1x16xi32>
        tpu.vector_store %arg4[%swap3A_151, %swap3A_152], %swap3A_155 {strides = array<i32>} : memref<80x128xi32, #tpu.memory_space<vmem>>, vector<1x16xi32>,
        %broadcast_in_dim3A_156 = arith.constant 10008 : i32
        %broadcast_in_dim3A_157 = vector.broadcast %broadcast_in_dim3A_156 : i32 to vector<16xi32>
        %swap3A_158 = arith.index_cast %scan3A_105 : i32 to index
        %swap3A_159 = arith.constant 112 : index
        %swap3A_160 = tpu.vector_load %arg4[%swap3A_158, %swap3A_159] {strides = array<i32>} : memref<80x128xi32, #tpu.memory_space<vmem>>, vector<1x16xi32>,
        %swap3A_161 = vector.shape_cast %swap3A_160 : vector<1x16xi32> to vector<16xi32>
        %swap3A_162 = vector.shape_cast %broadcast_in_dim3A_157 : vector<16xi32> to vector<1x16xi32>
        tpu.vector_store %arg4[%swap3A_158, %swap3A_159], %swap3A_162 {strides = array<i32>} : memref<80x128xi32, #tpu.memory_space<vmem>>, vector<1x16xi32>,
        %scan3A_163 = arith.constant 0 : i32
        scf.yield %scan3A_163 : i32
      }
      %scan3A_104 = arith.constant 60 : i32
    } else {
    }
    %dma_start3A = arith.constant 0 : i32
    %dma_start3A_65 = arith.constant 0 : i32
    %dma_start3A_66 = tpu.memref_slice %arg4[%dma_start3A, %dma_start3A_65] : memref<80x128xi32, #tpu.memory_space<vmem>> -> memref<1x128xi32, #tpu.memory_space<vmem>>
    %dma_start3A_67 = tpu.memref_squeeze %dma_start3A_66 : memref<1x128xi32, #tpu.memory_space<vmem>> -> memref<128xi32, #tpu.memory_space<vmem>>
    %dma_start3A_68 = arith.constant 0 : i32
    %dma_start3A_69 = tpu.memref_slice %arg7[%dma_start3A_68] : memref<10112xf32, #tpu.memory_space<vmem_shared>> -> memref<10112xf32, #tpu.memory_space<vmem_shared>>
    tpu.enqueue_indirect_dma source(%arg5 : memref<128xf32, #tpu.memory_space<vmem>>) target(%dma_start3A_69 : memref<10112xf32, #tpu.memory_space<vmem_shared>>) offsets(%dma_start3A_67 : memref<128xi32, #tpu.memory_space<vmem>>) semaphore(%arg8 : memref<!tpu.dma_semaphore, #tpu.memory_space<semaphore_mem>>) {add = true}
    %dma_start3A_70 = arith.constant 1 : i32
    %dma_start3A_71 = arith.constant 0 : i32
    %dma_start3A_72 = tpu.memref_slice %arg4[%dma_start3A_70, %dma_start3A_71] : memref<80x128xi32, #tpu.memory_space<vmem>> -> memref<1x128xi32, #tpu.memory_space<vmem>>
    %dma_start3A_73 = tpu.memref_squeeze %dma_start3A_72 : memref<1x128xi32, #tpu.memory_space<vmem>> -> memref<128xi32, #tpu.memory_space<vmem>>
    %dma_start3A_74 = arith.constant 0 : i32
    %dma_start3A_75 = tpu.memref_slice %arg7[%dma_start3A_74] : memref<10112xf32, #tpu.memory_space<vmem_shared>> -> memref<10112xf32, #tpu.memory_space<vmem_shared>>
    tpu.enqueue_indirect_dma source(%arg5 : memref<128xf32, #tpu.memory_space<vmem>>) target(%dma_start3A_75 : memref<10112xf32, #tpu.memory_space<vmem_shared>>) offsets(%dma_start3A_73 : memref<128xi32, #tpu.memory_space<vmem>>) semaphore(%arg9 : memref<!tpu.dma_semaphore, #tpu.memory_space<semaphore_mem>>) {add = true}
    %scan3A_76 = arith.constant 0 : i32
    %scan3A_77 = arith.constant 0 : i32
    %scan3A_78 = arith.constant 39 : i32
    %scan3A_79 = arith.addi %scan3A_77, %scan3A_78 : i32
    %scan3A_80 = arith.constant 1 : i32
    %scan3A_81 = scf.for %scan3A_98 = %scan3A_77 to %scan3A_79 step %scan3A_80 iter_args(%scan3A_99 = %scan3A_76) -> (i32)  : i32 {
      %mul3A_100 = arith.constant 2 : i32
      %mul3A_101 = arith.muli %scan3A_98, %mul3A_100 : i32
      %add3A_102 = arith.constant 0 : i32
      %add3A_103 = arith.addi %mul3A_101, %add3A_102 : i32
      %dma_wait3A_104 = arith.constant 0 : i32
      %dma_wait3A_105 = tpu.memref_slice %arg4[%add3A_103, %dma_wait3A_104] : memref<80x128xi32, #tpu.memory_space<vmem>> -> memref<1x128xi32, #tpu.memory_space<vmem>>
      %dma_wait3A_106 = tpu.memref_squeeze %dma_wait3A_105 : memref<1x128xi32, #tpu.memory_space<vmem>> -> memref<128xi32, #tpu.memory_space<vmem>>
      %dma_wait3A_107 = arith.constant 0 : i32
      %dma_wait3A_108 = tpu.memref_slice %arg7[%dma_wait3A_107] : memref<10112xf32, #tpu.memory_space<vmem_shared>> -> memref<10112xf32, #tpu.memory_space<vmem_shared>>
      tpu.wait_indirect_dma semaphore(%arg8 : memref<!tpu.dma_semaphore, #tpu.memory_space<semaphore_mem>>) src(%arg5 : memref<128xf32, #tpu.memory_space<vmem>>) dst(%dma_wait3A_108 : memref<10112xf32, #tpu.memory_space<vmem_shared>>)
      %add3A_109 = arith.constant 2 : i32
      %add3A_110 = arith.addi %mul3A_101, %add3A_109 : i32
      %add3A_111 = arith.constant 0 : i32
      %add3A_112 = arith.addi %add3A_110, %add3A_111 : i32
      %dma_start3A_113 = arith.constant 0 : i32
      %dma_start3A_114 = tpu.memref_slice %arg4[%add3A_112, %dma_start3A_113] : memref<80x128xi32, #tpu.memory_space<vmem>> -> memref<1x128xi32, #tpu.memory_space<vmem>>
      %dma_start3A_115 = tpu.memref_squeeze %dma_start3A_114 : memref<1x128xi32, #tpu.memory_space<vmem>> -> memref<128xi32, #tpu.memory_space<vmem>>
      %dma_start3A_116 = arith.constant 0 : i32
      %dma_start3A_117 = tpu.memref_slice %arg7[%dma_start3A_116] : memref<10112xf32, #tpu.memory_space<vmem_shared>> -> memref<10112xf32, #tpu.memory_space<vmem_shared>>
      tpu.enqueue_indirect_dma source(%arg5 : memref<128xf32, #tpu.memory_space<vmem>>) target(%dma_start3A_117 : memref<10112xf32, #tpu.memory_space<vmem_shared>>) offsets(%dma_start3A_115 : memref<128xi32, #tpu.memory_space<vmem>>) semaphore(%arg8 : memref<!tpu.dma_semaphore, #tpu.memory_space<semaphore_mem>>) {add = true}
      %add3A_118 = arith.constant 1 : i32
      %add3A_119 = arith.addi %mul3A_101, %add3A_118 : i32
      %dma_wait3A_120 = arith.constant 0 : i32
      %dma_wait3A_121 = tpu.memref_slice %arg4[%add3A_119, %dma_wait3A_120] : memref<80x128xi32, #tpu.memory_space<vmem>> -> memref<1x128xi32, #tpu.memory_space<vmem>>
      %dma_wait3A_122 = tpu.memref_squeeze %dma_wait3A_121 : memref<1x128xi32, #tpu.memory_space<vmem>> -> memref<128xi32, #tpu.memory_space<vmem>>
      %dma_wait3A_123 = arith.constant 0 : i32
      %dma_wait3A_124 = tpu.memref_slice %arg7[%dma_wait3A_123] : memref<10112xf32, #tpu.memory_space<vmem_shared>> -> memref<10112xf32, #tpu.memory_space<vmem_shared>>
      tpu.wait_indirect_dma semaphore(%arg9 : memref<!tpu.dma_semaphore, #tpu.memory_space<semaphore_mem>>) src(%arg5 : memref<128xf32, #tpu.memory_space<vmem>>) dst(%dma_wait3A_124 : memref<10112xf32, #tpu.memory_space<vmem_shared>>)
      %add3A_125 = arith.constant 2 : i32
      %add3A_126 = arith.addi %mul3A_101, %add3A_125 : i32
      %add3A_127 = arith.constant 1 : i32
      %add3A_128 = arith.addi %add3A_126, %add3A_127 : i32
      %dma_start3A_129 = arith.constant 0 : i32
      %dma_start3A_130 = tpu.memref_slice %arg4[%add3A_128, %dma_start3A_129] : memref<80x128xi32, #tpu.memory_space<vmem>> -> memref<1x128xi32, #tpu.memory_space<vmem>>
      %dma_start3A_131 = tpu.memref_squeeze %dma_start3A_130 : memref<1x128xi32, #tpu.memory_space<vmem>> -> memref<128xi32, #tpu.memory_space<vmem>>
      %dma_start3A_132 = arith.constant 0 : i32
      %dma_start3A_133 = tpu.memref_slice %arg7[%dma_start3A_132] : memref<10112xf32, #tpu.memory_space<vmem_shared>> -> memref<10112xf32, #tpu.memory_space<vmem_shared>>
      tpu.enqueue_indirect_dma source(%arg5 : memref<128xf32, #tpu.memory_space<vmem>>) target(%dma_start3A_133 : memref<10112xf32, #tpu.memory_space<vmem_shared>>) offsets(%dma_start3A_131 : memref<128xi32, #tpu.memory_space<vmem>>) semaphore(%arg9 : memref<!tpu.dma_semaphore, #tpu.memory_space<semaphore_mem>>) {add = true}
      %scan3A_134 = arith.constant 0 : i32
      scf.yield %scan3A_134 : i32
    }
    %scan3A_82 = arith.constant 39 : i32
    %dma_wait3A = arith.constant 78 : i32
    %dma_wait3A_83 = arith.constant 0 : i32
    %dma_wait3A_84 = tpu.memref_slice %arg4[%dma_wait3A, %dma_wait3A_83] : memref<80x128xi32, #tpu.memory_space<vmem>> -> memref<1x128xi32, #tpu.memory_space<vmem>>
    %dma_wait3A_85 = tpu.memref_squeeze %dma_wait3A_84 : memref<1x128xi32, #tpu.memory_space<vmem>> -> memref<128xi32, #tpu.memory_space<vmem>>
    %dma_wait3A_86 = arith.constant 0 : i32
    %dma_wait3A_87 = tpu.memref_slice %arg7[%dma_wait3A_86] : memref<10112xf32, #tpu.memory_space<vmem_shared>> -> memref<10112xf32, #tpu.memory_space<vmem_shared>>
    tpu.wait_indirect_dma semaphore(%arg8 : memref<!tpu.dma_semaphore, #tpu.memory_space<semaphore_mem>>) src(%arg5 : memref<128xf32, #tpu.memory_space<vmem>>) dst(%dma_wait3A_87 : memref<10112xf32, #tpu.memory_space<vmem_shared>>)
    %dma_wait3A_88 = arith.constant 79 : i32
    %dma_wait3A_89 = arith.constant 0 : i32
    %dma_wait3A_90 = tpu.memref_slice %arg4[%dma_wait3A_88, %dma_wait3A_89] : memref<80x128xi32, #tpu.memory_space<vmem>> -> memref<1x128xi32, #tpu.memory_space<vmem>>
    %dma_wait3A_91 = tpu.memref_squeeze %dma_wait3A_90 : memref<1x128xi32, #tpu.memory_space<vmem>> -> memref<128xi32, #tpu.memory_space<vmem>>
    %dma_wait3A_92 = arith.constant 0 : i32
    %dma_wait3A_93 = tpu.memref_slice %arg7[%dma_wait3A_92] : memref<10112xf32, #tpu.memory_space<vmem_shared>> -> memref<10112xf32, #tpu.memory_space<vmem_shared>>
    tpu.wait_indirect_dma semaphore(%arg9 : memref<!tpu.dma_semaphore, #tpu.memory_space<semaphore_mem>>) src(%arg5 : memref<128xf32, #tpu.memory_space<vmem>>) dst(%dma_wait3A_93 : memref<10112xf32, #tpu.memory_space<vmem_shared>>)
    %barrier3A_94 = arith.constant 0 : index
    tpu.barrier barrier_id(%barrier3A_94)
    "tpu.region"() ({
      %run_scoped3A = tpu.sem_alloc : memref<!tpu.dma_semaphore, #tpu.memory_space<semaphore_mem>>
      %dma_start3A_98 = arith.constant 0 : i32
      %dma_start3A_99 = tpu.memref_slice %arg6[%dma_start3A_98] : memref<640xf32, #tpu.memory_space<vmem>> -> memref<632xf32, #tpu.memory_space<vmem>>
      %dma_start3A_100 = tpu.memref_slice %arg7[%mul3A_54] : memref<10112xf32, #tpu.memory_space<vmem_shared>> -> memref<632xf32, #tpu.memory_space<vmem_shared>>
      %dma_start3A_101 = arith.constant 0 : i32
      %dma_start3A_102 = tpu.memref_slice %arg6[%dma_start3A_101] : memref<640xf32, #tpu.memory_space<vmem>> -> memref<632xf32, #tpu.memory_space<vmem>>
      %dma_start3A_103 = tpu.memref_slice %arg7[%mul3A_54] : memref<10112xf32, #tpu.memory_space<vmem_shared>> -> memref<632xf32, #tpu.memory_space<vmem_shared>>
      tpu.enqueue_dma source(%dma_start3A_103 : memref<632xf32, #tpu.memory_space<vmem_shared>>) target(%dma_start3A_102 : memref<632xf32, #tpu.memory_space<vmem>>) target_semaphore(%run_scoped3A : memref<!tpu.dma_semaphore, #tpu.memory_space<semaphore_mem>>)
      %dma_wait3A_104 = arith.constant 0 : i32
      %dma_wait3A_105 = tpu.memref_slice %arg6[%dma_wait3A_104] : memref<640xf32, #tpu.memory_space<vmem>> -> memref<632xf32, #tpu.memory_space<vmem>>
      %dma_wait3A_106 = tpu.memref_slice %arg7[%mul3A_54] : memref<10112xf32, #tpu.memory_space<vmem_shared>> -> memref<632xf32, #tpu.memory_space<vmem_shared>>
      %dma_wait3A_107 = arith.constant 0 : i32
      %dma_wait3A_108 = tpu.memref_slice %arg6[%dma_wait3A_107] : memref<640xf32, #tpu.memory_space<vmem>> -> memref<632xf32, #tpu.memory_space<vmem>>
      %dma_wait3A_109 = tpu.memref_slice %arg7[%mul3A_54] : memref<10112xf32, #tpu.memory_space<vmem_shared>> -> memref<632xf32, #tpu.memory_space<vmem_shared>>
      tpu.wait_dma2 semaphore(%run_scoped3A : memref<!tpu.dma_semaphore, #tpu.memory_space<semaphore_mem>>) src(%dma_wait3A_109 : memref<632xf32, #tpu.memory_space<vmem_shared>>) dst(%dma_wait3A_108 : memref<632xf32, #tpu.memory_space<vmem>>)
      tpu.yield
    }) : () -> ()
    %mul3A_95 = arith.constant 10112 : i32
    %mul3A_96 = arith.muli %arg0, %mul3A_95 : i32
    %add3A_97 = arith.addi %mul3A_96, %mul3A_54 : i32
    "tpu.region"() ({
      %run_scoped3A = tpu.sem_alloc : memref<!tpu.dma_semaphore, #tpu.memory_space<semaphore_mem>>
      %dma_start3A_98 = arith.constant 0 : i32
      %dma_start3A_99 = tpu.memref_slice %arg6[%dma_start3A_98] : memref<640xf32, #tpu.memory_space<vmem>> -> memref<632xf32, #tpu.memory_space<vmem>>
      %dma_start3A_100 = tpu.memref_slice %arg3[%add3A_97] : memref<20224xf32, #tpu.memory_space<hbm>> -> memref<632xf32, #tpu.memory_space<hbm>>
      %dma_start3A_101 = tpu.memref_slice %arg3[%add3A_97] : memref<20224xf32, #tpu.memory_space<hbm>> -> memref<632xf32, #tpu.memory_space<hbm>>
      %dma_start3A_102 = arith.constant 0 : i32
      %dma_start3A_103 = tpu.memref_slice %arg6[%dma_start3A_102] : memref<640xf32, #tpu.memory_space<vmem>> -> memref<632xf32, #tpu.memory_space<vmem>>
      tpu.enqueue_dma source(%dma_start3A_103 : memref<632xf32, #tpu.memory_space<vmem>>) target(%dma_start3A_101 : memref<632xf32, #tpu.memory_space<hbm>>) target_semaphore(%run_scoped3A : memref<!tpu.dma_semaphore, #tpu.memory_space<semaphore_mem>>)
      %dma_wait3A_104 = arith.constant 0 : i32
      %dma_wait3A_105 = tpu.memref_slice %arg6[%dma_wait3A_104] : memref<640xf32, #tpu.memory_space<vmem>> -> memref<632xf32, #tpu.memory_space<vmem>>
      %dma_wait3A_106 = tpu.memref_slice %arg3[%add3A_97] : memref<20224xf32, #tpu.memory_space<hbm>> -> memref<632xf32, #tpu.memory_space<hbm>>
      %dma_wait3A_107 = tpu.memref_slice %arg3[%add3A_97] : memref<20224xf32, #tpu.memory_space<hbm>> -> memref<632xf32, #tpu.memory_space<hbm>>
      %dma_wait3A_108 = arith.constant 0 : i32
      %dma_wait3A_109 = tpu.memref_slice %arg6[%dma_wait3A_108] : memref<640xf32, #tpu.memory_space<vmem>> -> memref<632xf32, #tpu.memory_space<vmem>>
      tpu.wait_dma2 semaphore(%run_scoped3A : memref<!tpu.dma_semaphore, #tpu.memory_space<semaphore_mem>>) src(%dma_wait3A_109 : memref<632xf32, #tpu.memory_space<vmem>>) dst(%dma_wait3A_107 : memref<632xf32, #tpu.memory_space<hbm>>)
      tpu.yield
    }) : () -> ()
    return
  }
}

#map = affine_map<(d0, d1) -> (0, 0)>
#map1 = affine_map<(d0, d1) -> (0, 0, 0)>
module attributes {stable_mosaic.version = 14 : i64} {
  func.func @k(%arg0: i32, %arg1: i32, %arg2: memref<10112x128xbf16, #tpu.memory_space<hbm>>, %arg3: memref<2x2500x128xi32, #tpu.memory_space<hbm>>, %arg4: memref<2x10112x128xbf16, #tpu.memory_space<hbm>>, %arg5: memref<40x128xi32, #tpu.memory_space<vmem>>, %arg6: memref<40x128xi32, #tpu.memory_space<vmem>>, %arg7: memref<128x128xbf16, #tpu.memory_space<vmem>>, %arg8: memref<128x128xbf16, #tpu.memory_space<vmem>>, %arg9: memref<128x128xbf16, #tpu.memory_space<vmem>>, %arg10: memref<128x128xbf16, #tpu.memory_space<vmem>>, %arg11: memref<128x128xbf16, #tpu.memory_space<vmem>>, %arg12: memref<128x128xbf16, #tpu.memory_space<vmem>>, %arg13: memref<128x128xbf16, #tpu.memory_space<vmem>>, %arg14: memref<128x128xbf16, #tpu.memory_space<vmem>>, %arg15: memref<10112x128xbf16, #tpu.memory_space<vmem_shared>>, %arg16: memref<!tpu.dma_semaphore, #tpu.memory_space<semaphore_mem>>, %arg17: memref<!tpu.dma_semaphore, #tpu.memory_space<semaphore_mem>>, %arg18: memref<!tpu.dma_semaphore, #tpu.memory_space<semaphore_mem>>, %arg19: memref<!tpu.dma_semaphore, #tpu.memory_space<semaphore_mem>>, %arg20: memref<!tpu.dma_semaphore, #tpu.memory_space<semaphore_mem>>, %arg21: memref<!tpu.dma_semaphore, #tpu.memory_space<semaphore_mem>>, %arg22: memref<!tpu.dma_semaphore, #tpu.memory_space<semaphore_mem>>, %arg23: memref<!tpu.dma_semaphore, #tpu.memory_space<semaphore_mem>>, %arg24: memref<!tpu.dma_semaphore, #tpu.memory_space<semaphore_mem>>, %arg25: memref<!tpu.dma_semaphore, #tpu.memory_space<semaphore_mem>>, %arg26: memref<!tpu.dma_semaphore, #tpu.memory_space<semaphore_mem>>, %arg27: memref<!tpu.dma_semaphore, #tpu.memory_space<semaphore_mem>>, %arg28: memref<!tpu.dma_semaphore, #tpu.memory_space<semaphore_mem>>, %arg29: memref<!tpu.dma_semaphore, #tpu.memory_space<semaphore_mem>>, %arg30: memref<!tpu.dma_semaphore, #tpu.memory_space<semaphore_mem>>, %arg31: memref<!tpu.dma_semaphore, #tpu.memory_space<semaphore_mem>>) attributes {dimension_semantics = [#tpu.dimension_semantics<core_parallel>, #tpu.dimension_semantics<subcore_parallel>], iteration_bounds = array<i64: 2, 16>, scalar_prefetch = 0 : i64, scratch_operands = 27 : i64, tpu.core_type = #tpu.core_type<sc_vector_subcore>, window_params = [{transform_indices = #map}, {transform_indices = #map1}, {transform_indices = #map1}]} {
    %mul3A = arith.constant 2 : i32
    %mul3A_0 = arith.muli %arg1, %mul3A : i32
    %add3A = arith.addi %mul3A_0, %arg0 : i32
    %scan3A = arith.constant 0 : i32
    %scan3A_1 = arith.constant 0 : i32
    %scan3A_2 = arith.constant 128 : i32
    %scan3A_3 = arith.addi %scan3A_1, %scan3A_2 : i32
    %scan3A_4 = arith.constant 1 : i32
    %scan3A_5 = scf.for %scan3A_535 = %scan3A_1 to %scan3A_3 step %scan3A_4 iter_args(%scan3A_536 = %scan3A) -> (i32)  : i32 {
      %broadcast_in_dim3A = arith.constant 0.000000e+00 : bf16
      %broadcast_in_dim3A_537 = vector.broadcast %broadcast_in_dim3A : bf16 to vector<32xbf16>
      %swap3A = arith.index_cast %scan3A_535 : i32 to index
      %swap3A_538 = arith.constant 0 : index
      %swap3A_539 = tpu.vector_load %arg7[%swap3A, %swap3A_538] {strides = array<i32>} : memref<128x128xbf16, #tpu.memory_space<vmem>>, vector<1x32xbf16>,
      %swap3A_540 = vector.shape_cast %swap3A_539 : vector<1x32xbf16> to vector<32xbf16>
      %swap3A_541 = vector.shape_cast %broadcast_in_dim3A_537 : vector<32xbf16> to vector<1x32xbf16>
      tpu.vector_store %arg7[%swap3A, %swap3A_538], %swap3A_541 {strides = array<i32>} : memref<128x128xbf16, #tpu.memory_space<vmem>>, vector<1x32xbf16>,
      %broadcast_in_dim3A_542 = arith.constant 0.000000e+00 : bf16
      %broadcast_in_dim3A_543 = vector.broadcast %broadcast_in_dim3A_542 : bf16 to vector<32xbf16>
      %swap3A_544 = arith.index_cast %scan3A_535 : i32 to index
      %swap3A_545 = arith.constant 32 : index
      %swap3A_546 = tpu.vector_load %arg7[%swap3A_544, %swap3A_545] {strides = array<i32>} : memref<128x128xbf16, #tpu.memory_space<vmem>>, vector<1x32xbf16>,
      %swap3A_547 = vector.shape_cast %swap3A_546 : vector<1x32xbf16> to vector<32xbf16>
      %swap3A_548 = vector.shape_cast %broadcast_in_dim3A_543 : vector<32xbf16> to vector<1x32xbf16>
      tpu.vector_store %arg7[%swap3A_544, %swap3A_545], %swap3A_548 {strides = array<i32>} : memref<128x128xbf16, #tpu.memory_space<vmem>>, vector<1x32xbf16>,
      %broadcast_in_dim3A_549 = arith.constant 0.000000e+00 : bf16
      %broadcast_in_dim3A_550 = vector.broadcast %broadcast_in_dim3A_549 : bf16 to vector<32xbf16>
      %swap3A_551 = arith.index_cast %scan3A_535 : i32 to index
      %swap3A_552 = arith.constant 64 : index
      %swap3A_553 = tpu.vector_load %arg7[%swap3A_551, %swap3A_552] {strides = array<i32>} : memref<128x128xbf16, #tpu.memory_space<vmem>>, vector<1x32xbf16>,
      %swap3A_554 = vector.shape_cast %swap3A_553 : vector<1x32xbf16> to vector<32xbf16>
      %swap3A_555 = vector.shape_cast %broadcast_in_dim3A_550 : vector<32xbf16> to vector<1x32xbf16>
      tpu.vector_store %arg7[%swap3A_551, %swap3A_552], %swap3A_555 {strides = array<i32>} : memref<128x128xbf16, #tpu.memory_space<vmem>>, vector<1x32xbf16>,
      %broadcast_in_dim3A_556 = arith.constant 0.000000e+00 : bf16
      %broadcast_in_dim3A_557 = vector.broadcast %broadcast_in_dim3A_556 : bf16 to vector<32xbf16>
      %swap3A_558 = arith.index_cast %scan3A_535 : i32 to index
      %swap3A_559 = arith.constant 96 : index
      %swap3A_560 = tpu.vector_load %arg7[%swap3A_558, %swap3A_559] {strides = array<i32>} : memref<128x128xbf16, #tpu.memory_space<vmem>>, vector<1x32xbf16>,
      %swap3A_561 = vector.shape_cast %swap3A_560 : vector<1x32xbf16> to vector<32xbf16>
      %swap3A_562 = vector.shape_cast %broadcast_in_dim3A_557 : vector<32xbf16> to vector<1x32xbf16>
      tpu.vector_store %arg7[%swap3A_558, %swap3A_559], %swap3A_562 {strides = array<i32>} : memref<128x128xbf16, #tpu.memory_space<vmem>>, vector<1x32xbf16>,
      %scan3A_563 = arith.constant 0 : i32
      scf.yield %scan3A_563 : i32
    }
    %scan3A_6 = arith.constant 128 : i32
    %mul3A_7 = arith.constant 632 : i32
    %mul3A_8 = arith.muli %arg1, %mul3A_7 : i32
    %add3A_9 = arith.constant 0 : i32
    %add3A_10 = arith.addi %mul3A_8, %add3A_9 : i32
    "tpu.region"() ({
      %run_scoped3A = tpu.sem_alloc : memref<!tpu.dma_semaphore, #tpu.memory_space<semaphore_mem>>
      %dma_start3A_535 = arith.constant 0 : i32
      %dma_start3A_536 = tpu.memref_slice %arg15[%add3A_10, %dma_start3A_535] : memref<10112x128xbf16, #tpu.memory_space<vmem_shared>> -> memref<128x128xbf16, #tpu.memory_space<vmem_shared>>
      %dma_start3A_537 = arith.constant 0 : i32
      %dma_start3A_538 = tpu.memref_slice %arg15[%add3A_10, %dma_start3A_537] : memref<10112x128xbf16, #tpu.memory_space<vmem_shared>> -> memref<128x128xbf16, #tpu.memory_space<vmem_shared>>
      tpu.enqueue_dma source(%arg7 : memref<128x128xbf16, #tpu.memory_space<vmem>>) target(%dma_start3A_538 : memref<128x128xbf16, #tpu.memory_space<vmem_shared>>) target_semaphore(%run_scoped3A : memref<!tpu.dma_semaphore, #tpu.memory_space<semaphore_mem>>)
      %dma_wait3A_539 = arith.constant 0 : i32
      %dma_wait3A_540 = tpu.memref_slice %arg15[%add3A_10, %dma_wait3A_539] : memref<10112x128xbf16, #tpu.memory_space<vmem_shared>> -> memref<128x128xbf16, #tpu.memory_space<vmem_shared>>
      %dma_wait3A_541 = arith.constant 0 : i32
      %dma_wait3A_542 = tpu.memref_slice %arg15[%add3A_10, %dma_wait3A_541] : memref<10112x128xbf16, #tpu.memory_space<vmem_shared>> -> memref<128x128xbf16, #tpu.memory_space<vmem_shared>>
      tpu.wait_dma2 semaphore(%run_scoped3A : memref<!tpu.dma_semaphore, #tpu.memory_space<semaphore_mem>>) src(%arg7 : memref<128x128xbf16, #tpu.memory_space<vmem>>) dst(%dma_wait3A_542 : memref<128x128xbf16, #tpu.memory_space<vmem_shared>>)
      tpu.yield
    }) : () -> ()
    %add3A_11 = arith.constant 128 : i32
    %add3A_12 = arith.addi %mul3A_8, %add3A_11 : i32
    "tpu.region"() ({
      %run_scoped3A = tpu.sem_alloc : memref<!tpu.dma_semaphore, #tpu.memory_space<semaphore_mem>>
      %dma_start3A_535 = arith.constant 0 : i32
      %dma_start3A_536 = tpu.memref_slice %arg15[%add3A_12, %dma_start3A_535] : memref<10112x128xbf16, #tpu.memory_space<vmem_shared>> -> memref<128x128xbf16, #tpu.memory_space<vmem_shared>>
      %dma_start3A_537 = arith.constant 0 : i32
      %dma_start3A_538 = tpu.memref_slice %arg15[%add3A_12, %dma_start3A_537] : memref<10112x128xbf16, #tpu.memory_space<vmem_shared>> -> memref<128x128xbf16, #tpu.memory_space<vmem_shared>>
      tpu.enqueue_dma source(%arg7 : memref<128x128xbf16, #tpu.memory_space<vmem>>) target(%dma_start3A_538 : memref<128x128xbf16, #tpu.memory_space<vmem_shared>>) target_semaphore(%run_scoped3A : memref<!tpu.dma_semaphore, #tpu.memory_space<semaphore_mem>>)
      %dma_wait3A_539 = arith.constant 0 : i32
      %dma_wait3A_540 = tpu.memref_slice %arg15[%add3A_12, %dma_wait3A_539] : memref<10112x128xbf16, #tpu.memory_space<vmem_shared>> -> memref<128x128xbf16, #tpu.memory_space<vmem_shared>>
      %dma_wait3A_541 = arith.constant 0 : i32
      %dma_wait3A_542 = tpu.memref_slice %arg15[%add3A_12, %dma_wait3A_541] : memref<10112x128xbf16, #tpu.memory_space<vmem_shared>> -> memref<128x128xbf16, #tpu.memory_space<vmem_shared>>
      tpu.wait_dma2 semaphore(%run_scoped3A : memref<!tpu.dma_semaphore, #tpu.memory_space<semaphore_mem>>) src(%arg7 : memref<128x128xbf16, #tpu.memory_space<vmem>>) dst(%dma_wait3A_542 : memref<128x128xbf16, #tpu.memory_space<vmem_shared>>)
      tpu.yield
    }) : () -> ()
    %add3A_13 = arith.constant 256 : i32
    %add3A_14 = arith.addi %mul3A_8, %add3A_13 : i32
    "tpu.region"() ({
      %run_scoped3A = tpu.sem_alloc : memref<!tpu.dma_semaphore, #tpu.memory_space<semaphore_mem>>
      %dma_start3A_535 = arith.constant 0 : i32
      %dma_start3A_536 = tpu.memref_slice %arg15[%add3A_14, %dma_start3A_535] : memref<10112x128xbf16, #tpu.memory_space<vmem_shared>> -> memref<128x128xbf16, #tpu.memory_space<vmem_shared>>
      %dma_start3A_537 = arith.constant 0 : i32
      %dma_start3A_538 = tpu.memref_slice %arg15[%add3A_14, %dma_start3A_537] : memref<10112x128xbf16, #tpu.memory_space<vmem_shared>> -> memref<128x128xbf16, #tpu.memory_space<vmem_shared>>
      tpu.enqueue_dma source(%arg7 : memref<128x128xbf16, #tpu.memory_space<vmem>>) target(%dma_start3A_538 : memref<128x128xbf16, #tpu.memory_space<vmem_shared>>) target_semaphore(%run_scoped3A : memref<!tpu.dma_semaphore, #tpu.memory_space<semaphore_mem>>)
      %dma_wait3A_539 = arith.constant 0 : i32
      %dma_wait3A_540 = tpu.memref_slice %arg15[%add3A_14, %dma_wait3A_539] : memref<10112x128xbf16, #tpu.memory_space<vmem_shared>> -> memref<128x128xbf16, #tpu.memory_space<vmem_shared>>
      %dma_wait3A_541 = arith.constant 0 : i32
      %dma_wait3A_542 = tpu.memref_slice %arg15[%add3A_14, %dma_wait3A_541] : memref<10112x128xbf16, #tpu.memory_space<vmem_shared>> -> memref<128x128xbf16, #tpu.memory_space<vmem_shared>>
      tpu.wait_dma2 semaphore(%run_scoped3A : memref<!tpu.dma_semaphore, #tpu.memory_space<semaphore_mem>>) src(%arg7 : memref<128x128xbf16, #tpu.memory_space<vmem>>) dst(%dma_wait3A_542 : memref<128x128xbf16, #tpu.memory_space<vmem_shared>>)
      tpu.yield
    }) : () -> ()
    %add3A_15 = arith.constant 384 : i32
    %add3A_16 = arith.addi %mul3A_8, %add3A_15 : i32
    "tpu.region"() ({
      %run_scoped3A = tpu.sem_alloc : memref<!tpu.dma_semaphore, #tpu.memory_space<semaphore_mem>>
      %dma_start3A_535 = arith.constant 0 : i32
      %dma_start3A_536 = tpu.memref_slice %arg15[%add3A_16, %dma_start3A_535] : memref<10112x128xbf16, #tpu.memory_space<vmem_shared>> -> memref<128x128xbf16, #tpu.memory_space<vmem_shared>>
      %dma_start3A_537 = arith.constant 0 : i32
      %dma_start3A_538 = tpu.memref_slice %arg15[%add3A_16, %dma_start3A_537] : memref<10112x128xbf16, #tpu.memory_space<vmem_shared>> -> memref<128x128xbf16, #tpu.memory_space<vmem_shared>>
      tpu.enqueue_dma source(%arg7 : memref<128x128xbf16, #tpu.memory_space<vmem>>) target(%dma_start3A_538 : memref<128x128xbf16, #tpu.memory_space<vmem_shared>>) target_semaphore(%run_scoped3A : memref<!tpu.dma_semaphore, #tpu.memory_space<semaphore_mem>>)
      %dma_wait3A_539 = arith.constant 0 : i32
      %dma_wait3A_540 = tpu.memref_slice %arg15[%add3A_16, %dma_wait3A_539] : memref<10112x128xbf16, #tpu.memory_space<vmem_shared>> -> memref<128x128xbf16, #tpu.memory_space<vmem_shared>>
      %dma_wait3A_541 = arith.constant 0 : i32
      %dma_wait3A_542 = tpu.memref_slice %arg15[%add3A_16, %dma_wait3A_541] : memref<10112x128xbf16, #tpu.memory_space<vmem_shared>> -> memref<128x128xbf16, #tpu.memory_space<vmem_shared>>
      tpu.wait_dma2 semaphore(%run_scoped3A : memref<!tpu.dma_semaphore, #tpu.memory_space<semaphore_mem>>) src(%arg7 : memref<128x128xbf16, #tpu.memory_space<vmem>>) dst(%dma_wait3A_542 : memref<128x128xbf16, #tpu.memory_space<vmem_shared>>)
      tpu.yield
    }) : () -> ()
    %add3A_17 = arith.constant 632 : i32
    %add3A_18 = arith.addi %mul3A_8, %add3A_17 : i32
    %sub3A = arith.constant 120 : i32
    %sub3A_19 = arith.subi %add3A_18, %sub3A : i32
    "tpu.region"() ({
      %run_scoped3A = tpu.sem_alloc : memref<!tpu.dma_semaphore, #tpu.memory_space<semaphore_mem>>
      %dma_start3A_535 = arith.constant 0 : i32
      %dma_start3A_536 = arith.constant 0 : i32
      %dma_start3A_537 = tpu.memref_slice %arg7[%dma_start3A_535, %dma_start3A_536] : memref<128x128xbf16, #tpu.memory_space<vmem>> -> memref<120x128xbf16, #tpu.memory_space<vmem>>
      %dma_start3A_538 = arith.constant 0 : i32
      %dma_start3A_539 = tpu.memref_slice %arg15[%sub3A_19, %dma_start3A_538] : memref<10112x128xbf16, #tpu.memory_space<vmem_shared>> -> memref<120x128xbf16, #tpu.memory_space<vmem_shared>>
      %dma_start3A_540 = arith.constant 0 : i32
      %dma_start3A_541 = tpu.memref_slice %arg15[%sub3A_19, %dma_start3A_540] : memref<10112x128xbf16, #tpu.memory_space<vmem_shared>> -> memref<120x128xbf16, #tpu.memory_space<vmem_shared>>
      %dma_start3A_542 = arith.constant 0 : i32
      %dma_start3A_543 = arith.constant 0 : i32
      %dma_start3A_544 = tpu.memref_slice %arg7[%dma_start3A_542, %dma_start3A_543] : memref<128x128xbf16, #tpu.memory_space<vmem>> -> memref<120x128xbf16, #tpu.memory_space<vmem>>
      tpu.enqueue_dma source(%dma_start3A_544 : memref<120x128xbf16, #tpu.memory_space<vmem>>) target(%dma_start3A_541 : memref<120x128xbf16, #tpu.memory_space<vmem_shared>>) target_semaphore(%run_scoped3A : memref<!tpu.dma_semaphore, #tpu.memory_space<semaphore_mem>>)
      %dma_wait3A_545 = arith.constant 0 : i32
      %dma_wait3A_546 = arith.constant 0 : i32
      %dma_wait3A_547 = tpu.memref_slice %arg7[%dma_wait3A_545, %dma_wait3A_546] : memref<128x128xbf16, #tpu.memory_space<vmem>> -> memref<120x128xbf16, #tpu.memory_space<vmem>>
      %dma_wait3A_548 = arith.constant 0 : i32
      %dma_wait3A_549 = tpu.memref_slice %arg15[%sub3A_19, %dma_wait3A_548] : memref<10112x128xbf16, #tpu.memory_space<vmem_shared>> -> memref<120x128xbf16, #tpu.memory_space<vmem_shared>>
      %dma_wait3A_550 = arith.constant 0 : i32
      %dma_wait3A_551 = tpu.memref_slice %arg15[%sub3A_19, %dma_wait3A_550] : memref<10112x128xbf16, #tpu.memory_space<vmem_shared>> -> memref<120x128xbf16, #tpu.memory_space<vmem_shared>>
      %dma_wait3A_552 = arith.constant 0 : i32
      %dma_wait3A_553 = arith.constant 0 : i32
      %dma_wait3A_554 = tpu.memref_slice %arg7[%dma_wait3A_552, %dma_wait3A_553] : memref<128x128xbf16, #tpu.memory_space<vmem>> -> memref<120x128xbf16, #tpu.memory_space<vmem>>
      tpu.wait_dma2 semaphore(%run_scoped3A : memref<!tpu.dma_semaphore, #tpu.memory_space<semaphore_mem>>) src(%dma_wait3A_554 : memref<120x128xbf16, #tpu.memory_space<vmem>>) dst(%dma_wait3A_551 : memref<120x128xbf16, #tpu.memory_space<vmem_shared>>)
      tpu.yield
    }) : () -> ()
    %barrier3A = arith.constant 0 : index
    tpu.barrier barrier_id(%barrier3A)
    %mul3A_20 = arith.constant 80 : i32
    %mul3A_21 = arith.muli %add3A, %mul3A_20 : i32
    %add3A_22 = arith.constant 0 : i32
    %add3A_23 = arith.addi %mul3A_21, %add3A_22 : i32
    %lt3A = arith.constant 31 : i32
    %lt3A_24 = arith.cmpi slt, %add3A, %lt3A : i32
    %convert_element_type3A = arith.extui %lt3A_24 : i1 to i32
    %cond3A = arith.constant 0 : i32
    %cond3A_25 = arith.constant 1 : i32
    %cond3A_26 = arith.constant 0 : i32
    %cond3A_27 = arith.cmpi ne, %convert_element_type3A, %cond3A_26 : i32
    scf.if %cond3A_27 {
      "tpu.region"() ({
        %run_scoped3A = tpu.sem_alloc : memref<!tpu.dma_semaphore, #tpu.memory_space<semaphore_mem>>
        %dma_start3A_535 = arith.constant 0 : i32
        %dma_start3A_536 = arith.constant 0 : i32
        %dma_start3A_537 = tpu.memref_slice %arg3[%cond3A, %dma_start3A_535, %dma_start3A_536] : memref<2x2500x128xi32, #tpu.memory_space<hbm>> -> memref<1x2500x128xi32, #tpu.memory_space<hbm>>
        %dma_start3A_538 = tpu.memref_squeeze %dma_start3A_537 : memref<1x2500x128xi32, #tpu.memory_space<hbm>> -> memref<2500x128xi32, #tpu.memory_space<hbm>>
        %dma_start3A_539 = arith.constant 0 : i32
        %dma_start3A_540 = tpu.memref_slice %dma_start3A_538[%add3A_23, %dma_start3A_539] : memref<2500x128xi32, #tpu.memory_space<hbm>> -> memref<40x128xi32, #tpu.memory_space<hbm>>
        %dma_start3A_541 = arith.constant 0 : i32
        %dma_start3A_542 = arith.constant 0 : i32
        %dma_start3A_543 = tpu.memref_slice %arg3[%cond3A, %dma_start3A_541, %dma_start3A_542] : memref<2x2500x128xi32, #tpu.memory_space<hbm>> -> memref<1x2500x128xi32, #tpu.memory_space<hbm>>
        %dma_start3A_544 = tpu.memref_squeeze %dma_start3A_543 : memref<1x2500x128xi32, #tpu.memory_space<hbm>> -> memref<2500x128xi32, #tpu.memory_space<hbm>>
        %dma_start3A_545 = arith.constant 0 : i32
        %dma_start3A_546 = tpu.memref_slice %dma_start3A_544[%add3A_23, %dma_start3A_545] : memref<2500x128xi32, #tpu.memory_space<hbm>> -> memref<40x128xi32, #tpu.memory_space<hbm>>
        tpu.enqueue_dma source(%dma_start3A_546 : memref<40x128xi32, #tpu.memory_space<hbm>>) target(%arg5 : memref<40x128xi32, #tpu.memory_space<vmem>>) target_semaphore(%run_scoped3A : memref<!tpu.dma_semaphore, #tpu.memory_space<semaphore_mem>>)
        %dma_wait3A_547 = arith.constant 0 : i32
        %dma_wait3A_548 = arith.constant 0 : i32
        %dma_wait3A_549 = tpu.memref_slice %arg3[%cond3A, %dma_wait3A_547, %dma_wait3A_548] : memref<2x2500x128xi32, #tpu.memory_space<hbm>> -> memref<1x2500x128xi32, #tpu.memory_space<hbm>>
        %dma_wait3A_550 = tpu.memref_squeeze %dma_wait3A_549 : memref<1x2500x128xi32, #tpu.memory_space<hbm>> -> memref<2500x128xi32, #tpu.memory_space<hbm>>
        %dma_wait3A_551 = arith.constant 0 : i32
        %dma_wait3A_552 = tpu.memref_slice %dma_wait3A_550[%add3A_23, %dma_wait3A_551] : memref<2500x128xi32, #tpu.memory_space<hbm>> -> memref<40x128xi32, #tpu.memory_space<hbm>>
        %dma_wait3A_553 = arith.constant 0 : i32
        %dma_wait3A_554 = arith.constant 0 : i32
        %dma_wait3A_555 = tpu.memref_slice %arg3[%cond3A, %dma_wait3A_553, %dma_wait3A_554] : memref<2x2500x128xi32, #tpu.memory_space<hbm>> -> memref<1x2500x128xi32, #tpu.memory_space<hbm>>
        %dma_wait3A_556 = tpu.memref_squeeze %dma_wait3A_555 : memref<1x2500x128xi32, #tpu.memory_space<hbm>> -> memref<2500x128xi32, #tpu.memory_space<hbm>>
        %dma_wait3A_557 = arith.constant 0 : i32
        %dma_wait3A_558 = tpu.memref_slice %dma_wait3A_556[%add3A_23, %dma_wait3A_557] : memref<2500x128xi32, #tpu.memory_space<hbm>> -> memref<40x128xi32, #tpu.memory_space<hbm>>
        tpu.wait_dma2 semaphore(%run_scoped3A : memref<!tpu.dma_semaphore, #tpu.memory_space<semaphore_mem>>) src(%dma_wait3A_558 : memref<40x128xi32, #tpu.memory_space<hbm>>) dst(%arg5 : memref<40x128xi32, #tpu.memory_space<vmem>>)
        tpu.yield
      }) : () -> ()
      "tpu.region"() ({
        %run_scoped3A = tpu.sem_alloc : memref<!tpu.dma_semaphore, #tpu.memory_space<semaphore_mem>>
        %dma_start3A_535 = arith.constant 0 : i32
        %dma_start3A_536 = arith.constant 0 : i32
        %dma_start3A_537 = tpu.memref_slice %arg3[%cond3A_25, %dma_start3A_535, %dma_start3A_536] : memref<2x2500x128xi32, #tpu.memory_space<hbm>> -> memref<1x2500x128xi32, #tpu.memory_space<hbm>>
        %dma_start3A_538 = tpu.memref_squeeze %dma_start3A_537 : memref<1x2500x128xi32, #tpu.memory_space<hbm>> -> memref<2500x128xi32, #tpu.memory_space<hbm>>
        %dma_start3A_539 = arith.constant 0 : i32
        %dma_start3A_540 = tpu.memref_slice %dma_start3A_538[%add3A_23, %dma_start3A_539] : memref<2500x128xi32, #tpu.memory_space<hbm>> -> memref<40x128xi32, #tpu.memory_space<hbm>>
        %dma_start3A_541 = arith.constant 0 : i32
        %dma_start3A_542 = arith.constant 0 : i32
        %dma_start3A_543 = tpu.memref_slice %arg3[%cond3A_25, %dma_start3A_541, %dma_start3A_542] : memref<2x2500x128xi32, #tpu.memory_space<hbm>> -> memref<1x2500x128xi32, #tpu.memory_space<hbm>>
        %dma_start3A_544 = tpu.memref_squeeze %dma_start3A_543 : memref<1x2500x128xi32, #tpu.memory_space<hbm>> -> memref<2500x128xi32, #tpu.memory_space<hbm>>
        %dma_start3A_545 = arith.constant 0 : i32
        %dma_start3A_546 = tpu.memref_slice %dma_start3A_544[%add3A_23, %dma_start3A_545] : memref<2500x128xi32, #tpu.memory_space<hbm>> -> memref<40x128xi32, #tpu.memory_space<hbm>>
        tpu.enqueue_dma source(%dma_start3A_546 : memref<40x128xi32, #tpu.memory_space<hbm>>) target(%arg6 : memref<40x128xi32, #tpu.memory_space<vmem>>) target_semaphore(%run_scoped3A : memref<!tpu.dma_semaphore, #tpu.memory_space<semaphore_mem>>)
        %dma_wait3A_547 = arith.constant 0 : i32
        %dma_wait3A_548 = arith.constant 0 : i32
        %dma_wait3A_549 = tpu.memref_slice %arg3[%cond3A_25, %dma_wait3A_547, %dma_wait3A_548] : memref<2x2500x128xi32, #tpu.memory_space<hbm>> -> memref<1x2500x128xi32, #tpu.memory_space<hbm>>
        %dma_wait3A_550 = tpu.memref_squeeze %dma_wait3A_549 : memref<1x2500x128xi32, #tpu.memory_space<hbm>> -> memref<2500x128xi32, #tpu.memory_space<hbm>>
        %dma_wait3A_551 = arith.constant 0 : i32
        %dma_wait3A_552 = tpu.memref_slice %dma_wait3A_550[%add3A_23, %dma_wait3A_551] : memref<2500x128xi32, #tpu.memory_space<hbm>> -> memref<40x128xi32, #tpu.memory_space<hbm>>
        %dma_wait3A_553 = arith.constant 0 : i32
        %dma_wait3A_554 = arith.constant 0 : i32
        %dma_wait3A_555 = tpu.memref_slice %arg3[%cond3A_25, %dma_wait3A_553, %dma_wait3A_554] : memref<2x2500x128xi32, #tpu.memory_space<hbm>> -> memref<1x2500x128xi32, #tpu.memory_space<hbm>>
        %dma_wait3A_556 = tpu.memref_squeeze %dma_wait3A_555 : memref<1x2500x128xi32, #tpu.memory_space<hbm>> -> memref<2500x128xi32, #tpu.memory_space<hbm>>
        %dma_wait3A_557 = arith.constant 0 : i32
        %dma_wait3A_558 = tpu.memref_slice %dma_wait3A_556[%add3A_23, %dma_wait3A_557] : memref<2500x128xi32, #tpu.memory_space<hbm>> -> memref<40x128xi32, #tpu.memory_space<hbm>>
        tpu.wait_dma2 semaphore(%run_scoped3A : memref<!tpu.dma_semaphore, #tpu.memory_space<semaphore_mem>>) src(%dma_wait3A_558 : memref<40x128xi32, #tpu.memory_space<hbm>>) dst(%arg6 : memref<40x128xi32, #tpu.memory_space<vmem>>)
        tpu.yield
      }) : () -> ()
    } else {
    }
    %eq3A = arith.constant 31 : i32
    %eq3A_28 = arith.cmpi eq, %add3A, %eq3A : i32
    %convert_element_type3A_29 = arith.extui %eq3A_28 : i1 to i32
    %cond3A_30 = arith.constant 0 : i32
    %cond3A_31 = arith.constant 1 : i32
    %cond3A_32 = arith.constant 0 : i32
    %cond3A_33 = arith.cmpi ne, %convert_element_type3A_29, %cond3A_32 : i32
    scf.if %cond3A_33 {
      "tpu.region"() ({
        %run_scoped3A = tpu.sem_alloc : memref<!tpu.dma_semaphore, #tpu.memory_space<semaphore_mem>>
        %dma_start3A_549 = arith.constant 0 : i32
        %dma_start3A_550 = arith.constant 0 : i32
        %dma_start3A_551 = tpu.memref_slice %arg5[%dma_start3A_549, %dma_start3A_550] : memref<40x128xi32, #tpu.memory_space<vmem>> -> memref<20x128xi32, #tpu.memory_space<vmem>>
        %dma_start3A_552 = arith.constant 0 : i32
        %dma_start3A_553 = arith.constant 0 : i32
        %dma_start3A_554 = tpu.memref_slice %arg3[%cond3A_30, %dma_start3A_552, %dma_start3A_553] : memref<2x2500x128xi32, #tpu.memory_space<hbm>> -> memref<1x2500x128xi32, #tpu.memory_space<hbm>>
        %dma_start3A_555 = tpu.memref_squeeze %dma_start3A_554 : memref<1x2500x128xi32, #tpu.memory_space<hbm>> -> memref<2500x128xi32, #tpu.memory_space<hbm>>
        %dma_start3A_556 = arith.constant 0 : i32
        %dma_start3A_557 = tpu.memref_slice %dma_start3A_555[%add3A_23, %dma_start3A_556] : memref<2500x128xi32, #tpu.memory_space<hbm>> -> memref<20x128xi32, #tpu.memory_space<hbm>>
        %dma_start3A_558 = arith.constant 0 : i32
        %dma_start3A_559 = arith.constant 0 : i32
        %dma_start3A_560 = tpu.memref_slice %arg5[%dma_start3A_558, %dma_start3A_559] : memref<40x128xi32, #tpu.memory_space<vmem>> -> memref<20x128xi32, #tpu.memory_space<vmem>>
        %dma_start3A_561 = arith.constant 0 : i32
        %dma_start3A_562 = arith.constant 0 : i32
        %dma_start3A_563 = tpu.memref_slice %arg3[%cond3A_30, %dma_start3A_561, %dma_start3A_562] : memref<2x2500x128xi32, #tpu.memory_space<hbm>> -> memref<1x2500x128xi32, #tpu.memory_space<hbm>>
        %dma_start3A_564 = tpu.memref_squeeze %dma_start3A_563 : memref<1x2500x128xi32, #tpu.memory_space<hbm>> -> memref<2500x128xi32, #tpu.memory_space<hbm>>
        %dma_start3A_565 = arith.constant 0 : i32
        %dma_start3A_566 = tpu.memref_slice %dma_start3A_564[%add3A_23, %dma_start3A_565] : memref<2500x128xi32, #tpu.memory_space<hbm>> -> memref<20x128xi32, #tpu.memory_space<hbm>>
        tpu.enqueue_dma source(%dma_start3A_566 : memref<20x128xi32, #tpu.memory_space<hbm>>) target(%dma_start3A_560 : memref<20x128xi32, #tpu.memory_space<vmem>>) target_semaphore(%run_scoped3A : memref<!tpu.dma_semaphore, #tpu.memory_space<semaphore_mem>>)
        %dma_wait3A_567 = arith.constant 0 : i32
        %dma_wait3A_568 = arith.constant 0 : i32
        %dma_wait3A_569 = tpu.memref_slice %arg5[%dma_wait3A_567, %dma_wait3A_568] : memref<40x128xi32, #tpu.memory_space<vmem>> -> memref<20x128xi32, #tpu.memory_space<vmem>>
        %dma_wait3A_570 = arith.constant 0 : i32
        %dma_wait3A_571 = arith.constant 0 : i32
        %dma_wait3A_572 = tpu.memref_slice %arg3[%cond3A_30, %dma_wait3A_570, %dma_wait3A_571] : memref<2x2500x128xi32, #tpu.memory_space<hbm>> -> memref<1x2500x128xi32, #tpu.memory_space<hbm>>
        %dma_wait3A_573 = tpu.memref_squeeze %dma_wait3A_572 : memref<1x2500x128xi32, #tpu.memory_space<hbm>> -> memref<2500x128xi32, #tpu.memory_space<hbm>>
        %dma_wait3A_574 = arith.constant 0 : i32
        %dma_wait3A_575 = tpu.memref_slice %dma_wait3A_573[%add3A_23, %dma_wait3A_574] : memref<2500x128xi32, #tpu.memory_space<hbm>> -> memref<20x128xi32, #tpu.memory_space<hbm>>
        %dma_wait3A_576 = arith.constant 0 : i32
        %dma_wait3A_577 = arith.constant 0 : i32
        %dma_wait3A_578 = tpu.memref_slice %arg5[%dma_wait3A_576, %dma_wait3A_577] : memref<40x128xi32, #tpu.memory_space<vmem>> -> memref<20x128xi32, #tpu.memory_space<vmem>>
        %dma_wait3A_579 = arith.constant 0 : i32
        %dma_wait3A_580 = arith.constant 0 : i32
        %dma_wait3A_581 = tpu.memref_slice %arg3[%cond3A_30, %dma_wait3A_579, %dma_wait3A_580] : memref<2x2500x128xi32, #tpu.memory_space<hbm>> -> memref<1x2500x128xi32, #tpu.memory_space<hbm>>
        %dma_wait3A_582 = tpu.memref_squeeze %dma_wait3A_581 : memref<1x2500x128xi32, #tpu.memory_space<hbm>> -> memref<2500x128xi32, #tpu.memory_space<hbm>>
        %dma_wait3A_583 = arith.constant 0 : i32
        %dma_wait3A_584 = tpu.memref_slice %dma_wait3A_582[%add3A_23, %dma_wait3A_583] : memref<2500x128xi32, #tpu.memory_space<hbm>> -> memref<20x128xi32, #tpu.memory_space<hbm>>
        tpu.wait_dma2 semaphore(%run_scoped3A : memref<!tpu.dma_semaphore, #tpu.memory_space<semaphore_mem>>) src(%dma_wait3A_584 : memref<20x128xi32, #tpu.memory_space<hbm>>) dst(%dma_wait3A_578 : memref<20x128xi32, #tpu.memory_space<vmem>>)
        tpu.yield
      }) : () -> ()
      "tpu.region"() ({
        %run_scoped3A = tpu.sem_alloc : memref<!tpu.dma_semaphore, #tpu.memory_space<semaphore_mem>>
        %dma_start3A_549 = arith.constant 0 : i32
        %dma_start3A_550 = arith.constant 0 : i32
        %dma_start3A_551 = tpu.memref_slice %arg6[%dma_start3A_549, %dma_start3A_550] : memref<40x128xi32, #tpu.memory_space<vmem>> -> memref<20x128xi32, #tpu.memory_space<vmem>>
        %dma_start3A_552 = arith.constant 0 : i32
        %dma_start3A_553 = arith.constant 0 : i32
        %dma_start3A_554 = tpu.memref_slice %arg3[%cond3A_31, %dma_start3A_552, %dma_start3A_553] : memref<2x2500x128xi32, #tpu.memory_space<hbm>> -> memref<1x2500x128xi32, #tpu.memory_space<hbm>>
        %dma_start3A_555 = tpu.memref_squeeze %dma_start3A_554 : memref<1x2500x128xi32, #tpu.memory_space<hbm>> -> memref<2500x128xi32, #tpu.memory_space<hbm>>
        %dma_start3A_556 = arith.constant 0 : i32
        %dma_start3A_557 = tpu.memref_slice %dma_start3A_555[%add3A_23, %dma_start3A_556] : memref<2500x128xi32, #tpu.memory_space<hbm>> -> memref<20x128xi32, #tpu.memory_space<hbm>>
        %dma_start3A_558 = arith.constant 0 : i32
        %dma_start3A_559 = arith.constant 0 : i32
        %dma_start3A_560 = tpu.memref_slice %arg6[%dma_start3A_558, %dma_start3A_559] : memref<40x128xi32, #tpu.memory_space<vmem>> -> memref<20x128xi32, #tpu.memory_space<vmem>>
        %dma_start3A_561 = arith.constant 0 : i32
        %dma_start3A_562 = arith.constant 0 : i32
        %dma_start3A_563 = tpu.memref_slice %arg3[%cond3A_31, %dma_start3A_561, %dma_start3A_562] : memref<2x2500x128xi32, #tpu.memory_space<hbm>> -> memref<1x2500x128xi32, #tpu.memory_space<hbm>>
        %dma_start3A_564 = tpu.memref_squeeze %dma_start3A_563 : memref<1x2500x128xi32, #tpu.memory_space<hbm>> -> memref<2500x128xi32, #tpu.memory_space<hbm>>
        %dma_start3A_565 = arith.constant 0 : i32
        %dma_start3A_566 = tpu.memref_slice %dma_start3A_564[%add3A_23, %dma_start3A_565] : memref<2500x128xi32, #tpu.memory_space<hbm>> -> memref<20x128xi32, #tpu.memory_space<hbm>>
        tpu.enqueue_dma source(%dma_start3A_566 : memref<20x128xi32, #tpu.memory_space<hbm>>) target(%dma_start3A_560 : memref<20x128xi32, #tpu.memory_space<vmem>>) target_semaphore(%run_scoped3A : memref<!tpu.dma_semaphore, #tpu.memory_space<semaphore_mem>>)
        %dma_wait3A_567 = arith.constant 0 : i32
        %dma_wait3A_568 = arith.constant 0 : i32
        %dma_wait3A_569 = tpu.memref_slice %arg6[%dma_wait3A_567, %dma_wait3A_568] : memref<40x128xi32, #tpu.memory_space<vmem>> -> memref<20x128xi32, #tpu.memory_space<vmem>>
        %dma_wait3A_570 = arith.constant 0 : i32
        %dma_wait3A_571 = arith.constant 0 : i32
        %dma_wait3A_572 = tpu.memref_slice %arg3[%cond3A_31, %dma_wait3A_570, %dma_wait3A_571] : memref<2x2500x128xi32, #tpu.memory_space<hbm>> -> memref<1x2500x128xi32, #tpu.memory_space<hbm>>
        %dma_wait3A_573 = tpu.memref_squeeze %dma_wait3A_572 : memref<1x2500x128xi32, #tpu.memory_space<hbm>> -> memref<2500x128xi32, #tpu.memory_space<hbm>>
        %dma_wait3A_574 = arith.constant 0 : i32
        %dma_wait3A_575 = tpu.memref_slice %dma_wait3A_573[%add3A_23, %dma_wait3A_574] : memref<2500x128xi32, #tpu.memory_space<hbm>> -> memref<20x128xi32, #tpu.memory_space<hbm>>
        %dma_wait3A_576 = arith.constant 0 : i32
        %dma_wait3A_577 = arith.constant 0 : i32
        %dma_wait3A_578 = tpu.memref_slice %arg6[%dma_wait3A_576, %dma_wait3A_577] : memref<40x128xi32, #tpu.memory_space<vmem>> -> memref<20x128xi32, #tpu.memory_space<vmem>>
        %dma_wait3A_579 = arith.constant 0 : i32
        %dma_wait3A_580 = arith.constant 0 : i32
        %dma_wait3A_581 = tpu.memref_slice %arg3[%cond3A_31, %dma_wait3A_579, %dma_wait3A_580] : memref<2x2500x128xi32, #tpu.memory_space<hbm>> -> memref<1x2500x128xi32, #tpu.memory_space<hbm>>
        %dma_wait3A_582 = tpu.memref_squeeze %dma_wait3A_581 : memref<1x2500x128xi32, #tpu.memory_space<hbm>> -> memref<2500x128xi32, #tpu.memory_space<hbm>>
        %dma_wait3A_583 = arith.constant 0 : i32
        %dma_wait3A_584 = tpu.memref_slice %dma_wait3A_582[%add3A_23, %dma_wait3A_583] : memref<2500x128xi32, #tpu.memory_space<hbm>> -> memref<20x128xi32, #tpu.memory_space<hbm>>
        tpu.wait_dma2 semaphore(%run_scoped3A : memref<!tpu.dma_semaphore, #tpu.memory_space<semaphore_mem>>) src(%dma_wait3A_584 : memref<20x128xi32, #tpu.memory_space<hbm>>) dst(%dma_wait3A_578 : memref<20x128xi32, #tpu.memory_space<vmem>>)
        tpu.yield
      }) : () -> ()
      %scan3A_535 = arith.constant 0 : i32
      %scan3A_536 = arith.constant 20 : i32
      %scan3A_537 = arith.constant 20 : i32
      %scan3A_538 = arith.addi %scan3A_536, %scan3A_537 : i32
      %scan3A_539 = arith.constant 1 : i32
      %scan3A_540 = scf.for %scan3A_549 = %scan3A_536 to %scan3A_538 step %scan3A_539 iter_args(%scan3A_550 = %scan3A_535) -> (i32)  : i32 {
        %broadcast_in_dim3A = arith.constant 10008 : i32
        %broadcast_in_dim3A_551 = vector.broadcast %broadcast_in_dim3A : i32 to vector<16xi32>
        %swap3A = arith.index_cast %scan3A_549 : i32 to index
        %swap3A_552 = arith.constant 0 : index
        %swap3A_553 = tpu.vector_load %arg5[%swap3A, %swap3A_552] {strides = array<i32>} : memref<40x128xi32, #tpu.memory_space<vmem>>, vector<1x16xi32>,
        %swap3A_554 = vector.shape_cast %swap3A_553 : vector<1x16xi32> to vector<16xi32>
        %swap3A_555 = vector.shape_cast %broadcast_in_dim3A_551 : vector<16xi32> to vector<1x16xi32>
        tpu.vector_store %arg5[%swap3A, %swap3A_552], %swap3A_555 {strides = array<i32>} : memref<40x128xi32, #tpu.memory_space<vmem>>, vector<1x16xi32>,
        %broadcast_in_dim3A_556 = arith.constant 10008 : i32
        %broadcast_in_dim3A_557 = vector.broadcast %broadcast_in_dim3A_556 : i32 to vector<16xi32>
        %swap3A_558 = arith.index_cast %scan3A_549 : i32 to index
        %swap3A_559 = arith.constant 16 : index
        %swap3A_560 = tpu.vector_load %arg5[%swap3A_558, %swap3A_559] {strides = array<i32>} : memref<40x128xi32, #tpu.memory_space<vmem>>, vector<1x16xi32>,
        %swap3A_561 = vector.shape_cast %swap3A_560 : vector<1x16xi32> to vector<16xi32>
        %swap3A_562 = vector.shape_cast %broadcast_in_dim3A_557 : vector<16xi32> to vector<1x16xi32>
        tpu.vector_store %arg5[%swap3A_558, %swap3A_559], %swap3A_562 {strides = array<i32>} : memref<40x128xi32, #tpu.memory_space<vmem>>, vector<1x16xi32>,
        %broadcast_in_dim3A_563 = arith.constant 10008 : i32
        %broadcast_in_dim3A_564 = vector.broadcast %broadcast_in_dim3A_563 : i32 to vector<16xi32>
        %swap3A_565 = arith.index_cast %scan3A_549 : i32 to index
        %swap3A_566 = arith.constant 32 : index
        %swap3A_567 = tpu.vector_load %arg5[%swap3A_565, %swap3A_566] {strides = array<i32>} : memref<40x128xi32, #tpu.memory_space<vmem>>, vector<1x16xi32>,
        %swap3A_568 = vector.shape_cast %swap3A_567 : vector<1x16xi32> to vector<16xi32>
        %swap3A_569 = vector.shape_cast %broadcast_in_dim3A_564 : vector<16xi32> to vector<1x16xi32>
        tpu.vector_store %arg5[%swap3A_565, %swap3A_566], %swap3A_569 {strides = array<i32>} : memref<40x128xi32, #tpu.memory_space<vmem>>, vector<1x16xi32>,
        %broadcast_in_dim3A_570 = arith.constant 10008 : i32
        %broadcast_in_dim3A_571 = vector.broadcast %broadcast_in_dim3A_570 : i32 to vector<16xi32>
        %swap3A_572 = arith.index_cast %scan3A_549 : i32 to index
        %swap3A_573 = arith.constant 48 : index
        %swap3A_574 = tpu.vector_load %arg5[%swap3A_572, %swap3A_573] {strides = array<i32>} : memref<40x128xi32, #tpu.memory_space<vmem>>, vector<1x16xi32>,
        %swap3A_575 = vector.shape_cast %swap3A_574 : vector<1x16xi32> to vector<16xi32>
        %swap3A_576 = vector.shape_cast %broadcast_in_dim3A_571 : vector<16xi32> to vector<1x16xi32>
        tpu.vector_store %arg5[%swap3A_572, %swap3A_573], %swap3A_576 {strides = array<i32>} : memref<40x128xi32, #tpu.memory_space<vmem>>, vector<1x16xi32>,
        %broadcast_in_dim3A_577 = arith.constant 10008 : i32
        %broadcast_in_dim3A_578 = vector.broadcast %broadcast_in_dim3A_577 : i32 to vector<16xi32>
        %swap3A_579 = arith.index_cast %scan3A_549 : i32 to index
        %swap3A_580 = arith.constant 64 : index
        %swap3A_581 = tpu.vector_load %arg5[%swap3A_579, %swap3A_580] {strides = array<i32>} : memref<40x128xi32, #tpu.memory_space<vmem>>, vector<1x16xi32>,
        %swap3A_582 = vector.shape_cast %swap3A_581 : vector<1x16xi32> to vector<16xi32>
        %swap3A_583 = vector.shape_cast %broadcast_in_dim3A_578 : vector<16xi32> to vector<1x16xi32>
        tpu.vector_store %arg5[%swap3A_579, %swap3A_580], %swap3A_583 {strides = array<i32>} : memref<40x128xi32, #tpu.memory_space<vmem>>, vector<1x16xi32>,
        %broadcast_in_dim3A_584 = arith.constant 10008 : i32
        %broadcast_in_dim3A_585 = vector.broadcast %broadcast_in_dim3A_584 : i32 to vector<16xi32>
        %swap3A_586 = arith.index_cast %scan3A_549 : i32 to index
        %swap3A_587 = arith.constant 80 : index
        %swap3A_588 = tpu.vector_load %arg5[%swap3A_586, %swap3A_587] {strides = array<i32>} : memref<40x128xi32, #tpu.memory_space<vmem>>, vector<1x16xi32>,
        %swap3A_589 = vector.shape_cast %swap3A_588 : vector<1x16xi32> to vector<16xi32>
        %swap3A_590 = vector.shape_cast %broadcast_in_dim3A_585 : vector<16xi32> to vector<1x16xi32>
        tpu.vector_store %arg5[%swap3A_586, %swap3A_587], %swap3A_590 {strides = array<i32>} : memref<40x128xi32, #tpu.memory_space<vmem>>, vector<1x16xi32>,
        %broadcast_in_dim3A_591 = arith.constant 10008 : i32
        %broadcast_in_dim3A_592 = vector.broadcast %broadcast_in_dim3A_591 : i32 to vector<16xi32>
        %swap3A_593 = arith.index_cast %scan3A_549 : i32 to index
        %swap3A_594 = arith.constant 96 : index
        %swap3A_595 = tpu.vector_load %arg5[%swap3A_593, %swap3A_594] {strides = array<i32>} : memref<40x128xi32, #tpu.memory_space<vmem>>, vector<1x16xi32>,
        %swap3A_596 = vector.shape_cast %swap3A_595 : vector<1x16xi32> to vector<16xi32>
        %swap3A_597 = vector.shape_cast %broadcast_in_dim3A_592 : vector<16xi32> to vector<1x16xi32>
        tpu.vector_store %arg5[%swap3A_593, %swap3A_594], %swap3A_597 {strides = array<i32>} : memref<40x128xi32, #tpu.memory_space<vmem>>, vector<1x16xi32>,
        %broadcast_in_dim3A_598 = arith.constant 10008 : i32
        %broadcast_in_dim3A_599 = vector.broadcast %broadcast_in_dim3A_598 : i32 to vector<16xi32>
        %swap3A_600 = arith.index_cast %scan3A_549 : i32 to index
        %swap3A_601 = arith.constant 112 : index
        %swap3A_602 = tpu.vector_load %arg5[%swap3A_600, %swap3A_601] {strides = array<i32>} : memref<40x128xi32, #tpu.memory_space<vmem>>, vector<1x16xi32>,
        %swap3A_603 = vector.shape_cast %swap3A_602 : vector<1x16xi32> to vector<16xi32>
        %swap3A_604 = vector.shape_cast %broadcast_in_dim3A_599 : vector<16xi32> to vector<1x16xi32>
        tpu.vector_store %arg5[%swap3A_600, %swap3A_601], %swap3A_604 {strides = array<i32>} : memref<40x128xi32, #tpu.memory_space<vmem>>, vector<1x16xi32>,
        %scan3A_605 = arith.constant 0 : i32
        scf.yield %scan3A_605 : i32
      }
      %scan3A_541 = arith.constant 20 : i32
      %scan3A_542 = arith.constant 0 : i32
      %scan3A_543 = arith.constant 20 : i32
      %scan3A_544 = arith.constant 20 : i32
      %scan3A_545 = arith.addi %scan3A_543, %scan3A_544 : i32
      %scan3A_546 = arith.constant 1 : i32
      %scan3A_547 = scf.for %scan3A_549 = %scan3A_543 to %scan3A_545 step %scan3A_546 iter_args(%scan3A_550 = %scan3A_542) -> (i32)  : i32 {
        %broadcast_in_dim3A = arith.constant 10008 : i32
        %broadcast_in_dim3A_551 = vector.broadcast %broadcast_in_dim3A : i32 to vector<16xi32>
        %swap3A = arith.index_cast %scan3A_549 : i32 to index
        %swap3A_552 = arith.constant 0 : index
        %swap3A_553 = tpu.vector_load %arg6[%swap3A, %swap3A_552] {strides = array<i32>} : memref<40x128xi32, #tpu.memory_space<vmem>>, vector<1x16xi32>,
        %swap3A_554 = vector.shape_cast %swap3A_553 : vector<1x16xi32> to vector<16xi32>
        %swap3A_555 = vector.shape_cast %broadcast_in_dim3A_551 : vector<16xi32> to vector<1x16xi32>
        tpu.vector_store %arg6[%swap3A, %swap3A_552], %swap3A_555 {strides = array<i32>} : memref<40x128xi32, #tpu.memory_space<vmem>>, vector<1x16xi32>,
        %broadcast_in_dim3A_556 = arith.constant 10008 : i32
        %broadcast_in_dim3A_557 = vector.broadcast %broadcast_in_dim3A_556 : i32 to vector<16xi32>
        %swap3A_558 = arith.index_cast %scan3A_549 : i32 to index
        %swap3A_559 = arith.constant 16 : index
        %swap3A_560 = tpu.vector_load %arg6[%swap3A_558, %swap3A_559] {strides = array<i32>} : memref<40x128xi32, #tpu.memory_space<vmem>>, vector<1x16xi32>,
        %swap3A_561 = vector.shape_cast %swap3A_560 : vector<1x16xi32> to vector<16xi32>
        %swap3A_562 = vector.shape_cast %broadcast_in_dim3A_557 : vector<16xi32> to vector<1x16xi32>
        tpu.vector_store %arg6[%swap3A_558, %swap3A_559], %swap3A_562 {strides = array<i32>} : memref<40x128xi32, #tpu.memory_space<vmem>>, vector<1x16xi32>,
        %broadcast_in_dim3A_563 = arith.constant 10008 : i32
        %broadcast_in_dim3A_564 = vector.broadcast %broadcast_in_dim3A_563 : i32 to vector<16xi32>
        %swap3A_565 = arith.index_cast %scan3A_549 : i32 to index
        %swap3A_566 = arith.constant 32 : index
        %swap3A_567 = tpu.vector_load %arg6[%swap3A_565, %swap3A_566] {strides = array<i32>} : memref<40x128xi32, #tpu.memory_space<vmem>>, vector<1x16xi32>,
        %swap3A_568 = vector.shape_cast %swap3A_567 : vector<1x16xi32> to vector<16xi32>
        %swap3A_569 = vector.shape_cast %broadcast_in_dim3A_564 : vector<16xi32> to vector<1x16xi32>
        tpu.vector_store %arg6[%swap3A_565, %swap3A_566], %swap3A_569 {strides = array<i32>} : memref<40x128xi32, #tpu.memory_space<vmem>>, vector<1x16xi32>,
        %broadcast_in_dim3A_570 = arith.constant 10008 : i32
        %broadcast_in_dim3A_571 = vector.broadcast %broadcast_in_dim3A_570 : i32 to vector<16xi32>
        %swap3A_572 = arith.index_cast %scan3A_549 : i32 to index
        %swap3A_573 = arith.constant 48 : index
        %swap3A_574 = tpu.vector_load %arg6[%swap3A_572, %swap3A_573] {strides = array<i32>} : memref<40x128xi32, #tpu.memory_space<vmem>>, vector<1x16xi32>,
        %swap3A_575 = vector.shape_cast %swap3A_574 : vector<1x16xi32> to vector<16xi32>
        %swap3A_576 = vector.shape_cast %broadcast_in_dim3A_571 : vector<16xi32> to vector<1x16xi32>
        tpu.vector_store %arg6[%swap3A_572, %swap3A_573], %swap3A_576 {strides = array<i32>} : memref<40x128xi32, #tpu.memory_space<vmem>>, vector<1x16xi32>,
        %broadcast_in_dim3A_577 = arith.constant 10008 : i32
        %broadcast_in_dim3A_578 = vector.broadcast %broadcast_in_dim3A_577 : i32 to vector<16xi32>
        %swap3A_579 = arith.index_cast %scan3A_549 : i32 to index
        %swap3A_580 = arith.constant 64 : index
        %swap3A_581 = tpu.vector_load %arg6[%swap3A_579, %swap3A_580] {strides = array<i32>} : memref<40x128xi32, #tpu.memory_space<vmem>>, vector<1x16xi32>,
        %swap3A_582 = vector.shape_cast %swap3A_581 : vector<1x16xi32> to vector<16xi32>
        %swap3A_583 = vector.shape_cast %broadcast_in_dim3A_578 : vector<16xi32> to vector<1x16xi32>
        tpu.vector_store %arg6[%swap3A_579, %swap3A_580], %swap3A_583 {strides = array<i32>} : memref<40x128xi32, #tpu.memory_space<vmem>>, vector<1x16xi32>,
        %broadcast_in_dim3A_584 = arith.constant 10008 : i32
        %broadcast_in_dim3A_585 = vector.broadcast %broadcast_in_dim3A_584 : i32 to vector<16xi32>
        %swap3A_586 = arith.index_cast %scan3A_549 : i32 to index
        %swap3A_587 = arith.constant 80 : index
        %swap3A_588 = tpu.vector_load %arg6[%swap3A_586, %swap3A_587] {strides = array<i32>} : memref<40x128xi32, #tpu.memory_space<vmem>>, vector<1x16xi32>,
        %swap3A_589 = vector.shape_cast %swap3A_588 : vector<1x16xi32> to vector<16xi32>
        %swap3A_590 = vector.shape_cast %broadcast_in_dim3A_585 : vector<16xi32> to vector<1x16xi32>
        tpu.vector_store %arg6[%swap3A_586, %swap3A_587], %swap3A_590 {strides = array<i32>} : memref<40x128xi32, #tpu.memory_space<vmem>>, vector<1x16xi32>,
        %broadcast_in_dim3A_591 = arith.constant 10008 : i32
        %broadcast_in_dim3A_592 = vector.broadcast %broadcast_in_dim3A_591 : i32 to vector<16xi32>
        %swap3A_593 = arith.index_cast %scan3A_549 : i32 to index
        %swap3A_594 = arith.constant 96 : index
        %swap3A_595 = tpu.vector_load %arg6[%swap3A_593, %swap3A_594] {strides = array<i32>} : memref<40x128xi32, #tpu.memory_space<vmem>>, vector<1x16xi32>,
        %swap3A_596 = vector.shape_cast %swap3A_595 : vector<1x16xi32> to vector<16xi32>
        %swap3A_597 = vector.shape_cast %broadcast_in_dim3A_592 : vector<16xi32> to vector<1x16xi32>
        tpu.vector_store %arg6[%swap3A_593, %swap3A_594], %swap3A_597 {strides = array<i32>} : memref<40x128xi32, #tpu.memory_space<vmem>>, vector<1x16xi32>,
        %broadcast_in_dim3A_598 = arith.constant 10008 : i32
        %broadcast_in_dim3A_599 = vector.broadcast %broadcast_in_dim3A_598 : i32 to vector<16xi32>
        %swap3A_600 = arith.index_cast %scan3A_549 : i32 to index
        %swap3A_601 = arith.constant 112 : index
        %swap3A_602 = tpu.vector_load %arg6[%swap3A_600, %swap3A_601] {strides = array<i32>} : memref<40x128xi32, #tpu.memory_space<vmem>>, vector<1x16xi32>,
        %swap3A_603 = vector.shape_cast %swap3A_602 : vector<1x16xi32> to vector<16xi32>
        %swap3A_604 = vector.shape_cast %broadcast_in_dim3A_599 : vector<16xi32> to vector<1x16xi32>
        tpu.vector_store %arg6[%swap3A_600, %swap3A_601], %swap3A_604 {strides = array<i32>} : memref<40x128xi32, #tpu.memory_space<vmem>>, vector<1x16xi32>,
        %scan3A_605 = arith.constant 0 : i32
        scf.yield %scan3A_605 : i32
      }
      %scan3A_548 = arith.constant 20 : i32
    } else {
    }
    %dma_start3A = arith.constant 0 : i32
    %dma_start3A_34 = arith.constant 0 : i32
    %dma_start3A_35 = tpu.memref_slice %arg5[%dma_start3A, %dma_start3A_34] : memref<40x128xi32, #tpu.memory_space<vmem>> -> memref<1x128xi32, #tpu.memory_space<vmem>>
    %dma_start3A_36 = tpu.memref_squeeze %dma_start3A_35 : memref<1x128xi32, #tpu.memory_space<vmem>> -> memref<128xi32, #tpu.memory_space<vmem>>
    %dma_start3A_37 = arith.constant 0 : i32
    %dma_start3A_38 = arith.constant 0 : i32
    %dma_start3A_39 = tpu.memref_slice %arg2[%dma_start3A_37, %dma_start3A_38] : memref<10112x128xbf16, #tpu.memory_space<hbm>> -> memref<10112x128xbf16, #tpu.memory_space<hbm>>
    tpu.enqueue_indirect_dma source(%dma_start3A_39 : memref<10112x128xbf16, #tpu.memory_space<hbm>>) target(%arg7 : memref<128x128xbf16, #tpu.memory_space<vmem>>) offsets(%dma_start3A_36 : memref<128xi32, #tpu.memory_space<vmem>>) semaphore(%arg16 : memref<!tpu.dma_semaphore, #tpu.memory_space<semaphore_mem>>)
    %dma_start3A_40 = arith.constant 1 : i32
    %dma_start3A_41 = arith.constant 0 : i32
    %dma_start3A_42 = tpu.memref_slice %arg5[%dma_start3A_40, %dma_start3A_41] : memref<40x128xi32, #tpu.memory_space<vmem>> -> memref<1x128xi32, #tpu.memory_space<vmem>>
    %dma_start3A_43 = tpu.memref_squeeze %dma_start3A_42 : memref<1x128xi32, #tpu.memory_space<vmem>> -> memref<128xi32, #tpu.memory_space<vmem>>
    %dma_start3A_44 = arith.constant 0 : i32
    %dma_start3A_45 = arith.constant 0 : i32
    %dma_start3A_46 = tpu.memref_slice %arg2[%dma_start3A_44, %dma_start3A_45] : memref<10112x128xbf16, #tpu.memory_space<hbm>> -> memref<10112x128xbf16, #tpu.memory_space<hbm>>
    tpu.enqueue_indirect_dma source(%dma_start3A_46 : memref<10112x128xbf16, #tpu.memory_space<hbm>>) target(%arg8 : memref<128x128xbf16, #tpu.memory_space<vmem>>) offsets(%dma_start3A_43 : memref<128xi32, #tpu.memory_space<vmem>>) semaphore(%arg17 : memref<!tpu.dma_semaphore, #tpu.memory_space<semaphore_mem>>)
    %dma_start3A_47 = arith.constant 2 : i32
    %dma_start3A_48 = arith.constant 0 : i32
    %dma_start3A_49 = tpu.memref_slice %arg5[%dma_start3A_47, %dma_start3A_48] : memref<40x128xi32, #tpu.memory_space<vmem>> -> memref<1x128xi32, #tpu.memory_space<vmem>>
    %dma_start3A_50 = tpu.memref_squeeze %dma_start3A_49 : memref<1x128xi32, #tpu.memory_space<vmem>> -> memref<128xi32, #tpu.memory_space<vmem>>
    %dma_start3A_51 = arith.constant 0 : i32
    %dma_start3A_52 = arith.constant 0 : i32
    %dma_start3A_53 = tpu.memref_slice %arg2[%dma_start3A_51, %dma_start3A_52] : memref<10112x128xbf16, #tpu.memory_space<hbm>> -> memref<10112x128xbf16, #tpu.memory_space<hbm>>
    tpu.enqueue_indirect_dma source(%dma_start3A_53 : memref<10112x128xbf16, #tpu.memory_space<hbm>>) target(%arg9 : memref<128x128xbf16, #tpu.memory_space<vmem>>) offsets(%dma_start3A_50 : memref<128xi32, #tpu.memory_space<vmem>>) semaphore(%arg18 : memref<!tpu.dma_semaphore, #tpu.memory_space<semaphore_mem>>)
    %dma_start3A_54 = arith.constant 3 : i32
    %dma_start3A_55 = arith.constant 0 : i32
    %dma_start3A_56 = tpu.memref_slice %arg5[%dma_start3A_54, %dma_start3A_55] : memref<40x128xi32, #tpu.memory_space<vmem>> -> memref<1x128xi32, #tpu.memory_space<vmem>>
    %dma_start3A_57 = tpu.memref_squeeze %dma_start3A_56 : memref<1x128xi32, #tpu.memory_space<vmem>> -> memref<128xi32, #tpu.memory_space<vmem>>
    %dma_start3A_58 = arith.constant 0 : i32
    %dma_start3A_59 = arith.constant 0 : i32
    %dma_start3A_60 = tpu.memref_slice %arg2[%dma_start3A_58, %dma_start3A_59] : memref<10112x128xbf16, #tpu.memory_space<hbm>> -> memref<10112x128xbf16, #tpu.memory_space<hbm>>
    tpu.enqueue_indirect_dma source(%dma_start3A_60 : memref<10112x128xbf16, #tpu.memory_space<hbm>>) target(%arg10 : memref<128x128xbf16, #tpu.memory_space<vmem>>) offsets(%dma_start3A_57 : memref<128xi32, #tpu.memory_space<vmem>>) semaphore(%arg19 : memref<!tpu.dma_semaphore, #tpu.memory_space<semaphore_mem>>)
    %dma_start3A_61 = arith.constant 4 : i32
    %dma_start3A_62 = arith.constant 0 : i32
    %dma_start3A_63 = tpu.memref_slice %arg5[%dma_start3A_61, %dma_start3A_62] : memref<40x128xi32, #tpu.memory_space<vmem>> -> memref<1x128xi32, #tpu.memory_space<vmem>>
    %dma_start3A_64 = tpu.memref_squeeze %dma_start3A_63 : memref<1x128xi32, #tpu.memory_space<vmem>> -> memref<128xi32, #tpu.memory_space<vmem>>
    %dma_start3A_65 = arith.constant 0 : i32
    %dma_start3A_66 = arith.constant 0 : i32
    %dma_start3A_67 = tpu.memref_slice %arg2[%dma_start3A_65, %dma_start3A_66] : memref<10112x128xbf16, #tpu.memory_space<hbm>> -> memref<10112x128xbf16, #tpu.memory_space<hbm>>
    tpu.enqueue_indirect_dma source(%dma_start3A_67 : memref<10112x128xbf16, #tpu.memory_space<hbm>>) target(%arg11 : memref<128x128xbf16, #tpu.memory_space<vmem>>) offsets(%dma_start3A_64 : memref<128xi32, #tpu.memory_space<vmem>>) semaphore(%arg20 : memref<!tpu.dma_semaphore, #tpu.memory_space<semaphore_mem>>)
    %dma_start3A_68 = arith.constant 5 : i32
    %dma_start3A_69 = arith.constant 0 : i32
    %dma_start3A_70 = tpu.memref_slice %arg5[%dma_start3A_68, %dma_start3A_69] : memref<40x128xi32, #tpu.memory_space<vmem>> -> memref<1x128xi32, #tpu.memory_space<vmem>>
    %dma_start3A_71 = tpu.memref_squeeze %dma_start3A_70 : memref<1x128xi32, #tpu.memory_space<vmem>> -> memref<128xi32, #tpu.memory_space<vmem>>
    %dma_start3A_72 = arith.constant 0 : i32
    %dma_start3A_73 = arith.constant 0 : i32
    %dma_start3A_74 = tpu.memref_slice %arg2[%dma_start3A_72, %dma_start3A_73] : memref<10112x128xbf16, #tpu.memory_space<hbm>> -> memref<10112x128xbf16, #tpu.memory_space<hbm>>
    tpu.enqueue_indirect_dma source(%dma_start3A_74 : memref<10112x128xbf16, #tpu.memory_space<hbm>>) target(%arg12 : memref<128x128xbf16, #tpu.memory_space<vmem>>) offsets(%dma_start3A_71 : memref<128xi32, #tpu.memory_space<vmem>>) semaphore(%arg21 : memref<!tpu.dma_semaphore, #tpu.memory_space<semaphore_mem>>)
    %dma_start3A_75 = arith.constant 6 : i32
    %dma_start3A_76 = arith.constant 0 : i32
    %dma_start3A_77 = tpu.memref_slice %arg5[%dma_start3A_75, %dma_start3A_76] : memref<40x128xi32, #tpu.memory_space<vmem>> -> memref<1x128xi32, #tpu.memory_space<vmem>>
    %dma_start3A_78 = tpu.memref_squeeze %dma_start3A_77 : memref<1x128xi32, #tpu.memory_space<vmem>> -> memref<128xi32, #tpu.memory_space<vmem>>
    %dma_start3A_79 = arith.constant 0 : i32
    %dma_start3A_80 = arith.constant 0 : i32
    %dma_start3A_81 = tpu.memref_slice %arg2[%dma_start3A_79, %dma_start3A_80] : memref<10112x128xbf16, #tpu.memory_space<hbm>> -> memref<10112x128xbf16, #tpu.memory_space<hbm>>
    tpu.enqueue_indirect_dma source(%dma_start3A_81 : memref<10112x128xbf16, #tpu.memory_space<hbm>>) target(%arg13 : memref<128x128xbf16, #tpu.memory_space<vmem>>) offsets(%dma_start3A_78 : memref<128xi32, #tpu.memory_space<vmem>>) semaphore(%arg22 : memref<!tpu.dma_semaphore, #tpu.memory_space<semaphore_mem>>)
    %dma_start3A_82 = arith.constant 7 : i32
    %dma_start3A_83 = arith.constant 0 : i32
    %dma_start3A_84 = tpu.memref_slice %arg5[%dma_start3A_82, %dma_start3A_83] : memref<40x128xi32, #tpu.memory_space<vmem>> -> memref<1x128xi32, #tpu.memory_space<vmem>>
    %dma_start3A_85 = tpu.memref_squeeze %dma_start3A_84 : memref<1x128xi32, #tpu.memory_space<vmem>> -> memref<128xi32, #tpu.memory_space<vmem>>
    %dma_start3A_86 = arith.constant 0 : i32
    %dma_start3A_87 = arith.constant 0 : i32
    %dma_start3A_88 = tpu.memref_slice %arg2[%dma_start3A_86, %dma_start3A_87] : memref<10112x128xbf16, #tpu.memory_space<hbm>> -> memref<10112x128xbf16, #tpu.memory_space<hbm>>
    tpu.enqueue_indirect_dma source(%dma_start3A_88 : memref<10112x128xbf16, #tpu.memory_space<hbm>>) target(%arg14 : memref<128x128xbf16, #tpu.memory_space<vmem>>) offsets(%dma_start3A_85 : memref<128xi32, #tpu.memory_space<vmem>>) semaphore(%arg23 : memref<!tpu.dma_semaphore, #tpu.memory_space<semaphore_mem>>)
    %scan3A_89 = arith.constant 0 : i32
    %scan3A_90 = arith.constant 0 : i32
    %scan3A_91 = arith.constant 4 : i32
    %scan3A_92 = arith.addi %scan3A_90, %scan3A_91 : i32
    %scan3A_93 = arith.constant 1 : i32
    %scan3A_94 = scf.for %scan3A_535 = %scan3A_90 to %scan3A_92 step %scan3A_93 iter_args(%scan3A_536 = %scan3A_89) -> (i32)  : i32 {
      %mul3A_537 = arith.constant 8 : i32
      %mul3A_538 = arith.muli %scan3A_535, %mul3A_537 : i32
      %add3A_539 = arith.constant 0 : i32
      %add3A_540 = arith.addi %mul3A_538, %add3A_539 : i32
      %dma_wait3A_541 = arith.constant 0 : i32
      %dma_wait3A_542 = tpu.memref_slice %arg5[%add3A_540, %dma_wait3A_541] : memref<40x128xi32, #tpu.memory_space<vmem>> -> memref<1x128xi32, #tpu.memory_space<vmem>>
      %dma_wait3A_543 = tpu.memref_squeeze %dma_wait3A_542 : memref<1x128xi32, #tpu.memory_space<vmem>> -> memref<128xi32, #tpu.memory_space<vmem>>
      %dma_wait3A_544 = arith.constant 0 : i32
      %dma_wait3A_545 = arith.constant 0 : i32
      %dma_wait3A_546 = tpu.memref_slice %arg2[%dma_wait3A_544, %dma_wait3A_545] : memref<10112x128xbf16, #tpu.memory_space<hbm>> -> memref<10112x128xbf16, #tpu.memory_space<hbm>>
      tpu.wait_indirect_dma semaphore(%arg16 : memref<!tpu.dma_semaphore, #tpu.memory_space<semaphore_mem>>) src(%dma_wait3A_546 : memref<10112x128xbf16, #tpu.memory_space<hbm>>) dst(%arg7 : memref<128x128xbf16, #tpu.memory_space<vmem>>)
      %add3A_547 = arith.constant 0 : i32
      %add3A_548 = arith.addi %mul3A_538, %add3A_547 : i32
      %dma_start3A_549 = arith.constant 0 : i32
      %dma_start3A_550 = tpu.memref_slice %arg6[%add3A_548, %dma_start3A_549] : memref<40x128xi32, #tpu.memory_space<vmem>> -> memref<1x128xi32, #tpu.memory_space<vmem>>
      %dma_start3A_551 = tpu.memref_squeeze %dma_start3A_550 : memref<1x128xi32, #tpu.memory_space<vmem>> -> memref<128xi32, #tpu.memory_space<vmem>>
      %dma_start3A_552 = arith.constant 0 : i32
      %dma_start3A_553 = arith.constant 0 : i32
      %dma_start3A_554 = tpu.memref_slice %arg15[%dma_start3A_552, %dma_start3A_553] : memref<10112x128xbf16, #tpu.memory_space<vmem_shared>> -> memref<10112x128xbf16, #tpu.memory_space<vmem_shared>>
      tpu.enqueue_indirect_dma source(%arg7 : memref<128x128xbf16, #tpu.memory_space<vmem>>) target(%dma_start3A_554 : memref<10112x128xbf16, #tpu.memory_space<vmem_shared>>) offsets(%dma_start3A_551 : memref<128xi32, #tpu.memory_space<vmem>>) semaphore(%arg24 : memref<!tpu.dma_semaphore, #tpu.memory_space<semaphore_mem>>) {add = true}
      %add3A_555 = arith.constant 1 : i32
      %add3A_556 = arith.addi %mul3A_538, %add3A_555 : i32
      %dma_wait3A_557 = arith.constant 0 : i32
      %dma_wait3A_558 = tpu.memref_slice %arg5[%add3A_556, %dma_wait3A_557] : memref<40x128xi32, #tpu.memory_space<vmem>> -> memref<1x128xi32, #tpu.memory_space<vmem>>
      %dma_wait3A_559 = tpu.memref_squeeze %dma_wait3A_558 : memref<1x128xi32, #tpu.memory_space<vmem>> -> memref<128xi32, #tpu.memory_space<vmem>>
      %dma_wait3A_560 = arith.constant 0 : i32
      %dma_wait3A_561 = arith.constant 0 : i32
      %dma_wait3A_562 = tpu.memref_slice %arg2[%dma_wait3A_560, %dma_wait3A_561] : memref<10112x128xbf16, #tpu.memory_space<hbm>> -> memref<10112x128xbf16, #tpu.memory_space<hbm>>
      tpu.wait_indirect_dma semaphore(%arg17 : memref<!tpu.dma_semaphore, #tpu.memory_space<semaphore_mem>>) src(%dma_wait3A_562 : memref<10112x128xbf16, #tpu.memory_space<hbm>>) dst(%arg8 : memref<128x128xbf16, #tpu.memory_space<vmem>>)
      %add3A_563 = arith.constant 1 : i32
      %add3A_564 = arith.addi %mul3A_538, %add3A_563 : i32
      %dma_start3A_565 = arith.constant 0 : i32
      %dma_start3A_566 = tpu.memref_slice %arg6[%add3A_564, %dma_start3A_565] : memref<40x128xi32, #tpu.memory_space<vmem>> -> memref<1x128xi32, #tpu.memory_space<vmem>>
      %dma_start3A_567 = tpu.memref_squeeze %dma_start3A_566 : memref<1x128xi32, #tpu.memory_space<vmem>> -> memref<128xi32, #tpu.memory_space<vmem>>
      %dma_start3A_568 = arith.constant 0 : i32
      %dma_start3A_569 = arith.constant 0 : i32
      %dma_start3A_570 = tpu.memref_slice %arg15[%dma_start3A_568, %dma_start3A_569] : memref<10112x128xbf16, #tpu.memory_space<vmem_shared>> -> memref<10112x128xbf16, #tpu.memory_space<vmem_shared>>
      tpu.enqueue_indirect_dma source(%arg8 : memref<128x128xbf16, #tpu.memory_space<vmem>>) target(%dma_start3A_570 : memref<10112x128xbf16, #tpu.memory_space<vmem_shared>>) offsets(%dma_start3A_567 : memref<128xi32, #tpu.memory_space<vmem>>) semaphore(%arg25 : memref<!tpu.dma_semaphore, #tpu.memory_space<semaphore_mem>>) {add = true}
      %add3A_571 = arith.constant 2 : i32
      %add3A_572 = arith.addi %mul3A_538, %add3A_571 : i32
      %dma_wait3A_573 = arith.constant 0 : i32
      %dma_wait3A_574 = tpu.memref_slice %arg5[%add3A_572, %dma_wait3A_573] : memref<40x128xi32, #tpu.memory_space<vmem>> -> memref<1x128xi32, #tpu.memory_space<vmem>>
      %dma_wait3A_575 = tpu.memref_squeeze %dma_wait3A_574 : memref<1x128xi32, #tpu.memory_space<vmem>> -> memref<128xi32, #tpu.memory_space<vmem>>
      %dma_wait3A_576 = arith.constant 0 : i32
      %dma_wait3A_577 = arith.constant 0 : i32
      %dma_wait3A_578 = tpu.memref_slice %arg2[%dma_wait3A_576, %dma_wait3A_577] : memref<10112x128xbf16, #tpu.memory_space<hbm>> -> memref<10112x128xbf16, #tpu.memory_space<hbm>>
      tpu.wait_indirect_dma semaphore(%arg18 : memref<!tpu.dma_semaphore, #tpu.memory_space<semaphore_mem>>) src(%dma_wait3A_578 : memref<10112x128xbf16, #tpu.memory_space<hbm>>) dst(%arg9 : memref<128x128xbf16, #tpu.memory_space<vmem>>)
      %add3A_579 = arith.constant 2 : i32
      %add3A_580 = arith.addi %mul3A_538, %add3A_579 : i32
      %dma_start3A_581 = arith.constant 0 : i32
      %dma_start3A_582 = tpu.memref_slice %arg6[%add3A_580, %dma_start3A_581] : memref<40x128xi32, #tpu.memory_space<vmem>> -> memref<1x128xi32, #tpu.memory_space<vmem>>
      %dma_start3A_583 = tpu.memref_squeeze %dma_start3A_582 : memref<1x128xi32, #tpu.memory_space<vmem>> -> memref<128xi32, #tpu.memory_space<vmem>>
      %dma_start3A_584 = arith.constant 0 : i32
      %dma_start3A_585 = arith.constant 0 : i32
      %dma_start3A_586 = tpu.memref_slice %arg15[%dma_start3A_584, %dma_start3A_585] : memref<10112x128xbf16, #tpu.memory_space<vmem_shared>> -> memref<10112x128xbf16, #tpu.memory_space<vmem_shared>>
      tpu.enqueue_indirect_dma source(%arg9 : memref<128x128xbf16, #tpu.memory_space<vmem>>) target(%dma_start3A_586 : memref<10112x128xbf16, #tpu.memory_space<vmem_shared>>) offsets(%dma_start3A_583 : memref<128xi32, #tpu.memory_space<vmem>>) semaphore(%arg26 : memref<!tpu.dma_semaphore, #tpu.memory_space<semaphore_mem>>) {add = true}
      %add3A_587 = arith.constant 3 : i32
      %add3A_588 = arith.addi %mul3A_538, %add3A_587 : i32
      %dma_wait3A_589 = arith.constant 0 : i32
      %dma_wait3A_590 = tpu.memref_slice %arg5[%add3A_588, %dma_wait3A_589] : memref<40x128xi32, #tpu.memory_space<vmem>> -> memref<1x128xi32, #tpu.memory_space<vmem>>
      %dma_wait3A_591 = tpu.memref_squeeze %dma_wait3A_590 : memref<1x128xi32, #tpu.memory_space<vmem>> -> memref<128xi32, #tpu.memory_space<vmem>>
      %dma_wait3A_592 = arith.constant 0 : i32
      %dma_wait3A_593 = arith.constant 0 : i32
      %dma_wait3A_594 = tpu.memref_slice %arg2[%dma_wait3A_592, %dma_wait3A_593] : memref<10112x128xbf16, #tpu.memory_space<hbm>> -> memref<10112x128xbf16, #tpu.memory_space<hbm>>
      tpu.wait_indirect_dma semaphore(%arg19 : memref<!tpu.dma_semaphore, #tpu.memory_space<semaphore_mem>>) src(%dma_wait3A_594 : memref<10112x128xbf16, #tpu.memory_space<hbm>>) dst(%arg10 : memref<128x128xbf16, #tpu.memory_space<vmem>>)
      %add3A_595 = arith.constant 3 : i32
      %add3A_596 = arith.addi %mul3A_538, %add3A_595 : i32
      %dma_start3A_597 = arith.constant 0 : i32
      %dma_start3A_598 = tpu.memref_slice %arg6[%add3A_596, %dma_start3A_597] : memref<40x128xi32, #tpu.memory_space<vmem>> -> memref<1x128xi32, #tpu.memory_space<vmem>>
      %dma_start3A_599 = tpu.memref_squeeze %dma_start3A_598 : memref<1x128xi32, #tpu.memory_space<vmem>> -> memref<128xi32, #tpu.memory_space<vmem>>
      %dma_start3A_600 = arith.constant 0 : i32
      %dma_start3A_601 = arith.constant 0 : i32
      %dma_start3A_602 = tpu.memref_slice %arg15[%dma_start3A_600, %dma_start3A_601] : memref<10112x128xbf16, #tpu.memory_space<vmem_shared>> -> memref<10112x128xbf16, #tpu.memory_space<vmem_shared>>
      tpu.enqueue_indirect_dma source(%arg10 : memref<128x128xbf16, #tpu.memory_space<vmem>>) target(%dma_start3A_602 : memref<10112x128xbf16, #tpu.memory_space<vmem_shared>>) offsets(%dma_start3A_599 : memref<128xi32, #tpu.memory_space<vmem>>) semaphore(%arg27 : memref<!tpu.dma_semaphore, #tpu.memory_space<semaphore_mem>>) {add = true}
      %add3A_603 = arith.constant 4 : i32
      %add3A_604 = arith.addi %mul3A_538, %add3A_603 : i32
      %dma_wait3A_605 = arith.constant 0 : i32
      %dma_wait3A_606 = tpu.memref_slice %arg5[%add3A_604, %dma_wait3A_605] : memref<40x128xi32, #tpu.memory_space<vmem>> -> memref<1x128xi32, #tpu.memory_space<vmem>>
      %dma_wait3A_607 = tpu.memref_squeeze %dma_wait3A_606 : memref<1x128xi32, #tpu.memory_space<vmem>> -> memref<128xi32, #tpu.memory_space<vmem>>
      %dma_wait3A_608 = arith.constant 0 : i32
      %dma_wait3A_609 = arith.constant 0 : i32
      %dma_wait3A_610 = tpu.memref_slice %arg2[%dma_wait3A_608, %dma_wait3A_609] : memref<10112x128xbf16, #tpu.memory_space<hbm>> -> memref<10112x128xbf16, #tpu.memory_space<hbm>>
      tpu.wait_indirect_dma semaphore(%arg20 : memref<!tpu.dma_semaphore, #tpu.memory_space<semaphore_mem>>) src(%dma_wait3A_610 : memref<10112x128xbf16, #tpu.memory_space<hbm>>) dst(%arg11 : memref<128x128xbf16, #tpu.memory_space<vmem>>)
      %add3A_611 = arith.constant 4 : i32
      %add3A_612 = arith.addi %mul3A_538, %add3A_611 : i32
      %dma_start3A_613 = arith.constant 0 : i32
      %dma_start3A_614 = tpu.memref_slice %arg6[%add3A_612, %dma_start3A_613] : memref<40x128xi32, #tpu.memory_space<vmem>> -> memref<1x128xi32, #tpu.memory_space<vmem>>
      %dma_start3A_615 = tpu.memref_squeeze %dma_start3A_614 : memref<1x128xi32, #tpu.memory_space<vmem>> -> memref<128xi32, #tpu.memory_space<vmem>>
      %dma_start3A_616 = arith.constant 0 : i32
      %dma_start3A_617 = arith.constant 0 : i32
      %dma_start3A_618 = tpu.memref_slice %arg15[%dma_start3A_616, %dma_start3A_617] : memref<10112x128xbf16, #tpu.memory_space<vmem_shared>> -> memref<10112x128xbf16, #tpu.memory_space<vmem_shared>>
      tpu.enqueue_indirect_dma source(%arg11 : memref<128x128xbf16, #tpu.memory_space<vmem>>) target(%dma_start3A_618 : memref<10112x128xbf16, #tpu.memory_space<vmem_shared>>) offsets(%dma_start3A_615 : memref<128xi32, #tpu.memory_space<vmem>>) semaphore(%arg28 : memref<!tpu.dma_semaphore, #tpu.memory_space<semaphore_mem>>) {add = true}
      %add3A_619 = arith.constant 5 : i32
      %add3A_620 = arith.addi %mul3A_538, %add3A_619 : i32
      %dma_wait3A_621 = arith.constant 0 : i32
      %dma_wait3A_622 = tpu.memref_slice %arg5[%add3A_620, %dma_wait3A_621] : memref<40x128xi32, #tpu.memory_space<vmem>> -> memref<1x128xi32, #tpu.memory_space<vmem>>
      %dma_wait3A_623 = tpu.memref_squeeze %dma_wait3A_622 : memref<1x128xi32, #tpu.memory_space<vmem>> -> memref<128xi32, #tpu.memory_space<vmem>>
      %dma_wait3A_624 = arith.constant 0 : i32
      %dma_wait3A_625 = arith.constant 0 : i32
      %dma_wait3A_626 = tpu.memref_slice %arg2[%dma_wait3A_624, %dma_wait3A_625] : memref<10112x128xbf16, #tpu.memory_space<hbm>> -> memref<10112x128xbf16, #tpu.memory_space<hbm>>
      tpu.wait_indirect_dma semaphore(%arg21 : memref<!tpu.dma_semaphore, #tpu.memory_space<semaphore_mem>>) src(%dma_wait3A_626 : memref<10112x128xbf16, #tpu.memory_space<hbm>>) dst(%arg12 : memref<128x128xbf16, #tpu.memory_space<vmem>>)
      %add3A_627 = arith.constant 5 : i32
      %add3A_628 = arith.addi %mul3A_538, %add3A_627 : i32
      %dma_start3A_629 = arith.constant 0 : i32
      %dma_start3A_630 = tpu.memref_slice %arg6[%add3A_628, %dma_start3A_629] : memref<40x128xi32, #tpu.memory_space<vmem>> -> memref<1x128xi32, #tpu.memory_space<vmem>>
      %dma_start3A_631 = tpu.memref_squeeze %dma_start3A_630 : memref<1x128xi32, #tpu.memory_space<vmem>> -> memref<128xi32, #tpu.memory_space<vmem>>
      %dma_start3A_632 = arith.constant 0 : i32
      %dma_start3A_633 = arith.constant 0 : i32
      %dma_start3A_634 = tpu.memref_slice %arg15[%dma_start3A_632, %dma_start3A_633] : memref<10112x128xbf16, #tpu.memory_space<vmem_shared>> -> memref<10112x128xbf16, #tpu.memory_space<vmem_shared>>
      tpu.enqueue_indirect_dma source(%arg12 : memref<128x128xbf16, #tpu.memory_space<vmem>>) target(%dma_start3A_634 : memref<10112x128xbf16, #tpu.memory_space<vmem_shared>>) offsets(%dma_start3A_631 : memref<128xi32, #tpu.memory_space<vmem>>) semaphore(%arg29 : memref<!tpu.dma_semaphore, #tpu.memory_space<semaphore_mem>>) {add = true}
      %add3A_635 = arith.constant 6 : i32
      %add3A_636 = arith.addi %mul3A_538, %add3A_635 : i32
      %dma_wait3A_637 = arith.constant 0 : i32
      %dma_wait3A_638 = tpu.memref_slice %arg5[%add3A_636, %dma_wait3A_637] : memref<40x128xi32, #tpu.memory_space<vmem>> -> memref<1x128xi32, #tpu.memory_space<vmem>>
      %dma_wait3A_639 = tpu.memref_squeeze %dma_wait3A_638 : memref<1x128xi32, #tpu.memory_space<vmem>> -> memref<128xi32, #tpu.memory_space<vmem>>
      %dma_wait3A_640 = arith.constant 0 : i32
      %dma_wait3A_641 = arith.constant 0 : i32
      %dma_wait3A_642 = tpu.memref_slice %arg2[%dma_wait3A_640, %dma_wait3A_641] : memref<10112x128xbf16, #tpu.memory_space<hbm>> -> memref<10112x128xbf16, #tpu.memory_space<hbm>>
      tpu.wait_indirect_dma semaphore(%arg22 : memref<!tpu.dma_semaphore, #tpu.memory_space<semaphore_mem>>) src(%dma_wait3A_642 : memref<10112x128xbf16, #tpu.memory_space<hbm>>) dst(%arg13 : memref<128x128xbf16, #tpu.memory_space<vmem>>)
      %add3A_643 = arith.constant 6 : i32
      %add3A_644 = arith.addi %mul3A_538, %add3A_643 : i32
      %dma_start3A_645 = arith.constant 0 : i32
      %dma_start3A_646 = tpu.memref_slice %arg6[%add3A_644, %dma_start3A_645] : memref<40x128xi32, #tpu.memory_space<vmem>> -> memref<1x128xi32, #tpu.memory_space<vmem>>
      %dma_start3A_647 = tpu.memref_squeeze %dma_start3A_646 : memref<1x128xi32, #tpu.memory_space<vmem>> -> memref<128xi32, #tpu.memory_space<vmem>>
      %dma_start3A_648 = arith.constant 0 : i32
      %dma_start3A_649 = arith.constant 0 : i32
      %dma_start3A_650 = tpu.memref_slice %arg15[%dma_start3A_648, %dma_start3A_649] : memref<10112x128xbf16, #tpu.memory_space<vmem_shared>> -> memref<10112x128xbf16, #tpu.memory_space<vmem_shared>>
      tpu.enqueue_indirect_dma source(%arg13 : memref<128x128xbf16, #tpu.memory_space<vmem>>) target(%dma_start3A_650 : memref<10112x128xbf16, #tpu.memory_space<vmem_shared>>) offsets(%dma_start3A_647 : memref<128xi32, #tpu.memory_space<vmem>>) semaphore(%arg30 : memref<!tpu.dma_semaphore, #tpu.memory_space<semaphore_mem>>) {add = true}
      %add3A_651 = arith.constant 7 : i32
      %add3A_652 = arith.addi %mul3A_538, %add3A_651 : i32
      %dma_wait3A_653 = arith.constant 0 : i32
      %dma_wait3A_654 = tpu.memref_slice %arg5[%add3A_652, %dma_wait3A_653] : memref<40x128xi32, #tpu.memory_space<vmem>> -> memref<1x128xi32, #tpu.memory_space<vmem>>
      %dma_wait3A_655 = tpu.memref_squeeze %dma_wait3A_654 : memref<1x128xi32, #tpu.memory_space<vmem>> -> memref<128xi32, #tpu.memory_space<vmem>>
      %dma_wait3A_656 = arith.constant 0 : i32
      %dma_wait3A_657 = arith.constant 0 : i32
      %dma_wait3A_658 = tpu.memref_slice %arg2[%dma_wait3A_656, %dma_wait3A_657] : memref<10112x128xbf16, #tpu.memory_space<hbm>> -> memref<10112x128xbf16, #tpu.memory_space<hbm>>
      tpu.wait_indirect_dma semaphore(%arg23 : memref<!tpu.dma_semaphore, #tpu.memory_space<semaphore_mem>>) src(%dma_wait3A_658 : memref<10112x128xbf16, #tpu.memory_space<hbm>>) dst(%arg14 : memref<128x128xbf16, #tpu.memory_space<vmem>>)
      %add3A_659 = arith.constant 7 : i32
      %add3A_660 = arith.addi %mul3A_538, %add3A_659 : i32
      %dma_start3A_661 = arith.constant 0 : i32
      %dma_start3A_662 = tpu.memref_slice %arg6[%add3A_660, %dma_start3A_661] : memref<40x128xi32, #tpu.memory_space<vmem>> -> memref<1x128xi32, #tpu.memory_space<vmem>>
      %dma_start3A_663 = tpu.memref_squeeze %dma_start3A_662 : memref<1x128xi32, #tpu.memory_space<vmem>> -> memref<128xi32, #tpu.memory_space<vmem>>
      %dma_start3A_664 = arith.constant 0 : i32
      %dma_start3A_665 = arith.constant 0 : i32
      %dma_start3A_666 = tpu.memref_slice %arg15[%dma_start3A_664, %dma_start3A_665] : memref<10112x128xbf16, #tpu.memory_space<vmem_shared>> -> memref<10112x128xbf16, #tpu.memory_space<vmem_shared>>
      tpu.enqueue_indirect_dma source(%arg14 : memref<128x128xbf16, #tpu.memory_space<vmem>>) target(%dma_start3A_666 : memref<10112x128xbf16, #tpu.memory_space<vmem_shared>>) offsets(%dma_start3A_663 : memref<128xi32, #tpu.memory_space<vmem>>) semaphore(%arg31 : memref<!tpu.dma_semaphore, #tpu.memory_space<semaphore_mem>>) {add = true}
      %add3A_667 = arith.constant 0 : i32
      %add3A_668 = arith.addi %mul3A_538, %add3A_667 : i32
      %dma_wait3A_669 = arith.constant 0 : i32
      %dma_wait3A_670 = tpu.memref_slice %arg6[%add3A_668, %dma_wait3A_669] : memref<40x128xi32, #tpu.memory_space<vmem>> -> memref<1x128xi32, #tpu.memory_space<vmem>>
      %dma_wait3A_671 = tpu.memref_squeeze %dma_wait3A_670 : memref<1x128xi32, #tpu.memory_space<vmem>> -> memref<128xi32, #tpu.memory_space<vmem>>
      %dma_wait3A_672 = arith.constant 0 : i32
      %dma_wait3A_673 = arith.constant 0 : i32
      %dma_wait3A_674 = tpu.memref_slice %arg15[%dma_wait3A_672, %dma_wait3A_673] : memref<10112x128xbf16, #tpu.memory_space<vmem_shared>> -> memref<10112x128xbf16, #tpu.memory_space<vmem_shared>>
      tpu.wait_indirect_dma semaphore(%arg24 : memref<!tpu.dma_semaphore, #tpu.memory_space<semaphore_mem>>) src(%arg7 : memref<128x128xbf16, #tpu.memory_space<vmem>>) dst(%dma_wait3A_674 : memref<10112x128xbf16, #tpu.memory_space<vmem_shared>>)
      %add3A_675 = arith.constant 8 : i32
      %add3A_676 = arith.addi %mul3A_538, %add3A_675 : i32
      %add3A_677 = arith.constant 0 : i32
      %add3A_678 = arith.addi %add3A_676, %add3A_677 : i32
      %dma_start3A_679 = arith.constant 0 : i32
      %dma_start3A_680 = tpu.memref_slice %arg5[%add3A_678, %dma_start3A_679] : memref<40x128xi32, #tpu.memory_space<vmem>> -> memref<1x128xi32, #tpu.memory_space<vmem>>
      %dma_start3A_681 = tpu.memref_squeeze %dma_start3A_680 : memref<1x128xi32, #tpu.memory_space<vmem>> -> memref<128xi32, #tpu.memory_space<vmem>>
      %dma_start3A_682 = arith.constant 0 : i32
      %dma_start3A_683 = arith.constant 0 : i32
      %dma_start3A_684 = tpu.memref_slice %arg2[%dma_start3A_682, %dma_start3A_683] : memref<10112x128xbf16, #tpu.memory_space<hbm>> -> memref<10112x128xbf16, #tpu.memory_space<hbm>>
      tpu.enqueue_indirect_dma source(%dma_start3A_684 : memref<10112x128xbf16, #tpu.memory_space<hbm>>) target(%arg7 : memref<128x128xbf16, #tpu.memory_space<vmem>>) offsets(%dma_start3A_681 : memref<128xi32, #tpu.memory_space<vmem>>) semaphore(%arg16 : memref<!tpu.dma_semaphore, #tpu.memory_space<semaphore_mem>>)
      %add3A_685 = arith.constant 1 : i32
      %add3A_686 = arith.addi %mul3A_538, %add3A_685 : i32
      %dma_wait3A_687 = arith.constant 0 : i32
      %dma_wait3A_688 = tpu.memref_slice %arg6[%add3A_686, %dma_wait3A_687] : memref<40x128xi32, #tpu.memory_space<vmem>> -> memref<1x128xi32, #tpu.memory_space<vmem>>
      %dma_wait3A_689 = tpu.memref_squeeze %dma_wait3A_688 : memref<1x128xi32, #tpu.memory_space<vmem>> -> memref<128xi32, #tpu.memory_space<vmem>>
      %dma_wait3A_690 = arith.constant 0 : i32
      %dma_wait3A_691 = arith.constant 0 : i32
      %dma_wait3A_692 = tpu.memref_slice %arg15[%dma_wait3A_690, %dma_wait3A_691] : memref<10112x128xbf16, #tpu.memory_space<vmem_shared>> -> memref<10112x128xbf16, #tpu.memory_space<vmem_shared>>
      tpu.wait_indirect_dma semaphore(%arg25 : memref<!tpu.dma_semaphore, #tpu.memory_space<semaphore_mem>>) src(%arg8 : memref<128x128xbf16, #tpu.memory_space<vmem>>) dst(%dma_wait3A_692 : memref<10112x128xbf16, #tpu.memory_space<vmem_shared>>)
      %add3A_693 = arith.constant 8 : i32
      %add3A_694 = arith.addi %mul3A_538, %add3A_693 : i32
      %add3A_695 = arith.constant 1 : i32
      %add3A_696 = arith.addi %add3A_694, %add3A_695 : i32
      %dma_start3A_697 = arith.constant 0 : i32
      %dma_start3A_698 = tpu.memref_slice %arg5[%add3A_696, %dma_start3A_697] : memref<40x128xi32, #tpu.memory_space<vmem>> -> memref<1x128xi32, #tpu.memory_space<vmem>>
      %dma_start3A_699 = tpu.memref_squeeze %dma_start3A_698 : memref<1x128xi32, #tpu.memory_space<vmem>> -> memref<128xi32, #tpu.memory_space<vmem>>
      %dma_start3A_700 = arith.constant 0 : i32
      %dma_start3A_701 = arith.constant 0 : i32
      %dma_start3A_702 = tpu.memref_slice %arg2[%dma_start3A_700, %dma_start3A_701] : memref<10112x128xbf16, #tpu.memory_space<hbm>> -> memref<10112x128xbf16, #tpu.memory_space<hbm>>
      tpu.enqueue_indirect_dma source(%dma_start3A_702 : memref<10112x128xbf16, #tpu.memory_space<hbm>>) target(%arg8 : memref<128x128xbf16, #tpu.memory_space<vmem>>) offsets(%dma_start3A_699 : memref<128xi32, #tpu.memory_space<vmem>>) semaphore(%arg17 : memref<!tpu.dma_semaphore, #tpu.memory_space<semaphore_mem>>)
      %add3A_703 = arith.constant 2 : i32
      %add3A_704 = arith.addi %mul3A_538, %add3A_703 : i32
      %dma_wait3A_705 = arith.constant 0 : i32
      %dma_wait3A_706 = tpu.memref_slice %arg6[%add3A_704, %dma_wait3A_705] : memref<40x128xi32, #tpu.memory_space<vmem>> -> memref<1x128xi32, #tpu.memory_space<vmem>>
      %dma_wait3A_707 = tpu.memref_squeeze %dma_wait3A_706 : memref<1x128xi32, #tpu.memory_space<vmem>> -> memref<128xi32, #tpu.memory_space<vmem>>
      %dma_wait3A_708 = arith.constant 0 : i32
      %dma_wait3A_709 = arith.constant 0 : i32
      %dma_wait3A_710 = tpu.memref_slice %arg15[%dma_wait3A_708, %dma_wait3A_709] : memref<10112x128xbf16, #tpu.memory_space<vmem_shared>> -> memref<10112x128xbf16, #tpu.memory_space<vmem_shared>>
      tpu.wait_indirect_dma semaphore(%arg26 : memref<!tpu.dma_semaphore, #tpu.memory_space<semaphore_mem>>) src(%arg9 : memref<128x128xbf16, #tpu.memory_space<vmem>>) dst(%dma_wait3A_710 : memref<10112x128xbf16, #tpu.memory_space<vmem_shared>>)
      %add3A_711 = arith.constant 8 : i32
      %add3A_712 = arith.addi %mul3A_538, %add3A_711 : i32
      %add3A_713 = arith.constant 2 : i32
      %add3A_714 = arith.addi %add3A_712, %add3A_713 : i32
      %dma_start3A_715 = arith.constant 0 : i32
      %dma_start3A_716 = tpu.memref_slice %arg5[%add3A_714, %dma_start3A_715] : memref<40x128xi32, #tpu.memory_space<vmem>> -> memref<1x128xi32, #tpu.memory_space<vmem>>
      %dma_start3A_717 = tpu.memref_squeeze %dma_start3A_716 : memref<1x128xi32, #tpu.memory_space<vmem>> -> memref<128xi32, #tpu.memory_space<vmem>>
      %dma_start3A_718 = arith.constant 0 : i32
      %dma_start3A_719 = arith.constant 0 : i32
      %dma_start3A_720 = tpu.memref_slice %arg2[%dma_start3A_718, %dma_start3A_719] : memref<10112x128xbf16, #tpu.memory_space<hbm>> -> memref<10112x128xbf16, #tpu.memory_space<hbm>>
      tpu.enqueue_indirect_dma source(%dma_start3A_720 : memref<10112x128xbf16, #tpu.memory_space<hbm>>) target(%arg9 : memref<128x128xbf16, #tpu.memory_space<vmem>>) offsets(%dma_start3A_717 : memref<128xi32, #tpu.memory_space<vmem>>) semaphore(%arg18 : memref<!tpu.dma_semaphore, #tpu.memory_space<semaphore_mem>>)
      %add3A_721 = arith.constant 3 : i32
      %add3A_722 = arith.addi %mul3A_538, %add3A_721 : i32
      %dma_wait3A_723 = arith.constant 0 : i32
      %dma_wait3A_724 = tpu.memref_slice %arg6[%add3A_722, %dma_wait3A_723] : memref<40x128xi32, #tpu.memory_space<vmem>> -> memref<1x128xi32, #tpu.memory_space<vmem>>
      %dma_wait3A_725 = tpu.memref_squeeze %dma_wait3A_724 : memref<1x128xi32, #tpu.memory_space<vmem>> -> memref<128xi32, #tpu.memory_space<vmem>>
      %dma_wait3A_726 = arith.constant 0 : i32
      %dma_wait3A_727 = arith.constant 0 : i32
      %dma_wait3A_728 = tpu.memref_slice %arg15[%dma_wait3A_726, %dma_wait3A_727] : memref<10112x128xbf16, #tpu.memory_space<vmem_shared>> -> memref<10112x128xbf16, #tpu.memory_space<vmem_shared>>
      tpu.wait_indirect_dma semaphore(%arg27 : memref<!tpu.dma_semaphore, #tpu.memory_space<semaphore_mem>>) src(%arg10 : memref<128x128xbf16, #tpu.memory_space<vmem>>) dst(%dma_wait3A_728 : memref<10112x128xbf16, #tpu.memory_space<vmem_shared>>)
      %add3A_729 = arith.constant 8 : i32
      %add3A_730 = arith.addi %mul3A_538, %add3A_729 : i32
      %add3A_731 = arith.constant 3 : i32
      %add3A_732 = arith.addi %add3A_730, %add3A_731 : i32
      %dma_start3A_733 = arith.constant 0 : i32
      %dma_start3A_734 = tpu.memref_slice %arg5[%add3A_732, %dma_start3A_733] : memref<40x128xi32, #tpu.memory_space<vmem>> -> memref<1x128xi32, #tpu.memory_space<vmem>>
      %dma_start3A_735 = tpu.memref_squeeze %dma_start3A_734 : memref<1x128xi32, #tpu.memory_space<vmem>> -> memref<128xi32, #tpu.memory_space<vmem>>
      %dma_start3A_736 = arith.constant 0 : i32
      %dma_start3A_737 = arith.constant 0 : i32
      %dma_start3A_738 = tpu.memref_slice %arg2[%dma_start3A_736, %dma_start3A_737] : memref<10112x128xbf16, #tpu.memory_space<hbm>> -> memref<10112x128xbf16, #tpu.memory_space<hbm>>
      tpu.enqueue_indirect_dma source(%dma_start3A_738 : memref<10112x128xbf16, #tpu.memory_space<hbm>>) target(%arg10 : memref<128x128xbf16, #tpu.memory_space<vmem>>) offsets(%dma_start3A_735 : memref<128xi32, #tpu.memory_space<vmem>>) semaphore(%arg19 : memref<!tpu.dma_semaphore, #tpu.memory_space<semaphore_mem>>)
      %add3A_739 = arith.constant 4 : i32
      %add3A_740 = arith.addi %mul3A_538, %add3A_739 : i32
      %dma_wait3A_741 = arith.constant 0 : i32
      %dma_wait3A_742 = tpu.memref_slice %arg6[%add3A_740, %dma_wait3A_741] : memref<40x128xi32, #tpu.memory_space<vmem>> -> memref<1x128xi32, #tpu.memory_space<vmem>>
      %dma_wait3A_743 = tpu.memref_squeeze %dma_wait3A_742 : memref<1x128xi32, #tpu.memory_space<vmem>> -> memref<128xi32, #tpu.memory_space<vmem>>
      %dma_wait3A_744 = arith.constant 0 : i32
      %dma_wait3A_745 = arith.constant 0 : i32
      %dma_wait3A_746 = tpu.memref_slice %arg15[%dma_wait3A_744, %dma_wait3A_745] : memref<10112x128xbf16, #tpu.memory_space<vmem_shared>> -> memref<10112x128xbf16, #tpu.memory_space<vmem_shared>>
      tpu.wait_indirect_dma semaphore(%arg28 : memref<!tpu.dma_semaphore, #tpu.memory_space<semaphore_mem>>) src(%arg11 : memref<128x128xbf16, #tpu.memory_space<vmem>>) dst(%dma_wait3A_746 : memref<10112x128xbf16, #tpu.memory_space<vmem_shared>>)
      %add3A_747 = arith.constant 8 : i32
      %add3A_748 = arith.addi %mul3A_538, %add3A_747 : i32
      %add3A_749 = arith.constant 4 : i32
      %add3A_750 = arith.addi %add3A_748, %add3A_749 : i32
      %dma_start3A_751 = arith.constant 0 : i32
      %dma_start3A_752 = tpu.memref_slice %arg5[%add3A_750, %dma_start3A_751] : memref<40x128xi32, #tpu.memory_space<vmem>> -> memref<1x128xi32, #tpu.memory_space<vmem>>
      %dma_start3A_753 = tpu.memref_squeeze %dma_start3A_752 : memref<1x128xi32, #tpu.memory_space<vmem>> -> memref<128xi32, #tpu.memory_space<vmem>>
      %dma_start3A_754 = arith.constant 0 : i32
      %dma_start3A_755 = arith.constant 0 : i32
      %dma_start3A_756 = tpu.memref_slice %arg2[%dma_start3A_754, %dma_start3A_755] : memref<10112x128xbf16, #tpu.memory_space<hbm>> -> memref<10112x128xbf16, #tpu.memory_space<hbm>>
      tpu.enqueue_indirect_dma source(%dma_start3A_756 : memref<10112x128xbf16, #tpu.memory_space<hbm>>) target(%arg11 : memref<128x128xbf16, #tpu.memory_space<vmem>>) offsets(%dma_start3A_753 : memref<128xi32, #tpu.memory_space<vmem>>) semaphore(%arg20 : memref<!tpu.dma_semaphore, #tpu.memory_space<semaphore_mem>>)
      %add3A_757 = arith.constant 5 : i32
      %add3A_758 = arith.addi %mul3A_538, %add3A_757 : i32
      %dma_wait3A_759 = arith.constant 0 : i32
      %dma_wait3A_760 = tpu.memref_slice %arg6[%add3A_758, %dma_wait3A_759] : memref<40x128xi32, #tpu.memory_space<vmem>> -> memref<1x128xi32, #tpu.memory_space<vmem>>
      %dma_wait3A_761 = tpu.memref_squeeze %dma_wait3A_760 : memref<1x128xi32, #tpu.memory_space<vmem>> -> memref<128xi32, #tpu.memory_space<vmem>>
      %dma_wait3A_762 = arith.constant 0 : i32
      %dma_wait3A_763 = arith.constant 0 : i32
      %dma_wait3A_764 = tpu.memref_slice %arg15[%dma_wait3A_762, %dma_wait3A_763] : memref<10112x128xbf16, #tpu.memory_space<vmem_shared>> -> memref<10112x128xbf16, #tpu.memory_space<vmem_shared>>
      tpu.wait_indirect_dma semaphore(%arg29 : memref<!tpu.dma_semaphore, #tpu.memory_space<semaphore_mem>>) src(%arg12 : memref<128x128xbf16, #tpu.memory_space<vmem>>) dst(%dma_wait3A_764 : memref<10112x128xbf16, #tpu.memory_space<vmem_shared>>)
      %add3A_765 = arith.constant 8 : i32
      %add3A_766 = arith.addi %mul3A_538, %add3A_765 : i32
      %add3A_767 = arith.constant 5 : i32
      %add3A_768 = arith.addi %add3A_766, %add3A_767 : i32
      %dma_start3A_769 = arith.constant 0 : i32
      %dma_start3A_770 = tpu.memref_slice %arg5[%add3A_768, %dma_start3A_769] : memref<40x128xi32, #tpu.memory_space<vmem>> -> memref<1x128xi32, #tpu.memory_space<vmem>>
      %dma_start3A_771 = tpu.memref_squeeze %dma_start3A_770 : memref<1x128xi32, #tpu.memory_space<vmem>> -> memref<128xi32, #tpu.memory_space<vmem>>
      %dma_start3A_772 = arith.constant 0 : i32
      %dma_start3A_773 = arith.constant 0 : i32
      %dma_start3A_774 = tpu.memref_slice %arg2[%dma_start3A_772, %dma_start3A_773] : memref<10112x128xbf16, #tpu.memory_space<hbm>> -> memref<10112x128xbf16, #tpu.memory_space<hbm>>
      tpu.enqueue_indirect_dma source(%dma_start3A_774 : memref<10112x128xbf16, #tpu.memory_space<hbm>>) target(%arg12 : memref<128x128xbf16, #tpu.memory_space<vmem>>) offsets(%dma_start3A_771 : memref<128xi32, #tpu.memory_space<vmem>>) semaphore(%arg21 : memref<!tpu.dma_semaphore, #tpu.memory_space<semaphore_mem>>)
      %add3A_775 = arith.constant 6 : i32
      %add3A_776 = arith.addi %mul3A_538, %add3A_775 : i32
      %dma_wait3A_777 = arith.constant 0 : i32
      %dma_wait3A_778 = tpu.memref_slice %arg6[%add3A_776, %dma_wait3A_777] : memref<40x128xi32, #tpu.memory_space<vmem>> -> memref<1x128xi32, #tpu.memory_space<vmem>>
      %dma_wait3A_779 = tpu.memref_squeeze %dma_wait3A_778 : memref<1x128xi32, #tpu.memory_space<vmem>> -> memref<128xi32, #tpu.memory_space<vmem>>
      %dma_wait3A_780 = arith.constant 0 : i32
      %dma_wait3A_781 = arith.constant 0 : i32
      %dma_wait3A_782 = tpu.memref_slice %arg15[%dma_wait3A_780, %dma_wait3A_781] : memref<10112x128xbf16, #tpu.memory_space<vmem_shared>> -> memref<10112x128xbf16, #tpu.memory_space<vmem_shared>>
      tpu.wait_indirect_dma semaphore(%arg30 : memref<!tpu.dma_semaphore, #tpu.memory_space<semaphore_mem>>) src(%arg13 : memref<128x128xbf16, #tpu.memory_space<vmem>>) dst(%dma_wait3A_782 : memref<10112x128xbf16, #tpu.memory_space<vmem_shared>>)
      %add3A_783 = arith.constant 8 : i32
      %add3A_784 = arith.addi %mul3A_538, %add3A_783 : i32
      %add3A_785 = arith.constant 6 : i32
      %add3A_786 = arith.addi %add3A_784, %add3A_785 : i32
      %dma_start3A_787 = arith.constant 0 : i32
      %dma_start3A_788 = tpu.memref_slice %arg5[%add3A_786, %dma_start3A_787] : memref<40x128xi32, #tpu.memory_space<vmem>> -> memref<1x128xi32, #tpu.memory_space<vmem>>
      %dma_start3A_789 = tpu.memref_squeeze %dma_start3A_788 : memref<1x128xi32, #tpu.memory_space<vmem>> -> memref<128xi32, #tpu.memory_space<vmem>>
      %dma_start3A_790 = arith.constant 0 : i32
      %dma_start3A_791 = arith.constant 0 : i32
      %dma_start3A_792 = tpu.memref_slice %arg2[%dma_start3A_790, %dma_start3A_791] : memref<10112x128xbf16, #tpu.memory_space<hbm>> -> memref<10112x128xbf16, #tpu.memory_space<hbm>>
      tpu.enqueue_indirect_dma source(%dma_start3A_792 : memref<10112x128xbf16, #tpu.memory_space<hbm>>) target(%arg13 : memref<128x128xbf16, #tpu.memory_space<vmem>>) offsets(%dma_start3A_789 : memref<128xi32, #tpu.memory_space<vmem>>) semaphore(%arg22 : memref<!tpu.dma_semaphore, #tpu.memory_space<semaphore_mem>>)
      %add3A_793 = arith.constant 7 : i32
      %add3A_794 = arith.addi %mul3A_538, %add3A_793 : i32
      %dma_wait3A_795 = arith.constant 0 : i32
      %dma_wait3A_796 = tpu.memref_slice %arg6[%add3A_794, %dma_wait3A_795] : memref<40x128xi32, #tpu.memory_space<vmem>> -> memref<1x128xi32, #tpu.memory_space<vmem>>
      %dma_wait3A_797 = tpu.memref_squeeze %dma_wait3A_796 : memref<1x128xi32, #tpu.memory_space<vmem>> -> memref<128xi32, #tpu.memory_space<vmem>>
      %dma_wait3A_798 = arith.constant 0 : i32
      %dma_wait3A_799 = arith.constant 0 : i32
      %dma_wait3A_800 = tpu.memref_slice %arg15[%dma_wait3A_798, %dma_wait3A_799] : memref<10112x128xbf16, #tpu.memory_space<vmem_shared>> -> memref<10112x128xbf16, #tpu.memory_space<vmem_shared>>
      tpu.wait_indirect_dma semaphore(%arg31 : memref<!tpu.dma_semaphore, #tpu.memory_space<semaphore_mem>>) src(%arg14 : memref<128x128xbf16, #tpu.memory_space<vmem>>) dst(%dma_wait3A_800 : memref<10112x128xbf16, #tpu.memory_space<vmem_shared>>)
      %add3A_801 = arith.constant 8 : i32
      %add3A_802 = arith.addi %mul3A_538, %add3A_801 : i32
      %add3A_803 = arith.constant 7 : i32
      %add3A_804 = arith.addi %add3A_802, %add3A_803 : i32
      %dma_start3A_805 = arith.constant 0 : i32
      %dma_start3A_806 = tpu.memref_slice %arg5[%add3A_804, %dma_start3A_805] : memref<40x128xi32, #tpu.memory_space<vmem>> -> memref<1x128xi32, #tpu.memory_space<vmem>>
      %dma_start3A_807 = tpu.memref_squeeze %dma_start3A_806 : memref<1x128xi32, #tpu.memory_space<vmem>> -> memref<128xi32, #tpu.memory_space<vmem>>
      %dma_start3A_808 = arith.constant 0 : i32
      %dma_start3A_809 = arith.constant 0 : i32
      %dma_start3A_810 = tpu.memref_slice %arg2[%dma_start3A_808, %dma_start3A_809] : memref<10112x128xbf16, #tpu.memory_space<hbm>> -> memref<10112x128xbf16, #tpu.memory_space<hbm>>
      tpu.enqueue_indirect_dma source(%dma_start3A_810 : memref<10112x128xbf16, #tpu.memory_space<hbm>>) target(%arg14 : memref<128x128xbf16, #tpu.memory_space<vmem>>) offsets(%dma_start3A_807 : memref<128xi32, #tpu.memory_space<vmem>>) semaphore(%arg23 : memref<!tpu.dma_semaphore, #tpu.memory_space<semaphore_mem>>)
      %scan3A_811 = arith.constant 0 : i32
      scf.yield %scan3A_811 : i32
    }
    %scan3A_95 = arith.constant 4 : i32
    %dma_wait3A = arith.constant 32 : i32
    %dma_wait3A_96 = arith.constant 0 : i32
    %dma_wait3A_97 = tpu.memref_slice %arg5[%dma_wait3A, %dma_wait3A_96] : memref<40x128xi32, #tpu.memory_space<vmem>> -> memref<1x128xi32, #tpu.memory_space<vmem>>
    %dma_wait3A_98 = tpu.memref_squeeze %dma_wait3A_97 : memref<1x128xi32, #tpu.memory_space<vmem>> -> memref<128xi32, #tpu.memory_space<vmem>>
    %dma_wait3A_99 = arith.constant 0 : i32
    %dma_wait3A_100 = arith.constant 0 : i32
    %dma_wait3A_101 = tpu.memref_slice %arg2[%dma_wait3A_99, %dma_wait3A_100] : memref<10112x128xbf16, #tpu.memory_space<hbm>> -> memref<10112x128xbf16, #tpu.memory_space<hbm>>
    tpu.wait_indirect_dma semaphore(%arg16 : memref<!tpu.dma_semaphore, #tpu.memory_space<semaphore_mem>>) src(%dma_wait3A_101 : memref<10112x128xbf16, #tpu.memory_space<hbm>>) dst(%arg7 : memref<128x128xbf16, #tpu.memory_space<vmem>>)
    %dma_start3A_102 = arith.constant 32 : i32
    %dma_start3A_103 = arith.constant 0 : i32
    %dma_start3A_104 = tpu.memref_slice %arg6[%dma_start3A_102, %dma_start3A_103] : memref<40x128xi32, #tpu.memory_space<vmem>> -> memref<1x128xi32, #tpu.memory_space<vmem>>
    %dma_start3A_105 = tpu.memref_squeeze %dma_start3A_104 : memref<1x128xi32, #tpu.memory_space<vmem>> -> memref<128xi32, #tpu.memory_space<vmem>>
    %dma_start3A_106 = arith.constant 0 : i32
    %dma_start3A_107 = arith.constant 0 : i32
    %dma_start3A_108 = tpu.memref_slice %arg15[%dma_start3A_106, %dma_start3A_107] : memref<10112x128xbf16, #tpu.memory_space<vmem_shared>> -> memref<10112x128xbf16, #tpu.memory_space<vmem_shared>>
    tpu.enqueue_indirect_dma source(%arg7 : memref<128x128xbf16, #tpu.memory_space<vmem>>) target(%dma_start3A_108 : memref<10112x128xbf16, #tpu.memory_space<vmem_shared>>) offsets(%dma_start3A_105 : memref<128xi32, #tpu.memory_space<vmem>>) semaphore(%arg24 : memref<!tpu.dma_semaphore, #tpu.memory_space<semaphore_mem>>) {add = true}
    %dma_wait3A_109 = arith.constant 33 : i32
    %dma_wait3A_110 = arith.constant 0 : i32
    %dma_wait3A_111 = tpu.memref_slice %arg5[%dma_wait3A_109, %dma_wait3A_110] : memref<40x128xi32, #tpu.memory_space<vmem>> -> memref<1x128xi32, #tpu.memory_space<vmem>>
    %dma_wait3A_112 = tpu.memref_squeeze %dma_wait3A_111 : memref<1x128xi32, #tpu.memory_space<vmem>> -> memref<128xi32, #tpu.memory_space<vmem>>
    %dma_wait3A_113 = arith.constant 0 : i32
    %dma_wait3A_114 = arith.constant 0 : i32
    %dma_wait3A_115 = tpu.memref_slice %arg2[%dma_wait3A_113, %dma_wait3A_114] : memref<10112x128xbf16, #tpu.memory_space<hbm>> -> memref<10112x128xbf16, #tpu.memory_space<hbm>>
    tpu.wait_indirect_dma semaphore(%arg17 : memref<!tpu.dma_semaphore, #tpu.memory_space<semaphore_mem>>) src(%dma_wait3A_115 : memref<10112x128xbf16, #tpu.memory_space<hbm>>) dst(%arg8 : memref<128x128xbf16, #tpu.memory_space<vmem>>)
    %dma_start3A_116 = arith.constant 33 : i32
    %dma_start3A_117 = arith.constant 0 : i32
    %dma_start3A_118 = tpu.memref_slice %arg6[%dma_start3A_116, %dma_start3A_117] : memref<40x128xi32, #tpu.memory_space<vmem>> -> memref<1x128xi32, #tpu.memory_space<vmem>>
    %dma_start3A_119 = tpu.memref_squeeze %dma_start3A_118 : memref<1x128xi32, #tpu.memory_space<vmem>> -> memref<128xi32, #tpu.memory_space<vmem>>
    %dma_start3A_120 = arith.constant 0 : i32
    %dma_start3A_121 = arith.constant 0 : i32
    %dma_start3A_122 = tpu.memref_slice %arg15[%dma_start3A_120, %dma_start3A_121] : memref<10112x128xbf16, #tpu.memory_space<vmem_shared>> -> memref<10112x128xbf16, #tpu.memory_space<vmem_shared>>
    tpu.enqueue_indirect_dma source(%arg8 : memref<128x128xbf16, #tpu.memory_space<vmem>>) target(%dma_start3A_122 : memref<10112x128xbf16, #tpu.memory_space<vmem_shared>>) offsets(%dma_start3A_119 : memref<128xi32, #tpu.memory_space<vmem>>) semaphore(%arg25 : memref<!tpu.dma_semaphore, #tpu.memory_space<semaphore_mem>>) {add = true}
    %dma_wait3A_123 = arith.constant 34 : i32
    %dma_wait3A_124 = arith.constant 0 : i32
    %dma_wait3A_125 = tpu.memref_slice %arg5[%dma_wait3A_123, %dma_wait3A_124] : memref<40x128xi32, #tpu.memory_space<vmem>> -> memref<1x128xi32, #tpu.memory_space<vmem>>
    %dma_wait3A_126 = tpu.memref_squeeze %dma_wait3A_125 : memref<1x128xi32, #tpu.memory_space<vmem>> -> memref<128xi32, #tpu.memory_space<vmem>>
    %dma_wait3A_127 = arith.constant 0 : i32
    %dma_wait3A_128 = arith.constant 0 : i32
    %dma_wait3A_129 = tpu.memref_slice %arg2[%dma_wait3A_127, %dma_wait3A_128] : memref<10112x128xbf16, #tpu.memory_space<hbm>> -> memref<10112x128xbf16, #tpu.memory_space<hbm>>
    tpu.wait_indirect_dma semaphore(%arg18 : memref<!tpu.dma_semaphore, #tpu.memory_space<semaphore_mem>>) src(%dma_wait3A_129 : memref<10112x128xbf16, #tpu.memory_space<hbm>>) dst(%arg9 : memref<128x128xbf16, #tpu.memory_space<vmem>>)
    %dma_start3A_130 = arith.constant 34 : i32
    %dma_start3A_131 = arith.constant 0 : i32
    %dma_start3A_132 = tpu.memref_slice %arg6[%dma_start3A_130, %dma_start3A_131] : memref<40x128xi32, #tpu.memory_space<vmem>> -> memref<1x128xi32, #tpu.memory_space<vmem>>
    %dma_start3A_133 = tpu.memref_squeeze %dma_start3A_132 : memref<1x128xi32, #tpu.memory_space<vmem>> -> memref<128xi32, #tpu.memory_space<vmem>>
    %dma_start3A_134 = arith.constant 0 : i32
    %dma_start3A_135 = arith.constant 0 : i32
    %dma_start3A_136 = tpu.memref_slice %arg15[%dma_start3A_134, %dma_start3A_135] : memref<10112x128xbf16, #tpu.memory_space<vmem_shared>> -> memref<10112x128xbf16, #tpu.memory_space<vmem_shared>>
    tpu.enqueue_indirect_dma source(%arg9 : memref<128x128xbf16, #tpu.memory_space<vmem>>) target(%dma_start3A_136 : memref<10112x128xbf16, #tpu.memory_space<vmem_shared>>) offsets(%dma_start3A_133 : memref<128xi32, #tpu.memory_space<vmem>>) semaphore(%arg26 : memref<!tpu.dma_semaphore, #tpu.memory_space<semaphore_mem>>) {add = true}
    %dma_wait3A_137 = arith.constant 35 : i32
    %dma_wait3A_138 = arith.constant 0 : i32
    %dma_wait3A_139 = tpu.memref_slice %arg5[%dma_wait3A_137, %dma_wait3A_138] : memref<40x128xi32, #tpu.memory_space<vmem>> -> memref<1x128xi32, #tpu.memory_space<vmem>>
    %dma_wait3A_140 = tpu.memref_squeeze %dma_wait3A_139 : memref<1x128xi32, #tpu.memory_space<vmem>> -> memref<128xi32, #tpu.memory_space<vmem>>
    %dma_wait3A_141 = arith.constant 0 : i32
    %dma_wait3A_142 = arith.constant 0 : i32
    %dma_wait3A_143 = tpu.memref_slice %arg2[%dma_wait3A_141, %dma_wait3A_142] : memref<10112x128xbf16, #tpu.memory_space<hbm>> -> memref<10112x128xbf16, #tpu.memory_space<hbm>>
    tpu.wait_indirect_dma semaphore(%arg19 : memref<!tpu.dma_semaphore, #tpu.memory_space<semaphore_mem>>) src(%dma_wait3A_143 : memref<10112x128xbf16, #tpu.memory_space<hbm>>) dst(%arg10 : memref<128x128xbf16, #tpu.memory_space<vmem>>)
    %dma_start3A_144 = arith.constant 35 : i32
    %dma_start3A_145 = arith.constant 0 : i32
    %dma_start3A_146 = tpu.memref_slice %arg6[%dma_start3A_144, %dma_start3A_145] : memref<40x128xi32, #tpu.memory_space<vmem>> -> memref<1x128xi32, #tpu.memory_space<vmem>>
    %dma_start3A_147 = tpu.memref_squeeze %dma_start3A_146 : memref<1x128xi32, #tpu.memory_space<vmem>> -> memref<128xi32, #tpu.memory_space<vmem>>
    %dma_start3A_148 = arith.constant 0 : i32
    %dma_start3A_149 = arith.constant 0 : i32
    %dma_start3A_150 = tpu.memref_slice %arg15[%dma_start3A_148, %dma_start3A_149] : memref<10112x128xbf16, #tpu.memory_space<vmem_shared>> -> memref<10112x128xbf16, #tpu.memory_space<vmem_shared>>
    tpu.enqueue_indirect_dma source(%arg10 : memref<128x128xbf16, #tpu.memory_space<vmem>>) target(%dma_start3A_150 : memref<10112x128xbf16, #tpu.memory_space<vmem_shared>>) offsets(%dma_start3A_147 : memref<128xi32, #tpu.memory_space<vmem>>) semaphore(%arg27 : memref<!tpu.dma_semaphore, #tpu.memory_space<semaphore_mem>>) {add = true}
    %dma_wait3A_151 = arith.constant 36 : i32
    %dma_wait3A_152 = arith.constant 0 : i32
    %dma_wait3A_153 = tpu.memref_slice %arg5[%dma_wait3A_151, %dma_wait3A_152] : memref<40x128xi32, #tpu.memory_space<vmem>> -> memref<1x128xi32, #tpu.memory_space<vmem>>
    %dma_wait3A_154 = tpu.memref_squeeze %dma_wait3A_153 : memref<1x128xi32, #tpu.memory_space<vmem>> -> memref<128xi32, #tpu.memory_space<vmem>>
    %dma_wait3A_155 = arith.constant 0 : i32
    %dma_wait3A_156 = arith.constant 0 : i32
    %dma_wait3A_157 = tpu.memref_slice %arg2[%dma_wait3A_155, %dma_wait3A_156] : memref<10112x128xbf16, #tpu.memory_space<hbm>> -> memref<10112x128xbf16, #tpu.memory_space<hbm>>
    tpu.wait_indirect_dma semaphore(%arg20 : memref<!tpu.dma_semaphore, #tpu.memory_space<semaphore_mem>>) src(%dma_wait3A_157 : memref<10112x128xbf16, #tpu.memory_space<hbm>>) dst(%arg11 : memref<128x128xbf16, #tpu.memory_space<vmem>>)
    %dma_start3A_158 = arith.constant 36 : i32
    %dma_start3A_159 = arith.constant 0 : i32
    %dma_start3A_160 = tpu.memref_slice %arg6[%dma_start3A_158, %dma_start3A_159] : memref<40x128xi32, #tpu.memory_space<vmem>> -> memref<1x128xi32, #tpu.memory_space<vmem>>
    %dma_start3A_161 = tpu.memref_squeeze %dma_start3A_160 : memref<1x128xi32, #tpu.memory_space<vmem>> -> memref<128xi32, #tpu.memory_space<vmem>>
    %dma_start3A_162 = arith.constant 0 : i32
    %dma_start3A_163 = arith.constant 0 : i32
    %dma_start3A_164 = tpu.memref_slice %arg15[%dma_start3A_162, %dma_start3A_163] : memref<10112x128xbf16, #tpu.memory_space<vmem_shared>> -> memref<10112x128xbf16, #tpu.memory_space<vmem_shared>>
    tpu.enqueue_indirect_dma source(%arg11 : memref<128x128xbf16, #tpu.memory_space<vmem>>) target(%dma_start3A_164 : memref<10112x128xbf16, #tpu.memory_space<vmem_shared>>) offsets(%dma_start3A_161 : memref<128xi32, #tpu.memory_space<vmem>>) semaphore(%arg28 : memref<!tpu.dma_semaphore, #tpu.memory_space<semaphore_mem>>) {add = true}
    %dma_wait3A_165 = arith.constant 37 : i32
    %dma_wait3A_166 = arith.constant 0 : i32
    %dma_wait3A_167 = tpu.memref_slice %arg5[%dma_wait3A_165, %dma_wait3A_166] : memref<40x128xi32, #tpu.memory_space<vmem>> -> memref<1x128xi32, #tpu.memory_space<vmem>>
    %dma_wait3A_168 = tpu.memref_squeeze %dma_wait3A_167 : memref<1x128xi32, #tpu.memory_space<vmem>> -> memref<128xi32, #tpu.memory_space<vmem>>
    %dma_wait3A_169 = arith.constant 0 : i32
    %dma_wait3A_170 = arith.constant 0 : i32
    %dma_wait3A_171 = tpu.memref_slice %arg2[%dma_wait3A_169, %dma_wait3A_170] : memref<10112x128xbf16, #tpu.memory_space<hbm>> -> memref<10112x128xbf16, #tpu.memory_space<hbm>>
    tpu.wait_indirect_dma semaphore(%arg21 : memref<!tpu.dma_semaphore, #tpu.memory_space<semaphore_mem>>) src(%dma_wait3A_171 : memref<10112x128xbf16, #tpu.memory_space<hbm>>) dst(%arg12 : memref<128x128xbf16, #tpu.memory_space<vmem>>)
    %dma_start3A_172 = arith.constant 37 : i32
    %dma_start3A_173 = arith.constant 0 : i32
    %dma_start3A_174 = tpu.memref_slice %arg6[%dma_start3A_172, %dma_start3A_173] : memref<40x128xi32, #tpu.memory_space<vmem>> -> memref<1x128xi32, #tpu.memory_space<vmem>>
    %dma_start3A_175 = tpu.memref_squeeze %dma_start3A_174 : memref<1x128xi32, #tpu.memory_space<vmem>> -> memref<128xi32, #tpu.memory_space<vmem>>
    %dma_start3A_176 = arith.constant 0 : i32
    %dma_start3A_177 = arith.constant 0 : i32
    %dma_start3A_178 = tpu.memref_slice %arg15[%dma_start3A_176, %dma_start3A_177] : memref<10112x128xbf16, #tpu.memory_space<vmem_shared>> -> memref<10112x128xbf16, #tpu.memory_space<vmem_shared>>
    tpu.enqueue_indirect_dma source(%arg12 : memref<128x128xbf16, #tpu.memory_space<vmem>>) target(%dma_start3A_178 : memref<10112x128xbf16, #tpu.memory_space<vmem_shared>>) offsets(%dma_start3A_175 : memref<128xi32, #tpu.memory_space<vmem>>) semaphore(%arg29 : memref<!tpu.dma_semaphore, #tpu.memory_space<semaphore_mem>>) {add = true}
    %dma_wait3A_179 = arith.constant 38 : i32
    %dma_wait3A_180 = arith.constant 0 : i32
    %dma_wait3A_181 = tpu.memref_slice %arg5[%dma_wait3A_179, %dma_wait3A_180] : memref<40x128xi32, #tpu.memory_space<vmem>> -> memref<1x128xi32, #tpu.memory_space<vmem>>
    %dma_wait3A_182 = tpu.memref_squeeze %dma_wait3A_181 : memref<1x128xi32, #tpu.memory_space<vmem>> -> memref<128xi32, #tpu.memory_space<vmem>>
    %dma_wait3A_183 = arith.constant 0 : i32
    %dma_wait3A_184 = arith.constant 0 : i32
    %dma_wait3A_185 = tpu.memref_slice %arg2[%dma_wait3A_183, %dma_wait3A_184] : memref<10112x128xbf16, #tpu.memory_space<hbm>> -> memref<10112x128xbf16, #tpu.memory_space<hbm>>
    tpu.wait_indirect_dma semaphore(%arg22 : memref<!tpu.dma_semaphore, #tpu.memory_space<semaphore_mem>>) src(%dma_wait3A_185 : memref<10112x128xbf16, #tpu.memory_space<hbm>>) dst(%arg13 : memref<128x128xbf16, #tpu.memory_space<vmem>>)
    %dma_start3A_186 = arith.constant 38 : i32
    %dma_start3A_187 = arith.constant 0 : i32
    %dma_start3A_188 = tpu.memref_slice %arg6[%dma_start3A_186, %dma_start3A_187] : memref<40x128xi32, #tpu.memory_space<vmem>> -> memref<1x128xi32, #tpu.memory_space<vmem>>
    %dma_start3A_189 = tpu.memref_squeeze %dma_start3A_188 : memref<1x128xi32, #tpu.memory_space<vmem>> -> memref<128xi32, #tpu.memory_space<vmem>>
    %dma_start3A_190 = arith.constant 0 : i32
    %dma_start3A_191 = arith.constant 0 : i32
    %dma_start3A_192 = tpu.memref_slice %arg15[%dma_start3A_190, %dma_start3A_191] : memref<10112x128xbf16, #tpu.memory_space<vmem_shared>> -> memref<10112x128xbf16, #tpu.memory_space<vmem_shared>>
    tpu.enqueue_indirect_dma source(%arg13 : memref<128x128xbf16, #tpu.memory_space<vmem>>) target(%dma_start3A_192 : memref<10112x128xbf16, #tpu.memory_space<vmem_shared>>) offsets(%dma_start3A_189 : memref<128xi32, #tpu.memory_space<vmem>>) semaphore(%arg30 : memref<!tpu.dma_semaphore, #tpu.memory_space<semaphore_mem>>) {add = true}
    %dma_wait3A_193 = arith.constant 39 : i32
    %dma_wait3A_194 = arith.constant 0 : i32
    %dma_wait3A_195 = tpu.memref_slice %arg5[%dma_wait3A_193, %dma_wait3A_194] : memref<40x128xi32, #tpu.memory_space<vmem>> -> memref<1x128xi32, #tpu.memory_space<vmem>>
    %dma_wait3A_196 = tpu.memref_squeeze %dma_wait3A_195 : memref<1x128xi32, #tpu.memory_space<vmem>> -> memref<128xi32, #tpu.memory_space<vmem>>
    %dma_wait3A_197 = arith.constant 0 : i32
    %dma_wait3A_198 = arith.constant 0 : i32
    %dma_wait3A_199 = tpu.memref_slice %arg2[%dma_wait3A_197, %dma_wait3A_198] : memref<10112x128xbf16, #tpu.memory_space<hbm>> -> memref<10112x128xbf16, #tpu.memory_space<hbm>>
    tpu.wait_indirect_dma semaphore(%arg23 : memref<!tpu.dma_semaphore, #tpu.memory_space<semaphore_mem>>) src(%dma_wait3A_199 : memref<10112x128xbf16, #tpu.memory_space<hbm>>) dst(%arg14 : memref<128x128xbf16, #tpu.memory_space<vmem>>)
    %dma_start3A_200 = arith.constant 39 : i32
    %dma_start3A_201 = arith.constant 0 : i32
    %dma_start3A_202 = tpu.memref_slice %arg6[%dma_start3A_200, %dma_start3A_201] : memref<40x128xi32, #tpu.memory_space<vmem>> -> memref<1x128xi32, #tpu.memory_space<vmem>>
    %dma_start3A_203 = tpu.memref_squeeze %dma_start3A_202 : memref<1x128xi32, #tpu.memory_space<vmem>> -> memref<128xi32, #tpu.memory_space<vmem>>
    %dma_start3A_204 = arith.constant 0 : i32
    %dma_start3A_205 = arith.constant 0 : i32
    %dma_start3A_206 = tpu.memref_slice %arg15[%dma_start3A_204, %dma_start3A_205] : memref<10112x128xbf16, #tpu.memory_space<vmem_shared>> -> memref<10112x128xbf16, #tpu.memory_space<vmem_shared>>
    tpu.enqueue_indirect_dma source(%arg14 : memref<128x128xbf16, #tpu.memory_space<vmem>>) target(%dma_start3A_206 : memref<10112x128xbf16, #tpu.memory_space<vmem_shared>>) offsets(%dma_start3A_203 : memref<128xi32, #tpu.memory_space<vmem>>) semaphore(%arg31 : memref<!tpu.dma_semaphore, #tpu.memory_space<semaphore_mem>>) {add = true}
    %dma_wait3A_207 = arith.constant 32 : i32
    %dma_wait3A_208 = arith.constant 0 : i32
    %dma_wait3A_209 = tpu.memref_slice %arg6[%dma_wait3A_207, %dma_wait3A_208] : memref<40x128xi32, #tpu.memory_space<vmem>> -> memref<1x128xi32, #tpu.memory_space<vmem>>
    %dma_wait3A_210 = tpu.memref_squeeze %dma_wait3A_209 : memref<1x128xi32, #tpu.memory_space<vmem>> -> memref<128xi32, #tpu.memory_space<vmem>>
    %dma_wait3A_211 = arith.constant 0 : i32
    %dma_wait3A_212 = arith.constant 0 : i32
    %dma_wait3A_213 = tpu.memref_slice %arg15[%dma_wait3A_211, %dma_wait3A_212] : memref<10112x128xbf16, #tpu.memory_space<vmem_shared>> -> memref<10112x128xbf16, #tpu.memory_space<vmem_shared>>
    tpu.wait_indirect_dma semaphore(%arg24 : memref<!tpu.dma_semaphore, #tpu.memory_space<semaphore_mem>>) src(%arg7 : memref<128x128xbf16, #tpu.memory_space<vmem>>) dst(%dma_wait3A_213 : memref<10112x128xbf16, #tpu.memory_space<vmem_shared>>)
    %dma_wait3A_214 = arith.constant 33 : i32
    %dma_wait3A_215 = arith.constant 0 : i32
    %dma_wait3A_216 = tpu.memref_slice %arg6[%dma_wait3A_214, %dma_wait3A_215] : memref<40x128xi32, #tpu.memory_space<vmem>> -> memref<1x128xi32, #tpu.memory_space<vmem>>
    %dma_wait3A_217 = tpu.memref_squeeze %dma_wait3A_216 : memref<1x128xi32, #tpu.memory_space<vmem>> -> memref<128xi32, #tpu.memory_space<vmem>>
    %dma_wait3A_218 = arith.constant 0 : i32
    %dma_wait3A_219 = arith.constant 0 : i32
    %dma_wait3A_220 = tpu.memref_slice %arg15[%dma_wait3A_218, %dma_wait3A_219] : memref<10112x128xbf16, #tpu.memory_space<vmem_shared>> -> memref<10112x128xbf16, #tpu.memory_space<vmem_shared>>
    tpu.wait_indirect_dma semaphore(%arg25 : memref<!tpu.dma_semaphore, #tpu.memory_space<semaphore_mem>>) src(%arg8 : memref<128x128xbf16, #tpu.memory_space<vmem>>) dst(%dma_wait3A_220 : memref<10112x128xbf16, #tpu.memory_space<vmem_shared>>)
    %dma_wait3A_221 = arith.constant 34 : i32
    %dma_wait3A_222 = arith.constant 0 : i32
    %dma_wait3A_223 = tpu.memref_slice %arg6[%dma_wait3A_221, %dma_wait3A_222] : memref<40x128xi32, #tpu.memory_space<vmem>> -> memref<1x128xi32, #tpu.memory_space<vmem>>
    %dma_wait3A_224 = tpu.memref_squeeze %dma_wait3A_223 : memref<1x128xi32, #tpu.memory_space<vmem>> -> memref<128xi32, #tpu.memory_space<vmem>>
    %dma_wait3A_225 = arith.constant 0 : i32
    %dma_wait3A_226 = arith.constant 0 : i32
    %dma_wait3A_227 = tpu.memref_slice %arg15[%dma_wait3A_225, %dma_wait3A_226] : memref<10112x128xbf16, #tpu.memory_space<vmem_shared>> -> memref<10112x128xbf16, #tpu.memory_space<vmem_shared>>
    tpu.wait_indirect_dma semaphore(%arg26 : memref<!tpu.dma_semaphore, #tpu.memory_space<semaphore_mem>>) src(%arg9 : memref<128x128xbf16, #tpu.memory_space<vmem>>) dst(%dma_wait3A_227 : memref<10112x128xbf16, #tpu.memory_space<vmem_shared>>)
    %dma_wait3A_228 = arith.constant 35 : i32
    %dma_wait3A_229 = arith.constant 0 : i32
    %dma_wait3A_230 = tpu.memref_slice %arg6[%dma_wait3A_228, %dma_wait3A_229] : memref<40x128xi32, #tpu.memory_space<vmem>> -> memref<1x128xi32, #tpu.memory_space<vmem>>
    %dma_wait3A_231 = tpu.memref_squeeze %dma_wait3A_230 : memref<1x128xi32, #tpu.memory_space<vmem>> -> memref<128xi32, #tpu.memory_space<vmem>>
    %dma_wait3A_232 = arith.constant 0 : i32
    %dma_wait3A_233 = arith.constant 0 : i32
    %dma_wait3A_234 = tpu.memref_slice %arg15[%dma_wait3A_232, %dma_wait3A_233] : memref<10112x128xbf16, #tpu.memory_space<vmem_shared>> -> memref<10112x128xbf16, #tpu.memory_space<vmem_shared>>
    tpu.wait_indirect_dma semaphore(%arg27 : memref<!tpu.dma_semaphore, #tpu.memory_space<semaphore_mem>>) src(%arg10 : memref<128x128xbf16, #tpu.memory_space<vmem>>) dst(%dma_wait3A_234 : memref<10112x128xbf16, #tpu.memory_space<vmem_shared>>)
    %dma_wait3A_235 = arith.constant 36 : i32
    %dma_wait3A_236 = arith.constant 0 : i32
    %dma_wait3A_237 = tpu.memref_slice %arg6[%dma_wait3A_235, %dma_wait3A_236] : memref<40x128xi32, #tpu.memory_space<vmem>> -> memref<1x128xi32, #tpu.memory_space<vmem>>
    %dma_wait3A_238 = tpu.memref_squeeze %dma_wait3A_237 : memref<1x128xi32, #tpu.memory_space<vmem>> -> memref<128xi32, #tpu.memory_space<vmem>>
    %dma_wait3A_239 = arith.constant 0 : i32
    %dma_wait3A_240 = arith.constant 0 : i32
    %dma_wait3A_241 = tpu.memref_slice %arg15[%dma_wait3A_239, %dma_wait3A_240] : memref<10112x128xbf16, #tpu.memory_space<vmem_shared>> -> memref<10112x128xbf16, #tpu.memory_space<vmem_shared>>
    tpu.wait_indirect_dma semaphore(%arg28 : memref<!tpu.dma_semaphore, #tpu.memory_space<semaphore_mem>>) src(%arg11 : memref<128x128xbf16, #tpu.memory_space<vmem>>) dst(%dma_wait3A_241 : memref<10112x128xbf16, #tpu.memory_space<vmem_shared>>)
    %dma_wait3A_242 = arith.constant 37 : i32
    %dma_wait3A_243 = arith.constant 0 : i32
    %dma_wait3A_244 = tpu.memref_slice %arg6[%dma_wait3A_242, %dma_wait3A_243] : memref<40x128xi32, #tpu.memory_space<vmem>> -> memref<1x128xi32, #tpu.memory_space<vmem>>
    %dma_wait3A_245 = tpu.memref_squeeze %dma_wait3A_244 : memref<1x128xi32, #tpu.memory_space<vmem>> -> memref<128xi32, #tpu.memory_space<vmem>>
    %dma_wait3A_246 = arith.constant 0 : i32
    %dma_wait3A_247 = arith.constant 0 : i32
    %dma_wait3A_248 = tpu.memref_slice %arg15[%dma_wait3A_246, %dma_wait3A_247] : memref<10112x128xbf16, #tpu.memory_space<vmem_shared>> -> memref<10112x128xbf16, #tpu.memory_space<vmem_shared>>
    tpu.wait_indirect_dma semaphore(%arg29 : memref<!tpu.dma_semaphore, #tpu.memory_space<semaphore_mem>>) src(%arg12 : memref<128x128xbf16, #tpu.memory_space<vmem>>) dst(%dma_wait3A_248 : memref<10112x128xbf16, #tpu.memory_space<vmem_shared>>)
    %dma_wait3A_249 = arith.constant 38 : i32
    %dma_wait3A_250 = arith.constant 0 : i32
    %dma_wait3A_251 = tpu.memref_slice %arg6[%dma_wait3A_249, %dma_wait3A_250] : memref<40x128xi32, #tpu.memory_space<vmem>> -> memref<1x128xi32, #tpu.memory_space<vmem>>
    %dma_wait3A_252 = tpu.memref_squeeze %dma_wait3A_251 : memref<1x128xi32, #tpu.memory_space<vmem>> -> memref<128xi32, #tpu.memory_space<vmem>>
    %dma_wait3A_253 = arith.constant 0 : i32
    %dma_wait3A_254 = arith.constant 0 : i32
    %dma_wait3A_255 = tpu.memref_slice %arg15[%dma_wait3A_253, %dma_wait3A_254] : memref<10112x128xbf16, #tpu.memory_space<vmem_shared>> -> memref<10112x128xbf16, #tpu.memory_space<vmem_shared>>
    tpu.wait_indirect_dma semaphore(%arg30 : memref<!tpu.dma_semaphore, #tpu.memory_space<semaphore_mem>>) src(%arg13 : memref<128x128xbf16, #tpu.memory_space<vmem>>) dst(%dma_wait3A_255 : memref<10112x128xbf16, #tpu.memory_space<vmem_shared>>)
    %dma_wait3A_256 = arith.constant 39 : i32
    %dma_wait3A_257 = arith.constant 0 : i32
    %dma_wait3A_258 = tpu.memref_slice %arg6[%dma_wait3A_256, %dma_wait3A_257] : memref<40x128xi32, #tpu.memory_space<vmem>> -> memref<1x128xi32, #tpu.memory_space<vmem>>
    %dma_wait3A_259 = tpu.memref_squeeze %dma_wait3A_258 : memref<1x128xi32, #tpu.memory_space<vmem>> -> memref<128xi32, #tpu.memory_space<vmem>>
    %dma_wait3A_260 = arith.constant 0 : i32
    %dma_wait3A_261 = arith.constant 0 : i32
    %dma_wait3A_262 = tpu.memref_slice %arg15[%dma_wait3A_260, %dma_wait3A_261] : memref<10112x128xbf16, #tpu.memory_space<vmem_shared>> -> memref<10112x128xbf16, #tpu.memory_space<vmem_shared>>
    tpu.wait_indirect_dma semaphore(%arg31 : memref<!tpu.dma_semaphore, #tpu.memory_space<semaphore_mem>>) src(%arg14 : memref<128x128xbf16, #tpu.memory_space<vmem>>) dst(%dma_wait3A_262 : memref<10112x128xbf16, #tpu.memory_space<vmem_shared>>)
    %mul3A_263 = arith.constant 80 : i32
    %mul3A_264 = arith.muli %add3A, %mul3A_263 : i32
    %add3A_265 = arith.constant 40 : i32
    %add3A_266 = arith.addi %mul3A_264, %add3A_265 : i32
    %lt3A_267 = arith.constant 31 : i32
    %lt3A_268 = arith.cmpi slt, %add3A, %lt3A_267 : i32
    %convert_element_type3A_269 = arith.extui %lt3A_268 : i1 to i32
    %cond3A_270 = arith.constant 0 : i32
    %cond3A_271 = arith.constant 1 : i32
    %cond3A_272 = arith.constant 0 : i32
    %cond3A_273 = arith.cmpi ne, %convert_element_type3A_269, %cond3A_272 : i32
    scf.if %cond3A_273 {
      "tpu.region"() ({
        %run_scoped3A = tpu.sem_alloc : memref<!tpu.dma_semaphore, #tpu.memory_space<semaphore_mem>>
        %dma_start3A_535 = arith.constant 0 : i32
        %dma_start3A_536 = arith.constant 0 : i32
        %dma_start3A_537 = tpu.memref_slice %arg3[%cond3A_270, %dma_start3A_535, %dma_start3A_536] : memref<2x2500x128xi32, #tpu.memory_space<hbm>> -> memref<1x2500x128xi32, #tpu.memory_space<hbm>>
        %dma_start3A_538 = tpu.memref_squeeze %dma_start3A_537 : memref<1x2500x128xi32, #tpu.memory_space<hbm>> -> memref<2500x128xi32, #tpu.memory_space<hbm>>
        %dma_start3A_539 = arith.constant 0 : i32
        %dma_start3A_540 = tpu.memref_slice %dma_start3A_538[%add3A_266, %dma_start3A_539] : memref<2500x128xi32, #tpu.memory_space<hbm>> -> memref<40x128xi32, #tpu.memory_space<hbm>>
        %dma_start3A_541 = arith.constant 0 : i32
        %dma_start3A_542 = arith.constant 0 : i32
        %dma_start3A_543 = tpu.memref_slice %arg3[%cond3A_270, %dma_start3A_541, %dma_start3A_542] : memref<2x2500x128xi32, #tpu.memory_space<hbm>> -> memref<1x2500x128xi32, #tpu.memory_space<hbm>>
        %dma_start3A_544 = tpu.memref_squeeze %dma_start3A_543 : memref<1x2500x128xi32, #tpu.memory_space<hbm>> -> memref<2500x128xi32, #tpu.memory_space<hbm>>
        %dma_start3A_545 = arith.constant 0 : i32
        %dma_start3A_546 = tpu.memref_slice %dma_start3A_544[%add3A_266, %dma_start3A_545] : memref<2500x128xi32, #tpu.memory_space<hbm>> -> memref<40x128xi32, #tpu.memory_space<hbm>>
        tpu.enqueue_dma source(%dma_start3A_546 : memref<40x128xi32, #tpu.memory_space<hbm>>) target(%arg5 : memref<40x128xi32, #tpu.memory_space<vmem>>) target_semaphore(%run_scoped3A : memref<!tpu.dma_semaphore, #tpu.memory_space<semaphore_mem>>)
        %dma_wait3A_547 = arith.constant 0 : i32
        %dma_wait3A_548 = arith.constant 0 : i32
        %dma_wait3A_549 = tpu.memref_slice %arg3[%cond3A_270, %dma_wait3A_547, %dma_wait3A_548] : memref<2x2500x128xi32, #tpu.memory_space<hbm>> -> memref<1x2500x128xi32, #tpu.memory_space<hbm>>
        %dma_wait3A_550 = tpu.memref_squeeze %dma_wait3A_549 : memref<1x2500x128xi32, #tpu.memory_space<hbm>> -> memref<2500x128xi32, #tpu.memory_space<hbm>>
        %dma_wait3A_551 = arith.constant 0 : i32
        %dma_wait3A_552 = tpu.memref_slice %dma_wait3A_550[%add3A_266, %dma_wait3A_551] : memref<2500x128xi32, #tpu.memory_space<hbm>> -> memref<40x128xi32, #tpu.memory_space<hbm>>
        %dma_wait3A_553 = arith.constant 0 : i32
        %dma_wait3A_554 = arith.constant 0 : i32
        %dma_wait3A_555 = tpu.memref_slice %arg3[%cond3A_270, %dma_wait3A_553, %dma_wait3A_554] : memref<2x2500x128xi32, #tpu.memory_space<hbm>> -> memref<1x2500x128xi32, #tpu.memory_space<hbm>>
        %dma_wait3A_556 = tpu.memref_squeeze %dma_wait3A_555 : memref<1x2500x128xi32, #tpu.memory_space<hbm>> -> memref<2500x128xi32, #tpu.memory_space<hbm>>
        %dma_wait3A_557 = arith.constant 0 : i32
        %dma_wait3A_558 = tpu.memref_slice %dma_wait3A_556[%add3A_266, %dma_wait3A_557] : memref<2500x128xi32, #tpu.memory_space<hbm>> -> memref<40x128xi32, #tpu.memory_space<hbm>>
        tpu.wait_dma2 semaphore(%run_scoped3A : memref<!tpu.dma_semaphore, #tpu.memory_space<semaphore_mem>>) src(%dma_wait3A_558 : memref<40x128xi32, #tpu.memory_space<hbm>>) dst(%arg5 : memref<40x128xi32, #tpu.memory_space<vmem>>)
        tpu.yield
      }) : () -> ()
      "tpu.region"() ({
        %run_scoped3A = tpu.sem_alloc : memref<!tpu.dma_semaphore, #tpu.memory_space<semaphore_mem>>
        %dma_start3A_535 = arith.constant 0 : i32
        %dma_start3A_536 = arith.constant 0 : i32
        %dma_start3A_537 = tpu.memref_slice %arg3[%cond3A_271, %dma_start3A_535, %dma_start3A_536] : memref<2x2500x128xi32, #tpu.memory_space<hbm>> -> memref<1x2500x128xi32, #tpu.memory_space<hbm>>
        %dma_start3A_538 = tpu.memref_squeeze %dma_start3A_537 : memref<1x2500x128xi32, #tpu.memory_space<hbm>> -> memref<2500x128xi32, #tpu.memory_space<hbm>>
        %dma_start3A_539 = arith.constant 0 : i32
        %dma_start3A_540 = tpu.memref_slice %dma_start3A_538[%add3A_266, %dma_start3A_539] : memref<2500x128xi32, #tpu.memory_space<hbm>> -> memref<40x128xi32, #tpu.memory_space<hbm>>
        %dma_start3A_541 = arith.constant 0 : i32
        %dma_start3A_542 = arith.constant 0 : i32
        %dma_start3A_543 = tpu.memref_slice %arg3[%cond3A_271, %dma_start3A_541, %dma_start3A_542] : memref<2x2500x128xi32, #tpu.memory_space<hbm>> -> memref<1x2500x128xi32, #tpu.memory_space<hbm>>
        %dma_start3A_544 = tpu.memref_squeeze %dma_start3A_543 : memref<1x2500x128xi32, #tpu.memory_space<hbm>> -> memref<2500x128xi32, #tpu.memory_space<hbm>>
        %dma_start3A_545 = arith.constant 0 : i32
        %dma_start3A_546 = tpu.memref_slice %dma_start3A_544[%add3A_266, %dma_start3A_545] : memref<2500x128xi32, #tpu.memory_space<hbm>> -> memref<40x128xi32, #tpu.memory_space<hbm>>
        tpu.enqueue_dma source(%dma_start3A_546 : memref<40x128xi32, #tpu.memory_space<hbm>>) target(%arg6 : memref<40x128xi32, #tpu.memory_space<vmem>>) target_semaphore(%run_scoped3A : memref<!tpu.dma_semaphore, #tpu.memory_space<semaphore_mem>>)
        %dma_wait3A_547 = arith.constant 0 : i32
        %dma_wait3A_548 = arith.constant 0 : i32
        %dma_wait3A_549 = tpu.memref_slice %arg3[%cond3A_271, %dma_wait3A_547, %dma_wait3A_548] : memref<2x2500x128xi32, #tpu.memory_space<hbm>> -> memref<1x2500x128xi32, #tpu.memory_space<hbm>>
        %dma_wait3A_550 = tpu.memref_squeeze %dma_wait3A_549 : memref<1x2500x128xi32, #tpu.memory_space<hbm>> -> memref<2500x128xi32, #tpu.memory_space<hbm>>
        %dma_wait3A_551 = arith.constant 0 : i32
        %dma_wait3A_552 = tpu.memref_slice %dma_wait3A_550[%add3A_266, %dma_wait3A_551] : memref<2500x128xi32, #tpu.memory_space<hbm>> -> memref<40x128xi32, #tpu.memory_space<hbm>>
        %dma_wait3A_553 = arith.constant 0 : i32
        %dma_wait3A_554 = arith.constant 0 : i32
        %dma_wait3A_555 = tpu.memref_slice %arg3[%cond3A_271, %dma_wait3A_553, %dma_wait3A_554] : memref<2x2500x128xi32, #tpu.memory_space<hbm>> -> memref<1x2500x128xi32, #tpu.memory_space<hbm>>
        %dma_wait3A_556 = tpu.memref_squeeze %dma_wait3A_555 : memref<1x2500x128xi32, #tpu.memory_space<hbm>> -> memref<2500x128xi32, #tpu.memory_space<hbm>>
        %dma_wait3A_557 = arith.constant 0 : i32
        %dma_wait3A_558 = tpu.memref_slice %dma_wait3A_556[%add3A_266, %dma_wait3A_557] : memref<2500x128xi32, #tpu.memory_space<hbm>> -> memref<40x128xi32, #tpu.memory_space<hbm>>
        tpu.wait_dma2 semaphore(%run_scoped3A : memref<!tpu.dma_semaphore, #tpu.memory_space<semaphore_mem>>) src(%dma_wait3A_558 : memref<40x128xi32, #tpu.memory_space<hbm>>) dst(%arg6 : memref<40x128xi32, #tpu.memory_space<vmem>>)
        tpu.yield
      }) : () -> ()
    } else {
    }
    %eq3A_274 = arith.constant 31 : i32
    %eq3A_275 = arith.cmpi eq, %add3A, %eq3A_274 : i32
    %convert_element_type3A_276 = arith.extui %eq3A_275 : i1 to i32
    %cond3A_277 = arith.constant 0 : i32
    %cond3A_278 = arith.cmpi ne, %convert_element_type3A_276, %cond3A_277 : i32
    scf.if %cond3A_278 {
      %scan3A_535 = arith.constant 0 : i32
      %scan3A_536 = arith.constant 0 : i32
      %scan3A_537 = arith.constant 40 : i32
      %scan3A_538 = arith.addi %scan3A_536, %scan3A_537 : i32
      %scan3A_539 = arith.constant 1 : i32
      %scan3A_540 = scf.for %scan3A_549 = %scan3A_536 to %scan3A_538 step %scan3A_539 iter_args(%scan3A_550 = %scan3A_535) -> (i32)  : i32 {
        %broadcast_in_dim3A = arith.constant 10008 : i32
        %broadcast_in_dim3A_551 = vector.broadcast %broadcast_in_dim3A : i32 to vector<16xi32>
        %swap3A = arith.index_cast %scan3A_549 : i32 to index
        %swap3A_552 = arith.constant 0 : index
        %swap3A_553 = tpu.vector_load %arg5[%swap3A, %swap3A_552] {strides = array<i32>} : memref<40x128xi32, #tpu.memory_space<vmem>>, vector<1x16xi32>,
        %swap3A_554 = vector.shape_cast %swap3A_553 : vector<1x16xi32> to vector<16xi32>
        %swap3A_555 = vector.shape_cast %broadcast_in_dim3A_551 : vector<16xi32> to vector<1x16xi32>
        tpu.vector_store %arg5[%swap3A, %swap3A_552], %swap3A_555 {strides = array<i32>} : memref<40x128xi32, #tpu.memory_space<vmem>>, vector<1x16xi32>,
        %broadcast_in_dim3A_556 = arith.constant 10008 : i32
        %broadcast_in_dim3A_557 = vector.broadcast %broadcast_in_dim3A_556 : i32 to vector<16xi32>
        %swap3A_558 = arith.index_cast %scan3A_549 : i32 to index
        %swap3A_559 = arith.constant 16 : index
        %swap3A_560 = tpu.vector_load %arg5[%swap3A_558, %swap3A_559] {strides = array<i32>} : memref<40x128xi32, #tpu.memory_space<vmem>>, vector<1x16xi32>,
        %swap3A_561 = vector.shape_cast %swap3A_560 : vector<1x16xi32> to vector<16xi32>
        %swap3A_562 = vector.shape_cast %broadcast_in_dim3A_557 : vector<16xi32> to vector<1x16xi32>
        tpu.vector_store %arg5[%swap3A_558, %swap3A_559], %swap3A_562 {strides = array<i32>} : memref<40x128xi32, #tpu.memory_space<vmem>>, vector<1x16xi32>,
        %broadcast_in_dim3A_563 = arith.constant 10008 : i32
        %broadcast_in_dim3A_564 = vector.broadcast %broadcast_in_dim3A_563 : i32 to vector<16xi32>
        %swap3A_565 = arith.index_cast %scan3A_549 : i32 to index
        %swap3A_566 = arith.constant 32 : index
        %swap3A_567 = tpu.vector_load %arg5[%swap3A_565, %swap3A_566] {strides = array<i32>} : memref<40x128xi32, #tpu.memory_space<vmem>>, vector<1x16xi32>,
        %swap3A_568 = vector.shape_cast %swap3A_567 : vector<1x16xi32> to vector<16xi32>
        %swap3A_569 = vector.shape_cast %broadcast_in_dim3A_564 : vector<16xi32> to vector<1x16xi32>
        tpu.vector_store %arg5[%swap3A_565, %swap3A_566], %swap3A_569 {strides = array<i32>} : memref<40x128xi32, #tpu.memory_space<vmem>>, vector<1x16xi32>,
        %broadcast_in_dim3A_570 = arith.constant 10008 : i32
        %broadcast_in_dim3A_571 = vector.broadcast %broadcast_in_dim3A_570 : i32 to vector<16xi32>
        %swap3A_572 = arith.index_cast %scan3A_549 : i32 to index
        %swap3A_573 = arith.constant 48 : index
        %swap3A_574 = tpu.vector_load %arg5[%swap3A_572, %swap3A_573] {strides = array<i32>} : memref<40x128xi32, #tpu.memory_space<vmem>>, vector<1x16xi32>,
        %swap3A_575 = vector.shape_cast %swap3A_574 : vector<1x16xi32> to vector<16xi32>
        %swap3A_576 = vector.shape_cast %broadcast_in_dim3A_571 : vector<16xi32> to vector<1x16xi32>
        tpu.vector_store %arg5[%swap3A_572, %swap3A_573], %swap3A_576 {strides = array<i32>} : memref<40x128xi32, #tpu.memory_space<vmem>>, vector<1x16xi32>,
        %broadcast_in_dim3A_577 = arith.constant 10008 : i32
        %broadcast_in_dim3A_578 = vector.broadcast %broadcast_in_dim3A_577 : i32 to vector<16xi32>
        %swap3A_579 = arith.index_cast %scan3A_549 : i32 to index
        %swap3A_580 = arith.constant 64 : index
        %swap3A_581 = tpu.vector_load %arg5[%swap3A_579, %swap3A_580] {strides = array<i32>} : memref<40x128xi32, #tpu.memory_space<vmem>>, vector<1x16xi32>,
        %swap3A_582 = vector.shape_cast %swap3A_581 : vector<1x16xi32> to vector<16xi32>
        %swap3A_583 = vector.shape_cast %broadcast_in_dim3A_578 : vector<16xi32> to vector<1x16xi32>
        tpu.vector_store %arg5[%swap3A_579, %swap3A_580], %swap3A_583 {strides = array<i32>} : memref<40x128xi32, #tpu.memory_space<vmem>>, vector<1x16xi32>,
        %broadcast_in_dim3A_584 = arith.constant 10008 : i32
        %broadcast_in_dim3A_585 = vector.broadcast %broadcast_in_dim3A_584 : i32 to vector<16xi32>
        %swap3A_586 = arith.index_cast %scan3A_549 : i32 to index
        %swap3A_587 = arith.constant 80 : index
        %swap3A_588 = tpu.vector_load %arg5[%swap3A_586, %swap3A_587] {strides = array<i32>} : memref<40x128xi32, #tpu.memory_space<vmem>>, vector<1x16xi32>,
        %swap3A_589 = vector.shape_cast %swap3A_588 : vector<1x16xi32> to vector<16xi32>
        %swap3A_590 = vector.shape_cast %broadcast_in_dim3A_585 : vector<16xi32> to vector<1x16xi32>
        tpu.vector_store %arg5[%swap3A_586, %swap3A_587], %swap3A_590 {strides = array<i32>} : memref<40x128xi32, #tpu.memory_space<vmem>>, vector<1x16xi32>,
        %broadcast_in_dim3A_591 = arith.constant 10008 : i32
        %broadcast_in_dim3A_592 = vector.broadcast %broadcast_in_dim3A_591 : i32 to vector<16xi32>
        %swap3A_593 = arith.index_cast %scan3A_549 : i32 to index
        %swap3A_594 = arith.constant 96 : index
        %swap3A_595 = tpu.vector_load %arg5[%swap3A_593, %swap3A_594] {strides = array<i32>} : memref<40x128xi32, #tpu.memory_space<vmem>>, vector<1x16xi32>,
        %swap3A_596 = vector.shape_cast %swap3A_595 : vector<1x16xi32> to vector<16xi32>
        %swap3A_597 = vector.shape_cast %broadcast_in_dim3A_592 : vector<16xi32> to vector<1x16xi32>
        tpu.vector_store %arg5[%swap3A_593, %swap3A_594], %swap3A_597 {strides = array<i32>} : memref<40x128xi32, #tpu.memory_space<vmem>>, vector<1x16xi32>,
        %broadcast_in_dim3A_598 = arith.constant 10008 : i32
        %broadcast_in_dim3A_599 = vector.broadcast %broadcast_in_dim3A_598 : i32 to vector<16xi32>
        %swap3A_600 = arith.index_cast %scan3A_549 : i32 to index
        %swap3A_601 = arith.constant 112 : index
        %swap3A_602 = tpu.vector_load %arg5[%swap3A_600, %swap3A_601] {strides = array<i32>} : memref<40x128xi32, #tpu.memory_space<vmem>>, vector<1x16xi32>,
        %swap3A_603 = vector.shape_cast %swap3A_602 : vector<1x16xi32> to vector<16xi32>
        %swap3A_604 = vector.shape_cast %broadcast_in_dim3A_599 : vector<16xi32> to vector<1x16xi32>
        tpu.vector_store %arg5[%swap3A_600, %swap3A_601], %swap3A_604 {strides = array<i32>} : memref<40x128xi32, #tpu.memory_space<vmem>>, vector<1x16xi32>,
        %scan3A_605 = arith.constant 0 : i32
        scf.yield %scan3A_605 : i32
      }
      %scan3A_541 = arith.constant 40 : i32
      %scan3A_542 = arith.constant 0 : i32
      %scan3A_543 = arith.constant 0 : i32
      %scan3A_544 = arith.constant 40 : i32
      %scan3A_545 = arith.addi %scan3A_543, %scan3A_544 : i32
      %scan3A_546 = arith.constant 1 : i32
      %scan3A_547 = scf.for %scan3A_549 = %scan3A_543 to %scan3A_545 step %scan3A_546 iter_args(%scan3A_550 = %scan3A_542) -> (i32)  : i32 {
        %broadcast_in_dim3A = arith.constant 10008 : i32
        %broadcast_in_dim3A_551 = vector.broadcast %broadcast_in_dim3A : i32 to vector<16xi32>
        %swap3A = arith.index_cast %scan3A_549 : i32 to index
        %swap3A_552 = arith.constant 0 : index
        %swap3A_553 = tpu.vector_load %arg6[%swap3A, %swap3A_552] {strides = array<i32>} : memref<40x128xi32, #tpu.memory_space<vmem>>, vector<1x16xi32>,
        %swap3A_554 = vector.shape_cast %swap3A_553 : vector<1x16xi32> to vector<16xi32>
        %swap3A_555 = vector.shape_cast %broadcast_in_dim3A_551 : vector<16xi32> to vector<1x16xi32>
        tpu.vector_store %arg6[%swap3A, %swap3A_552], %swap3A_555 {strides = array<i32>} : memref<40x128xi32, #tpu.memory_space<vmem>>, vector<1x16xi32>,
        %broadcast_in_dim3A_556 = arith.constant 10008 : i32
        %broadcast_in_dim3A_557 = vector.broadcast %broadcast_in_dim3A_556 : i32 to vector<16xi32>
        %swap3A_558 = arith.index_cast %scan3A_549 : i32 to index
        %swap3A_559 = arith.constant 16 : index
        %swap3A_560 = tpu.vector_load %arg6[%swap3A_558, %swap3A_559] {strides = array<i32>} : memref<40x128xi32, #tpu.memory_space<vmem>>, vector<1x16xi32>,
        %swap3A_561 = vector.shape_cast %swap3A_560 : vector<1x16xi32> to vector<16xi32>
        %swap3A_562 = vector.shape_cast %broadcast_in_dim3A_557 : vector<16xi32> to vector<1x16xi32>
        tpu.vector_store %arg6[%swap3A_558, %swap3A_559], %swap3A_562 {strides = array<i32>} : memref<40x128xi32, #tpu.memory_space<vmem>>, vector<1x16xi32>,
        %broadcast_in_dim3A_563 = arith.constant 10008 : i32
        %broadcast_in_dim3A_564 = vector.broadcast %broadcast_in_dim3A_563 : i32 to vector<16xi32>
        %swap3A_565 = arith.index_cast %scan3A_549 : i32 to index
        %swap3A_566 = arith.constant 32 : index
        %swap3A_567 = tpu.vector_load %arg6[%swap3A_565, %swap3A_566] {strides = array<i32>} : memref<40x128xi32, #tpu.memory_space<vmem>>, vector<1x16xi32>,
        %swap3A_568 = vector.shape_cast %swap3A_567 : vector<1x16xi32> to vector<16xi32>
        %swap3A_569 = vector.shape_cast %broadcast_in_dim3A_564 : vector<16xi32> to vector<1x16xi32>
        tpu.vector_store %arg6[%swap3A_565, %swap3A_566], %swap3A_569 {strides = array<i32>} : memref<40x128xi32, #tpu.memory_space<vmem>>, vector<1x16xi32>,
        %broadcast_in_dim3A_570 = arith.constant 10008 : i32
        %broadcast_in_dim3A_571 = vector.broadcast %broadcast_in_dim3A_570 : i32 to vector<16xi32>
        %swap3A_572 = arith.index_cast %scan3A_549 : i32 to index
        %swap3A_573 = arith.constant 48 : index
        %swap3A_574 = tpu.vector_load %arg6[%swap3A_572, %swap3A_573] {strides = array<i32>} : memref<40x128xi32, #tpu.memory_space<vmem>>, vector<1x16xi32>,
        %swap3A_575 = vector.shape_cast %swap3A_574 : vector<1x16xi32> to vector<16xi32>
        %swap3A_576 = vector.shape_cast %broadcast_in_dim3A_571 : vector<16xi32> to vector<1x16xi32>
        tpu.vector_store %arg6[%swap3A_572, %swap3A_573], %swap3A_576 {strides = array<i32>} : memref<40x128xi32, #tpu.memory_space<vmem>>, vector<1x16xi32>,
        %broadcast_in_dim3A_577 = arith.constant 10008 : i32
        %broadcast_in_dim3A_578 = vector.broadcast %broadcast_in_dim3A_577 : i32 to vector<16xi32>
        %swap3A_579 = arith.index_cast %scan3A_549 : i32 to index
        %swap3A_580 = arith.constant 64 : index
        %swap3A_581 = tpu.vector_load %arg6[%swap3A_579, %swap3A_580] {strides = array<i32>} : memref<40x128xi32, #tpu.memory_space<vmem>>, vector<1x16xi32>,
        %swap3A_582 = vector.shape_cast %swap3A_581 : vector<1x16xi32> to vector<16xi32>
        %swap3A_583 = vector.shape_cast %broadcast_in_dim3A_578 : vector<16xi32> to vector<1x16xi32>
        tpu.vector_store %arg6[%swap3A_579, %swap3A_580], %swap3A_583 {strides = array<i32>} : memref<40x128xi32, #tpu.memory_space<vmem>>, vector<1x16xi32>,
        %broadcast_in_dim3A_584 = arith.constant 10008 : i32
        %broadcast_in_dim3A_585 = vector.broadcast %broadcast_in_dim3A_584 : i32 to vector<16xi32>
        %swap3A_586 = arith.index_cast %scan3A_549 : i32 to index
        %swap3A_587 = arith.constant 80 : index
        %swap3A_588 = tpu.vector_load %arg6[%swap3A_586, %swap3A_587] {strides = array<i32>} : memref<40x128xi32, #tpu.memory_space<vmem>>, vector<1x16xi32>,
        %swap3A_589 = vector.shape_cast %swap3A_588 : vector<1x16xi32> to vector<16xi32>
        %swap3A_590 = vector.shape_cast %broadcast_in_dim3A_585 : vector<16xi32> to vector<1x16xi32>
        tpu.vector_store %arg6[%swap3A_586, %swap3A_587], %swap3A_590 {strides = array<i32>} : memref<40x128xi32, #tpu.memory_space<vmem>>, vector<1x16xi32>,
        %broadcast_in_dim3A_591 = arith.constant 10008 : i32
        %broadcast_in_dim3A_592 = vector.broadcast %broadcast_in_dim3A_591 : i32 to vector<16xi32>
        %swap3A_593 = arith.index_cast %scan3A_549 : i32 to index
        %swap3A_594 = arith.constant 96 : index
        %swap3A_595 = tpu.vector_load %arg6[%swap3A_593, %swap3A_594] {strides = array<i32>} : memref<40x128xi32, #tpu.memory_space<vmem>>, vector<1x16xi32>,
        %swap3A_596 = vector.shape_cast %swap3A_595 : vector<1x16xi32> to vector<16xi32>
        %swap3A_597 = vector.shape_cast %broadcast_in_dim3A_592 : vector<16xi32> to vector<1x16xi32>
        tpu.vector_store %arg6[%swap3A_593, %swap3A_594], %swap3A_597 {strides = array<i32>} : memref<40x128xi32, #tpu.memory_space<vmem>>, vector<1x16xi32>,
        %broadcast_in_dim3A_598 = arith.constant 10008 : i32
        %broadcast_in_dim3A_599 = vector.broadcast %broadcast_in_dim3A_598 : i32 to vector<16xi32>
        %swap3A_600 = arith.index_cast %scan3A_549 : i32 to index
        %swap3A_601 = arith.constant 112 : index
        %swap3A_602 = tpu.vector_load %arg6[%swap3A_600, %swap3A_601] {strides = array<i32>} : memref<40x128xi32, #tpu.memory_space<vmem>>, vector<1x16xi32>,
        %swap3A_603 = vector.shape_cast %swap3A_602 : vector<1x16xi32> to vector<16xi32>
        %swap3A_604 = vector.shape_cast %broadcast_in_dim3A_599 : vector<16xi32> to vector<1x16xi32>
        tpu.vector_store %arg6[%swap3A_600, %swap3A_601], %swap3A_604 {strides = array<i32>} : memref<40x128xi32, #tpu.memory_space<vmem>>, vector<1x16xi32>,
        %scan3A_605 = arith.constant 0 : i32
        scf.yield %scan3A_605 : i32
      }
      %scan3A_548 = arith.constant 40 : i32
    } else {
    }
    %dma_start3A_279 = arith.constant 0 : i32
    %dma_start3A_280 = arith.constant 0 : i32
    %dma_start3A_281 = tpu.memref_slice %arg5[%dma_start3A_279, %dma_start3A_280] : memref<40x128xi32, #tpu.memory_space<vmem>> -> memref<1x128xi32, #tpu.memory_space<vmem>>
    %dma_start3A_282 = tpu.memref_squeeze %dma_start3A_281 : memref<1x128xi32, #tpu.memory_space<vmem>> -> memref<128xi32, #tpu.memory_space<vmem>>
    %dma_start3A_283 = arith.constant 0 : i32
    %dma_start3A_284 = arith.constant 0 : i32
    %dma_start3A_285 = tpu.memref_slice %arg2[%dma_start3A_283, %dma_start3A_284] : memref<10112x128xbf16, #tpu.memory_space<hbm>> -> memref<10112x128xbf16, #tpu.memory_space<hbm>>
    tpu.enqueue_indirect_dma source(%dma_start3A_285 : memref<10112x128xbf16, #tpu.memory_space<hbm>>) target(%arg7 : memref<128x128xbf16, #tpu.memory_space<vmem>>) offsets(%dma_start3A_282 : memref<128xi32, #tpu.memory_space<vmem>>) semaphore(%arg16 : memref<!tpu.dma_semaphore, #tpu.memory_space<semaphore_mem>>)
    %dma_start3A_286 = arith.constant 1 : i32
    %dma_start3A_287 = arith.constant 0 : i32
    %dma_start3A_288 = tpu.memref_slice %arg5[%dma_start3A_286, %dma_start3A_287] : memref<40x128xi32, #tpu.memory_space<vmem>> -> memref<1x128xi32, #tpu.memory_space<vmem>>
    %dma_start3A_289 = tpu.memref_squeeze %dma_start3A_288 : memref<1x128xi32, #tpu.memory_space<vmem>> -> memref<128xi32, #tpu.memory_space<vmem>>
    %dma_start3A_290 = arith.constant 0 : i32
    %dma_start3A_291 = arith.constant 0 : i32
    %dma_start3A_292 = tpu.memref_slice %arg2[%dma_start3A_290, %dma_start3A_291] : memref<10112x128xbf16, #tpu.memory_space<hbm>> -> memref<10112x128xbf16, #tpu.memory_space<hbm>>
    tpu.enqueue_indirect_dma source(%dma_start3A_292 : memref<10112x128xbf16, #tpu.memory_space<hbm>>) target(%arg8 : memref<128x128xbf16, #tpu.memory_space<vmem>>) offsets(%dma_start3A_289 : memref<128xi32, #tpu.memory_space<vmem>>) semaphore(%arg17 : memref<!tpu.dma_semaphore, #tpu.memory_space<semaphore_mem>>)
    %dma_start3A_293 = arith.constant 2 : i32
    %dma_start3A_294 = arith.constant 0 : i32
    %dma_start3A_295 = tpu.memref_slice %arg5[%dma_start3A_293, %dma_start3A_294] : memref<40x128xi32, #tpu.memory_space<vmem>> -> memref<1x128xi32, #tpu.memory_space<vmem>>
    %dma_start3A_296 = tpu.memref_squeeze %dma_start3A_295 : memref<1x128xi32, #tpu.memory_space<vmem>> -> memref<128xi32, #tpu.memory_space<vmem>>
    %dma_start3A_297 = arith.constant 0 : i32
    %dma_start3A_298 = arith.constant 0 : i32
    %dma_start3A_299 = tpu.memref_slice %arg2[%dma_start3A_297, %dma_start3A_298] : memref<10112x128xbf16, #tpu.memory_space<hbm>> -> memref<10112x128xbf16, #tpu.memory_space<hbm>>
    tpu.enqueue_indirect_dma source(%dma_start3A_299 : memref<10112x128xbf16, #tpu.memory_space<hbm>>) target(%arg9 : memref<128x128xbf16, #tpu.memory_space<vmem>>) offsets(%dma_start3A_296 : memref<128xi32, #tpu.memory_space<vmem>>) semaphore(%arg18 : memref<!tpu.dma_semaphore, #tpu.memory_space<semaphore_mem>>)
    %dma_start3A_300 = arith.constant 3 : i32
    %dma_start3A_301 = arith.constant 0 : i32
    %dma_start3A_302 = tpu.memref_slice %arg5[%dma_start3A_300, %dma_start3A_301] : memref<40x128xi32, #tpu.memory_space<vmem>> -> memref<1x128xi32, #tpu.memory_space<vmem>>
    %dma_start3A_303 = tpu.memref_squeeze %dma_start3A_302 : memref<1x128xi32, #tpu.memory_space<vmem>> -> memref<128xi32, #tpu.memory_space<vmem>>
    %dma_start3A_304 = arith.constant 0 : i32
    %dma_start3A_305 = arith.constant 0 : i32
    %dma_start3A_306 = tpu.memref_slice %arg2[%dma_start3A_304, %dma_start3A_305] : memref<10112x128xbf16, #tpu.memory_space<hbm>> -> memref<10112x128xbf16, #tpu.memory_space<hbm>>
    tpu.enqueue_indirect_dma source(%dma_start3A_306 : memref<10112x128xbf16, #tpu.memory_space<hbm>>) target(%arg10 : memref<128x128xbf16, #tpu.memory_space<vmem>>) offsets(%dma_start3A_303 : memref<128xi32, #tpu.memory_space<vmem>>) semaphore(%arg19 : memref<!tpu.dma_semaphore, #tpu.memory_space<semaphore_mem>>)
    %dma_start3A_307 = arith.constant 4 : i32
    %dma_start3A_308 = arith.constant 0 : i32
    %dma_start3A_309 = tpu.memref_slice %arg5[%dma_start3A_307, %dma_start3A_308] : memref<40x128xi32, #tpu.memory_space<vmem>> -> memref<1x128xi32, #tpu.memory_space<vmem>>
    %dma_start3A_310 = tpu.memref_squeeze %dma_start3A_309 : memref<1x128xi32, #tpu.memory_space<vmem>> -> memref<128xi32, #tpu.memory_space<vmem>>
    %dma_start3A_311 = arith.constant 0 : i32
    %dma_start3A_312 = arith.constant 0 : i32
    %dma_start3A_313 = tpu.memref_slice %arg2[%dma_start3A_311, %dma_start3A_312] : memref<10112x128xbf16, #tpu.memory_space<hbm>> -> memref<10112x128xbf16, #tpu.memory_space<hbm>>
    tpu.enqueue_indirect_dma source(%dma_start3A_313 : memref<10112x128xbf16, #tpu.memory_space<hbm>>) target(%arg11 : memref<128x128xbf16, #tpu.memory_space<vmem>>) offsets(%dma_start3A_310 : memref<128xi32, #tpu.memory_space<vmem>>) semaphore(%arg20 : memref<!tpu.dma_semaphore, #tpu.memory_space<semaphore_mem>>)
    %dma_start3A_314 = arith.constant 5 : i32
    %dma_start3A_315 = arith.constant 0 : i32
    %dma_start3A_316 = tpu.memref_slice %arg5[%dma_start3A_314, %dma_start3A_315] : memref<40x128xi32, #tpu.memory_space<vmem>> -> memref<1x128xi32, #tpu.memory_space<vmem>>
    %dma_start3A_317 = tpu.memref_squeeze %dma_start3A_316 : memref<1x128xi32, #tpu.memory_space<vmem>> -> memref<128xi32, #tpu.memory_space<vmem>>
    %dma_start3A_318 = arith.constant 0 : i32
    %dma_start3A_319 = arith.constant 0 : i32
    %dma_start3A_320 = tpu.memref_slice %arg2[%dma_start3A_318, %dma_start3A_319] : memref<10112x128xbf16, #tpu.memory_space<hbm>> -> memref<10112x128xbf16, #tpu.memory_space<hbm>>
    tpu.enqueue_indirect_dma source(%dma_start3A_320 : memref<10112x128xbf16, #tpu.memory_space<hbm>>) target(%arg12 : memref<128x128xbf16, #tpu.memory_space<vmem>>) offsets(%dma_start3A_317 : memref<128xi32, #tpu.memory_space<vmem>>) semaphore(%arg21 : memref<!tpu.dma_semaphore, #tpu.memory_space<semaphore_mem>>)
    %dma_start3A_321 = arith.constant 6 : i32
    %dma_start3A_322 = arith.constant 0 : i32
    %dma_start3A_323 = tpu.memref_slice %arg5[%dma_start3A_321, %dma_start3A_322] : memref<40x128xi32, #tpu.memory_space<vmem>> -> memref<1x128xi32, #tpu.memory_space<vmem>>
    %dma_start3A_324 = tpu.memref_squeeze %dma_start3A_323 : memref<1x128xi32, #tpu.memory_space<vmem>> -> memref<128xi32, #tpu.memory_space<vmem>>
    %dma_start3A_325 = arith.constant 0 : i32
    %dma_start3A_326 = arith.constant 0 : i32
    %dma_start3A_327 = tpu.memref_slice %arg2[%dma_start3A_325, %dma_start3A_326] : memref<10112x128xbf16, #tpu.memory_space<hbm>> -> memref<10112x128xbf16, #tpu.memory_space<hbm>>
    tpu.enqueue_indirect_dma source(%dma_start3A_327 : memref<10112x128xbf16, #tpu.memory_space<hbm>>) target(%arg13 : memref<128x128xbf16, #tpu.memory_space<vmem>>) offsets(%dma_start3A_324 : memref<128xi32, #tpu.memory_space<vmem>>) semaphore(%arg22 : memref<!tpu.dma_semaphore, #tpu.memory_space<semaphore_mem>>)
    %dma_start3A_328 = arith.constant 7 : i32
    %dma_start3A_329 = arith.constant 0 : i32
    %dma_start3A_330 = tpu.memref_slice %arg5[%dma_start3A_328, %dma_start3A_329] : memref<40x128xi32, #tpu.memory_space<vmem>> -> memref<1x128xi32, #tpu.memory_space<vmem>>
    %dma_start3A_331 = tpu.memref_squeeze %dma_start3A_330 : memref<1x128xi32, #tpu.memory_space<vmem>> -> memref<128xi32, #tpu.memory_space<vmem>>
    %dma_start3A_332 = arith.constant 0 : i32
    %dma_start3A_333 = arith.constant 0 : i32
    %dma_start3A_334 = tpu.memref_slice %arg2[%dma_start3A_332, %dma_start3A_333] : memref<10112x128xbf16, #tpu.memory_space<hbm>> -> memref<10112x128xbf16, #tpu.memory_space<hbm>>
    tpu.enqueue_indirect_dma source(%dma_start3A_334 : memref<10112x128xbf16, #tpu.memory_space<hbm>>) target(%arg14 : memref<128x128xbf16, #tpu.memory_space<vmem>>) offsets(%dma_start3A_331 : memref<128xi32, #tpu.memory_space<vmem>>) semaphore(%arg23 : memref<!tpu.dma_semaphore, #tpu.memory_space<semaphore_mem>>)
    %scan3A_335 = arith.constant 0 : i32
    %scan3A_336 = arith.constant 0 : i32
    %scan3A_337 = arith.constant 4 : i32
    %scan3A_338 = arith.addi %scan3A_336, %scan3A_337 : i32
    %scan3A_339 = arith.constant 1 : i32
    %scan3A_340 = scf.for %scan3A_535 = %scan3A_336 to %scan3A_338 step %scan3A_339 iter_args(%scan3A_536 = %scan3A_335) -> (i32)  : i32 {
      %mul3A_537 = arith.constant 8 : i32
      %mul3A_538 = arith.muli %scan3A_535, %mul3A_537 : i32
      %add3A_539 = arith.constant 0 : i32
      %add3A_540 = arith.addi %mul3A_538, %add3A_539 : i32
      %dma_wait3A_541 = arith.constant 0 : i32
      %dma_wait3A_542 = tpu.memref_slice %arg5[%add3A_540, %dma_wait3A_541] : memref<40x128xi32, #tpu.memory_space<vmem>> -> memref<1x128xi32, #tpu.memory_space<vmem>>
      %dma_wait3A_543 = tpu.memref_squeeze %dma_wait3A_542 : memref<1x128xi32, #tpu.memory_space<vmem>> -> memref<128xi32, #tpu.memory_space<vmem>>
      %dma_wait3A_544 = arith.constant 0 : i32
      %dma_wait3A_545 = arith.constant 0 : i32
      %dma_wait3A_546 = tpu.memref_slice %arg2[%dma_wait3A_544, %dma_wait3A_545] : memref<10112x128xbf16, #tpu.memory_space<hbm>> -> memref<10112x128xbf16, #tpu.memory_space<hbm>>
      tpu.wait_indirect_dma semaphore(%arg16 : memref<!tpu.dma_semaphore, #tpu.memory_space<semaphore_mem>>) src(%dma_wait3A_546 : memref<10112x128xbf16, #tpu.memory_space<hbm>>) dst(%arg7 : memref<128x128xbf16, #tpu.memory_space<vmem>>)
      %add3A_547 = arith.constant 0 : i32
      %add3A_548 = arith.addi %mul3A_538, %add3A_547 : i32
      %dma_start3A_549 = arith.constant 0 : i32
      %dma_start3A_550 = tpu.memref_slice %arg6[%add3A_548, %dma_start3A_549] : memref<40x128xi32, #tpu.memory_space<vmem>> -> memref<1x128xi32, #tpu.memory_space<vmem>>
      %dma_start3A_551 = tpu.memref_squeeze %dma_start3A_550 : memref<1x128xi32, #tpu.memory_space<vmem>> -> memref<128xi32, #tpu.memory_space<vmem>>
      %dma_start3A_552 = arith.constant 0 : i32
      %dma_start3A_553 = arith.constant 0 : i32
      %dma_start3A_554 = tpu.memref_slice %arg15[%dma_start3A_552, %dma_start3A_553] : memref<10112x128xbf16, #tpu.memory_space<vmem_shared>> -> memref<10112x128xbf16, #tpu.memory_space<vmem_shared>>
      tpu.enqueue_indirect_dma source(%arg7 : memref<128x128xbf16, #tpu.memory_space<vmem>>) target(%dma_start3A_554 : memref<10112x128xbf16, #tpu.memory_space<vmem_shared>>) offsets(%dma_start3A_551 : memref<128xi32, #tpu.memory_space<vmem>>) semaphore(%arg24 : memref<!tpu.dma_semaphore, #tpu.memory_space<semaphore_mem>>) {add = true}
      %add3A_555 = arith.constant 1 : i32
      %add3A_556 = arith.addi %mul3A_538, %add3A_555 : i32
      %dma_wait3A_557 = arith.constant 0 : i32
      %dma_wait3A_558 = tpu.memref_slice %arg5[%add3A_556, %dma_wait3A_557] : memref<40x128xi32, #tpu.memory_space<vmem>> -> memref<1x128xi32, #tpu.memory_space<vmem>>
      %dma_wait3A_559 = tpu.memref_squeeze %dma_wait3A_558 : memref<1x128xi32, #tpu.memory_space<vmem>> -> memref<128xi32, #tpu.memory_space<vmem>>
      %dma_wait3A_560 = arith.constant 0 : i32
      %dma_wait3A_561 = arith.constant 0 : i32
      %dma_wait3A_562 = tpu.memref_slice %arg2[%dma_wait3A_560, %dma_wait3A_561] : memref<10112x128xbf16, #tpu.memory_space<hbm>> -> memref<10112x128xbf16, #tpu.memory_space<hbm>>
      tpu.wait_indirect_dma semaphore(%arg17 : memref<!tpu.dma_semaphore, #tpu.memory_space<semaphore_mem>>) src(%dma_wait3A_562 : memref<10112x128xbf16, #tpu.memory_space<hbm>>) dst(%arg8 : memref<128x128xbf16, #tpu.memory_space<vmem>>)
      %add3A_563 = arith.constant 1 : i32
      %add3A_564 = arith.addi %mul3A_538, %add3A_563 : i32
      %dma_start3A_565 = arith.constant 0 : i32
      %dma_start3A_566 = tpu.memref_slice %arg6[%add3A_564, %dma_start3A_565] : memref<40x128xi32, #tpu.memory_space<vmem>> -> memref<1x128xi32, #tpu.memory_space<vmem>>
      %dma_start3A_567 = tpu.memref_squeeze %dma_start3A_566 : memref<1x128xi32, #tpu.memory_space<vmem>> -> memref<128xi32, #tpu.memory_space<vmem>>
      %dma_start3A_568 = arith.constant 0 : i32
      %dma_start3A_569 = arith.constant 0 : i32
      %dma_start3A_570 = tpu.memref_slice %arg15[%dma_start3A_568, %dma_start3A_569] : memref<10112x128xbf16, #tpu.memory_space<vmem_shared>> -> memref<10112x128xbf16, #tpu.memory_space<vmem_shared>>
      tpu.enqueue_indirect_dma source(%arg8 : memref<128x128xbf16, #tpu.memory_space<vmem>>) target(%dma_start3A_570 : memref<10112x128xbf16, #tpu.memory_space<vmem_shared>>) offsets(%dma_start3A_567 : memref<128xi32, #tpu.memory_space<vmem>>) semaphore(%arg25 : memref<!tpu.dma_semaphore, #tpu.memory_space<semaphore_mem>>) {add = true}
      %add3A_571 = arith.constant 2 : i32
      %add3A_572 = arith.addi %mul3A_538, %add3A_571 : i32
      %dma_wait3A_573 = arith.constant 0 : i32
      %dma_wait3A_574 = tpu.memref_slice %arg5[%add3A_572, %dma_wait3A_573] : memref<40x128xi32, #tpu.memory_space<vmem>> -> memref<1x128xi32, #tpu.memory_space<vmem>>
      %dma_wait3A_575 = tpu.memref_squeeze %dma_wait3A_574 : memref<1x128xi32, #tpu.memory_space<vmem>> -> memref<128xi32, #tpu.memory_space<vmem>>
      %dma_wait3A_576 = arith.constant 0 : i32
      %dma_wait3A_577 = arith.constant 0 : i32
      %dma_wait3A_578 = tpu.memref_slice %arg2[%dma_wait3A_576, %dma_wait3A_577] : memref<10112x128xbf16, #tpu.memory_space<hbm>> -> memref<10112x128xbf16, #tpu.memory_space<hbm>>
      tpu.wait_indirect_dma semaphore(%arg18 : memref<!tpu.dma_semaphore, #tpu.memory_space<semaphore_mem>>) src(%dma_wait3A_578 : memref<10112x128xbf16, #tpu.memory_space<hbm>>) dst(%arg9 : memref<128x128xbf16, #tpu.memory_space<vmem>>)
      %add3A_579 = arith.constant 2 : i32
      %add3A_580 = arith.addi %mul3A_538, %add3A_579 : i32
      %dma_start3A_581 = arith.constant 0 : i32
      %dma_start3A_582 = tpu.memref_slice %arg6[%add3A_580, %dma_start3A_581] : memref<40x128xi32, #tpu.memory_space<vmem>> -> memref<1x128xi32, #tpu.memory_space<vmem>>
      %dma_start3A_583 = tpu.memref_squeeze %dma_start3A_582 : memref<1x128xi32, #tpu.memory_space<vmem>> -> memref<128xi32, #tpu.memory_space<vmem>>
      %dma_start3A_584 = arith.constant 0 : i32
      %dma_start3A_585 = arith.constant 0 : i32
      %dma_start3A_586 = tpu.memref_slice %arg15[%dma_start3A_584, %dma_start3A_585] : memref<10112x128xbf16, #tpu.memory_space<vmem_shared>> -> memref<10112x128xbf16, #tpu.memory_space<vmem_shared>>
      tpu.enqueue_indirect_dma source(%arg9 : memref<128x128xbf16, #tpu.memory_space<vmem>>) target(%dma_start3A_586 : memref<10112x128xbf16, #tpu.memory_space<vmem_shared>>) offsets(%dma_start3A_583 : memref<128xi32, #tpu.memory_space<vmem>>) semaphore(%arg26 : memref<!tpu.dma_semaphore, #tpu.memory_space<semaphore_mem>>) {add = true}
      %add3A_587 = arith.constant 3 : i32
      %add3A_588 = arith.addi %mul3A_538, %add3A_587 : i32
      %dma_wait3A_589 = arith.constant 0 : i32
      %dma_wait3A_590 = tpu.memref_slice %arg5[%add3A_588, %dma_wait3A_589] : memref<40x128xi32, #tpu.memory_space<vmem>> -> memref<1x128xi32, #tpu.memory_space<vmem>>
      %dma_wait3A_591 = tpu.memref_squeeze %dma_wait3A_590 : memref<1x128xi32, #tpu.memory_space<vmem>> -> memref<128xi32, #tpu.memory_space<vmem>>
      %dma_wait3A_592 = arith.constant 0 : i32
      %dma_wait3A_593 = arith.constant 0 : i32
      %dma_wait3A_594 = tpu.memref_slice %arg2[%dma_wait3A_592, %dma_wait3A_593] : memref<10112x128xbf16, #tpu.memory_space<hbm>> -> memref<10112x128xbf16, #tpu.memory_space<hbm>>
      tpu.wait_indirect_dma semaphore(%arg19 : memref<!tpu.dma_semaphore, #tpu.memory_space<semaphore_mem>>) src(%dma_wait3A_594 : memref<10112x128xbf16, #tpu.memory_space<hbm>>) dst(%arg10 : memref<128x128xbf16, #tpu.memory_space<vmem>>)
      %add3A_595 = arith.constant 3 : i32
      %add3A_596 = arith.addi %mul3A_538, %add3A_595 : i32
      %dma_start3A_597 = arith.constant 0 : i32
      %dma_start3A_598 = tpu.memref_slice %arg6[%add3A_596, %dma_start3A_597] : memref<40x128xi32, #tpu.memory_space<vmem>> -> memref<1x128xi32, #tpu.memory_space<vmem>>
      %dma_start3A_599 = tpu.memref_squeeze %dma_start3A_598 : memref<1x128xi32, #tpu.memory_space<vmem>> -> memref<128xi32, #tpu.memory_space<vmem>>
      %dma_start3A_600 = arith.constant 0 : i32
      %dma_start3A_601 = arith.constant 0 : i32
      %dma_start3A_602 = tpu.memref_slice %arg15[%dma_start3A_600, %dma_start3A_601] : memref<10112x128xbf16, #tpu.memory_space<vmem_shared>> -> memref<10112x128xbf16, #tpu.memory_space<vmem_shared>>
      tpu.enqueue_indirect_dma source(%arg10 : memref<128x128xbf16, #tpu.memory_space<vmem>>) target(%dma_start3A_602 : memref<10112x128xbf16, #tpu.memory_space<vmem_shared>>) offsets(%dma_start3A_599 : memref<128xi32, #tpu.memory_space<vmem>>) semaphore(%arg27 : memref<!tpu.dma_semaphore, #tpu.memory_space<semaphore_mem>>) {add = true}
      %add3A_603 = arith.constant 4 : i32
      %add3A_604 = arith.addi %mul3A_538, %add3A_603 : i32
      %dma_wait3A_605 = arith.constant 0 : i32
      %dma_wait3A_606 = tpu.memref_slice %arg5[%add3A_604, %dma_wait3A_605] : memref<40x128xi32, #tpu.memory_space<vmem>> -> memref<1x128xi32, #tpu.memory_space<vmem>>
      %dma_wait3A_607 = tpu.memref_squeeze %dma_wait3A_606 : memref<1x128xi32, #tpu.memory_space<vmem>> -> memref<128xi32, #tpu.memory_space<vmem>>
      %dma_wait3A_608 = arith.constant 0 : i32
      %dma_wait3A_609 = arith.constant 0 : i32
      %dma_wait3A_610 = tpu.memref_slice %arg2[%dma_wait3A_608, %dma_wait3A_609] : memref<10112x128xbf16, #tpu.memory_space<hbm>> -> memref<10112x128xbf16, #tpu.memory_space<hbm>>
      tpu.wait_indirect_dma semaphore(%arg20 : memref<!tpu.dma_semaphore, #tpu.memory_space<semaphore_mem>>) src(%dma_wait3A_610 : memref<10112x128xbf16, #tpu.memory_space<hbm>>) dst(%arg11 : memref<128x128xbf16, #tpu.memory_space<vmem>>)
      %add3A_611 = arith.constant 4 : i32
      %add3A_612 = arith.addi %mul3A_538, %add3A_611 : i32
      %dma_start3A_613 = arith.constant 0 : i32
      %dma_start3A_614 = tpu.memref_slice %arg6[%add3A_612, %dma_start3A_613] : memref<40x128xi32, #tpu.memory_space<vmem>> -> memref<1x128xi32, #tpu.memory_space<vmem>>
      %dma_start3A_615 = tpu.memref_squeeze %dma_start3A_614 : memref<1x128xi32, #tpu.memory_space<vmem>> -> memref<128xi32, #tpu.memory_space<vmem>>
      %dma_start3A_616 = arith.constant 0 : i32
      %dma_start3A_617 = arith.constant 0 : i32
      %dma_start3A_618 = tpu.memref_slice %arg15[%dma_start3A_616, %dma_start3A_617] : memref<10112x128xbf16, #tpu.memory_space<vmem_shared>> -> memref<10112x128xbf16, #tpu.memory_space<vmem_shared>>
      tpu.enqueue_indirect_dma source(%arg11 : memref<128x128xbf16, #tpu.memory_space<vmem>>) target(%dma_start3A_618 : memref<10112x128xbf16, #tpu.memory_space<vmem_shared>>) offsets(%dma_start3A_615 : memref<128xi32, #tpu.memory_space<vmem>>) semaphore(%arg28 : memref<!tpu.dma_semaphore, #tpu.memory_space<semaphore_mem>>) {add = true}
      %add3A_619 = arith.constant 5 : i32
      %add3A_620 = arith.addi %mul3A_538, %add3A_619 : i32
      %dma_wait3A_621 = arith.constant 0 : i32
      %dma_wait3A_622 = tpu.memref_slice %arg5[%add3A_620, %dma_wait3A_621] : memref<40x128xi32, #tpu.memory_space<vmem>> -> memref<1x128xi32, #tpu.memory_space<vmem>>
      %dma_wait3A_623 = tpu.memref_squeeze %dma_wait3A_622 : memref<1x128xi32, #tpu.memory_space<vmem>> -> memref<128xi32, #tpu.memory_space<vmem>>
      %dma_wait3A_624 = arith.constant 0 : i32
      %dma_wait3A_625 = arith.constant 0 : i32
      %dma_wait3A_626 = tpu.memref_slice %arg2[%dma_wait3A_624, %dma_wait3A_625] : memref<10112x128xbf16, #tpu.memory_space<hbm>> -> memref<10112x128xbf16, #tpu.memory_space<hbm>>
      tpu.wait_indirect_dma semaphore(%arg21 : memref<!tpu.dma_semaphore, #tpu.memory_space<semaphore_mem>>) src(%dma_wait3A_626 : memref<10112x128xbf16, #tpu.memory_space<hbm>>) dst(%arg12 : memref<128x128xbf16, #tpu.memory_space<vmem>>)
      %add3A_627 = arith.constant 5 : i32
      %add3A_628 = arith.addi %mul3A_538, %add3A_627 : i32
      %dma_start3A_629 = arith.constant 0 : i32
      %dma_start3A_630 = tpu.memref_slice %arg6[%add3A_628, %dma_start3A_629] : memref<40x128xi32, #tpu.memory_space<vmem>> -> memref<1x128xi32, #tpu.memory_space<vmem>>
      %dma_start3A_631 = tpu.memref_squeeze %dma_start3A_630 : memref<1x128xi32, #tpu.memory_space<vmem>> -> memref<128xi32, #tpu.memory_space<vmem>>
      %dma_start3A_632 = arith.constant 0 : i32
      %dma_start3A_633 = arith.constant 0 : i32
      %dma_start3A_634 = tpu.memref_slice %arg15[%dma_start3A_632, %dma_start3A_633] : memref<10112x128xbf16, #tpu.memory_space<vmem_shared>> -> memref<10112x128xbf16, #tpu.memory_space<vmem_shared>>
      tpu.enqueue_indirect_dma source(%arg12 : memref<128x128xbf16, #tpu.memory_space<vmem>>) target(%dma_start3A_634 : memref<10112x128xbf16, #tpu.memory_space<vmem_shared>>) offsets(%dma_start3A_631 : memref<128xi32, #tpu.memory_space<vmem>>) semaphore(%arg29 : memref<!tpu.dma_semaphore, #tpu.memory_space<semaphore_mem>>) {add = true}
      %add3A_635 = arith.constant 6 : i32
      %add3A_636 = arith.addi %mul3A_538, %add3A_635 : i32
      %dma_wait3A_637 = arith.constant 0 : i32
      %dma_wait3A_638 = tpu.memref_slice %arg5[%add3A_636, %dma_wait3A_637] : memref<40x128xi32, #tpu.memory_space<vmem>> -> memref<1x128xi32, #tpu.memory_space<vmem>>
      %dma_wait3A_639 = tpu.memref_squeeze %dma_wait3A_638 : memref<1x128xi32, #tpu.memory_space<vmem>> -> memref<128xi32, #tpu.memory_space<vmem>>
      %dma_wait3A_640 = arith.constant 0 : i32
      %dma_wait3A_641 = arith.constant 0 : i32
      %dma_wait3A_642 = tpu.memref_slice %arg2[%dma_wait3A_640, %dma_wait3A_641] : memref<10112x128xbf16, #tpu.memory_space<hbm>> -> memref<10112x128xbf16, #tpu.memory_space<hbm>>
      tpu.wait_indirect_dma semaphore(%arg22 : memref<!tpu.dma_semaphore, #tpu.memory_space<semaphore_mem>>) src(%dma_wait3A_642 : memref<10112x128xbf16, #tpu.memory_space<hbm>>) dst(%arg13 : memref<128x128xbf16, #tpu.memory_space<vmem>>)
      %add3A_643 = arith.constant 6 : i32
      %add3A_644 = arith.addi %mul3A_538, %add3A_643 : i32
      %dma_start3A_645 = arith.constant 0 : i32
      %dma_start3A_646 = tpu.memref_slice %arg6[%add3A_644, %dma_start3A_645] : memref<40x128xi32, #tpu.memory_space<vmem>> -> memref<1x128xi32, #tpu.memory_space<vmem>>
      %dma_start3A_647 = tpu.memref_squeeze %dma_start3A_646 : memref<1x128xi32, #tpu.memory_space<vmem>> -> memref<128xi32, #tpu.memory_space<vmem>>
      %dma_start3A_648 = arith.constant 0 : i32
      %dma_start3A_649 = arith.constant 0 : i32
      %dma_start3A_650 = tpu.memref_slice %arg15[%dma_start3A_648, %dma_start3A_649] : memref<10112x128xbf16, #tpu.memory_space<vmem_shared>> -> memref<10112x128xbf16, #tpu.memory_space<vmem_shared>>
      tpu.enqueue_indirect_dma source(%arg13 : memref<128x128xbf16, #tpu.memory_space<vmem>>) target(%dma_start3A_650 : memref<10112x128xbf16, #tpu.memory_space<vmem_shared>>) offsets(%dma_start3A_647 : memref<128xi32, #tpu.memory_space<vmem>>) semaphore(%arg30 : memref<!tpu.dma_semaphore, #tpu.memory_space<semaphore_mem>>) {add = true}
      %add3A_651 = arith.constant 7 : i32
      %add3A_652 = arith.addi %mul3A_538, %add3A_651 : i32
      %dma_wait3A_653 = arith.constant 0 : i32
      %dma_wait3A_654 = tpu.memref_slice %arg5[%add3A_652, %dma_wait3A_653] : memref<40x128xi32, #tpu.memory_space<vmem>> -> memref<1x128xi32, #tpu.memory_space<vmem>>
      %dma_wait3A_655 = tpu.memref_squeeze %dma_wait3A_654 : memref<1x128xi32, #tpu.memory_space<vmem>> -> memref<128xi32, #tpu.memory_space<vmem>>
      %dma_wait3A_656 = arith.constant 0 : i32
      %dma_wait3A_657 = arith.constant 0 : i32
      %dma_wait3A_658 = tpu.memref_slice %arg2[%dma_wait3A_656, %dma_wait3A_657] : memref<10112x128xbf16, #tpu.memory_space<hbm>> -> memref<10112x128xbf16, #tpu.memory_space<hbm>>
      tpu.wait_indirect_dma semaphore(%arg23 : memref<!tpu.dma_semaphore, #tpu.memory_space<semaphore_mem>>) src(%dma_wait3A_658 : memref<10112x128xbf16, #tpu.memory_space<hbm>>) dst(%arg14 : memref<128x128xbf16, #tpu.memory_space<vmem>>)
      %add3A_659 = arith.constant 7 : i32
      %add3A_660 = arith.addi %mul3A_538, %add3A_659 : i32
      %dma_start3A_661 = arith.constant 0 : i32
      %dma_start3A_662 = tpu.memref_slice %arg6[%add3A_660, %dma_start3A_661] : memref<40x128xi32, #tpu.memory_space<vmem>> -> memref<1x128xi32, #tpu.memory_space<vmem>>
      %dma_start3A_663 = tpu.memref_squeeze %dma_start3A_662 : memref<1x128xi32, #tpu.memory_space<vmem>> -> memref<128xi32, #tpu.memory_space<vmem>>
      %dma_start3A_664 = arith.constant 0 : i32
      %dma_start3A_665 = arith.constant 0 : i32
      %dma_start3A_666 = tpu.memref_slice %arg15[%dma_start3A_664, %dma_start3A_665] : memref<10112x128xbf16, #tpu.memory_space<vmem_shared>> -> memref<10112x128xbf16, #tpu.memory_space<vmem_shared>>
      tpu.enqueue_indirect_dma source(%arg14 : memref<128x128xbf16, #tpu.memory_space<vmem>>) target(%dma_start3A_666 : memref<10112x128xbf16, #tpu.memory_space<vmem_shared>>) offsets(%dma_start3A_663 : memref<128xi32, #tpu.memory_space<vmem>>) semaphore(%arg31 : memref<!tpu.dma_semaphore, #tpu.memory_space<semaphore_mem>>) {add = true}
      %add3A_667 = arith.constant 0 : i32
      %add3A_668 = arith.addi %mul3A_538, %add3A_667 : i32
      %dma_wait3A_669 = arith.constant 0 : i32
      %dma_wait3A_670 = tpu.memref_slice %arg6[%add3A_668, %dma_wait3A_669] : memref<40x128xi32, #tpu.memory_space<vmem>> -> memref<1x128xi32, #tpu.memory_space<vmem>>
      %dma_wait3A_671 = tpu.memref_squeeze %dma_wait3A_670 : memref<1x128xi32, #tpu.memory_space<vmem>> -> memref<128xi32, #tpu.memory_space<vmem>>
      %dma_wait3A_672 = arith.constant 0 : i32
      %dma_wait3A_673 = arith.constant 0 : i32
      %dma_wait3A_674 = tpu.memref_slice %arg15[%dma_wait3A_672, %dma_wait3A_673] : memref<10112x128xbf16, #tpu.memory_space<vmem_shared>> -> memref<10112x128xbf16, #tpu.memory_space<vmem_shared>>
      tpu.wait_indirect_dma semaphore(%arg24 : memref<!tpu.dma_semaphore, #tpu.memory_space<semaphore_mem>>) src(%arg7 : memref<128x128xbf16, #tpu.memory_space<vmem>>) dst(%dma_wait3A_674 : memref<10112x128xbf16, #tpu.memory_space<vmem_shared>>)
      %add3A_675 = arith.constant 8 : i32
      %add3A_676 = arith.addi %mul3A_538, %add3A_675 : i32
      %add3A_677 = arith.constant 0 : i32
      %add3A_678 = arith.addi %add3A_676, %add3A_677 : i32
      %dma_start3A_679 = arith.constant 0 : i32
      %dma_start3A_680 = tpu.memref_slice %arg5[%add3A_678, %dma_start3A_679] : memref<40x128xi32, #tpu.memory_space<vmem>> -> memref<1x128xi32, #tpu.memory_space<vmem>>
      %dma_start3A_681 = tpu.memref_squeeze %dma_start3A_680 : memref<1x128xi32, #tpu.memory_space<vmem>> -> memref<128xi32, #tpu.memory_space<vmem>>
      %dma_start3A_682 = arith.constant 0 : i32
      %dma_start3A_683 = arith.constant 0 : i32
      %dma_start3A_684 = tpu.memref_slice %arg2[%dma_start3A_682, %dma_start3A_683] : memref<10112x128xbf16, #tpu.memory_space<hbm>> -> memref<10112x128xbf16, #tpu.memory_space<hbm>>
      tpu.enqueue_indirect_dma source(%dma_start3A_684 : memref<10112x128xbf16, #tpu.memory_space<hbm>>) target(%arg7 : memref<128x128xbf16, #tpu.memory_space<vmem>>) offsets(%dma_start3A_681 : memref<128xi32, #tpu.memory_space<vmem>>) semaphore(%arg16 : memref<!tpu.dma_semaphore, #tpu.memory_space<semaphore_mem>>)
      %add3A_685 = arith.constant 1 : i32
      %add3A_686 = arith.addi %mul3A_538, %add3A_685 : i32
      %dma_wait3A_687 = arith.constant 0 : i32
      %dma_wait3A_688 = tpu.memref_slice %arg6[%add3A_686, %dma_wait3A_687] : memref<40x128xi32, #tpu.memory_space<vmem>> -> memref<1x128xi32, #tpu.memory_space<vmem>>
      %dma_wait3A_689 = tpu.memref_squeeze %dma_wait3A_688 : memref<1x128xi32, #tpu.memory_space<vmem>> -> memref<128xi32, #tpu.memory_space<vmem>>
      %dma_wait3A_690 = arith.constant 0 : i32
      %dma_wait3A_691 = arith.constant 0 : i32
      %dma_wait3A_692 = tpu.memref_slice %arg15[%dma_wait3A_690, %dma_wait3A_691] : memref<10112x128xbf16, #tpu.memory_space<vmem_shared>> -> memref<10112x128xbf16, #tpu.memory_space<vmem_shared>>
      tpu.wait_indirect_dma semaphore(%arg25 : memref<!tpu.dma_semaphore, #tpu.memory_space<semaphore_mem>>) src(%arg8 : memref<128x128xbf16, #tpu.memory_space<vmem>>) dst(%dma_wait3A_692 : memref<10112x128xbf16, #tpu.memory_space<vmem_shared>>)
      %add3A_693 = arith.constant 8 : i32
      %add3A_694 = arith.addi %mul3A_538, %add3A_693 : i32
      %add3A_695 = arith.constant 1 : i32
      %add3A_696 = arith.addi %add3A_694, %add3A_695 : i32
      %dma_start3A_697 = arith.constant 0 : i32
      %dma_start3A_698 = tpu.memref_slice %arg5[%add3A_696, %dma_start3A_697] : memref<40x128xi32, #tpu.memory_space<vmem>> -> memref<1x128xi32, #tpu.memory_space<vmem>>
      %dma_start3A_699 = tpu.memref_squeeze %dma_start3A_698 : memref<1x128xi32, #tpu.memory_space<vmem>> -> memref<128xi32, #tpu.memory_space<vmem>>
      %dma_start3A_700 = arith.constant 0 : i32
      %dma_start3A_701 = arith.constant 0 : i32
      %dma_start3A_702 = tpu.memref_slice %arg2[%dma_start3A_700, %dma_start3A_701] : memref<10112x128xbf16, #tpu.memory_space<hbm>> -> memref<10112x128xbf16, #tpu.memory_space<hbm>>
      tpu.enqueue_indirect_dma source(%dma_start3A_702 : memref<10112x128xbf16, #tpu.memory_space<hbm>>) target(%arg8 : memref<128x128xbf16, #tpu.memory_space<vmem>>) offsets(%dma_start3A_699 : memref<128xi32, #tpu.memory_space<vmem>>) semaphore(%arg17 : memref<!tpu.dma_semaphore, #tpu.memory_space<semaphore_mem>>)
      %add3A_703 = arith.constant 2 : i32
      %add3A_704 = arith.addi %mul3A_538, %add3A_703 : i32
      %dma_wait3A_705 = arith.constant 0 : i32
      %dma_wait3A_706 = tpu.memref_slice %arg6[%add3A_704, %dma_wait3A_705] : memref<40x128xi32, #tpu.memory_space<vmem>> -> memref<1x128xi32, #tpu.memory_space<vmem>>
      %dma_wait3A_707 = tpu.memref_squeeze %dma_wait3A_706 : memref<1x128xi32, #tpu.memory_space<vmem>> -> memref<128xi32, #tpu.memory_space<vmem>>
      %dma_wait3A_708 = arith.constant 0 : i32
      %dma_wait3A_709 = arith.constant 0 : i32
      %dma_wait3A_710 = tpu.memref_slice %arg15[%dma_wait3A_708, %dma_wait3A_709] : memref<10112x128xbf16, #tpu.memory_space<vmem_shared>> -> memref<10112x128xbf16, #tpu.memory_space<vmem_shared>>
      tpu.wait_indirect_dma semaphore(%arg26 : memref<!tpu.dma_semaphore, #tpu.memory_space<semaphore_mem>>) src(%arg9 : memref<128x128xbf16, #tpu.memory_space<vmem>>) dst(%dma_wait3A_710 : memref<10112x128xbf16, #tpu.memory_space<vmem_shared>>)
      %add3A_711 = arith.constant 8 : i32
      %add3A_712 = arith.addi %mul3A_538, %add3A_711 : i32
      %add3A_713 = arith.constant 2 : i32
      %add3A_714 = arith.addi %add3A_712, %add3A_713 : i32
      %dma_start3A_715 = arith.constant 0 : i32
      %dma_start3A_716 = tpu.memref_slice %arg5[%add3A_714, %dma_start3A_715] : memref<40x128xi32, #tpu.memory_space<vmem>> -> memref<1x128xi32, #tpu.memory_space<vmem>>
      %dma_start3A_717 = tpu.memref_squeeze %dma_start3A_716 : memref<1x128xi32, #tpu.memory_space<vmem>> -> memref<128xi32, #tpu.memory_space<vmem>>
      %dma_start3A_718 = arith.constant 0 : i32
      %dma_start3A_719 = arith.constant 0 : i32
      %dma_start3A_720 = tpu.memref_slice %arg2[%dma_start3A_718, %dma_start3A_719] : memref<10112x128xbf16, #tpu.memory_space<hbm>> -> memref<10112x128xbf16, #tpu.memory_space<hbm>>
      tpu.enqueue_indirect_dma source(%dma_start3A_720 : memref<10112x128xbf16, #tpu.memory_space<hbm>>) target(%arg9 : memref<128x128xbf16, #tpu.memory_space<vmem>>) offsets(%dma_start3A_717 : memref<128xi32, #tpu.memory_space<vmem>>) semaphore(%arg18 : memref<!tpu.dma_semaphore, #tpu.memory_space<semaphore_mem>>)
      %add3A_721 = arith.constant 3 : i32
      %add3A_722 = arith.addi %mul3A_538, %add3A_721 : i32
      %dma_wait3A_723 = arith.constant 0 : i32
      %dma_wait3A_724 = tpu.memref_slice %arg6[%add3A_722, %dma_wait3A_723] : memref<40x128xi32, #tpu.memory_space<vmem>> -> memref<1x128xi32, #tpu.memory_space<vmem>>
      %dma_wait3A_725 = tpu.memref_squeeze %dma_wait3A_724 : memref<1x128xi32, #tpu.memory_space<vmem>> -> memref<128xi32, #tpu.memory_space<vmem>>
      %dma_wait3A_726 = arith.constant 0 : i32
      %dma_wait3A_727 = arith.constant 0 : i32
      %dma_wait3A_728 = tpu.memref_slice %arg15[%dma_wait3A_726, %dma_wait3A_727] : memref<10112x128xbf16, #tpu.memory_space<vmem_shared>> -> memref<10112x128xbf16, #tpu.memory_space<vmem_shared>>
      tpu.wait_indirect_dma semaphore(%arg27 : memref<!tpu.dma_semaphore, #tpu.memory_space<semaphore_mem>>) src(%arg10 : memref<128x128xbf16, #tpu.memory_space<vmem>>) dst(%dma_wait3A_728 : memref<10112x128xbf16, #tpu.memory_space<vmem_shared>>)
      %add3A_729 = arith.constant 8 : i32
      %add3A_730 = arith.addi %mul3A_538, %add3A_729 : i32
      %add3A_731 = arith.constant 3 : i32
      %add3A_732 = arith.addi %add3A_730, %add3A_731 : i32
      %dma_start3A_733 = arith.constant 0 : i32
      %dma_start3A_734 = tpu.memref_slice %arg5[%add3A_732, %dma_start3A_733] : memref<40x128xi32, #tpu.memory_space<vmem>> -> memref<1x128xi32, #tpu.memory_space<vmem>>
      %dma_start3A_735 = tpu.memref_squeeze %dma_start3A_734 : memref<1x128xi32, #tpu.memory_space<vmem>> -> memref<128xi32, #tpu.memory_space<vmem>>
      %dma_start3A_736 = arith.constant 0 : i32
      %dma_start3A_737 = arith.constant 0 : i32
      %dma_start3A_738 = tpu.memref_slice %arg2[%dma_start3A_736, %dma_start3A_737] : memref<10112x128xbf16, #tpu.memory_space<hbm>> -> memref<10112x128xbf16, #tpu.memory_space<hbm>>
      tpu.enqueue_indirect_dma source(%dma_start3A_738 : memref<10112x128xbf16, #tpu.memory_space<hbm>>) target(%arg10 : memref<128x128xbf16, #tpu.memory_space<vmem>>) offsets(%dma_start3A_735 : memref<128xi32, #tpu.memory_space<vmem>>) semaphore(%arg19 : memref<!tpu.dma_semaphore, #tpu.memory_space<semaphore_mem>>)
      %add3A_739 = arith.constant 4 : i32
      %add3A_740 = arith.addi %mul3A_538, %add3A_739 : i32
      %dma_wait3A_741 = arith.constant 0 : i32
      %dma_wait3A_742 = tpu.memref_slice %arg6[%add3A_740, %dma_wait3A_741] : memref<40x128xi32, #tpu.memory_space<vmem>> -> memref<1x128xi32, #tpu.memory_space<vmem>>
      %dma_wait3A_743 = tpu.memref_squeeze %dma_wait3A_742 : memref<1x128xi32, #tpu.memory_space<vmem>> -> memref<128xi32, #tpu.memory_space<vmem>>
      %dma_wait3A_744 = arith.constant 0 : i32
      %dma_wait3A_745 = arith.constant 0 : i32
      %dma_wait3A_746 = tpu.memref_slice %arg15[%dma_wait3A_744, %dma_wait3A_745] : memref<10112x128xbf16, #tpu.memory_space<vmem_shared>> -> memref<10112x128xbf16, #tpu.memory_space<vmem_shared>>
      tpu.wait_indirect_dma semaphore(%arg28 : memref<!tpu.dma_semaphore, #tpu.memory_space<semaphore_mem>>) src(%arg11 : memref<128x128xbf16, #tpu.memory_space<vmem>>) dst(%dma_wait3A_746 : memref<10112x128xbf16, #tpu.memory_space<vmem_shared>>)
      %add3A_747 = arith.constant 8 : i32
      %add3A_748 = arith.addi %mul3A_538, %add3A_747 : i32
      %add3A_749 = arith.constant 4 : i32
      %add3A_750 = arith.addi %add3A_748, %add3A_749 : i32
      %dma_start3A_751 = arith.constant 0 : i32
      %dma_start3A_752 = tpu.memref_slice %arg5[%add3A_750, %dma_start3A_751] : memref<40x128xi32, #tpu.memory_space<vmem>> -> memref<1x128xi32, #tpu.memory_space<vmem>>
      %dma_start3A_753 = tpu.memref_squeeze %dma_start3A_752 : memref<1x128xi32, #tpu.memory_space<vmem>> -> memref<128xi32, #tpu.memory_space<vmem>>
      %dma_start3A_754 = arith.constant 0 : i32
      %dma_start3A_755 = arith.constant 0 : i32
      %dma_start3A_756 = tpu.memref_slice %arg2[%dma_start3A_754, %dma_start3A_755] : memref<10112x128xbf16, #tpu.memory_space<hbm>> -> memref<10112x128xbf16, #tpu.memory_space<hbm>>
      tpu.enqueue_indirect_dma source(%dma_start3A_756 : memref<10112x128xbf16, #tpu.memory_space<hbm>>) target(%arg11 : memref<128x128xbf16, #tpu.memory_space<vmem>>) offsets(%dma_start3A_753 : memref<128xi32, #tpu.memory_space<vmem>>) semaphore(%arg20 : memref<!tpu.dma_semaphore, #tpu.memory_space<semaphore_mem>>)
      %add3A_757 = arith.constant 5 : i32
      %add3A_758 = arith.addi %mul3A_538, %add3A_757 : i32
      %dma_wait3A_759 = arith.constant 0 : i32
      %dma_wait3A_760 = tpu.memref_slice %arg6[%add3A_758, %dma_wait3A_759] : memref<40x128xi32, #tpu.memory_space<vmem>> -> memref<1x128xi32, #tpu.memory_space<vmem>>
      %dma_wait3A_761 = tpu.memref_squeeze %dma_wait3A_760 : memref<1x128xi32, #tpu.memory_space<vmem>> -> memref<128xi32, #tpu.memory_space<vmem>>
      %dma_wait3A_762 = arith.constant 0 : i32
      %dma_wait3A_763 = arith.constant 0 : i32
      %dma_wait3A_764 = tpu.memref_slice %arg15[%dma_wait3A_762, %dma_wait3A_763] : memref<10112x128xbf16, #tpu.memory_space<vmem_shared>> -> memref<10112x128xbf16, #tpu.memory_space<vmem_shared>>
      tpu.wait_indirect_dma semaphore(%arg29 : memref<!tpu.dma_semaphore, #tpu.memory_space<semaphore_mem>>) src(%arg12 : memref<128x128xbf16, #tpu.memory_space<vmem>>) dst(%dma_wait3A_764 : memref<10112x128xbf16, #tpu.memory_space<vmem_shared>>)
      %add3A_765 = arith.constant 8 : i32
      %add3A_766 = arith.addi %mul3A_538, %add3A_765 : i32
      %add3A_767 = arith.constant 5 : i32
      %add3A_768 = arith.addi %add3A_766, %add3A_767 : i32
      %dma_start3A_769 = arith.constant 0 : i32
      %dma_start3A_770 = tpu.memref_slice %arg5[%add3A_768, %dma_start3A_769] : memref<40x128xi32, #tpu.memory_space<vmem>> -> memref<1x128xi32, #tpu.memory_space<vmem>>
      %dma_start3A_771 = tpu.memref_squeeze %dma_start3A_770 : memref<1x128xi32, #tpu.memory_space<vmem>> -> memref<128xi32, #tpu.memory_space<vmem>>
      %dma_start3A_772 = arith.constant 0 : i32
      %dma_start3A_773 = arith.constant 0 : i32
      %dma_start3A_774 = tpu.memref_slice %arg2[%dma_start3A_772, %dma_start3A_773] : memref<10112x128xbf16, #tpu.memory_space<hbm>> -> memref<10112x128xbf16, #tpu.memory_space<hbm>>
      tpu.enqueue_indirect_dma source(%dma_start3A_774 : memref<10112x128xbf16, #tpu.memory_space<hbm>>) target(%arg12 : memref<128x128xbf16, #tpu.memory_space<vmem>>) offsets(%dma_start3A_771 : memref<128xi32, #tpu.memory_space<vmem>>) semaphore(%arg21 : memref<!tpu.dma_semaphore, #tpu.memory_space<semaphore_mem>>)
      %add3A_775 = arith.constant 6 : i32
      %add3A_776 = arith.addi %mul3A_538, %add3A_775 : i32
      %dma_wait3A_777 = arith.constant 0 : i32
      %dma_wait3A_778 = tpu.memref_slice %arg6[%add3A_776, %dma_wait3A_777] : memref<40x128xi32, #tpu.memory_space<vmem>> -> memref<1x128xi32, #tpu.memory_space<vmem>>
      %dma_wait3A_779 = tpu.memref_squeeze %dma_wait3A_778 : memref<1x128xi32, #tpu.memory_space<vmem>> -> memref<128xi32, #tpu.memory_space<vmem>>
      %dma_wait3A_780 = arith.constant 0 : i32
      %dma_wait3A_781 = arith.constant 0 : i32
      %dma_wait3A_782 = tpu.memref_slice %arg15[%dma_wait3A_780, %dma_wait3A_781] : memref<10112x128xbf16, #tpu.memory_space<vmem_shared>> -> memref<10112x128xbf16, #tpu.memory_space<vmem_shared>>
      tpu.wait_indirect_dma semaphore(%arg30 : memref<!tpu.dma_semaphore, #tpu.memory_space<semaphore_mem>>) src(%arg13 : memref<128x128xbf16, #tpu.memory_space<vmem>>) dst(%dma_wait3A_782 : memref<10112x128xbf16, #tpu.memory_space<vmem_shared>>)
      %add3A_783 = arith.constant 8 : i32
      %add3A_784 = arith.addi %mul3A_538, %add3A_783 : i32
      %add3A_785 = arith.constant 6 : i32
      %add3A_786 = arith.addi %add3A_784, %add3A_785 : i32
      %dma_start3A_787 = arith.constant 0 : i32
      %dma_start3A_788 = tpu.memref_slice %arg5[%add3A_786, %dma_start3A_787] : memref<40x128xi32, #tpu.memory_space<vmem>> -> memref<1x128xi32, #tpu.memory_space<vmem>>
      %dma_start3A_789 = tpu.memref_squeeze %dma_start3A_788 : memref<1x128xi32, #tpu.memory_space<vmem>> -> memref<128xi32, #tpu.memory_space<vmem>>
      %dma_start3A_790 = arith.constant 0 : i32
      %dma_start3A_791 = arith.constant 0 : i32
      %dma_start3A_792 = tpu.memref_slice %arg2[%dma_start3A_790, %dma_start3A_791] : memref<10112x128xbf16, #tpu.memory_space<hbm>> -> memref<10112x128xbf16, #tpu.memory_space<hbm>>
      tpu.enqueue_indirect_dma source(%dma_start3A_792 : memref<10112x128xbf16, #tpu.memory_space<hbm>>) target(%arg13 : memref<128x128xbf16, #tpu.memory_space<vmem>>) offsets(%dma_start3A_789 : memref<128xi32, #tpu.memory_space<vmem>>) semaphore(%arg22 : memref<!tpu.dma_semaphore, #tpu.memory_space<semaphore_mem>>)
      %add3A_793 = arith.constant 7 : i32
      %add3A_794 = arith.addi %mul3A_538, %add3A_793 : i32
      %dma_wait3A_795 = arith.constant 0 : i32
      %dma_wait3A_796 = tpu.memref_slice %arg6[%add3A_794, %dma_wait3A_795] : memref<40x128xi32, #tpu.memory_space<vmem>> -> memref<1x128xi32, #tpu.memory_space<vmem>>
      %dma_wait3A_797 = tpu.memref_squeeze %dma_wait3A_796 : memref<1x128xi32, #tpu.memory_space<vmem>> -> memref<128xi32, #tpu.memory_space<vmem>>
      %dma_wait3A_798 = arith.constant 0 : i32
      %dma_wait3A_799 = arith.constant 0 : i32
      %dma_wait3A_800 = tpu.memref_slice %arg15[%dma_wait3A_798, %dma_wait3A_799] : memref<10112x128xbf16, #tpu.memory_space<vmem_shared>> -> memref<10112x128xbf16, #tpu.memory_space<vmem_shared>>
      tpu.wait_indirect_dma semaphore(%arg31 : memref<!tpu.dma_semaphore, #tpu.memory_space<semaphore_mem>>) src(%arg14 : memref<128x128xbf16, #tpu.memory_space<vmem>>) dst(%dma_wait3A_800 : memref<10112x128xbf16, #tpu.memory_space<vmem_shared>>)
      %add3A_801 = arith.constant 8 : i32
      %add3A_802 = arith.addi %mul3A_538, %add3A_801 : i32
      %add3A_803 = arith.constant 7 : i32
      %add3A_804 = arith.addi %add3A_802, %add3A_803 : i32
      %dma_start3A_805 = arith.constant 0 : i32
      %dma_start3A_806 = tpu.memref_slice %arg5[%add3A_804, %dma_start3A_805] : memref<40x128xi32, #tpu.memory_space<vmem>> -> memref<1x128xi32, #tpu.memory_space<vmem>>
      %dma_start3A_807 = tpu.memref_squeeze %dma_start3A_806 : memref<1x128xi32, #tpu.memory_space<vmem>> -> memref<128xi32, #tpu.memory_space<vmem>>
      %dma_start3A_808 = arith.constant 0 : i32
      %dma_start3A_809 = arith.constant 0 : i32
      %dma_start3A_810 = tpu.memref_slice %arg2[%dma_start3A_808, %dma_start3A_809] : memref<10112x128xbf16, #tpu.memory_space<hbm>> -> memref<10112x128xbf16, #tpu.memory_space<hbm>>
      tpu.enqueue_indirect_dma source(%dma_start3A_810 : memref<10112x128xbf16, #tpu.memory_space<hbm>>) target(%arg14 : memref<128x128xbf16, #tpu.memory_space<vmem>>) offsets(%dma_start3A_807 : memref<128xi32, #tpu.memory_space<vmem>>) semaphore(%arg23 : memref<!tpu.dma_semaphore, #tpu.memory_space<semaphore_mem>>)
      %scan3A_811 = arith.constant 0 : i32
      scf.yield %scan3A_811 : i32
    }
    %scan3A_341 = arith.constant 4 : i32
    %dma_wait3A_342 = arith.constant 32 : i32
    %dma_wait3A_343 = arith.constant 0 : i32
    %dma_wait3A_344 = tpu.memref_slice %arg5[%dma_wait3A_342, %dma_wait3A_343] : memref<40x128xi32, #tpu.memory_space<vmem>> -> memref<1x128xi32, #tpu.memory_space<vmem>>
    %dma_wait3A_345 = tpu.memref_squeeze %dma_wait3A_344 : memref<1x128xi32, #tpu.memory_space<vmem>> -> memref<128xi32, #tpu.memory_space<vmem>>
    %dma_wait3A_346 = arith.constant 0 : i32
    %dma_wait3A_347 = arith.constant 0 : i32
    %dma_wait3A_348 = tpu.memref_slice %arg2[%dma_wait3A_346, %dma_wait3A_347] : memref<10112x128xbf16, #tpu.memory_space<hbm>> -> memref<10112x128xbf16, #tpu.memory_space<hbm>>
    tpu.wait_indirect_dma semaphore(%arg16 : memref<!tpu.dma_semaphore, #tpu.memory_space<semaphore_mem>>) src(%dma_wait3A_348 : memref<10112x128xbf16, #tpu.memory_space<hbm>>) dst(%arg7 : memref<128x128xbf16, #tpu.memory_space<vmem>>)
    %dma_start3A_349 = arith.constant 32 : i32
    %dma_start3A_350 = arith.constant 0 : i32
    %dma_start3A_351 = tpu.memref_slice %arg6[%dma_start3A_349, %dma_start3A_350] : memref<40x128xi32, #tpu.memory_space<vmem>> -> memref<1x128xi32, #tpu.memory_space<vmem>>
    %dma_start3A_352 = tpu.memref_squeeze %dma_start3A_351 : memref<1x128xi32, #tpu.memory_space<vmem>> -> memref<128xi32, #tpu.memory_space<vmem>>
    %dma_start3A_353 = arith.constant 0 : i32
    %dma_start3A_354 = arith.constant 0 : i32
    %dma_start3A_355 = tpu.memref_slice %arg15[%dma_start3A_353, %dma_start3A_354] : memref<10112x128xbf16, #tpu.memory_space<vmem_shared>> -> memref<10112x128xbf16, #tpu.memory_space<vmem_shared>>
    tpu.enqueue_indirect_dma source(%arg7 : memref<128x128xbf16, #tpu.memory_space<vmem>>) target(%dma_start3A_355 : memref<10112x128xbf16, #tpu.memory_space<vmem_shared>>) offsets(%dma_start3A_352 : memref<128xi32, #tpu.memory_space<vmem>>) semaphore(%arg24 : memref<!tpu.dma_semaphore, #tpu.memory_space<semaphore_mem>>) {add = true}
    %dma_wait3A_356 = arith.constant 33 : i32
    %dma_wait3A_357 = arith.constant 0 : i32
    %dma_wait3A_358 = tpu.memref_slice %arg5[%dma_wait3A_356, %dma_wait3A_357] : memref<40x128xi32, #tpu.memory_space<vmem>> -> memref<1x128xi32, #tpu.memory_space<vmem>>
    %dma_wait3A_359 = tpu.memref_squeeze %dma_wait3A_358 : memref<1x128xi32, #tpu.memory_space<vmem>> -> memref<128xi32, #tpu.memory_space<vmem>>
    %dma_wait3A_360 = arith.constant 0 : i32
    %dma_wait3A_361 = arith.constant 0 : i32
    %dma_wait3A_362 = tpu.memref_slice %arg2[%dma_wait3A_360, %dma_wait3A_361] : memref<10112x128xbf16, #tpu.memory_space<hbm>> -> memref<10112x128xbf16, #tpu.memory_space<hbm>>
    tpu.wait_indirect_dma semaphore(%arg17 : memref<!tpu.dma_semaphore, #tpu.memory_space<semaphore_mem>>) src(%dma_wait3A_362 : memref<10112x128xbf16, #tpu.memory_space<hbm>>) dst(%arg8 : memref<128x128xbf16, #tpu.memory_space<vmem>>)
    %dma_start3A_363 = arith.constant 33 : i32
    %dma_start3A_364 = arith.constant 0 : i32
    %dma_start3A_365 = tpu.memref_slice %arg6[%dma_start3A_363, %dma_start3A_364] : memref<40x128xi32, #tpu.memory_space<vmem>> -> memref<1x128xi32, #tpu.memory_space<vmem>>
    %dma_start3A_366 = tpu.memref_squeeze %dma_start3A_365 : memref<1x128xi32, #tpu.memory_space<vmem>> -> memref<128xi32, #tpu.memory_space<vmem>>
    %dma_start3A_367 = arith.constant 0 : i32
    %dma_start3A_368 = arith.constant 0 : i32
    %dma_start3A_369 = tpu.memref_slice %arg15[%dma_start3A_367, %dma_start3A_368] : memref<10112x128xbf16, #tpu.memory_space<vmem_shared>> -> memref<10112x128xbf16, #tpu.memory_space<vmem_shared>>
    tpu.enqueue_indirect_dma source(%arg8 : memref<128x128xbf16, #tpu.memory_space<vmem>>) target(%dma_start3A_369 : memref<10112x128xbf16, #tpu.memory_space<vmem_shared>>) offsets(%dma_start3A_366 : memref<128xi32, #tpu.memory_space<vmem>>) semaphore(%arg25 : memref<!tpu.dma_semaphore, #tpu.memory_space<semaphore_mem>>) {add = true}
    %dma_wait3A_370 = arith.constant 34 : i32
    %dma_wait3A_371 = arith.constant 0 : i32
    %dma_wait3A_372 = tpu.memref_slice %arg5[%dma_wait3A_370, %dma_wait3A_371] : memref<40x128xi32, #tpu.memory_space<vmem>> -> memref<1x128xi32, #tpu.memory_space<vmem>>
    %dma_wait3A_373 = tpu.memref_squeeze %dma_wait3A_372 : memref<1x128xi32, #tpu.memory_space<vmem>> -> memref<128xi32, #tpu.memory_space<vmem>>
    %dma_wait3A_374 = arith.constant 0 : i32
    %dma_wait3A_375 = arith.constant 0 : i32
    %dma_wait3A_376 = tpu.memref_slice %arg2[%dma_wait3A_374, %dma_wait3A_375] : memref<10112x128xbf16, #tpu.memory_space<hbm>> -> memref<10112x128xbf16, #tpu.memory_space<hbm>>
    tpu.wait_indirect_dma semaphore(%arg18 : memref<!tpu.dma_semaphore, #tpu.memory_space<semaphore_mem>>) src(%dma_wait3A_376 : memref<10112x128xbf16, #tpu.memory_space<hbm>>) dst(%arg9 : memref<128x128xbf16, #tpu.memory_space<vmem>>)
    %dma_start3A_377 = arith.constant 34 : i32
    %dma_start3A_378 = arith.constant 0 : i32
    %dma_start3A_379 = tpu.memref_slice %arg6[%dma_start3A_377, %dma_start3A_378] : memref<40x128xi32, #tpu.memory_space<vmem>> -> memref<1x128xi32, #tpu.memory_space<vmem>>
    %dma_start3A_380 = tpu.memref_squeeze %dma_start3A_379 : memref<1x128xi32, #tpu.memory_space<vmem>> -> memref<128xi32, #tpu.memory_space<vmem>>
    %dma_start3A_381 = arith.constant 0 : i32
    %dma_start3A_382 = arith.constant 0 : i32
    %dma_start3A_383 = tpu.memref_slice %arg15[%dma_start3A_381, %dma_start3A_382] : memref<10112x128xbf16, #tpu.memory_space<vmem_shared>> -> memref<10112x128xbf16, #tpu.memory_space<vmem_shared>>
    tpu.enqueue_indirect_dma source(%arg9 : memref<128x128xbf16, #tpu.memory_space<vmem>>) target(%dma_start3A_383 : memref<10112x128xbf16, #tpu.memory_space<vmem_shared>>) offsets(%dma_start3A_380 : memref<128xi32, #tpu.memory_space<vmem>>) semaphore(%arg26 : memref<!tpu.dma_semaphore, #tpu.memory_space<semaphore_mem>>) {add = true}
    %dma_wait3A_384 = arith.constant 35 : i32
    %dma_wait3A_385 = arith.constant 0 : i32
    %dma_wait3A_386 = tpu.memref_slice %arg5[%dma_wait3A_384, %dma_wait3A_385] : memref<40x128xi32, #tpu.memory_space<vmem>> -> memref<1x128xi32, #tpu.memory_space<vmem>>
    %dma_wait3A_387 = tpu.memref_squeeze %dma_wait3A_386 : memref<1x128xi32, #tpu.memory_space<vmem>> -> memref<128xi32, #tpu.memory_space<vmem>>
    %dma_wait3A_388 = arith.constant 0 : i32
    %dma_wait3A_389 = arith.constant 0 : i32
    %dma_wait3A_390 = tpu.memref_slice %arg2[%dma_wait3A_388, %dma_wait3A_389] : memref<10112x128xbf16, #tpu.memory_space<hbm>> -> memref<10112x128xbf16, #tpu.memory_space<hbm>>
    tpu.wait_indirect_dma semaphore(%arg19 : memref<!tpu.dma_semaphore, #tpu.memory_space<semaphore_mem>>) src(%dma_wait3A_390 : memref<10112x128xbf16, #tpu.memory_space<hbm>>) dst(%arg10 : memref<128x128xbf16, #tpu.memory_space<vmem>>)
    %dma_start3A_391 = arith.constant 35 : i32
    %dma_start3A_392 = arith.constant 0 : i32
    %dma_start3A_393 = tpu.memref_slice %arg6[%dma_start3A_391, %dma_start3A_392] : memref<40x128xi32, #tpu.memory_space<vmem>> -> memref<1x128xi32, #tpu.memory_space<vmem>>
    %dma_start3A_394 = tpu.memref_squeeze %dma_start3A_393 : memref<1x128xi32, #tpu.memory_space<vmem>> -> memref<128xi32, #tpu.memory_space<vmem>>
    %dma_start3A_395 = arith.constant 0 : i32
    %dma_start3A_396 = arith.constant 0 : i32
    %dma_start3A_397 = tpu.memref_slice %arg15[%dma_start3A_395, %dma_start3A_396] : memref<10112x128xbf16, #tpu.memory_space<vmem_shared>> -> memref<10112x128xbf16, #tpu.memory_space<vmem_shared>>
    tpu.enqueue_indirect_dma source(%arg10 : memref<128x128xbf16, #tpu.memory_space<vmem>>) target(%dma_start3A_397 : memref<10112x128xbf16, #tpu.memory_space<vmem_shared>>) offsets(%dma_start3A_394 : memref<128xi32, #tpu.memory_space<vmem>>) semaphore(%arg27 : memref<!tpu.dma_semaphore, #tpu.memory_space<semaphore_mem>>) {add = true}
    %dma_wait3A_398 = arith.constant 36 : i32
    %dma_wait3A_399 = arith.constant 0 : i32
    %dma_wait3A_400 = tpu.memref_slice %arg5[%dma_wait3A_398, %dma_wait3A_399] : memref<40x128xi32, #tpu.memory_space<vmem>> -> memref<1x128xi32, #tpu.memory_space<vmem>>
    %dma_wait3A_401 = tpu.memref_squeeze %dma_wait3A_400 : memref<1x128xi32, #tpu.memory_space<vmem>> -> memref<128xi32, #tpu.memory_space<vmem>>
    %dma_wait3A_402 = arith.constant 0 : i32
    %dma_wait3A_403 = arith.constant 0 : i32
    %dma_wait3A_404 = tpu.memref_slice %arg2[%dma_wait3A_402, %dma_wait3A_403] : memref<10112x128xbf16, #tpu.memory_space<hbm>> -> memref<10112x128xbf16, #tpu.memory_space<hbm>>
    tpu.wait_indirect_dma semaphore(%arg20 : memref<!tpu.dma_semaphore, #tpu.memory_space<semaphore_mem>>) src(%dma_wait3A_404 : memref<10112x128xbf16, #tpu.memory_space<hbm>>) dst(%arg11 : memref<128x128xbf16, #tpu.memory_space<vmem>>)
    %dma_start3A_405 = arith.constant 36 : i32
    %dma_start3A_406 = arith.constant 0 : i32
    %dma_start3A_407 = tpu.memref_slice %arg6[%dma_start3A_405, %dma_start3A_406] : memref<40x128xi32, #tpu.memory_space<vmem>> -> memref<1x128xi32, #tpu.memory_space<vmem>>
    %dma_start3A_408 = tpu.memref_squeeze %dma_start3A_407 : memref<1x128xi32, #tpu.memory_space<vmem>> -> memref<128xi32, #tpu.memory_space<vmem>>
    %dma_start3A_409 = arith.constant 0 : i32
    %dma_start3A_410 = arith.constant 0 : i32
    %dma_start3A_411 = tpu.memref_slice %arg15[%dma_start3A_409, %dma_start3A_410] : memref<10112x128xbf16, #tpu.memory_space<vmem_shared>> -> memref<10112x128xbf16, #tpu.memory_space<vmem_shared>>
    tpu.enqueue_indirect_dma source(%arg11 : memref<128x128xbf16, #tpu.memory_space<vmem>>) target(%dma_start3A_411 : memref<10112x128xbf16, #tpu.memory_space<vmem_shared>>) offsets(%dma_start3A_408 : memref<128xi32, #tpu.memory_space<vmem>>) semaphore(%arg28 : memref<!tpu.dma_semaphore, #tpu.memory_space<semaphore_mem>>) {add = true}
    %dma_wait3A_412 = arith.constant 37 : i32
    %dma_wait3A_413 = arith.constant 0 : i32
    %dma_wait3A_414 = tpu.memref_slice %arg5[%dma_wait3A_412, %dma_wait3A_413] : memref<40x128xi32, #tpu.memory_space<vmem>> -> memref<1x128xi32, #tpu.memory_space<vmem>>
    %dma_wait3A_415 = tpu.memref_squeeze %dma_wait3A_414 : memref<1x128xi32, #tpu.memory_space<vmem>> -> memref<128xi32, #tpu.memory_space<vmem>>
    %dma_wait3A_416 = arith.constant 0 : i32
    %dma_wait3A_417 = arith.constant 0 : i32
    %dma_wait3A_418 = tpu.memref_slice %arg2[%dma_wait3A_416, %dma_wait3A_417] : memref<10112x128xbf16, #tpu.memory_space<hbm>> -> memref<10112x128xbf16, #tpu.memory_space<hbm>>
    tpu.wait_indirect_dma semaphore(%arg21 : memref<!tpu.dma_semaphore, #tpu.memory_space<semaphore_mem>>) src(%dma_wait3A_418 : memref<10112x128xbf16, #tpu.memory_space<hbm>>) dst(%arg12 : memref<128x128xbf16, #tpu.memory_space<vmem>>)
    %dma_start3A_419 = arith.constant 37 : i32
    %dma_start3A_420 = arith.constant 0 : i32
    %dma_start3A_421 = tpu.memref_slice %arg6[%dma_start3A_419, %dma_start3A_420] : memref<40x128xi32, #tpu.memory_space<vmem>> -> memref<1x128xi32, #tpu.memory_space<vmem>>
    %dma_start3A_422 = tpu.memref_squeeze %dma_start3A_421 : memref<1x128xi32, #tpu.memory_space<vmem>> -> memref<128xi32, #tpu.memory_space<vmem>>
    %dma_start3A_423 = arith.constant 0 : i32
    %dma_start3A_424 = arith.constant 0 : i32
    %dma_start3A_425 = tpu.memref_slice %arg15[%dma_start3A_423, %dma_start3A_424] : memref<10112x128xbf16, #tpu.memory_space<vmem_shared>> -> memref<10112x128xbf16, #tpu.memory_space<vmem_shared>>
    tpu.enqueue_indirect_dma source(%arg12 : memref<128x128xbf16, #tpu.memory_space<vmem>>) target(%dma_start3A_425 : memref<10112x128xbf16, #tpu.memory_space<vmem_shared>>) offsets(%dma_start3A_422 : memref<128xi32, #tpu.memory_space<vmem>>) semaphore(%arg29 : memref<!tpu.dma_semaphore, #tpu.memory_space<semaphore_mem>>) {add = true}
    %dma_wait3A_426 = arith.constant 38 : i32
    %dma_wait3A_427 = arith.constant 0 : i32
    %dma_wait3A_428 = tpu.memref_slice %arg5[%dma_wait3A_426, %dma_wait3A_427] : memref<40x128xi32, #tpu.memory_space<vmem>> -> memref<1x128xi32, #tpu.memory_space<vmem>>
    %dma_wait3A_429 = tpu.memref_squeeze %dma_wait3A_428 : memref<1x128xi32, #tpu.memory_space<vmem>> -> memref<128xi32, #tpu.memory_space<vmem>>
    %dma_wait3A_430 = arith.constant 0 : i32
    %dma_wait3A_431 = arith.constant 0 : i32
    %dma_wait3A_432 = tpu.memref_slice %arg2[%dma_wait3A_430, %dma_wait3A_431] : memref<10112x128xbf16, #tpu.memory_space<hbm>> -> memref<10112x128xbf16, #tpu.memory_space<hbm>>
    tpu.wait_indirect_dma semaphore(%arg22 : memref<!tpu.dma_semaphore, #tpu.memory_space<semaphore_mem>>) src(%dma_wait3A_432 : memref<10112x128xbf16, #tpu.memory_space<hbm>>) dst(%arg13 : memref<128x128xbf16, #tpu.memory_space<vmem>>)
    %dma_start3A_433 = arith.constant 38 : i32
    %dma_start3A_434 = arith.constant 0 : i32
    %dma_start3A_435 = tpu.memref_slice %arg6[%dma_start3A_433, %dma_start3A_434] : memref<40x128xi32, #tpu.memory_space<vmem>> -> memref<1x128xi32, #tpu.memory_space<vmem>>
    %dma_start3A_436 = tpu.memref_squeeze %dma_start3A_435 : memref<1x128xi32, #tpu.memory_space<vmem>> -> memref<128xi32, #tpu.memory_space<vmem>>
    %dma_start3A_437 = arith.constant 0 : i32
    %dma_start3A_438 = arith.constant 0 : i32
    %dma_start3A_439 = tpu.memref_slice %arg15[%dma_start3A_437, %dma_start3A_438] : memref<10112x128xbf16, #tpu.memory_space<vmem_shared>> -> memref<10112x128xbf16, #tpu.memory_space<vmem_shared>>
    tpu.enqueue_indirect_dma source(%arg13 : memref<128x128xbf16, #tpu.memory_space<vmem>>) target(%dma_start3A_439 : memref<10112x128xbf16, #tpu.memory_space<vmem_shared>>) offsets(%dma_start3A_436 : memref<128xi32, #tpu.memory_space<vmem>>) semaphore(%arg30 : memref<!tpu.dma_semaphore, #tpu.memory_space<semaphore_mem>>) {add = true}
    %dma_wait3A_440 = arith.constant 39 : i32
    %dma_wait3A_441 = arith.constant 0 : i32
    %dma_wait3A_442 = tpu.memref_slice %arg5[%dma_wait3A_440, %dma_wait3A_441] : memref<40x128xi32, #tpu.memory_space<vmem>> -> memref<1x128xi32, #tpu.memory_space<vmem>>
    %dma_wait3A_443 = tpu.memref_squeeze %dma_wait3A_442 : memref<1x128xi32, #tpu.memory_space<vmem>> -> memref<128xi32, #tpu.memory_space<vmem>>
    %dma_wait3A_444 = arith.constant 0 : i32
    %dma_wait3A_445 = arith.constant 0 : i32
    %dma_wait3A_446 = tpu.memref_slice %arg2[%dma_wait3A_444, %dma_wait3A_445] : memref<10112x128xbf16, #tpu.memory_space<hbm>> -> memref<10112x128xbf16, #tpu.memory_space<hbm>>
    tpu.wait_indirect_dma semaphore(%arg23 : memref<!tpu.dma_semaphore, #tpu.memory_space<semaphore_mem>>) src(%dma_wait3A_446 : memref<10112x128xbf16, #tpu.memory_space<hbm>>) dst(%arg14 : memref<128x128xbf16, #tpu.memory_space<vmem>>)
    %dma_start3A_447 = arith.constant 39 : i32
    %dma_start3A_448 = arith.constant 0 : i32
    %dma_start3A_449 = tpu.memref_slice %arg6[%dma_start3A_447, %dma_start3A_448] : memref<40x128xi32, #tpu.memory_space<vmem>> -> memref<1x128xi32, #tpu.memory_space<vmem>>
    %dma_start3A_450 = tpu.memref_squeeze %dma_start3A_449 : memref<1x128xi32, #tpu.memory_space<vmem>> -> memref<128xi32, #tpu.memory_space<vmem>>
    %dma_start3A_451 = arith.constant 0 : i32
    %dma_start3A_452 = arith.constant 0 : i32
    %dma_start3A_453 = tpu.memref_slice %arg15[%dma_start3A_451, %dma_start3A_452] : memref<10112x128xbf16, #tpu.memory_space<vmem_shared>> -> memref<10112x128xbf16, #tpu.memory_space<vmem_shared>>
    tpu.enqueue_indirect_dma source(%arg14 : memref<128x128xbf16, #tpu.memory_space<vmem>>) target(%dma_start3A_453 : memref<10112x128xbf16, #tpu.memory_space<vmem_shared>>) offsets(%dma_start3A_450 : memref<128xi32, #tpu.memory_space<vmem>>) semaphore(%arg31 : memref<!tpu.dma_semaphore, #tpu.memory_space<semaphore_mem>>) {add = true}
    %dma_wait3A_454 = arith.constant 32 : i32
    %dma_wait3A_455 = arith.constant 0 : i32
    %dma_wait3A_456 = tpu.memref_slice %arg6[%dma_wait3A_454, %dma_wait3A_455] : memref<40x128xi32, #tpu.memory_space<vmem>> -> memref<1x128xi32, #tpu.memory_space<vmem>>
    %dma_wait3A_457 = tpu.memref_squeeze %dma_wait3A_456 : memref<1x128xi32, #tpu.memory_space<vmem>> -> memref<128xi32, #tpu.memory_space<vmem>>
    %dma_wait3A_458 = arith.constant 0 : i32
    %dma_wait3A_459 = arith.constant 0 : i32
    %dma_wait3A_460 = tpu.memref_slice %arg15[%dma_wait3A_458, %dma_wait3A_459] : memref<10112x128xbf16, #tpu.memory_space<vmem_shared>> -> memref<10112x128xbf16, #tpu.memory_space<vmem_shared>>
    tpu.wait_indirect_dma semaphore(%arg24 : memref<!tpu.dma_semaphore, #tpu.memory_space<semaphore_mem>>) src(%arg7 : memref<128x128xbf16, #tpu.memory_space<vmem>>) dst(%dma_wait3A_460 : memref<10112x128xbf16, #tpu.memory_space<vmem_shared>>)
    %dma_wait3A_461 = arith.constant 33 : i32
    %dma_wait3A_462 = arith.constant 0 : i32
    %dma_wait3A_463 = tpu.memref_slice %arg6[%dma_wait3A_461, %dma_wait3A_462] : memref<40x128xi32, #tpu.memory_space<vmem>> -> memref<1x128xi32, #tpu.memory_space<vmem>>
    %dma_wait3A_464 = tpu.memref_squeeze %dma_wait3A_463 : memref<1x128xi32, #tpu.memory_space<vmem>> -> memref<128xi32, #tpu.memory_space<vmem>>
    %dma_wait3A_465 = arith.constant 0 : i32
    %dma_wait3A_466 = arith.constant 0 : i32
    %dma_wait3A_467 = tpu.memref_slice %arg15[%dma_wait3A_465, %dma_wait3A_466] : memref<10112x128xbf16, #tpu.memory_space<vmem_shared>> -> memref<10112x128xbf16, #tpu.memory_space<vmem_shared>>
    tpu.wait_indirect_dma semaphore(%arg25 : memref<!tpu.dma_semaphore, #tpu.memory_space<semaphore_mem>>) src(%arg8 : memref<128x128xbf16, #tpu.memory_space<vmem>>) dst(%dma_wait3A_467 : memref<10112x128xbf16, #tpu.memory_space<vmem_shared>>)
    %dma_wait3A_468 = arith.constant 34 : i32
    %dma_wait3A_469 = arith.constant 0 : i32
    %dma_wait3A_470 = tpu.memref_slice %arg6[%dma_wait3A_468, %dma_wait3A_469] : memref<40x128xi32, #tpu.memory_space<vmem>> -> memref<1x128xi32, #tpu.memory_space<vmem>>
    %dma_wait3A_471 = tpu.memref_squeeze %dma_wait3A_470 : memref<1x128xi32, #tpu.memory_space<vmem>> -> memref<128xi32, #tpu.memory_space<vmem>>
    %dma_wait3A_472 = arith.constant 0 : i32
    %dma_wait3A_473 = arith.constant 0 : i32
    %dma_wait3A_474 = tpu.memref_slice %arg15[%dma_wait3A_472, %dma_wait3A_473] : memref<10112x128xbf16, #tpu.memory_space<vmem_shared>> -> memref<10112x128xbf16, #tpu.memory_space<vmem_shared>>
    tpu.wait_indirect_dma semaphore(%arg26 : memref<!tpu.dma_semaphore, #tpu.memory_space<semaphore_mem>>) src(%arg9 : memref<128x128xbf16, #tpu.memory_space<vmem>>) dst(%dma_wait3A_474 : memref<10112x128xbf16, #tpu.memory_space<vmem_shared>>)
    %dma_wait3A_475 = arith.constant 35 : i32
    %dma_wait3A_476 = arith.constant 0 : i32
    %dma_wait3A_477 = tpu.memref_slice %arg6[%dma_wait3A_475, %dma_wait3A_476] : memref<40x128xi32, #tpu.memory_space<vmem>> -> memref<1x128xi32, #tpu.memory_space<vmem>>
    %dma_wait3A_478 = tpu.memref_squeeze %dma_wait3A_477 : memref<1x128xi32, #tpu.memory_space<vmem>> -> memref<128xi32, #tpu.memory_space<vmem>>
    %dma_wait3A_479 = arith.constant 0 : i32
    %dma_wait3A_480 = arith.constant 0 : i32
    %dma_wait3A_481 = tpu.memref_slice %arg15[%dma_wait3A_479, %dma_wait3A_480] : memref<10112x128xbf16, #tpu.memory_space<vmem_shared>> -> memref<10112x128xbf16, #tpu.memory_space<vmem_shared>>
    tpu.wait_indirect_dma semaphore(%arg27 : memref<!tpu.dma_semaphore, #tpu.memory_space<semaphore_mem>>) src(%arg10 : memref<128x128xbf16, #tpu.memory_space<vmem>>) dst(%dma_wait3A_481 : memref<10112x128xbf16, #tpu.memory_space<vmem_shared>>)
    %dma_wait3A_482 = arith.constant 36 : i32
    %dma_wait3A_483 = arith.constant 0 : i32
    %dma_wait3A_484 = tpu.memref_slice %arg6[%dma_wait3A_482, %dma_wait3A_483] : memref<40x128xi32, #tpu.memory_space<vmem>> -> memref<1x128xi32, #tpu.memory_space<vmem>>
    %dma_wait3A_485 = tpu.memref_squeeze %dma_wait3A_484 : memref<1x128xi32, #tpu.memory_space<vmem>> -> memref<128xi32, #tpu.memory_space<vmem>>
    %dma_wait3A_486 = arith.constant 0 : i32
    %dma_wait3A_487 = arith.constant 0 : i32
    %dma_wait3A_488 = tpu.memref_slice %arg15[%dma_wait3A_486, %dma_wait3A_487] : memref<10112x128xbf16, #tpu.memory_space<vmem_shared>> -> memref<10112x128xbf16, #tpu.memory_space<vmem_shared>>
    tpu.wait_indirect_dma semaphore(%arg28 : memref<!tpu.dma_semaphore, #tpu.memory_space<semaphore_mem>>) src(%arg11 : memref<128x128xbf16, #tpu.memory_space<vmem>>) dst(%dma_wait3A_488 : memref<10112x128xbf16, #tpu.memory_space<vmem_shared>>)
    %dma_wait3A_489 = arith.constant 37 : i32
    %dma_wait3A_490 = arith.constant 0 : i32
    %dma_wait3A_491 = tpu.memref_slice %arg6[%dma_wait3A_489, %dma_wait3A_490] : memref<40x128xi32, #tpu.memory_space<vmem>> -> memref<1x128xi32, #tpu.memory_space<vmem>>
    %dma_wait3A_492 = tpu.memref_squeeze %dma_wait3A_491 : memref<1x128xi32, #tpu.memory_space<vmem>> -> memref<128xi32, #tpu.memory_space<vmem>>
    %dma_wait3A_493 = arith.constant 0 : i32
    %dma_wait3A_494 = arith.constant 0 : i32
    %dma_wait3A_495 = tpu.memref_slice %arg15[%dma_wait3A_493, %dma_wait3A_494] : memref<10112x128xbf16, #tpu.memory_space<vmem_shared>> -> memref<10112x128xbf16, #tpu.memory_space<vmem_shared>>
    tpu.wait_indirect_dma semaphore(%arg29 : memref<!tpu.dma_semaphore, #tpu.memory_space<semaphore_mem>>) src(%arg12 : memref<128x128xbf16, #tpu.memory_space<vmem>>) dst(%dma_wait3A_495 : memref<10112x128xbf16, #tpu.memory_space<vmem_shared>>)
    %dma_wait3A_496 = arith.constant 38 : i32
    %dma_wait3A_497 = arith.constant 0 : i32
    %dma_wait3A_498 = tpu.memref_slice %arg6[%dma_wait3A_496, %dma_wait3A_497] : memref<40x128xi32, #tpu.memory_space<vmem>> -> memref<1x128xi32, #tpu.memory_space<vmem>>
    %dma_wait3A_499 = tpu.memref_squeeze %dma_wait3A_498 : memref<1x128xi32, #tpu.memory_space<vmem>> -> memref<128xi32, #tpu.memory_space<vmem>>
    %dma_wait3A_500 = arith.constant 0 : i32
    %dma_wait3A_501 = arith.constant 0 : i32
    %dma_wait3A_502 = tpu.memref_slice %arg15[%dma_wait3A_500, %dma_wait3A_501] : memref<10112x128xbf16, #tpu.memory_space<vmem_shared>> -> memref<10112x128xbf16, #tpu.memory_space<vmem_shared>>
    tpu.wait_indirect_dma semaphore(%arg30 : memref<!tpu.dma_semaphore, #tpu.memory_space<semaphore_mem>>) src(%arg13 : memref<128x128xbf16, #tpu.memory_space<vmem>>) dst(%dma_wait3A_502 : memref<10112x128xbf16, #tpu.memory_space<vmem_shared>>)
    %dma_wait3A_503 = arith.constant 39 : i32
    %dma_wait3A_504 = arith.constant 0 : i32
    %dma_wait3A_505 = tpu.memref_slice %arg6[%dma_wait3A_503, %dma_wait3A_504] : memref<40x128xi32, #tpu.memory_space<vmem>> -> memref<1x128xi32, #tpu.memory_space<vmem>>
    %dma_wait3A_506 = tpu.memref_squeeze %dma_wait3A_505 : memref<1x128xi32, #tpu.memory_space<vmem>> -> memref<128xi32, #tpu.memory_space<vmem>>
    %dma_wait3A_507 = arith.constant 0 : i32
    %dma_wait3A_508 = arith.constant 0 : i32
    %dma_wait3A_509 = tpu.memref_slice %arg15[%dma_wait3A_507, %dma_wait3A_508] : memref<10112x128xbf16, #tpu.memory_space<vmem_shared>> -> memref<10112x128xbf16, #tpu.memory_space<vmem_shared>>
    tpu.wait_indirect_dma semaphore(%arg31 : memref<!tpu.dma_semaphore, #tpu.memory_space<semaphore_mem>>) src(%arg14 : memref<128x128xbf16, #tpu.memory_space<vmem>>) dst(%dma_wait3A_509 : memref<10112x128xbf16, #tpu.memory_space<vmem_shared>>)
    %barrier3A_510 = arith.constant 0 : index
    tpu.barrier barrier_id(%barrier3A_510)
    %add3A_511 = arith.constant 0 : i32
    %add3A_512 = arith.addi %mul3A_8, %add3A_511 : i32
    "tpu.region"() ({
      %run_scoped3A = tpu.sem_alloc : memref<!tpu.dma_semaphore, #tpu.memory_space<semaphore_mem>>
      %dma_start3A_535 = arith.constant 0 : i32
      %dma_start3A_536 = tpu.memref_slice %arg15[%add3A_512, %dma_start3A_535] : memref<10112x128xbf16, #tpu.memory_space<vmem_shared>> -> memref<128x128xbf16, #tpu.memory_space<vmem_shared>>
      %dma_start3A_537 = arith.constant 0 : i32
      %dma_start3A_538 = tpu.memref_slice %arg15[%add3A_512, %dma_start3A_537] : memref<10112x128xbf16, #tpu.memory_space<vmem_shared>> -> memref<128x128xbf16, #tpu.memory_space<vmem_shared>>
      tpu.enqueue_dma source(%dma_start3A_538 : memref<128x128xbf16, #tpu.memory_space<vmem_shared>>) target(%arg7 : memref<128x128xbf16, #tpu.memory_space<vmem>>) target_semaphore(%run_scoped3A : memref<!tpu.dma_semaphore, #tpu.memory_space<semaphore_mem>>)
      %dma_wait3A_539 = arith.constant 0 : i32
      %dma_wait3A_540 = tpu.memref_slice %arg15[%add3A_512, %dma_wait3A_539] : memref<10112x128xbf16, #tpu.memory_space<vmem_shared>> -> memref<128x128xbf16, #tpu.memory_space<vmem_shared>>
      %dma_wait3A_541 = arith.constant 0 : i32
      %dma_wait3A_542 = tpu.memref_slice %arg15[%add3A_512, %dma_wait3A_541] : memref<10112x128xbf16, #tpu.memory_space<vmem_shared>> -> memref<128x128xbf16, #tpu.memory_space<vmem_shared>>
      tpu.wait_dma2 semaphore(%run_scoped3A : memref<!tpu.dma_semaphore, #tpu.memory_space<semaphore_mem>>) src(%dma_wait3A_542 : memref<128x128xbf16, #tpu.memory_space<vmem_shared>>) dst(%arg7 : memref<128x128xbf16, #tpu.memory_space<vmem>>)
      tpu.yield
    }) : () -> ()
    %add3A_513 = arith.constant 0 : i32
    %add3A_514 = arith.addi %mul3A_8, %add3A_513 : i32
    "tpu.region"() ({
      %run_scoped3A = tpu.sem_alloc : memref<!tpu.dma_semaphore, #tpu.memory_space<semaphore_mem>>
      %dma_start3A_535 = arith.constant 0 : i32
      %dma_start3A_536 = tpu.memref_slice %arg4[%arg0, %add3A_514, %dma_start3A_535] : memref<2x10112x128xbf16, #tpu.memory_space<hbm>> -> memref<1x128x128xbf16, #tpu.memory_space<hbm>>
      %dma_start3A_537 = tpu.memref_squeeze %dma_start3A_536 : memref<1x128x128xbf16, #tpu.memory_space<hbm>> -> memref<128x128xbf16, #tpu.memory_space<hbm>>
      %dma_start3A_538 = arith.constant 0 : i32
      %dma_start3A_539 = tpu.memref_slice %arg4[%arg0, %add3A_514, %dma_start3A_538] : memref<2x10112x128xbf16, #tpu.memory_space<hbm>> -> memref<1x128x128xbf16, #tpu.memory_space<hbm>>
      %dma_start3A_540 = tpu.memref_squeeze %dma_start3A_539 : memref<1x128x128xbf16, #tpu.memory_space<hbm>> -> memref<128x128xbf16, #tpu.memory_space<hbm>>
      tpu.enqueue_dma source(%arg7 : memref<128x128xbf16, #tpu.memory_space<vmem>>) target(%dma_start3A_540 : memref<128x128xbf16, #tpu.memory_space<hbm>>) target_semaphore(%run_scoped3A : memref<!tpu.dma_semaphore, #tpu.memory_space<semaphore_mem>>)
      %dma_wait3A_541 = arith.constant 0 : i32
      %dma_wait3A_542 = tpu.memref_slice %arg4[%arg0, %add3A_514, %dma_wait3A_541] : memref<2x10112x128xbf16, #tpu.memory_space<hbm>> -> memref<1x128x128xbf16, #tpu.memory_space<hbm>>
      %dma_wait3A_543 = tpu.memref_squeeze %dma_wait3A_542 : memref<1x128x128xbf16, #tpu.memory_space<hbm>> -> memref<128x128xbf16, #tpu.memory_space<hbm>>
      %dma_wait3A_544 = arith.constant 0 : i32
      %dma_wait3A_545 = tpu.memref_slice %arg4[%arg0, %add3A_514, %dma_wait3A_544] : memref<2x10112x128xbf16, #tpu.memory_space<hbm>> -> memref<1x128x128xbf16, #tpu.memory_space<hbm>>
      %dma_wait3A_546 = tpu.memref_squeeze %dma_wait3A_545 : memref<1x128x128xbf16, #tpu.memory_space<hbm>> -> memref<128x128xbf16, #tpu.memory_space<hbm>>
      tpu.wait_dma2 semaphore(%run_scoped3A : memref<!tpu.dma_semaphore, #tpu.memory_space<semaphore_mem>>) src(%arg7 : memref<128x128xbf16, #tpu.memory_space<vmem>>) dst(%dma_wait3A_546 : memref<128x128xbf16, #tpu.memory_space<hbm>>)
      tpu.yield
    }) : () -> ()
    %add3A_515 = arith.constant 128 : i32
    %add3A_516 = arith.addi %mul3A_8, %add3A_515 : i32
    "tpu.region"() ({
      %run_scoped3A = tpu.sem_alloc : memref<!tpu.dma_semaphore, #tpu.memory_space<semaphore_mem>>
      %dma_start3A_535 = arith.constant 0 : i32
      %dma_start3A_536 = tpu.memref_slice %arg15[%add3A_516, %dma_start3A_535] : memref<10112x128xbf16, #tpu.memory_space<vmem_shared>> -> memref<128x128xbf16, #tpu.memory_space<vmem_shared>>
      %dma_start3A_537 = arith.constant 0 : i32
      %dma_start3A_538 = tpu.memref_slice %arg15[%add3A_516, %dma_start3A_537] : memref<10112x128xbf16, #tpu.memory_space<vmem_shared>> -> memref<128x128xbf16, #tpu.memory_space<vmem_shared>>
      tpu.enqueue_dma source(%dma_start3A_538 : memref<128x128xbf16, #tpu.memory_space<vmem_shared>>) target(%arg8 : memref<128x128xbf16, #tpu.memory_space<vmem>>) target_semaphore(%run_scoped3A : memref<!tpu.dma_semaphore, #tpu.memory_space<semaphore_mem>>)
      %dma_wait3A_539 = arith.constant 0 : i32
      %dma_wait3A_540 = tpu.memref_slice %arg15[%add3A_516, %dma_wait3A_539] : memref<10112x128xbf16, #tpu.memory_space<vmem_shared>> -> memref<128x128xbf16, #tpu.memory_space<vmem_shared>>
      %dma_wait3A_541 = arith.constant 0 : i32
      %dma_wait3A_542 = tpu.memref_slice %arg15[%add3A_516, %dma_wait3A_541] : memref<10112x128xbf16, #tpu.memory_space<vmem_shared>> -> memref<128x128xbf16, #tpu.memory_space<vmem_shared>>
      tpu.wait_dma2 semaphore(%run_scoped3A : memref<!tpu.dma_semaphore, #tpu.memory_space<semaphore_mem>>) src(%dma_wait3A_542 : memref<128x128xbf16, #tpu.memory_space<vmem_shared>>) dst(%arg8 : memref<128x128xbf16, #tpu.memory_space<vmem>>)
      tpu.yield
    }) : () -> ()
    %add3A_517 = arith.constant 128 : i32
    %add3A_518 = arith.addi %mul3A_8, %add3A_517 : i32
    "tpu.region"() ({
      %run_scoped3A = tpu.sem_alloc : memref<!tpu.dma_semaphore, #tpu.memory_space<semaphore_mem>>
      %dma_start3A_535 = arith.constant 0 : i32
      %dma_start3A_536 = tpu.memref_slice %arg4[%arg0, %add3A_518, %dma_start3A_535] : memref<2x10112x128xbf16, #tpu.memory_space<hbm>> -> memref<1x128x128xbf16, #tpu.memory_space<hbm>>
      %dma_start3A_537 = tpu.memref_squeeze %dma_start3A_536 : memref<1x128x128xbf16, #tpu.memory_space<hbm>> -> memref<128x128xbf16, #tpu.memory_space<hbm>>
      %dma_start3A_538 = arith.constant 0 : i32
      %dma_start3A_539 = tpu.memref_slice %arg4[%arg0, %add3A_518, %dma_start3A_538] : memref<2x10112x128xbf16, #tpu.memory_space<hbm>> -> memref<1x128x128xbf16, #tpu.memory_space<hbm>>
      %dma_start3A_540 = tpu.memref_squeeze %dma_start3A_539 : memref<1x128x128xbf16, #tpu.memory_space<hbm>> -> memref<128x128xbf16, #tpu.memory_space<hbm>>
      tpu.enqueue_dma source(%arg8 : memref<128x128xbf16, #tpu.memory_space<vmem>>) target(%dma_start3A_540 : memref<128x128xbf16, #tpu.memory_space<hbm>>) target_semaphore(%run_scoped3A : memref<!tpu.dma_semaphore, #tpu.memory_space<semaphore_mem>>)
      %dma_wait3A_541 = arith.constant 0 : i32
      %dma_wait3A_542 = tpu.memref_slice %arg4[%arg0, %add3A_518, %dma_wait3A_541] : memref<2x10112x128xbf16, #tpu.memory_space<hbm>> -> memref<1x128x128xbf16, #tpu.memory_space<hbm>>
      %dma_wait3A_543 = tpu.memref_squeeze %dma_wait3A_542 : memref<1x128x128xbf16, #tpu.memory_space<hbm>> -> memref<128x128xbf16, #tpu.memory_space<hbm>>
      %dma_wait3A_544 = arith.constant 0 : i32
      %dma_wait3A_545 = tpu.memref_slice %arg4[%arg0, %add3A_518, %dma_wait3A_544] : memref<2x10112x128xbf16, #tpu.memory_space<hbm>> -> memref<1x128x128xbf16, #tpu.memory_space<hbm>>
      %dma_wait3A_546 = tpu.memref_squeeze %dma_wait3A_545 : memref<1x128x128xbf16, #tpu.memory_space<hbm>> -> memref<128x128xbf16, #tpu.memory_space<hbm>>
      tpu.wait_dma2 semaphore(%run_scoped3A : memref<!tpu.dma_semaphore, #tpu.memory_space<semaphore_mem>>) src(%arg8 : memref<128x128xbf16, #tpu.memory_space<vmem>>) dst(%dma_wait3A_546 : memref<128x128xbf16, #tpu.memory_space<hbm>>)
      tpu.yield
    }) : () -> ()
    %add3A_519 = arith.constant 256 : i32
    %add3A_520 = arith.addi %mul3A_8, %add3A_519 : i32
    "tpu.region"() ({
      %run_scoped3A = tpu.sem_alloc : memref<!tpu.dma_semaphore, #tpu.memory_space<semaphore_mem>>
      %dma_start3A_535 = arith.constant 0 : i32
      %dma_start3A_536 = tpu.memref_slice %arg15[%add3A_520, %dma_start3A_535] : memref<10112x128xbf16, #tpu.memory_space<vmem_shared>> -> memref<128x128xbf16, #tpu.memory_space<vmem_shared>>
      %dma_start3A_537 = arith.constant 0 : i32
      %dma_start3A_538 = tpu.memref_slice %arg15[%add3A_520, %dma_start3A_537] : memref<10112x128xbf16, #tpu.memory_space<vmem_shared>> -> memref<128x128xbf16, #tpu.memory_space<vmem_shared>>
      tpu.enqueue_dma source(%dma_start3A_538 : memref<128x128xbf16, #tpu.memory_space<vmem_shared>>) target(%arg9 : memref<128x128xbf16, #tpu.memory_space<vmem>>) target_semaphore(%run_scoped3A : memref<!tpu.dma_semaphore, #tpu.memory_space<semaphore_mem>>)
      %dma_wait3A_539 = arith.constant 0 : i32
      %dma_wait3A_540 = tpu.memref_slice %arg15[%add3A_520, %dma_wait3A_539] : memref<10112x128xbf16, #tpu.memory_space<vmem_shared>> -> memref<128x128xbf16, #tpu.memory_space<vmem_shared>>
      %dma_wait3A_541 = arith.constant 0 : i32
      %dma_wait3A_542 = tpu.memref_slice %arg15[%add3A_520, %dma_wait3A_541] : memref<10112x128xbf16, #tpu.memory_space<vmem_shared>> -> memref<128x128xbf16, #tpu.memory_space<vmem_shared>>
      tpu.wait_dma2 semaphore(%run_scoped3A : memref<!tpu.dma_semaphore, #tpu.memory_space<semaphore_mem>>) src(%dma_wait3A_542 : memref<128x128xbf16, #tpu.memory_space<vmem_shared>>) dst(%arg9 : memref<128x128xbf16, #tpu.memory_space<vmem>>)
      tpu.yield
    }) : () -> ()
    %add3A_521 = arith.constant 256 : i32
    %add3A_522 = arith.addi %mul3A_8, %add3A_521 : i32
    "tpu.region"() ({
      %run_scoped3A = tpu.sem_alloc : memref<!tpu.dma_semaphore, #tpu.memory_space<semaphore_mem>>
      %dma_start3A_535 = arith.constant 0 : i32
      %dma_start3A_536 = tpu.memref_slice %arg4[%arg0, %add3A_522, %dma_start3A_535] : memref<2x10112x128xbf16, #tpu.memory_space<hbm>> -> memref<1x128x128xbf16, #tpu.memory_space<hbm>>
      %dma_start3A_537 = tpu.memref_squeeze %dma_start3A_536 : memref<1x128x128xbf16, #tpu.memory_space<hbm>> -> memref<128x128xbf16, #tpu.memory_space<hbm>>
      %dma_start3A_538 = arith.constant 0 : i32
      %dma_start3A_539 = tpu.memref_slice %arg4[%arg0, %add3A_522, %dma_start3A_538] : memref<2x10112x128xbf16, #tpu.memory_space<hbm>> -> memref<1x128x128xbf16, #tpu.memory_space<hbm>>
      %dma_start3A_540 = tpu.memref_squeeze %dma_start3A_539 : memref<1x128x128xbf16, #tpu.memory_space<hbm>> -> memref<128x128xbf16, #tpu.memory_space<hbm>>
      tpu.enqueue_dma source(%arg9 : memref<128x128xbf16, #tpu.memory_space<vmem>>) target(%dma_start3A_540 : memref<128x128xbf16, #tpu.memory_space<hbm>>) target_semaphore(%run_scoped3A : memref<!tpu.dma_semaphore, #tpu.memory_space<semaphore_mem>>)
      %dma_wait3A_541 = arith.constant 0 : i32
      %dma_wait3A_542 = tpu.memref_slice %arg4[%arg0, %add3A_522, %dma_wait3A_541] : memref<2x10112x128xbf16, #tpu.memory_space<hbm>> -> memref<1x128x128xbf16, #tpu.memory_space<hbm>>
      %dma_wait3A_543 = tpu.memref_squeeze %dma_wait3A_542 : memref<1x128x128xbf16, #tpu.memory_space<hbm>> -> memref<128x128xbf16, #tpu.memory_space<hbm>>
      %dma_wait3A_544 = arith.constant 0 : i32
      %dma_wait3A_545 = tpu.memref_slice %arg4[%arg0, %add3A_522, %dma_wait3A_544] : memref<2x10112x128xbf16, #tpu.memory_space<hbm>> -> memref<1x128x128xbf16, #tpu.memory_space<hbm>>
      %dma_wait3A_546 = tpu.memref_squeeze %dma_wait3A_545 : memref<1x128x128xbf16, #tpu.memory_space<hbm>> -> memref<128x128xbf16, #tpu.memory_space<hbm>>
      tpu.wait_dma2 semaphore(%run_scoped3A : memref<!tpu.dma_semaphore, #tpu.memory_space<semaphore_mem>>) src(%arg9 : memref<128x128xbf16, #tpu.memory_space<vmem>>) dst(%dma_wait3A_546 : memref<128x128xbf16, #tpu.memory_space<hbm>>)
      tpu.yield
    }) : () -> ()
    %add3A_523 = arith.constant 384 : i32
    %add3A_524 = arith.addi %mul3A_8, %add3A_523 : i32
    "tpu.region"() ({
      %run_scoped3A = tpu.sem_alloc : memref<!tpu.dma_semaphore, #tpu.memory_space<semaphore_mem>>
      %dma_start3A_535 = arith.constant 0 : i32
      %dma_start3A_536 = tpu.memref_slice %arg15[%add3A_524, %dma_start3A_535] : memref<10112x128xbf16, #tpu.memory_space<vmem_shared>> -> memref<128x128xbf16, #tpu.memory_space<vmem_shared>>
      %dma_start3A_537 = arith.constant 0 : i32
      %dma_start3A_538 = tpu.memref_slice %arg15[%add3A_524, %dma_start3A_537] : memref<10112x128xbf16, #tpu.memory_space<vmem_shared>> -> memref<128x128xbf16, #tpu.memory_space<vmem_shared>>
      tpu.enqueue_dma source(%dma_start3A_538 : memref<128x128xbf16, #tpu.memory_space<vmem_shared>>) target(%arg10 : memref<128x128xbf16, #tpu.memory_space<vmem>>) target_semaphore(%run_scoped3A : memref<!tpu.dma_semaphore, #tpu.memory_space<semaphore_mem>>)
      %dma_wait3A_539 = arith.constant 0 : i32
      %dma_wait3A_540 = tpu.memref_slice %arg15[%add3A_524, %dma_wait3A_539] : memref<10112x128xbf16, #tpu.memory_space<vmem_shared>> -> memref<128x128xbf16, #tpu.memory_space<vmem_shared>>
      %dma_wait3A_541 = arith.constant 0 : i32
      %dma_wait3A_542 = tpu.memref_slice %arg15[%add3A_524, %dma_wait3A_541] : memref<10112x128xbf16, #tpu.memory_space<vmem_shared>> -> memref<128x128xbf16, #tpu.memory_space<vmem_shared>>
      tpu.wait_dma2 semaphore(%run_scoped3A : memref<!tpu.dma_semaphore, #tpu.memory_space<semaphore_mem>>) src(%dma_wait3A_542 : memref<128x128xbf16, #tpu.memory_space<vmem_shared>>) dst(%arg10 : memref<128x128xbf16, #tpu.memory_space<vmem>>)
      tpu.yield
    }) : () -> ()
    %add3A_525 = arith.constant 384 : i32
    %add3A_526 = arith.addi %mul3A_8, %add3A_525 : i32
    "tpu.region"() ({
      %run_scoped3A = tpu.sem_alloc : memref<!tpu.dma_semaphore, #tpu.memory_space<semaphore_mem>>
      %dma_start3A_535 = arith.constant 0 : i32
      %dma_start3A_536 = tpu.memref_slice %arg4[%arg0, %add3A_526, %dma_start3A_535] : memref<2x10112x128xbf16, #tpu.memory_space<hbm>> -> memref<1x128x128xbf16, #tpu.memory_space<hbm>>
      %dma_start3A_537 = tpu.memref_squeeze %dma_start3A_536 : memref<1x128x128xbf16, #tpu.memory_space<hbm>> -> memref<128x128xbf16, #tpu.memory_space<hbm>>
      %dma_start3A_538 = arith.constant 0 : i32
      %dma_start3A_539 = tpu.memref_slice %arg4[%arg0, %add3A_526, %dma_start3A_538] : memref<2x10112x128xbf16, #tpu.memory_space<hbm>> -> memref<1x128x128xbf16, #tpu.memory_space<hbm>>
      %dma_start3A_540 = tpu.memref_squeeze %dma_start3A_539 : memref<1x128x128xbf16, #tpu.memory_space<hbm>> -> memref<128x128xbf16, #tpu.memory_space<hbm>>
      tpu.enqueue_dma source(%arg10 : memref<128x128xbf16, #tpu.memory_space<vmem>>) target(%dma_start3A_540 : memref<128x128xbf16, #tpu.memory_space<hbm>>) target_semaphore(%run_scoped3A : memref<!tpu.dma_semaphore, #tpu.memory_space<semaphore_mem>>)
      %dma_wait3A_541 = arith.constant 0 : i32
      %dma_wait3A_542 = tpu.memref_slice %arg4[%arg0, %add3A_526, %dma_wait3A_541] : memref<2x10112x128xbf16, #tpu.memory_space<hbm>> -> memref<1x128x128xbf16, #tpu.memory_space<hbm>>
      %dma_wait3A_543 = tpu.memref_squeeze %dma_wait3A_542 : memref<1x128x128xbf16, #tpu.memory_space<hbm>> -> memref<128x128xbf16, #tpu.memory_space<hbm>>
      %dma_wait3A_544 = arith.constant 0 : i32
      %dma_wait3A_545 = tpu.memref_slice %arg4[%arg0, %add3A_526, %dma_wait3A_544] : memref<2x10112x128xbf16, #tpu.memory_space<hbm>> -> memref<1x128x128xbf16, #tpu.memory_space<hbm>>
      %dma_wait3A_546 = tpu.memref_squeeze %dma_wait3A_545 : memref<1x128x128xbf16, #tpu.memory_space<hbm>> -> memref<128x128xbf16, #tpu.memory_space<hbm>>
      tpu.wait_dma2 semaphore(%run_scoped3A : memref<!tpu.dma_semaphore, #tpu.memory_space<semaphore_mem>>) src(%arg10 : memref<128x128xbf16, #tpu.memory_space<vmem>>) dst(%dma_wait3A_546 : memref<128x128xbf16, #tpu.memory_space<hbm>>)
      tpu.yield
    }) : () -> ()
    %add3A_527 = arith.constant 632 : i32
    %add3A_528 = arith.addi %mul3A_8, %add3A_527 : i32
    %sub3A_529 = arith.constant 120 : i32
    %sub3A_530 = arith.subi %add3A_528, %sub3A_529 : i32
    "tpu.region"() ({
      %run_scoped3A = tpu.sem_alloc : memref<!tpu.dma_semaphore, #tpu.memory_space<semaphore_mem>>
      %dma_start3A_535 = arith.constant 0 : i32
      %dma_start3A_536 = arith.constant 0 : i32
      %dma_start3A_537 = tpu.memref_slice %arg7[%dma_start3A_535, %dma_start3A_536] : memref<128x128xbf16, #tpu.memory_space<vmem>> -> memref<120x128xbf16, #tpu.memory_space<vmem>>
      %dma_start3A_538 = arith.constant 0 : i32
      %dma_start3A_539 = tpu.memref_slice %arg15[%sub3A_530, %dma_start3A_538] : memref<10112x128xbf16, #tpu.memory_space<vmem_shared>> -> memref<120x128xbf16, #tpu.memory_space<vmem_shared>>
      %dma_start3A_540 = arith.constant 0 : i32
      %dma_start3A_541 = arith.constant 0 : i32
      %dma_start3A_542 = tpu.memref_slice %arg7[%dma_start3A_540, %dma_start3A_541] : memref<128x128xbf16, #tpu.memory_space<vmem>> -> memref<120x128xbf16, #tpu.memory_space<vmem>>
      %dma_start3A_543 = arith.constant 0 : i32
      %dma_start3A_544 = tpu.memref_slice %arg15[%sub3A_530, %dma_start3A_543] : memref<10112x128xbf16, #tpu.memory_space<vmem_shared>> -> memref<120x128xbf16, #tpu.memory_space<vmem_shared>>
      tpu.enqueue_dma source(%dma_start3A_544 : memref<120x128xbf16, #tpu.memory_space<vmem_shared>>) target(%dma_start3A_542 : memref<120x128xbf16, #tpu.memory_space<vmem>>) target_semaphore(%run_scoped3A : memref<!tpu.dma_semaphore, #tpu.memory_space<semaphore_mem>>)
      %dma_wait3A_545 = arith.constant 0 : i32
      %dma_wait3A_546 = arith.constant 0 : i32
      %dma_wait3A_547 = tpu.memref_slice %arg7[%dma_wait3A_545, %dma_wait3A_546] : memref<128x128xbf16, #tpu.memory_space<vmem>> -> memref<120x128xbf16, #tpu.memory_space<vmem>>
      %dma_wait3A_548 = arith.constant 0 : i32
      %dma_wait3A_549 = tpu.memref_slice %arg15[%sub3A_530, %dma_wait3A_548] : memref<10112x128xbf16, #tpu.memory_space<vmem_shared>> -> memref<120x128xbf16, #tpu.memory_space<vmem_shared>>
      %dma_wait3A_550 = arith.constant 0 : i32
      %dma_wait3A_551 = arith.constant 0 : i32
      %dma_wait3A_552 = tpu.memref_slice %arg7[%dma_wait3A_550, %dma_wait3A_551] : memref<128x128xbf16, #tpu.memory_space<vmem>> -> memref<120x128xbf16, #tpu.memory_space<vmem>>
      %dma_wait3A_553 = arith.constant 0 : i32
      %dma_wait3A_554 = tpu.memref_slice %arg15[%sub3A_530, %dma_wait3A_553] : memref<10112x128xbf16, #tpu.memory_space<vmem_shared>> -> memref<120x128xbf16, #tpu.memory_space<vmem_shared>>
      tpu.wait_dma2 semaphore(%run_scoped3A : memref<!tpu.dma_semaphore, #tpu.memory_space<semaphore_mem>>) src(%dma_wait3A_554 : memref<120x128xbf16, #tpu.memory_space<vmem_shared>>) dst(%dma_wait3A_552 : memref<120x128xbf16, #tpu.memory_space<vmem>>)
      tpu.yield
    }) : () -> ()
    %add3A_531 = arith.constant 632 : i32
    %add3A_532 = arith.addi %mul3A_8, %add3A_531 : i32
    %sub3A_533 = arith.constant 120 : i32
    %sub3A_534 = arith.subi %add3A_532, %sub3A_533 : i32
    "tpu.region"() ({
      %run_scoped3A = tpu.sem_alloc : memref<!tpu.dma_semaphore, #tpu.memory_space<semaphore_mem>>
      %dma_start3A_535 = arith.constant 0 : i32
      %dma_start3A_536 = arith.constant 0 : i32
      %dma_start3A_537 = tpu.memref_slice %arg7[%dma_start3A_535, %dma_start3A_536] : memref<128x128xbf16, #tpu.memory_space<vmem>> -> memref<120x128xbf16, #tpu.memory_space<vmem>>
      %dma_start3A_538 = arith.constant 0 : i32
      %dma_start3A_539 = tpu.memref_slice %arg4[%arg0, %sub3A_534, %dma_start3A_538] : memref<2x10112x128xbf16, #tpu.memory_space<hbm>> -> memref<1x120x128xbf16, #tpu.memory_space<hbm>>
      %dma_start3A_540 = tpu.memref_squeeze %dma_start3A_539 : memref<1x120x128xbf16, #tpu.memory_space<hbm>> -> memref<120x128xbf16, #tpu.memory_space<hbm>>
      %dma_start3A_541 = arith.constant 0 : i32
      %dma_start3A_542 = tpu.memref_slice %arg4[%arg0, %sub3A_534, %dma_start3A_541] : memref<2x10112x128xbf16, #tpu.memory_space<hbm>> -> memref<1x120x128xbf16, #tpu.memory_space<hbm>>
      %dma_start3A_543 = tpu.memref_squeeze %dma_start3A_542 : memref<1x120x128xbf16, #tpu.memory_space<hbm>> -> memref<120x128xbf16, #tpu.memory_space<hbm>>
      %dma_start3A_544 = arith.constant 0 : i32
      %dma_start3A_545 = arith.constant 0 : i32
      %dma_start3A_546 = tpu.memref_slice %arg7[%dma_start3A_544, %dma_start3A_545] : memref<128x128xbf16, #tpu.memory_space<vmem>> -> memref<120x128xbf16, #tpu.memory_space<vmem>>
      tpu.enqueue_dma source(%dma_start3A_546 : memref<120x128xbf16, #tpu.memory_space<vmem>>) target(%dma_start3A_543 : memref<120x128xbf16, #tpu.memory_space<hbm>>) target_semaphore(%run_scoped3A : memref<!tpu.dma_semaphore, #tpu.memory_space<semaphore_mem>>)
      %dma_wait3A_547 = arith.constant 0 : i32
      %dma_wait3A_548 = arith.constant 0 : i32
      %dma_wait3A_549 = tpu.memref_slice %arg7[%dma_wait3A_547, %dma_wait3A_548] : memref<128x128xbf16, #tpu.memory_space<vmem>> -> memref<120x128xbf16, #tpu.memory_space<vmem>>
      %dma_wait3A_550 = arith.constant 0 : i32
      %dma_wait3A_551 = tpu.memref_slice %arg4[%arg0, %sub3A_534, %dma_wait3A_550] : memref<2x10112x128xbf16, #tpu.memory_space<hbm>> -> memref<1x120x128xbf16, #tpu.memory_space<hbm>>
      %dma_wait3A_552 = tpu.memref_squeeze %dma_wait3A_551 : memref<1x120x128xbf16, #tpu.memory_space<hbm>> -> memref<120x128xbf16, #tpu.memory_space<hbm>>
      %dma_wait3A_553 = arith.constant 0 : i32
      %dma_wait3A_554 = tpu.memref_slice %arg4[%arg0, %sub3A_534, %dma_wait3A_553] : memref<2x10112x128xbf16, #tpu.memory_space<hbm>> -> memref<1x120x128xbf16, #tpu.memory_space<hbm>>
      %dma_wait3A_555 = tpu.memref_squeeze %dma_wait3A_554 : memref<1x120x128xbf16, #tpu.memory_space<hbm>> -> memref<120x128xbf16, #tpu.memory_space<hbm>>
      %dma_wait3A_556 = arith.constant 0 : i32
      %dma_wait3A_557 = arith.constant 0 : i32
      %dma_wait3A_558 = tpu.memref_slice %arg7[%dma_wait3A_556, %dma_wait3A_557] : memref<128x128xbf16, #tpu.memory_space<vmem>> -> memref<120x128xbf16, #tpu.memory_space<vmem>>
      tpu.wait_dma2 semaphore(%run_scoped3A : memref<!tpu.dma_semaphore, #tpu.memory_space<semaphore_mem>>) src(%dma_wait3A_558 : memref<120x128xbf16, #tpu.memory_space<vmem>>) dst(%dma_wait3A_555 : memref<120x128xbf16, #tpu.memory_space<hbm>>)
      tpu.yield
    }) : () -> ()
    return
  }
}

module attributes {stable_mosaic.version = 14 : i64} {
  func.func @body(%arg0: i32, %arg1: memref<2000x128xf32, #tpu.memory_space<vmem>>, %arg2: memref<128x128xf32, #tpu.memory_space<vmem>>, %arg3: memref<2000x2xf32, #tpu.memory_space<vmem>>, %arg4: memref<2000x128xbf16, #tpu.memory_space<vmem>>) attributes {dimension_semantics = [#tpu.dimension_semantics<arbitrary>], iteration_bounds = array<i64: 5>, scalar_prefetch = 0 : i64, scratch_operands = 0 : i64, tpu.core_type = #tpu.core_type<tc>, window_params = [{transform_indices = @transform_0, window_bounds = array<i64: 2000, 128>}, {pipeline_mode = #tpu.pipeline_mode<synchronous>, transform_indices = @transform_1, window_bounds = array<i64: 128, 128>}, {transform_indices = @transform_2, window_bounds = array<i64: 2000, 2>}, {transform_indices = @transform_3, window_bounds = array<i64: 2000, 128>}]} {
    %get3A = arith.constant 0 : index
    %get3A_0 = arith.constant 0 : index
    %get3A_1 = vector.load %arg3[%get3A, %get3A_0] : memref<2000x2xf32, #tpu.memory_space<vmem>>, vector<2000x1xf32>
    %get3A_2 = arith.constant 0 : index
    %get3A_3 = arith.constant 1 : index
    %get3A_4 = vector.load %arg3[%get3A_2, %get3A_3] : memref<2000x2xf32, #tpu.memory_space<vmem>>, vector<2000x1xf32>
    %add3A = arith.addf %get3A_1, %get3A_4 : vector<2000x1xf32>
    %add3A_5 = arith.constant 1.000000e+00 : f32
    %add3A_6 = vector.broadcast %add3A_5 : f32 to vector<2000x1xf32>
    %add3A_7 = arith.addf %add3A, %add3A_6 : vector<2000x1xf32>
    %rsqrt3A = math.rsqrt %add3A_7 : vector<2000x1xf32>
    %get3A_8 = arith.constant 0 : index
    %get3A_9 = arith.constant 0 : index
    %get3A_10 = vector.load %arg1[%get3A_8, %get3A_9] : memref<2000x128xf32, #tpu.memory_space<vmem>>, vector<2000x128xf32>
    %get3A_11 = arith.constant 0 : index
    %get3A_12 = arith.constant 0 : index
    %get3A_13 = vector.load %arg2[%get3A_11, %get3A_12] : memref<128x128xf32, #tpu.memory_space<vmem>>, vector<128x128xf32>
    %dot_general3A = arith.constant dense<0.000000e+00> : vector<2000x128xf32>
    %dot_general3A_14 = tpu.matmul %get3A_10, %get3A_13, %dot_general3A {dimension_numbers = #tpu.dot_dimension_numbers<[1], [0], [0], [1], [0, 0, 1, 1], [], []>, precision = #tpu.contract_precision<fp32>, transpose_lhs_hint = false} : vector<2000x128xf32>, vector<128x128xf32>, vector<2000x128xf32> -> vector<2000x128xf32>
    %mul3A = vector.broadcast %rsqrt3A : vector<2000x1xf32> to vector<2000x128xf32>
    %mul3A_15 = arith.mulf %dot_general3A_14, %mul3A : vector<2000x128xf32>
    %convert_element_type3A = arith.truncf %mul3A_15 : vector<2000x128xf32> to vector<2000x128xbf16>
    %swap3A = arith.constant 0 : index
    %swap3A_16 = arith.constant 0 : index
    %swap3A_17 = vector.load %arg4[%swap3A, %swap3A_16] : memref<2000x128xbf16, #tpu.memory_space<vmem>>, vector<2000x128xbf16>
    tpu.vector_store %arg4[%swap3A, %swap3A_16], %convert_element_type3A {strides = array<i32>} : memref<2000x128xbf16, #tpu.memory_space<vmem>>, vector<2000x128xbf16>,
    return
  }
  func.func @transform_0(%arg0: i32) -> (i32, i32) {
    %c0_i32 = arith.constant 0 : i32
    %c0_i32_0 = arith.constant 0 : i32
    return %arg0, %c0_i32 : i32, i32
  }
  func.func @transform_1(%arg0: i32) -> (i32, i32) {
    %c0_i32 = arith.constant 0 : i32
    %c0_i32_0 = arith.constant 0 : i32
    %c0_i32_1 = arith.constant 0 : i32
    return %c0_i32, %c0_i32_0 : i32, i32
  }
  func.func @transform_2(%arg0: i32) -> (i32, i32) {
    %c0_i32 = arith.constant 0 : i32
    %c0_i32_0 = arith.constant 0 : i32
    return %arg0, %c0_i32 : i32, i32
  }
  func.func @transform_3(%arg0: i32) -> (i32, i32) {
    %c0_i32 = arith.constant 0 : i32
    %c0_i32_0 = arith.constant 0 : i32
    return %arg0, %c0_i32 : i32, i32
  }
}

module attributes {stable_mosaic.version = 14 : i64} {
  func.func @body(%arg0: i32, %arg1: memref<2x2000x128xbf16, #tpu.memory_space<vmem>>, %arg2: memref<2000x128xbf16, #tpu.memory_space<vmem>>, %arg3: memref<2000x2xf32, #tpu.memory_space<vmem>>, %arg4: memref<2000x128xf32, #tpu.memory_space<vmem>>, %arg5: memref<2000x1xf32, #tpu.memory_space<vmem>>, %arg6: memref<1x1xf32, #tpu.memory_space<vmem>>, %arg7: memref<1x128xf32, #tpu.memory_space<vmem>>, %arg8: memref<128x32xf32, #tpu.memory_space<vmem>>, %arg9: memref<2x32xf32, #tpu.memory_space<vmem>>, %arg10: memref<1x32xf32, #tpu.memory_space<vmem>>, %arg11: memref<32x32xf32, #tpu.memory_space<vmem>>, %arg12: memref<1x32xf32, #tpu.memory_space<vmem>>, %arg13: memref<32x1xf32, #tpu.memory_space<vmem>>, %arg14: memref<1x1xf32, #tpu.memory_space<vmem>>, %arg15: memref<1x1xf32, #tpu.memory_space<vmem>>, %arg16: memref<1x32xf32, #tpu.memory_space<vmem>>) attributes {dimension_semantics = [#tpu.dimension_semantics<arbitrary>], iteration_bounds = array<i64: 5>, scalar_prefetch = 0 : i64, scratch_operands = 1 : i64, tpu.core_type = #tpu.core_type<tc>, window_params = [{transform_indices = @transform_0, window_bounds = array<i64: 2, 2000, 128>}, {transform_indices = @transform_1, window_bounds = array<i64: 2000, 128>}, {transform_indices = @transform_2, window_bounds = array<i64: 2000, 2>}, {transform_indices = @transform_3, window_bounds = array<i64: 2000, 128>}, {transform_indices = @transform_4, window_bounds = array<i64: 2000, 1>}, {pipeline_mode = #tpu.pipeline_mode<synchronous>, transform_indices = @transform_5, window_bounds = array<i64: 1, 1>}, {pipeline_mode = #tpu.pipeline_mode<synchronous>, transform_indices = @transform_6, window_bounds = array<i64: 1, 128>}, {pipeline_mode = #tpu.pipeline_mode<synchronous>, transform_indices = @transform_7, window_bounds = array<i64: 128, 32>}, {pipeline_mode = #tpu.pipeline_mode<synchronous>, transform_indices = @transform_8, window_bounds = array<i64: 2, 32>}, {pipeline_mode = #tpu.pipeline_mode<synchronous>, transform_indices = @transform_9, window_bounds = array<i64: 1, 32>}, {pipeline_mode = #tpu.pipeline_mode<synchronous>, transform_indices = @transform_10, window_bounds = array<i64: 32, 32>}, {pipeline_mode = #tpu.pipeline_mode<synchronous>, transform_indices = @transform_11, window_bounds = array<i64: 1, 32>}, {pipeline_mode = #tpu.pipeline_mode<synchronous>, transform_indices = @transform_12, window_bounds = array<i64: 32, 1>}, {pipeline_mode = #tpu.pipeline_mode<synchronous>, transform_indices = @transform_13, window_bounds = array<i64: 1, 1>}, {pipeline_mode = #tpu.pipeline_mode<synchronous>, transform_indices = @transform_14, window_bounds = array<i64: 1, 1>}]} {
    %get3A = arith.constant 0 : index
    %get3A_0 = arith.constant 0 : index
    %get3A_1 = vector.load %arg3[%get3A, %get3A_0] : memref<2000x2xf32, #tpu.memory_space<vmem>>, vector<2000x1xf32>
    %get3A_2 = arith.constant 0 : index
    %get3A_3 = arith.constant 1 : index
    %get3A_4 = vector.load %arg3[%get3A_2, %get3A_3] : memref<2000x2xf32, #tpu.memory_space<vmem>>, vector<2000x1xf32>
    %add3A = arith.addf %get3A_1, %get3A_4 : vector<2000x1xf32>
    %add3A_5 = arith.constant 1.000000e+00 : f32
    %add3A_6 = vector.broadcast %add3A_5 : f32 to vector<2000x1xf32>
    %add3A_7 = arith.addf %add3A, %add3A_6 : vector<2000x1xf32>
    %rsqrt3A = math.rsqrt %add3A_7 : vector<2000x1xf32>
    %get3A_8 = arith.constant 0 : index
    %get3A_9 = arith.constant 0 : index
    %get3A_10 = arith.constant 0 : index
    %get3A_11 = vector.load %arg1[%get3A_8, %get3A_9, %get3A_10] : memref<2x2000x128xbf16, #tpu.memory_space<vmem>>, vector<1x2000x128xbf16>
    %get3A_12 = vector.shape_cast %get3A_11 : vector<1x2000x128xbf16> to vector<2000x128xbf16>
    %convert_element_type3A = arith.extf %get3A_12 : vector<2000x128xbf16> to vector<2000x128xf32>
    %get3A_13 = arith.constant 1 : index
    %get3A_14 = arith.constant 0 : index
    %get3A_15 = arith.constant 0 : index
    %get3A_16 = vector.load %arg1[%get3A_13, %get3A_14, %get3A_15] : memref<2x2000x128xbf16, #tpu.memory_space<vmem>>, vector<1x2000x128xbf16>
    %get3A_17 = vector.shape_cast %get3A_16 : vector<1x2000x128xbf16> to vector<2000x128xbf16>
    %convert_element_type3A_18 = arith.extf %get3A_17 : vector<2000x128xbf16> to vector<2000x128xf32>
    %add3A_19 = arith.addf %convert_element_type3A, %convert_element_type3A_18 : vector<2000x128xf32>
    %get3A_20 = arith.constant 0 : index
    %get3A_21 = arith.constant 0 : index
    %get3A_22 = vector.load %arg2[%get3A_20, %get3A_21] : memref<2000x128xbf16, #tpu.memory_space<vmem>>, vector<2000x128xbf16>
    %convert_element_type3A_23 = arith.extf %get3A_22 : vector<2000x128xbf16> to vector<2000x128xf32>
    %add3A_24 = arith.addf %add3A_19, %convert_element_type3A_23 : vector<2000x128xf32>
    %mul3A = vector.broadcast %rsqrt3A : vector<2000x1xf32> to vector<2000x128xf32>
    %mul3A_25 = arith.mulf %add3A_24, %mul3A : vector<2000x128xf32>
    %get3A_26 = arith.constant 0 : index
    %get3A_27 = arith.constant 0 : index
    %get3A_28 = vector.load %arg7[%get3A_26, %get3A_27] : memref<1x128xf32, #tpu.memory_space<vmem>>, vector<1x128xf32>
    %add3A_29 = vector.broadcast %get3A_28 : vector<1x128xf32> to vector<2000x128xf32>
    %add3A_30 = arith.addf %mul3A_25, %add3A_29 : vector<2000x128xf32>
    %max3A = arith.constant 0.000000e+00 : f32
    %max3A_31 = vector.broadcast %max3A : f32 to vector<2000x128xf32>
    %max3A_32 = arith.maximumf %add3A_30, %max3A_31 : vector<2000x128xf32>
    %get3A_33 = arith.constant 0 : index
    %get3A_34 = arith.constant 0 : index
    %get3A_35 = vector.load %arg4[%get3A_33, %get3A_34] : memref<2000x128xf32, #tpu.memory_space<vmem>>, vector<2000x128xf32>
    %add3A_36 = arith.addf %max3A_32, %get3A_35 : vector<2000x128xf32>
    %get3A_37 = arith.constant 0 : index
    %get3A_38 = arith.constant 0 : index
    %get3A_39 = vector.load %arg8[%get3A_37, %get3A_38] : memref<128x32xf32, #tpu.memory_space<vmem>>, vector<128x32xf32>
    %dot_general3A = arith.constant dense<0.000000e+00> : vector<2000x32xf32>
    %dot_general3A_40 = tpu.matmul %add3A_36, %get3A_39, %dot_general3A {dimension_numbers = #tpu.dot_dimension_numbers<[1], [0], [0], [1], [0, 0, 1, 1], [], []>, precision = #tpu.contract_precision<fp32>, transpose_lhs_hint = false} : vector<2000x128xf32>, vector<128x32xf32>, vector<2000x32xf32> -> vector<2000x32xf32>
    %get3A_41 = arith.constant 0 : index
    %get3A_42 = arith.constant 0 : index
    %get3A_43 = vector.load %arg5[%get3A_41, %get3A_42] : memref<2000x1xf32, #tpu.memory_space<vmem>>, vector<2000x1xf32>
    %get3A_44 = arith.constant 0 : index
    %get3A_45 = arith.constant 0 : index
    %get3A_46 = vector.load %arg9[%get3A_44, %get3A_45] : memref<2x32xf32, #tpu.memory_space<vmem>>, vector<1x32xf32>
    %mul3A_47 = vector.broadcast %get3A_43 : vector<2000x1xf32> to vector<2000x32xf32>
    %mul3A_48 = vector.broadcast %get3A_46 : vector<1x32xf32> to vector<2000x32xf32>
    %mul3A_49 = arith.mulf %mul3A_47, %mul3A_48 : vector<2000x32xf32>
    %add3A_50 = arith.addf %dot_general3A_40, %mul3A_49 : vector<2000x32xf32>
    %get3A_51 = arith.constant 0 : index
    %get3A_52 = arith.constant 0 : index
    %get3A_53 = vector.load %arg6[%get3A_51, %get3A_52] : memref<1x1xf32, #tpu.memory_space<vmem>>, vector<1x1xf32>
    %get3A_54 = arith.constant 1 : index
    %get3A_55 = arith.constant 0 : index
    %get3A_56 = vector.load %arg9[%get3A_54, %get3A_55] : memref<2x32xf32, #tpu.memory_space<vmem>>, vector<1x32xf32>
    %mul3A_57 = vector.broadcast %get3A_53 : vector<1x1xf32> to vector<1x32xf32>
    %mul3A_58 = arith.mulf %mul3A_57, %get3A_56 : vector<1x32xf32>
    %add3A_59 = vector.broadcast %mul3A_58 : vector<1x32xf32> to vector<2000x32xf32>
    %add3A_60 = arith.addf %add3A_50, %add3A_59 : vector<2000x32xf32>
    %get3A_61 = arith.constant 0 : index
    %get3A_62 = arith.constant 0 : index
    %get3A_63 = vector.load %arg10[%get3A_61, %get3A_62] : memref<1x32xf32, #tpu.memory_space<vmem>>, vector<1x32xf32>
    %add3A_64 = vector.broadcast %get3A_63 : vector<1x32xf32> to vector<2000x32xf32>
    %add3A_65 = arith.addf %add3A_60, %add3A_64 : vector<2000x32xf32>
    %max3A_66 = arith.constant 0.000000e+00 : f32
    %max3A_67 = vector.broadcast %max3A_66 : f32 to vector<2000x32xf32>
    %max3A_68 = arith.maximumf %add3A_65, %max3A_67 : vector<2000x32xf32>
    %get3A_69 = arith.constant 0 : index
    %get3A_70 = arith.constant 0 : index
    %get3A_71 = vector.load %arg11[%get3A_69, %get3A_70] : memref<32x32xf32, #tpu.memory_space<vmem>>, vector<32x32xf32>
    %dot_general3A_72 = arith.constant dense<0.000000e+00> : vector<2000x32xf32>
    %dot_general3A_73 = tpu.matmul %max3A_68, %get3A_71, %dot_general3A_72 {dimension_numbers = #tpu.dot_dimension_numbers<[1], [0], [0], [1], [0, 0, 1, 1], [], []>, precision = #tpu.contract_precision<fp32>, transpose_lhs_hint = false} : vector<2000x32xf32>, vector<32x32xf32>, vector<2000x32xf32> -> vector<2000x32xf32>
    %get3A_74 = arith.constant 0 : index
    %get3A_75 = arith.constant 0 : index
    %get3A_76 = vector.load %arg12[%get3A_74, %get3A_75] : memref<1x32xf32, #tpu.memory_space<vmem>>, vector<1x32xf32>
    %add3A_77 = vector.broadcast %get3A_76 : vector<1x32xf32> to vector<2000x32xf32>
    %add3A_78 = arith.addf %dot_general3A_73, %add3A_77 : vector<2000x32xf32>
    %max3A_79 = arith.constant 0.000000e+00 : f32
    %max3A_80 = vector.broadcast %max3A_79 : f32 to vector<2000x32xf32>
    %max3A_81 = arith.maximumf %add3A_78, %max3A_80 : vector<2000x32xf32>
    %reduce_sum3A = arith.constant dense<0.000000e+00> : vector<32xf32>
    %reduce_sum3A_82 = vector.multi_reduction <add>, %max3A_81, %reduce_sum3A [0] : vector<2000x32xf32> to vector<32xf32>
    %broadcast_in_dim3A = vector.shape_cast %reduce_sum3A_82 : vector<32xf32> to vector<1x32xf32>
    %eq3A = arith.constant 0 : i32
    %eq3A_83 = arith.cmpi eq, %arg0, %eq3A : i32
    %convert_element_type3A_84 = arith.extui %eq3A_83 : i1 to i32
    %cond3A = arith.constant 0 : i32
    %cond3A_85 = arith.cmpi ne, %convert_element_type3A_84, %cond3A : i32
    scf.if %cond3A_85 {
      %swap3A = arith.constant 0 : index
      %swap3A_95 = arith.constant 0 : index
      %swap3A_96 = vector.load %arg16[%swap3A, %swap3A_95] : memref<1x32xf32, #tpu.memory_space<vmem>>, vector<1x32xf32>
      tpu.vector_store %arg16[%swap3A, %swap3A_95], %broadcast_in_dim3A {strides = array<i32>} : memref<1x32xf32, #tpu.memory_space<vmem>>, vector<1x32xf32>,
    } else {
    }
    %gt3A = arith.constant 0 : i32
    %gt3A_86 = arith.cmpi sgt, %arg0, %gt3A : i32
    %convert_element_type3A_87 = arith.extui %gt3A_86 : i1 to i32
    %cond3A_88 = arith.constant 0 : i32
    %cond3A_89 = arith.cmpi ne, %convert_element_type3A_87, %cond3A_88 : i32
    scf.if %cond3A_89 {
      %get3A_95 = arith.constant 0 : index
      %get3A_96 = arith.constant 0 : index
      %get3A_97 = vector.load %arg16[%get3A_95, %get3A_96] : memref<1x32xf32, #tpu.memory_space<vmem>>, vector<1x32xf32>
      %add3A_98 = arith.addf %get3A_97, %broadcast_in_dim3A : vector<1x32xf32>
      %swap3A = arith.constant 0 : index
      %swap3A_99 = arith.constant 0 : index
      %swap3A_100 = vector.load %arg16[%swap3A, %swap3A_99] : memref<1x32xf32, #tpu.memory_space<vmem>>, vector<1x32xf32>
      tpu.vector_store %arg16[%swap3A, %swap3A_99], %add3A_98 {strides = array<i32>} : memref<1x32xf32, #tpu.memory_space<vmem>>, vector<1x32xf32>,
    } else {
    }
    %eq3A_90 = arith.constant 4 : i32
    %eq3A_91 = arith.cmpi eq, %arg0, %eq3A_90 : i32
    %convert_element_type3A_92 = arith.extui %eq3A_91 : i1 to i32
    %cond3A_93 = arith.constant 0 : i32
    %cond3A_94 = arith.cmpi ne, %convert_element_type3A_92, %cond3A_93 : i32
    scf.if %cond3A_94 {
      %get3A_95 = arith.constant 0 : index
      %get3A_96 = arith.constant 0 : index
      %get3A_97 = vector.load %arg16[%get3A_95, %get3A_96] : memref<1x32xf32, #tpu.memory_space<vmem>>, vector<1x32xf32>
      %get3A_98 = arith.constant 0 : index
      %get3A_99 = arith.constant 0 : index
      %get3A_100 = vector.load %arg13[%get3A_98, %get3A_99] : memref<32x1xf32, #tpu.memory_space<vmem>>, vector<32x1xf32>
      %dot_general3A_101 = arith.constant dense<0.000000e+00> : vector<1x1xf32>
      %dot_general3A_102 = tpu.matmul %get3A_97, %get3A_100, %dot_general3A_101 {dimension_numbers = #tpu.dot_dimension_numbers<[1], [0], [0], [1], [0, 0, 1, 1], [], []>, precision = #tpu.contract_precision<fp32>, transpose_lhs_hint = false} : vector<1x32xf32>, vector<32x1xf32>, vector<1x1xf32> -> vector<1x1xf32>
      %get3A_103 = arith.constant 0 : index
      %get3A_104 = arith.constant 0 : index
      %get3A_105 = vector.load %arg14[%get3A_103, %get3A_104] : memref<1x1xf32, #tpu.memory_space<vmem>>, vector<1x1xf32>
      %add3A_106 = arith.addf %dot_general3A_102, %get3A_105 : vector<1x1xf32>
      %swap3A = arith.constant 0 : index
      %swap3A_107 = arith.constant 0 : index
      %swap3A_108 = vector.load %arg15[%swap3A, %swap3A_107] : memref<1x1xf32, #tpu.memory_space<vmem>>, vector<1x1xf32>
      tpu.vector_store %arg15[%swap3A, %swap3A_107], %add3A_106 {strides = array<i32>} : memref<1x1xf32, #tpu.memory_space<vmem>>, vector<1x1xf32>,
    } else {
    }
    return
  }
  func.func @transform_0(%arg0: i32) -> (i32, i32, i32) {
    %c0_i32 = arith.constant 0 : i32
    %c0_i32_0 = arith.constant 0 : i32
    %c0_i32_1 = arith.constant 0 : i32
    return %c0_i32, %arg0, %c0_i32_0 : i32, i32, i32
  }
  func.func @transform_1(%arg0: i32) -> (i32, i32) {
    %c0_i32 = arith.constant 0 : i32
    %c0_i32_0 = arith.constant 0 : i32
    return %arg0, %c0_i32 : i32, i32
  }
  func.func @transform_2(%arg0: i32) -> (i32, i32) {
    %c0_i32 = arith.constant 0 : i32
    %c0_i32_0 = arith.constant 0 : i32
    return %arg0, %c0_i32 : i32, i32
  }
  func.func @transform_3(%arg0: i32) -> (i32, i32) {
    %c0_i32 = arith.constant 0 : i32
    %c0_i32_0 = arith.constant 0 : i32
    return %arg0, %c0_i32 : i32, i32
  }
  func.func @transform_4(%arg0: i32) -> (i32, i32) {
    %c0_i32 = arith.constant 0 : i32
    %c0_i32_0 = arith.constant 0 : i32
    return %arg0, %c0_i32 : i32, i32
  }
  func.func @transform_5(%arg0: i32) -> (i32, i32) {
    %c0_i32 = arith.constant 0 : i32
    %c0_i32_0 = arith.constant 0 : i32
    %c0_i32_1 = arith.constant 0 : i32
    return %c0_i32, %c0_i32_0 : i32, i32
  }
  func.func @transform_6(%arg0: i32) -> (i32, i32) {
    %c0_i32 = arith.constant 0 : i32
    %c0_i32_0 = arith.constant 0 : i32
    %c0_i32_1 = arith.constant 0 : i32
    return %c0_i32, %c0_i32_0 : i32, i32
  }
  func.func @transform_7(%arg0: i32) -> (i32, i32) {
    %c0_i32 = arith.constant 0 : i32
    %c0_i32_0 = arith.constant 0 : i32
    %c0_i32_1 = arith.constant 0 : i32
    return %c0_i32, %c0_i32_0 : i32, i32
  }
  func.func @transform_8(%arg0: i32) -> (i32, i32) {
    %c0_i32 = arith.constant 0 : i32
    %c0_i32_0 = arith.constant 0 : i32
    %c0_i32_1 = arith.constant 0 : i32
    return %c0_i32, %c0_i32_0 : i32, i32
  }
  func.func @transform_9(%arg0: i32) -> (i32, i32) {
    %c0_i32 = arith.constant 0 : i32
    %c0_i32_0 = arith.constant 0 : i32
    %c0_i32_1 = arith.constant 0 : i32
    return %c0_i32, %c0_i32_0 : i32, i32
  }
  func.func @transform_10(%arg0: i32) -> (i32, i32) {
    %c0_i32 = arith.constant 0 : i32
    %c0_i32_0 = arith.constant 0 : i32
    %c0_i32_1 = arith.constant 0 : i32
    return %c0_i32, %c0_i32_0 : i32, i32
  }
  func.func @transform_11(%arg0: i32) -> (i32, i32) {
    %c0_i32 = arith.constant 0 : i32
    %c0_i32_0 = arith.constant 0 : i32
    %c0_i32_1 = arith.constant 0 : i32
    return %c0_i32, %c0_i32_0 : i32, i32
  }
  func.func @transform_12(%arg0: i32) -> (i32, i32) {
    %c0_i32 = arith.constant 0 : i32
    %c0_i32_0 = arith.constant 0 : i32
    %c0_i32_1 = arith.constant 0 : i32
    return %c0_i32, %c0_i32_0 : i32, i32
  }
  func.func @transform_13(%arg0: i32) -> (i32, i32) {
    %c0_i32 = arith.constant 0 : i32
    %c0_i32_0 = arith.constant 0 : i32
    %c0_i32_1 = arith.constant 0 : i32
    return %c0_i32, %c0_i32_0 : i32, i32
  }
  func.func @transform_14(%arg0: i32) -> (i32, i32) {
    %c0_i32 = arith.constant 0 : i32
    %c0_i32_0 = arith.constant 0 : i32
    %c0_i32_1 = arith.constant 0 : i32
    return %c0_i32, %c0_i32_0 : i32, i32
  }
}

</mosaic_0001>

<sc_bundles>
// kernel: kernel.6.cloned.1.call-start
scs
__scs_entry_jumppad:
0x0: {  	(pc) =	sbr.rel $0x88, $3  }
0x1: {  	(tag) =	ssettag $0x0;
	lr =	simm.s32 $0x1  }
0x2: {  	[smem:$0x3F95] =	sst lr;
	_ =	strace $0xD0000000  }
0x3: {  	_ = 	snop  }
0x4: {  	_ = 	snop  }
0x5: {  	_ = 	snop  }
0x6: {  	_ = 	snop  }
0x7: {  	_ = 	snop  }
__scs_overlays_trampoline_lowered:
0x8: {  	[smem:$0x3FA4] =	sst s0  }
0x9: {  	[smem:$0x3FA5] =	sst s1  }
0xa: {  	[smem:$0x3FA6] =	sst s2  }
0xb: {  	[smem:$0x3FA7] =	sst s3  }
0xc: {  	[smem:$0x3FA8] =	sst s4  }
0xd: {  	[smem:$0x3FA9] =	sst s5  }
0xe: {  	[smem:$0x3FAA] =	sst s6  }
0xf: {  	[smem:$0x3FAB] =	sst s7  }
0x10: {  	[smem:$0x3FAC] =	sst s8  }
0x11: {  	[smem:$0x3FAD] =	sst s9;
	s0 =	simm.s32 @!p0 $0x0  }
0x12: {  	s1 =	sld [smem:$0x3F93];
	s0 =	simm.s32 @p0 $0x1  }
0x13: {  	[smem:$0x3FAE] =	sst s0;
	s0 =	simm.s32 @!p1 $0x0  }
0x14: {  	s2 =	sld [smem:$0x3F92];
	s0 =	simm.s32 @p1 $0x1  }
0x15: {  	[smem:$0x3FAF] =	sst s0;
	s0 =	simm.s32 @!p2 $0x0  }
0x16: {  	s3 =	sld [smem:$0x3FDB];
	s0 =	simm.s32 @p2 $0x1  }
0x17: {  	s4 =	simm.s32 $0x1BF5;
	[smem:$0x3FB1] =	sst s0  }
0x18: {  	s0 =	sld [smem:$0x3F94];
	_ =	swait.ge [sflag:s4], $0x0  }
0x19: {  	s7 =	sld [smem:$0x3F95]  }
0x1a: {  	s8 =	sadd.s32 $0xFFFFE003, lr  }
0x1b: {  	s9 =	sadd.s32 $0xFFFFFEF7, lr;
	s5 =	simm.s32 $0xFFFFFFFF;
	p2 =	slt.u32 s8, $0xFFFFF086  }
0x1c: {  	p1 =	slt.u32 s9, $0xF7A;
	s5 =	simm.s32 @!p2 $0x0  }
0x1d: {  	s5 =	simm.s32 @p1 $0x1;
	p0 =	seq.s32 s7, s2  }
0x1e: {  	s7 =	smul.u32 @!p0 $0xF7A, s2;
	p2 =	seq.s32 @!p0 s5, $0x0  }
0x1f: {  	s9 =	smul.u32 $0xF7A, s1;
	s8 =	simm.s32 @!p0 $0x1BF5;
	p2 =	por !p2, p0  }
0x20: {  	[sflag:s8] =	ssyncset.s32 @!p0 $0xFFFFF086;
	s6 =	sadd.s32 @!p0 s3, s7;
	s7 =	simm.s32 @!p0 $0x108  }
0x21: {  	s3 =	sadd.s32 s3, s9;
	s6 =	sadd.s32 @!p0 $0x88, s6;
	s7 =	simm.s32 @p2 $0x1082  }
0x22: {  	[simem:s7], [sflag:s8] =	dma.local @!p0 [hbm:s6], $0xF7A  }
0x23: {  	s9 =	sor.u32 $0xD0000000, s2;
	s6 =	simm.s32 $0x108;
	_ =	swait.ge @!p0 [sflag:s8], $0x0  }
0x24: {  	s3 =	sadd.s32 $0x88, s3;
	s6 =	simm.s32 @!p1 $0x1082;
	[sflag:s4] =	ssyncset.s32 $0xFFFFF086  }
0x25: {  	[simem:s6], [sflag:s4] =	dma.local [hbm:s3], $0xF7A  }
0x26: {  	[smem:$0x3F95] =	sst s1;
	(tag) =	ssettag s2;
	_ =	strace s9  }
0x27: {  	s1 =	sld [smem:$0x3FA5]  }
0x28: {  	s2 =	sld [smem:$0x3FA6]  }
0x29: {  	s4 =	sld [smem:$0x3FA8]  }
0x2a: {  	p0 =	seq.s32 s5, $0x0;
	s5 =	sld [smem:$0x3FA9]  }
0x2b: {  	s6 =	sld [smem:$0x3FAA]  }
0x2c: {  	s7 =	sld [smem:$0x3FAB]  }
0x2d: {  	s3 =	simm.s32 $0x108;
	s8 =	sld [smem:$0x3FAC]  }
0x2e: {  	s3 =	simm.s32 @!p0 $0x1082;
	s9 =	sld [smem:$0x3FAD]  }
0x2f: {  	lr =	sadd.s32 s0, s3;
	s0 =	sld [smem:$0x3FA4]  }
0x30: {  	s3 =	sld [smem:$0x3FA7]  }
0x31: {  	[smem:$0x3FB0] =	sst s10  }
0x32: {  	s10 =	sld [smem:$0x3FAE];
	_ =	sdelay $0x3  }
0x33: {  	p0 =	seq.s32 s10, $0x1;
	s10 =	sld [smem:$0x3FB0];
	_ =	sdelay $0x3  }
0x34: {  	[smem:$0x3FB0] =	sst s10  }
0x35: {  	s10 =	sld [smem:$0x3FAF];
	_ =	sdelay $0x3  }
0x36: {  	p1 =	seq.s32 s10, $0x1;
	s10 =	sld [smem:$0x3FB0];
	_ =	sdelay $0x3  }
0x37: {  	[smem:$0x3FB0] =	sst s10  }
0x38: {  	s10 =	sld [smem:$0x3FB1]  }
0x39: {  	_ = 	snop;
	(pc) =	sbr.ind lr, $3  }
0x3a: {  	_ = 	snop  }
0x3b: {  	_ = 	snop  }
0x3c: {  	p2 =	seq.s32 s10, $0x1;
	s10 =	sld [smem:$0x3FB0]  }
0x3d: {  	_ =	shalt  }
0x3e: {  	_ =	shalt  }
0x3f: {  	_ =	shalt  }
0x40: {  	_ =	shalt  }
0x41: {  	_ =	shalt  }
0x42: {  	_ =	shalt  }
0x43: {  	_ =	shalt  }
0x44: {  	_ =	shalt  }
0x45: {  	_ =	shalt  }
0x46: {  	_ =	shalt  }
0x47: {  	_ =	shalt  }
0x48: {  	_ =	shalt  }
0x49: {  	_ =	shalt  }
0x4a: {  	_ =	shalt  }
0x4b: {  	_ =	shalt  }
0x4c: {  	_ =	shalt  }
0x4d: {  	_ =	shalt  }
0x4e: {  	_ =	shalt  }
0x4f: {  	_ =	shalt  }
0x50: {  	_ =	shalt  }
0x51: {  	_ =	shalt  }
0x52: {  	_ =	shalt  }
0x53: {  	_ =	shalt  }
0x54: {  	_ =	shalt  }
0x55: {  	_ =	shalt  }
0x56: {  	_ =	shalt  }
0x57: {  	_ =	shalt  }
0x58: {  	_ =	shalt  }
0x59: {  	_ =	shalt  }
0x5a: {  	_ =	shalt  }
0x5b: {  	_ =	shalt  }
0x5c: {  	_ =	shalt  }
0x5d: {  	_ =	shalt  }
0x5e: {  	_ =	shalt  }
0x5f: {  	_ =	shalt  }
0x60: {  	_ =	shalt  }
0x61: {  	_ =	shalt  }
0x62: {  	_ =	shalt  }
0x63: {  	_ =	shalt  }
0x64: {  	_ =	shalt  }
0x65: {  	_ =	shalt  }
0x66: {  	_ =	shalt  }
0x67: {  	_ =	shalt  }
0x68: {  	_ =	shalt  }
0x69: {  	_ =	shalt  }
0x6a: {  	_ =	shalt  }
0x6b: {  	_ =	shalt  }
0x6c: {  	_ =	shalt  }
0x6d: {  	_ =	shalt  }
0x6e: {  	_ =	shalt  }
0x6f: {  	_ =	shalt  }
0x70: {  	_ =	shalt  }
0x71: {  	_ =	shalt  }
0x72: {  	_ =	shalt  }
0x73: {  	_ =	shalt  }
0x74: {  	_ =	shalt  }
0x75: {  	_ =	shalt  }
0x76: {  	_ =	shalt  }
0x77: {  	_ =	shalt  }
0x78: {  	_ =	shalt  }
0x79: {  	_ =	shalt  }
0x7a: {  	_ =	shalt  }
0x7b: {  	_ =	shalt  }
0x7c: {  	_ =	shalt  }
0x7d: {  	_ =	shalt  }
0x7e: {  	_ =	shalt  }
0x7f: {  	_ =	shalt  }
0x80: {  	_ =	shalt  }
0x81: {  	_ =	shalt  }
0x82: {  	_ =	shalt  }
0x83: {  	_ =	shalt  }
0x84: {  	_ =	shalt  }
0x85: {  	_ =	shalt  }
0x86: {  	_ =	shalt  }
0x87: {  	_ =	shalt  }
.Lfunc_end0:
.L_simem_size_0:
called_computation_lowered:
.L_overlay_start_0:
0x88: {  	s2 =	sld [smem:$0x3FD9]  }
0x89: {  	s3 =	sld [smem:$0x3FFE];
	_ =	sdelay $0x1  }
0x8a: {  	s1 =	srdreg.scid  }
0x8b: {  	s0 =	sand.u32 $0x1, s1  }
0x8c: {  	s16 =	sshll.u32 s0, $0xA;
	s2 =	sadd.s32 s3, s2  }
0x8d: {  	s2 =	sadd.s32 s2, s16  }
0x8e: {  	[smem:$0x3FBC] =	sst s2  }
0x8f: {  	_ = 	snop  }
0x90: {  	(tm) =	ssettm $0x1  }
0x91: {  	s17 =	sld [smem:$0x3FFB];
	_ =	sdelay $0x3  }
0x92: {  	_ =	strace s17  }
0x93: {  	s2 =	sld [smem:$0x3FFC];
	_ =	sdelay $0x3  }
0x94: {  	_ =	strace s2  }
0x95: {  	s2 =	sld [smem:$0x3FFD];
	_ =	sdelay $0x3  }
0x96: {  	_ =	strace s2  }
0x97: {  	_ =	strace $0x8FFFFFFF  }
0x98: {  	s18 =	sld [smem:$0x3FDB];
	_ =	sdelay $0x1  }
0x99: {  	s19 =	simm.s32 $_scs_section_size  }
0x9a: {  	s4 =	simm.s32 $_size__tile_overlayer_lowered;
	s5 =	simm.s32 $_tile_overlayer_lowered  }
0x9b: {  	s22 =	simm.s32 $0x1BFF;
	s21 =	sshll.u32 s5, $0x1;
	s2 =	sadd.s32 s19, s18  }
0x9c: {  	s6 =	simm.s32 $0x0;
	s20 =	sshll.u32 s4, $0x1;
	s4 =	sadd.s32 s21, s2  }
0x9d: {  	[timem:s6], [sflag:s22] =	dma.local [hbm:s4], s20  }
0x9e: {  	_ =	swait.ge [sflag:s22], s20  }
0x9f: {  	s3 =	ssub.s32 $0x0, s20;
	[sflag:s22] =	ssyncset.done $0x0  }
0xa0: {  	[sflag:s22] =	ssyncadd.s32 s3;
	_ =	sdelay $0x1  }
0xa1: {  	s23 =	simm.s32 $0x1B8B  }
0xa2: {  	_ =	swait.ge [sflag:s23], $0x1  }
0xa3: {  	[sflag:s23] =	ssyncset.done $0x0  }
0xa4: {  	s25 =	simm.s32 $0x1B8E;
	s24 =	sld [smem:$0x3FFE];
	[sflag:s23] =	ssyncadd.s32 $0xFFFFFFFF  }
0xa5: {  	s26 =	simm.s32 $execute0_lowered;
	[smem:$0x3FD2] =	sst s25  }
0xa6: {  	s4 =	sshll.u32 s26, $0x1;
	_ =	strace $0x80000046;
	[dreg:$0x1] =	wrdreg $0xFFFFFFFF  }
0xa7: {  	s28 =	simm.s32 $_size_execute0_lowered;
	s2 =	sadd.s32 s2, s4;
	[dreg:$0x0] =	wrdreg $0x0  }
0xa8: {  	s4 =	sshll.u32 s28, $0x1;
	[dreg:$0x2] =	wrdreg s2  }
0xa9: {  	[dreg:$0x3] =	wrdreg s4  }
0xaa: {  	[dreg:$0x4] =	wrdreg $0xC0  }
0xab: {  	_ =	task [dreg:s6], $0x5FFFF  }
0xac: {  	[dreg:$0x1] =	wrdreg $0xFFFFFFFF  }
0xad: {  	[dreg:$0x0] =	wrdreg $0x60  }
0xae: {  	[dreg:$0x2] =	wrdreg s24  }
0xaf: {  	[dreg:$0x3] =	wrdreg $0x2B000  }
0xb0: {  	[dreg:$0x4] =	wrdreg $0x9  }
0xb1: {  	_ =	task.clear_ibuf [dreg:s6], $0x5FFFF;
	_ =	strace $0x90000046  }
0xb2: {  	s29 =	simm.s32 $0x9;
	_ =	strace $0x80000048  }
0xb3: {  	_ =	swait.ge [sflag:s29], $0x1  }
0xb4: {  	[sflag:s29] =	ssyncadd.s32 $0xFFFFFFFF  }
0xb5: {  	_ =	strace $0x90000048  }
0xb6: {  	_ =	sfence  }
0xb7: {  	s30 =	sld [smem:$0x0];
	_ =	sdelay $0x2  }
0xb8: {  	s31 =	sshll.u32 s1, $0xD;
	s1 =	sshrl.u32 s1, $0x2  }
0xb9: {  	s3 =	sand.u32 $0x4000, s31;
	s1 =	sadd.s32 s1, s30  }
0xba: {  	s0 =	sor.u32 s3, s0;
	s1 =	sshll.u32 s1, $0x11  }
0xbb: {  	s0 =	sor.u32 s1, s0  }
0xbc: {  	s0 =	sadd.s32 $0x8F2B, s0  }
0xbd: {  	[sflag:s0] =	ssyncadd.remote.s32 $0x1  }
0xbe: {  	_ =	sfence.sel $0xFFFF  }
0xbf: {  	[dreg:$0x0] =	wrdreg $0xFFFFFFFF;
	(pc) =	sbr.abs _section_cstart, $3  }
0xc0: {  	[dreg:$0x1] =	wrdreg $0xFFFFFFFF  }
0xc1: {  	_ =	task.clear_ibuf [dreg:s6], $0x2FFFF;
	_ =	strace $0x9FFFFFFF  }
0xc2: {  	(tm) =	ssettm $0x7FFFFFFF  }
0xc3: {  	_ =	shalt  }
tec
execute0_lowered:
.L_overlay_start_1:
0x0: {  	(tag) =	ssettag $0x1  }
0x1: {  	s5 =	rddreg [dreg:$0x0];
	s1 =	srdreg.scid  }
0x2: {  	s0 =	stileid.u32;
	s2 =	rddreg [dreg:$0x1]  }
0x3: {  	s3 =	simm.s32 $0x0;
	s11 =	simm.s32 $0x2800;
	s12 =	simm.s32 $0x1  }
0x4: {  	s13 =	simm.s32 $0x2;
	s4 =	sand.u32 $0x1, s1;
	s1 =	rddreg [dreg:$0x2]  }
0x5: {  	s6 =	smul.u32 $0x278, s0;
	[smem:$0x7FF] =	sst s3;
	s10 =	sshll.u32 s0, $0x1  }
0x6: {  	s14 =	sadd.s32 $0xC440, s5;
	s7 =	smul.u32 $0x2780, s4;
	_ =	strace $0x80000047  }
0x7: {  	s8 =	ssub.s32 $0x2, s4;
	s31 =	sor.u32 s4, s10;
	s10 =	simm.s32 $0x80  }
0x8: {  	s9 =	sshrl.u32 s8, $0x1;
	s4 =	sadd.s32 s6, s2;
	s15 =	smul.u32 $0x500, s31  }
0x9: {  	p0 =	seq.s32 s31, $0x1F;
	s7 =	sadd.s32 s6, s7;
	s8 =	ssub.s32 s8, s9  }
0xa: {  	s9 =	sadd.s32 $0x9B00, s14;
	s7 =	sshrl.u32 s7, $0x3;
	s6 =	smax.u32 s8, $0x1  }
0xb: {  	s8 =	simm.s32 $0x3;
	s14 =	sadd.s32 s15, s14;
	s7 =	sadd.s32 s7, s5  }
0xc: {  	v0 =	vimm.f32 $0.0e+00;
	v1 =	vimm.f32 $1.000000000e+00;
	v2 =	vimm.s32 $0x2718;
	s15 =	simm.s32 $0x0;
	s5 =	sadd.s32 $0x16200, s7;
	s7 =	simm.s32 $0x2880  }
.LBB2_1:
0xd: {  	[tilespmem:$0x2880] =	vst v0  }
0xe: {  	[tilespmem:$0x2890] =	vst v0  }
0xf: {  	[tilespmem:$0x28A0] =	vst v0  }
0x10: {  	[tilespmem:$0x28B0] =	vst v0  }
0x11: {  	[tilespmem:$0x28C0] =	vst v0  }
0x12: {  	[tilespmem:$0x28D0] =	vst v0  }
0x13: {  	[tilespmem:$0x28E0] =	vst v0  }
0x14: {  	[tilespmem:$0x28F0] =	vst v0  }
0x15: {  	[tilespmem:$0x2900] =	vst v0  }
0x16: {  	[tilespmem:$0x2910] =	vst v0  }
0x17: {  	[tilespmem:$0x2920] =	vst v0  }
0x18: {  	[tilespmem:$0x2930] =	vst v0  }
0x19: {  	[tilespmem:$0x2940] =	vst v0  }
0x1a: {  	[tilespmem:$0x2950] =	vst v0  }
0x1b: {  	[tilespmem:$0x2960] =	vst v0  }
0x1c: {  	[tilespmem:$0x2970] =	vst v0  }
0x1d: {  	[tilespmem:$0x2980] =	vst v0  }
0x1e: {  	[tilespmem:$0x2990] =	vst v0  }
0x1f: {  	[tilespmem:$0x29A0] =	vst v0  }
0x20: {  	[tilespmem:$0x29B0] =	vst v0  }
0x21: {  	[tilespmem:$0x29C0] =	vst v0  }
0x22: {  	[tilespmem:$0x29D0] =	vst v0  }
0x23: {  	[tilespmem:$0x29E0] =	vst v0  }
0x24: {  	[tilespmem:$0x29F0] =	vst v0  }
0x25: {  	[tilespmem:$0x2A00] =	vst v0  }
0x26: {  	[tilespmem:$0x2A10] =	vst v0  }
0x27: {  	[tilespmem:$0x2A20] =	vst v0  }
0x28: {  	[tilespmem:$0x2A30] =	vst v0  }
0x29: {  	[tilespmem:$0x2A40] =	vst v0  }
0x2a: {  	[tilespmem:$0x2A50] =	vst v0  }
0x2b: {  	[tilespmem:$0x2A60] =	vst v0  }
0x2c: {  	[tilespmem:$0x2A70] =	vst v0  }
0x2d: {  	[tilespmem:$0x2A80] =	vst v0  }
0x2e: {  	[tilespmem:$0x2A90] =	vst v0  }
0x2f: {  	[tilespmem:$0x2AA0] =	vst v0  }
0x30: {  	[tilespmem:$0x2AB0] =	vst v0  }
0x31: {  	[tilespmem:$0x2AC0] =	vst v0  }
0x32: {  	[tilespmem:$0x2AD0] =	vst v0  }
0x33: {  	[tilespmem:$0x2AE0] =	vst v0  }
0x34: {  	[tilespmem:$0x2AF0] =	vst v0  }
0x35: {  	[tilespmem:$0x2800] =	vst v1  }
0x36: {  	[tilespmem:$0x2810] =	vst v1  }
0x37: {  	[tilespmem:$0x2820] =	vst v1  }
0x38: {  	[tilespmem:$0x2830] =	vst v1  }
0x39: {  	[tilespmem:$0x2840] =	vst v1  }
0x3a: {  	[tilespmem:$0x2850] =	vst v1  }
0x3b: {  	[tilespmem:$0x2860] =	vst v1  }
0x3c: {  	[tilespmem:$0x2870] =	vst v1  }
0x3d: {  	[spmem:s4] =	stream.linear.scatter [tilespmem:s7], [sflag:$0x3], $0x278, $0x38;
	[tilespmem:$0x2D78] =	vst v63  }
.Ltmp0:
0x3e: {  	_ =	swait.ge [sflag:s8], $0x278;
	(pc) =	sbr.rel @!p0 .LBB2_2-.Ltmp0, $3  }
0x3f: {  	[sflag:s8] =	ssyncset.done $0x0  }
0x40: {  	[sflag:s8] =	ssyncadd.s32 $0xFFFFFD88  }
0x41: {  	[bflag:$0x0] =	sbarrier.arrive $0xFFFF;
	_ =	sdelay $0x1  }
0x42: {  	s16 =	simm.s32 $0x0  }
0x43: {  	[tilespmem:s16], [sflag:$0x3] =	stream.linear.gather [hbm4b:s9+s16], $0xA00, $0x38;
	[tilespmem:$0x2D78] =	vst v63  }
0x44: {  	_ =	swait.ge [sflag:s8], $0xA00  }
0x45: {  	[sflag:s8] =	ssyncset.done $0x0  }
0x46: {  	s17 =	simm.s32 $0x200;
	s16 =	simm.s32 $0x0;
	[sflag:s8] =	ssyncadd.s32 $0xFFFFF600  }
.LBB2_4:
0x47: {  	p1 =	sne.s32 s17, $0x7600;
	[tilespmem:s16+$0xA70] =	vst v2  }
0x48: {  	[tilespmem:s16+$0xA00] =	vst v2  }
0x49: {  	[tilespmem:s16+$0xA10] =	vst v2  }
.Ltmp1:
0x4a: {  	[tilespmem:s16+$0xA20] =	vst v2;
	(pc) =	sbr.rel @p1 .LBB2_4-.Ltmp1, $4  }
0x4b: {  	[tilespmem:s16+$0xA30] =	vst v2  }
0x4c: {  	[tilespmem:s16+$0xA40] =	vst v2  }
0x4d: {  	[tilespmem:s16+$0xA50] =	vst v2  }
0x4e: {  	[tilespmem:s16+$0xA60] =	vst v2;
	s16 =	sshra.s32 s17, $0x2;
	s17 =	sadd.s32 $0x200, s17  }
0x4f: {  	[tilespmem:s16+$0xA70] =	vst v2  }
0x50: {  	[tilespmem:s16+$0xA00] =	vst v2  }
0x51: {  	[tilespmem:s16+$0xA10] =	vst v2  }
.Ltmp2:
0x52: {  	[tilespmem:s16+$0xA20] =	vst v2;
	(pc) =	sbr.rel .LBB2_6-.Ltmp2, $4  }
0x53: {  	[tilespmem:s16+$0xA30] =	vst v2  }
0x54: {  	[tilespmem:s16+$0xA40] =	vst v2  }
0x55: {  	[tilespmem:s16+$0xA50] =	vst v2  }
0x56: {  	[tilespmem:s16+$0xA60] =	vst v2  }
.LBB2_2:
0x57: {  	[tilespmem:s3], [sflag:$0x3] =	stream.linear.gather [hbm4b:s14+s3], $0x2800, $0x38;
	[tilespmem:$0x2D78] =	vst v63  }
0x58: {  	_ =	swait.ge [sflag:s8], $0x2800  }
0x59: {  	[sflag:s8] =	ssyncset.done $0x0  }
0x5a: {  	[sflag:s8] =	ssyncadd.s32 $0xFFFFD800  }
.LBB2_6:
0x5b: {  	[spmem:s2] =	stream.indirect.scatter.add.f32 [tilespmem:s11], [sflag:$0x1], $0x1, s3, s10, $0xb8;
	[tilespmem:$0x2D78] =	vst v63  }
0x5c: {  	_ = 	snop  }
0x5d: {  	[spmem:s2] =	stream.indirect.scatter.add.f32 [tilespmem:s11], [sflag:$0x2], $0x1, s10, s10, $0xb8;
	[tilespmem:$0x2D78] =	vst v63  }
0x5e: {  	_ =	swait.ge [sflag:s12], $0x80  }
0x5f: {  	[sflag:s12] =	ssyncset.done $0x0  }
0x60: {  	s16 =	simm.s32 $0x100;
	[sflag:s12] =	ssyncadd.s32 $0xFFFFFF80  }
0x61: {  	[spmem:s2] =	stream.indirect.scatter.add.f32 [tilespmem:s11], [sflag:$0x1], $0x1, s16, s10, $0xb8;
	[tilespmem:$0x2D78] =	vst v63  }
0x62: {  	_ =	swait.ge [sflag:s13], $0x80  }
0x63: {  	[sflag:s13] =	ssyncset.done $0x0  }
0x64: {  	s17 =	simm.s32 $0x180;
	s16 =	simm.s32 $0xFFFF6800;
	[sflag:s13] =	ssyncadd.s32 $0xFFFFFF80  }
.LBB2_7:
0x65: {  	[spmem:s2] =	stream.indirect.scatter.add.f32 [tilespmem:s11], [sflag:$0x2], $0x1, s17, s10, $0xb8;
	[tilespmem:$0x2D78] =	vst v63  }
0x66: {  	s17 =	smov.u32 s16  }
0x67: {  	p1 =	sne.s32 s16, $0xFFFFFC00;
	s16 =	sadd.s32 $0x400, s16;
	_ =	swait.ge [sflag:s12], $0x80  }
0x68: {  	s17 =	sshra.s32 s17, $0x2;
	[sflag:s12] =	ssyncset.done $0x0  }
.Ltmp3:
0x69: {  	s18 =	sadd.s32 $0x2800, s17;
	[sflag:s12] =	ssyncadd.s32 $0xFFFFFF80;
	(pc) =	sbr.rel @p1 .LBB2_7-.Ltmp3, $4  }
0x6a: {  	[spmem:s2] =	stream.indirect.scatter.add.f32 [tilespmem:s11], [sflag:$0x1], $0x1, s18, s10, $0xb8;
	[tilespmem:$0x2D78] =	vst v63  }
0x6b: {  	_ =	swait.ge [sflag:s13], $0x80  }
0x6c: {  	[sflag:s13] =	ssyncset.done $0x0  }
0x6d: {  	s17 =	sadd.s32 $0x2880, s17;
	[sflag:s13] =	ssyncadd.s32 $0xFFFFFF80  }
0x6e: {  	[spmem:s2] =	stream.indirect.scatter.add.f32 [tilespmem:s11], [sflag:$0x2], $0x1, s17, s10, $0xb8;
	[tilespmem:$0x2D78] =	vst v63  }
0x6f: {  	_ =	swait.ge [sflag:s12], $0x80  }
0x70: {  	[sflag:s12] =	ssyncset.done $0x0  }
0x71: {  	[sflag:s12] =	ssyncadd.s32 $0xFFFFFF80  }
0x72: {  	_ =	swait.ge [sflag:s13], $0x80  }
0x73: {  	[sflag:s13] =	ssyncset.done $0x0  }
0x74: {  	[sflag:s13] =	ssyncadd.s32 $0xFFFFFF80  }
0x75: {  	[bflag:$0x0] =	sbarrier.arrive $0xFFFF  }
0x76: {  	[tilespmem:s7], [sflag:$0x3] =	stream.linear.gather [spmem:s4], $0x278, $0x38;
	[tilespmem:$0x2D78] =	vst v63  }
0x77: {  	s15 =	sadd.s32 $0x1, s15;
	_ =	swait.ge [sflag:s8], $0x278  }
0x78: {  	p1 =	sne.s32 s15, s6;
	[sflag:s8] =	ssyncset.done $0x0  }
.Ltmp4:
0x79: {  	[sflag:s8] =	ssyncadd.s32 $0xFFFFFD88;
	(pc) =	sbr.rel @p1 .LBB2_1-.Ltmp4, $4  }
0x7a: {  	[hbm4b:s5+s3] =	stream.linear.scatter [tilespmem:s7], [sflag:$0x3], $0x278, $0x38;
	[tilespmem:$0x2D78] =	vst v63  }
0x7b: {  	_ =	swait.ge [sflag:s8], $0x278  }
0x7c: {  	[sflag:s8] =	ssyncset.done $0x0  }
0x7d: {  	[sflag:s8] =	ssyncadd.s32 $0xFFFFFD88  }
0x7e: {  	_ =	sfence.sel $0x180000  }
0x7f: {  	[bflag:$0x0] =	sbarrier.arrive $0xFFFF  }
0x80: {  	p0 =	sne.s32 s0, $0x0;
	_ =	strace $0x90000047  }
0x81: {  	s0 =	sadd.s32 @!p0 $0x100000, s1;
	[bflag:$0x2] =	sbarrier.arrive $0xFFFF  }
0x82: {  	[sflag:s0] =	ssyncadd.tile.s32 @!p0 $0x1;
	_ =	shalt  }
.Lfunc_end2:
_tile_overlayer_lowered:
.L_overlay_start_2:
0x83: {  	(tag) =	ssettag $0x2  }
0x84: {  	s0 =	rddreg [dreg:$0x0];
	s2 =	stileid.u32  }
0x85: {  	s1 =	rddreg [dreg:$0x1];
	p0 =	sne.s32 s2, $0x0  }
0x86: {  	s3 =	rddreg [dreg:$0x2];
	[bflag:$0x3] =	sbarrier.arrive $0xFFFF;
	s2 =	simm.s32 @!p0 $0x1C03  }
0x87: {  	[timem:s3], [sflag:s2] =	dma.local @!p0 [hbm:s0], s1  }
0x88: {  	s0 =	simm.s32 @!p0 $0x3  }
0x89: {  	_ =	swait.ge @!p0 [sflag:s0], s1  }
0x8a: {  	s1 =	ssub.s32 @!p0 $0x0, s1;
	[sflag:s0] =	ssyncset.done @!p0 $0x0  }
0x8b: {  	[sflag:s0] =	ssyncadd.s32 @!p0 s1  }
0x8c: {  	[bflag:$0x3] =	sbarrier.arrive $0xFFFF  }
0x8d: {  	_ =	shalt  }

// kernel: kernel.9.cloned.1.call-start
scs
__scs_entry_jumppad:
0x0: {  	(pc) =	sbr.rel $0x88, $3  }
0x1: {  	(tag) =	ssettag $0x0;
	lr =	simm.s32 $0x1  }
0x2: {  	[smem:$0x3F95] =	sst lr;
	_ =	strace $0xD0000000  }
0x3: {  	_ = 	snop  }
0x4: {  	_ = 	snop  }
0x5: {  	_ = 	snop  }
0x6: {  	_ = 	snop  }
0x7: {  	_ = 	snop  }
__scs_overlays_trampoline_lowered:
0x8: {  	[smem:$0x3FA4] =	sst s0  }
0x9: {  	[smem:$0x3FA5] =	sst s1  }
0xa: {  	[smem:$0x3FA6] =	sst s2  }
0xb: {  	[smem:$0x3FA7] =	sst s3  }
0xc: {  	[smem:$0x3FA8] =	sst s4  }
0xd: {  	[smem:$0x3FA9] =	sst s5  }
0xe: {  	[smem:$0x3FAA] =	sst s6  }
0xf: {  	[smem:$0x3FAB] =	sst s7  }
0x10: {  	[smem:$0x3FAC] =	sst s8  }
0x11: {  	[smem:$0x3FAD] =	sst s9;
	s0 =	simm.s32 @!p0 $0x0  }
0x12: {  	s1 =	sld [smem:$0x3F93];
	s0 =	simm.s32 @p0 $0x1  }
0x13: {  	[smem:$0x3FAE] =	sst s0;
	s0 =	simm.s32 @!p1 $0x0  }
0x14: {  	s2 =	sld [smem:$0x3F92];
	s0 =	simm.s32 @p1 $0x1  }
0x15: {  	[smem:$0x3FAF] =	sst s0;
	s0 =	simm.s32 @!p2 $0x0  }
0x16: {  	s3 =	sld [smem:$0x3FDB];
	s0 =	simm.s32 @p2 $0x1  }
0x17: {  	s4 =	simm.s32 $0x1BF5;
	[smem:$0x3FB1] =	sst s0  }
0x18: {  	s0 =	sld [smem:$0x3F94];
	_ =	swait.ge [sflag:s4], $0x0  }
0x19: {  	s7 =	sld [smem:$0x3F95]  }
0x1a: {  	s8 =	sadd.s32 $0xFFFFE003, lr  }
0x1b: {  	s9 =	sadd.s32 $0xFFFFFEF7, lr;
	s5 =	simm.s32 $0xFFFFFFFF;
	p2 =	slt.u32 s8, $0xFFFFF086  }
0x1c: {  	p1 =	slt.u32 s9, $0xF7A;
	s5 =	simm.s32 @!p2 $0x0  }
0x1d: {  	s5 =	simm.s32 @p1 $0x1;
	p0 =	seq.s32 s7, s2  }
0x1e: {  	s7 =	smul.u32 @!p0 $0xF7A, s2;
	p2 =	seq.s32 @!p0 s5, $0x0  }
0x1f: {  	s9 =	smul.u32 $0xF7A, s1;
	s8 =	simm.s32 @!p0 $0x1BF5;
	p2 =	por !p2, p0  }
0x20: {  	[sflag:s8] =	ssyncset.s32 @!p0 $0xFFFFF086;
	s6 =	sadd.s32 @!p0 s3, s7;
	s7 =	simm.s32 @!p0 $0x108  }
0x21: {  	s3 =	sadd.s32 s3, s9;
	s6 =	sadd.s32 @!p0 $0x88, s6;
	s7 =	simm.s32 @p2 $0x1082  }
0x22: {  	[simem:s7], [sflag:s8] =	dma.local @!p0 [hbm:s6], $0xF7A  }
0x23: {  	s9 =	sor.u32 $0xD0000000, s2;
	s6 =	simm.s32 $0x108;
	_ =	swait.ge @!p0 [sflag:s8], $0x0  }
0x24: {  	s3 =	sadd.s32 $0x88, s3;
	s6 =	simm.s32 @!p1 $0x1082;
	[sflag:s4] =	ssyncset.s32 $0xFFFFF086  }
0x25: {  	[simem:s6], [sflag:s4] =	dma.local [hbm:s3], $0xF7A  }
0x26: {  	[smem:$0x3F95] =	sst s1;
	(tag) =	ssettag s2;
	_ =	strace s9  }
0x27: {  	s1 =	sld [smem:$0x3FA5]  }
0x28: {  	s2 =	sld [smem:$0x3FA6]  }
0x29: {  	s4 =	sld [smem:$0x3FA8]  }
0x2a: {  	p0 =	seq.s32 s5, $0x0;
	s5 =	sld [smem:$0x3FA9]  }
0x2b: {  	s6 =	sld [smem:$0x3FAA]  }
0x2c: {  	s7 =	sld [smem:$0x3FAB]  }
0x2d: {  	s3 =	simm.s32 $0x108;
	s8 =	sld [smem:$0x3FAC]  }
0x2e: {  	s3 =	simm.s32 @!p0 $0x1082;
	s9 =	sld [smem:$0x3FAD]  }
0x2f: {  	lr =	sadd.s32 s0, s3;
	s0 =	sld [smem:$0x3FA4]  }
0x30: {  	s3 =	sld [smem:$0x3FA7]  }
0x31: {  	[smem:$0x3FB0] =	sst s10  }
0x32: {  	s10 =	sld [smem:$0x3FAE];
	_ =	sdelay $0x3  }
0x33: {  	p0 =	seq.s32 s10, $0x1;
	s10 =	sld [smem:$0x3FB0];
	_ =	sdelay $0x3  }
0x34: {  	[smem:$0x3FB0] =	sst s10  }
0x35: {  	s10 =	sld [smem:$0x3FAF];
	_ =	sdelay $0x3  }
0x36: {  	p1 =	seq.s32 s10, $0x1;
	s10 =	sld [smem:$0x3FB0];
	_ =	sdelay $0x3  }
0x37: {  	[smem:$0x3FB0] =	sst s10  }
0x38: {  	s10 =	sld [smem:$0x3FB1]  }
0x39: {  	_ = 	snop;
	(pc) =	sbr.ind lr, $3  }
0x3a: {  	_ = 	snop  }
0x3b: {  	_ = 	snop  }
0x3c: {  	p2 =	seq.s32 s10, $0x1;
	s10 =	sld [smem:$0x3FB0]  }
0x3d: {  	_ =	shalt  }
0x3e: {  	_ =	shalt  }
0x3f: {  	_ =	shalt  }
0x40: {  	_ =	shalt  }
0x41: {  	_ =	shalt  }
0x42: {  	_ =	shalt  }
0x43: {  	_ =	shalt  }
0x44: {  	_ =	shalt  }
0x45: {  	_ =	shalt  }
0x46: {  	_ =	shalt  }
0x47: {  	_ =	shalt  }
0x48: {  	_ =	shalt  }
0x49: {  	_ =	shalt  }
0x4a: {  	_ =	shalt  }
0x4b: {  	_ =	shalt  }
0x4c: {  	_ =	shalt  }
0x4d: {  	_ =	shalt  }
0x4e: {  	_ =	shalt  }
0x4f: {  	_ =	shalt  }
0x50: {  	_ =	shalt  }
0x51: {  	_ =	shalt  }
0x52: {  	_ =	shalt  }
0x53: {  	_ =	shalt  }
0x54: {  	_ =	shalt  }
0x55: {  	_ =	shalt  }
0x56: {  	_ =	shalt  }
0x57: {  	_ =	shalt  }
0x58: {  	_ =	shalt  }
0x59: {  	_ =	shalt  }
0x5a: {  	_ =	shalt  }
0x5b: {  	_ =	shalt  }
0x5c: {  	_ =	shalt  }
0x5d: {  	_ =	shalt  }
0x5e: {  	_ =	shalt  }
0x5f: {  	_ =	shalt  }
0x60: {  	_ =	shalt  }
0x61: {  	_ =	shalt  }
0x62: {  	_ =	shalt  }
0x63: {  	_ =	shalt  }
0x64: {  	_ =	shalt  }
0x65: {  	_ =	shalt  }
0x66: {  	_ =	shalt  }
0x67: {  	_ =	shalt  }
0x68: {  	_ =	shalt  }
0x69: {  	_ =	shalt  }
0x6a: {  	_ =	shalt  }
0x6b: {  	_ =	shalt  }
0x6c: {  	_ =	shalt  }
0x6d: {  	_ =	shalt  }
0x6e: {  	_ =	shalt  }
0x6f: {  	_ =	shalt  }
0x70: {  	_ =	shalt  }
0x71: {  	_ =	shalt  }
0x72: {  	_ =	shalt  }
0x73: {  	_ =	shalt  }
0x74: {  	_ =	shalt  }
0x75: {  	_ =	shalt  }
0x76: {  	_ =	shalt  }
0x77: {  	_ =	shalt  }
0x78: {  	_ =	shalt  }
0x79: {  	_ =	shalt  }
0x7a: {  	_ =	shalt  }
0x7b: {  	_ =	shalt  }
0x7c: {  	_ =	shalt  }
0x7d: {  	_ =	shalt  }
0x7e: {  	_ =	shalt  }
0x7f: {  	_ =	shalt  }
0x80: {  	_ =	shalt  }
0x81: {  	_ =	shalt  }
0x82: {  	_ =	shalt  }
0x83: {  	_ =	shalt  }
0x84: {  	_ =	shalt  }
0x85: {  	_ =	shalt  }
0x86: {  	_ =	shalt  }
0x87: {  	_ =	shalt  }
.Lfunc_end0:
.L_simem_size_0:
called_computation.1_lowered:
.L_overlay_start_0:
0x88: {  	s2 =	sld [smem:$0x3FD9]  }
0x89: {  	s3 =	sld [smem:$0x3FFE];
	_ =	sdelay $0x1  }
0x8a: {  	s1 =	srdreg.scid  }
0x8b: {  	s0 =	sand.u32 $0x1, s1  }
0x8c: {  	s16 =	sshll.u32 s0, $0xA;
	s2 =	sadd.s32 s3, s2  }
0x8d: {  	s2 =	sadd.s32 s2, s16  }
0x8e: {  	[smem:$0x3FBC] =	sst s2  }
0x8f: {  	_ = 	snop  }
0x90: {  	(tm) =	ssettm $0x1  }
0x91: {  	s17 =	sld [smem:$0x3FFB];
	_ =	sdelay $0x3  }
0x92: {  	_ =	strace s17  }
0x93: {  	s2 =	sld [smem:$0x3FFC];
	_ =	sdelay $0x3  }
0x94: {  	_ =	strace s2  }
0x95: {  	s2 =	sld [smem:$0x3FFD];
	_ =	sdelay $0x3  }
0x96: {  	_ =	strace s2  }
0x97: {  	_ =	strace $0x8FFFFFFF  }
0x98: {  	s18 =	sld [smem:$0x3FDB];
	_ =	sdelay $0x1  }
0x99: {  	s19 =	simm.s32 $_scs_section_size  }
0x9a: {  	s4 =	simm.s32 $_size__tile_overlayer_lowered;
	s5 =	simm.s32 $_tile_overlayer_lowered  }
0x9b: {  	s22 =	simm.s32 $0x1BFF;
	s21 =	sshll.u32 s5, $0x1;
	s2 =	sadd.s32 s19, s18  }
0x9c: {  	s6 =	simm.s32 $0x0;
	s20 =	sshll.u32 s4, $0x1;
	s4 =	sadd.s32 s21, s2  }
0x9d: {  	[timem:s6], [sflag:s22] =	dma.local [hbm:s4], s20  }
0x9e: {  	_ =	swait.ge [sflag:s22], s20  }
0x9f: {  	s3 =	ssub.s32 $0x0, s20;
	[sflag:s22] =	ssyncset.done $0x0  }
0xa0: {  	[sflag:s22] =	ssyncadd.s32 s3;
	_ =	sdelay $0x1  }
0xa1: {  	s23 =	simm.s32 $0x1B8B  }
0xa2: {  	_ =	swait.ge [sflag:s23], $0x1  }
0xa3: {  	[sflag:s23] =	ssyncset.done $0x0  }
0xa4: {  	s25 =	simm.s32 $0x1B8E;
	s24 =	sld [smem:$0x3FFE];
	[sflag:s23] =	ssyncadd.s32 $0xFFFFFFFF  }
0xa5: {  	s26 =	simm.s32 $execute0_lowered;
	[smem:$0x3FD2] =	sst s25  }
0xa6: {  	s4 =	sshll.u32 s26, $0x1;
	_ =	strace $0x80000049;
	[dreg:$0x1] =	wrdreg $0xFFFFFFFF  }
0xa7: {  	s28 =	simm.s32 $_size_execute0_lowered;
	s2 =	sadd.s32 s2, s4;
	[dreg:$0x0] =	wrdreg $0x0  }
0xa8: {  	s4 =	sshll.u32 s28, $0x1;
	[dreg:$0x2] =	wrdreg s2  }
0xa9: {  	[dreg:$0x3] =	wrdreg s4  }
0xaa: {  	[dreg:$0x4] =	wrdreg $0xC0  }
0xab: {  	_ =	task [dreg:s6], $0x5FFFF  }
0xac: {  	[dreg:$0x1] =	wrdreg $0xFFFFFFFF  }
0xad: {  	[dreg:$0x0] =	wrdreg $0x60  }
0xae: {  	[dreg:$0x2] =	wrdreg s24  }
0xaf: {  	[dreg:$0x3] =	wrdreg $0x128000  }
0xb0: {  	[dreg:$0x4] =	wrdreg $0x9  }
0xb1: {  	_ =	task.clear_ibuf [dreg:s6], $0x5FFFF;
	_ =	strace $0x90000049  }
0xb2: {  	s29 =	simm.s32 $0x9;
	_ =	strace $0x8000004B  }
0xb3: {  	_ =	swait.ge [sflag:s29], $0x1  }
0xb4: {  	[sflag:s29] =	ssyncadd.s32 $0xFFFFFFFF  }
0xb5: {  	_ =	strace $0x9000004B  }
0xb6: {  	_ =	sfence  }
0xb7: {  	s30 =	sld [smem:$0x0];
	_ =	sdelay $0x2  }
0xb8: {  	s31 =	sshll.u32 s1, $0xD;
	s1 =	sshrl.u32 s1, $0x2  }
0xb9: {  	s3 =	sand.u32 $0x4000, s31;
	s1 =	sadd.s32 s1, s30  }
0xba: {  	s0 =	sor.u32 s3, s0;
	s1 =	sshll.u32 s1, $0x11  }
0xbb: {  	s0 =	sor.u32 s1, s0  }
0xbc: {  	s0 =	sadd.s32 $0x8F2B, s0  }
0xbd: {  	[sflag:s0] =	ssyncadd.remote.s32 $0x1  }
0xbe: {  	_ =	sfence.sel $0xFFFF  }
0xbf: {  	[dreg:$0x0] =	wrdreg $0xFFFFFFFF;
	(pc) =	sbr.abs _section_cstart, $3  }
0xc0: {  	[dreg:$0x1] =	wrdreg $0xFFFFFFFF  }
0xc1: {  	_ =	task.clear_ibuf [dreg:s6], $0x2FFFF;
	_ =	strace $0x9FFFFFFF  }
0xc2: {  	(tm) =	ssettm $0x7FFFFFFF  }
0xc3: {  	_ =	shalt  }
tec
execute0_lowered:
.L_overlay_start_1:
0x0: {  	(tag) =	ssettag $0x1  }
0x1: {  	s0 =	rddreg [dreg:$0x0]  }
0x2: {  	s1 =	rddreg [dreg:$0x1]  }
0x3: {  	s2 =	simm.s32 $0x0;
	s20 =	srdreg.scid;
	s9 =	stileid.u32  }
0x4: {  	s29 =	simm.s32 $0x6800;
	s31 =	simm.s32 $0x8800;
	s28 =	simm.s32 $0x3  }
0x5: {  	s30 =	simm.s32 $0x4;
	[smem:$0x7FF] =	sst s2;
	s4 =	sadd.s32 $0x3DA00, s0  }
0x6: {  	s2 =	sand.u32 $0x1, s20;
	s3 =	sadd.s32 $0x2800, s0;
	s6 =	smul.u32 $0x13C00, s9  }
0x7: {  	s7 =	sadd.s32 $0x51600, s0;
	s9 =	sshll.u32 s9, $0x1;
	s16 =	sadd.s32 $0xC440, s0  }
0x8: {  	s0 =	sadd.s32 $0xC300, s0;
	_ =	strace $0x8000004A;
	[dreg:$0xa] =	wrdreg s16  }
0x9: {  	s5 =	ssub.s32 $0x2, s2;
	[dreg:$0xb] =	wrdreg s0;
	s16 =	simm.s32 $0x1  }
0xa: {  	s8 =	sshrl.u32 s5, $0x1;
	s21 =	sadd.s32 $0x4000, s6;
	s10 =	sshrl.u32 s6, $0x1  }
0xb: {  	s12 =	sadd.s32 $0x8000, s6;
	s24 =	sadd.s32 $0xC000, s6;
	s13 =	sadd.s32 $0x10000, s6  }
0xc: {  	s5 =	ssub.s32 s5, s8;
	s8 =	sor.u32 s2, s9;
	s11 =	sshrl.u32 s21, $0x1  }
0xd: {  	s10 =	sadd.s32 s10, s1;
	s23 =	sshrl.u32 s12, $0x1;
	s25 =	sshrl.u32 s24, $0x1  }
0xe: {  	s26 =	sshrl.u32 s13, $0x1;
	s2 =	smul.u32 $0x13C000, s2;
	s9 =	simm.s32 $0x0  }
0xf: {  	[dreg:$0x3] =	wrdreg s10;
	s22 =	sadd.s32 s11, s1;
	s15 =	smul.u32 $0x500, s8  }
0x10: {  	s10 =	sadd.s32 s23, s1;
	s14 =	smul.u32 $0x2800, s8;
	[dreg:$0x4] =	wrdreg s22  }
0x11: {  	s11 =	sadd.s32 s25, s1;
	p0 =	seq.s32 s8, $0x1F;
	[dreg:$0x5] =	wrdreg s10  }
0x12: {  	s8 =	simm.s32 $0xE800;
	[dreg:$0x7] =	wrdreg s11;
	s11 =	sadd.s32 s26, s1  }
0x13: {  	s6 =	sadd.s32 s6, s2;
	s20 =	sadd.s32 s2, s21;
	s22 =	sadd.s32 s2, s12  }
0x14: {  	s23 =	sadd.s32 s2, s24;
	s2 =	sadd.s32 s2, s13;
	s26 =	smax.u32 s5, $0x1  }
0x15: {  	s13 =	simm.s32 $0xC800;
	s12 =	simm.s32 $0xD;
	[dreg:$0x8] =	wrdreg s11  }
0x16: {  	s5 =	simm.s32 $0xE;
	[dreg:$0x6] =	wrdreg s15;
	s15 =	sadd.s32 s3, s15  }
0x17: {  	s17 =	sshrl.u32 s14, $0x3;
	s19 =	sshrl.u32 s6, $0x4;
	s21 =	sshrl.u32 s20, $0x4  }
0x18: {  	s25 =	sshrl.u32 s2, $0x4;
	[dreg:$0x13] =	wrdreg s26;
	s26 =	simm.s32 $0x4800  }
0x19: {  	s11 =	simm.s32 $0x8;
	s20 =	simm.s32 $0x9;
	s14 =	simm.s32 $0xC  }
0x1a: {  	s6 =	simm.s32 $0xF;
	[dreg:$0x9] =	wrdreg s15;
	s18 =	sadd.s32 $0x280, s17  }
0x1b: {  	s0 =	sadd.s32 s7, s19;
	s17 =	simm.s32 $0x2;
	s19 =	simm.s32 $0x7  }
0x1c: {  	s15 =	simm.s32 $0xB;
	[dreg:$0xc] =	wrdreg s18;
	s3 =	sadd.s32 s3, s18  }
0x1d: {  	[dreg:$0xe] =	wrdreg s0;
	s0 =	sadd.s32 s7, s21;
	s18 =	simm.s32 $0x5  }
0x1e: {  	s21 =	simm.s32 $0xA;
	[dreg:$0xf] =	wrdreg s0;
	s0 =	sshrl.u32 s22, $0x4  }
0x1f: {  	[dreg:$0xd] =	wrdreg s3;
	s3 =	sshrl.u32 s23, $0x4;
	s0 =	sadd.s32 s7, s0  }
0x20: {  	s22 =	simm.s32 $0x2800;
	s24 =	sadd.s32 s7, s3;
	[dreg:$0x10] =	wrdreg s0  }
0x21: {  	s23 =	simm.s32 $0x11;
	s3 =	simm.s32 $0xA800;
	[dreg:$0x11] =	wrdreg s24  }
0x22: {  	s0 =	sadd.s32 s7, s25;
	s25 =	simm.s32 $0x80;
	s24 =	simm.s32 $0x10800  }
0x23: {  	v0 =	vimm.bf16 $0.0e+00;
	v1 =	vimm.s32 $0x2718;
	s7 =	simm.s32 $0x10;
	[dreg:$0x12] =	wrdreg s0;
	s0 =	simm.s32 $0x6  }
.LBB2_1:
0x24: {  	[dreg:$0x14] =	wrdreg s9;
	s10 =	simm.s32 $0x100;
	s2 =	simm.s32 $0x0  }
.LBB2_2:
0x25: {  	p1 =	sne.s32 s10, $0x7F00;
	[tilespmem:s2+$0x2830] =	vst v0;
	s9 =	smov.u32 s10;
	s10 =	sadd.s32 $0x100, s10  }
.Ltmp0:
0x26: {  	[tilespmem:s2+$0x2820] =	vst v0;
	(pc) =	sbr.rel @p1 .LBB2_2-.Ltmp0, $3  }
0x27: {  	[tilespmem:s2+$0x2800] =	vst v0  }
0x28: {  	[tilespmem:s2+$0x2810] =	vst v0;
	_ =	sdelay $0x1  }
0x29: {  	s2 =	sshra.s32 s9, $0x2  }
0x2a: {  	[tilespmem:s2+$0x2830] =	vst v0  }
0x2b: {  	[tilespmem:s2+$0x2820] =	vst v0  }
0x2c: {  	[tilespmem:s2+$0x2800] =	vst v0  }
0x2d: {  	[tilespmem:s2+$0x2810] =	vst v0;
	s10 =	rddreg [dreg:$0x3]  }
0x2e: {  	[spmem:s10] =	stream.linear.scatter [tilespmem:s22], [sflag:$0x11], $0x2000, $0x38;
	[tilespmem:$0x1C600] =	vst v63  }
0x2f: {  	_ =	swait.ge [sflag:s23], $0x2000  }
0x30: {  	[sflag:s23] =	ssyncset.done $0x0  }
0x31: {  	s9 =	rddreg [dreg:$0x4];
	[sflag:s23] =	ssyncadd.s32 $0xFFFFE000  }
0x32: {  	[spmem:s9] =	stream.linear.scatter [tilespmem:s22], [sflag:$0x11], $0x2000, $0x38;
	[tilespmem:$0x1C600] =	vst v63  }
0x33: {  	_ =	swait.ge [sflag:s23], $0x2000  }
0x34: {  	[sflag:s23] =	ssyncset.done $0x0  }
0x35: {  	s10 =	rddreg [dreg:$0x5];
	[sflag:s23] =	ssyncadd.s32 $0xFFFFE000  }
0x36: {  	[spmem:s10] =	stream.linear.scatter [tilespmem:s22], [sflag:$0x11], $0x2000, $0x38;
	[tilespmem:$0x1C600] =	vst v63  }
0x37: {  	_ =	swait.ge [sflag:s23], $0x2000  }
0x38: {  	[sflag:s23] =	ssyncset.done $0x0  }
0x39: {  	s9 =	rddreg [dreg:$0x7];
	[sflag:s23] =	ssyncadd.s32 $0xFFFFE000  }
0x3a: {  	[spmem:s9] =	stream.linear.scatter [tilespmem:s22], [sflag:$0x11], $0x2000, $0x38;
	[tilespmem:$0x1C600] =	vst v63  }
0x3b: {  	_ =	swait.ge [sflag:s23], $0x2000  }
0x3c: {  	[sflag:s23] =	ssyncset.done $0x0  }
0x3d: {  	s10 =	rddreg [dreg:$0x8];
	[sflag:s23] =	ssyncadd.s32 $0xFFFFE000  }
0x3e: {  	[spmem:s10] =	stream.linear.scatter [tilespmem:s22], [sflag:$0x11], $0x1E00, $0x38;
	[tilespmem:$0x1C600] =	vst v63  }
.Ltmp1:
0x3f: {  	_ =	swait.ge [sflag:s23], $0x1E00;
	(pc) =	sbr.rel @!p0 .LBB2_4-.Ltmp1, $3  }
0x40: {  	[sflag:s23] =	ssyncset.done $0x0  }
0x41: {  	[sflag:s23] =	ssyncadd.s32 $0xFFFFE200  }
0x42: {  	[bflag:$0x0] =	sbarrier.arrive $0xFFFF;
	_ =	sdelay $0x1  }
0x43: {  	s2 =	simm.s32 $0x0;
	s9 =	rddreg [dreg:$0xb]  }
0x44: {  	[tilespmem:s2], [sflag:$0x11] =	stream.linear.gather [hbm4b:s9+s2], $0xA00, $0x38;
	[tilespmem:$0x1C600] =	vst v63  }
0x45: {  	_ =	swait.ge [sflag:s23], $0xA00  }
0x46: {  	[sflag:s23] =	ssyncset.done $0x0;
	s10 =	rddreg [dreg:$0xa]  }
0x47: {  	[sflag:s23] =	ssyncadd.s32 $0xFFFFF600;
	s9 =	sadd.s32 $0x9B00, s10;
	s10 =	simm.s32 $0x1400  }
0x48: {  	[tilespmem:s10], [sflag:$0x11] =	stream.linear.gather [hbm4b:s9+s2], $0xA00, $0x38;
	[tilespmem:$0x1C600] =	vst v63  }
0x49: {  	_ =	swait.ge [sflag:s23], $0xA00  }
0x4a: {  	[sflag:s23] =	ssyncset.done $0x0  }
0x4b: {  	s2 =	simm.s32 $0x0;
	s10 =	simm.s32 $0x200;
	[sflag:s23] =	ssyncadd.s32 $0xFFFFF600  }
.LBB2_6:
0x4c: {  	p1 =	sne.s32 s10, $0x2600;
	[tilespmem:s2+$0xA70] =	vst v1  }
0x4d: {  	[tilespmem:s2+$0xA00] =	vst v1  }
0x4e: {  	[tilespmem:s2+$0xA10] =	vst v1  }
.Ltmp2:
0x4f: {  	[tilespmem:s2+$0xA20] =	vst v1;
	(pc) =	sbr.rel @p1 .LBB2_6-.Ltmp2, $4  }
0x50: {  	[tilespmem:s2+$0xA30] =	vst v1  }
0x51: {  	[tilespmem:s2+$0xA40] =	vst v1  }
0x52: {  	[tilespmem:s2+$0xA50] =	vst v1  }
0x53: {  	[tilespmem:s2+$0xA60] =	vst v1;
	s2 =	sshra.s32 s10, $0x2;
	s10 =	sadd.s32 $0x200, s10  }
0x54: {  	[tilespmem:s2+$0xA70] =	vst v1  }
0x55: {  	[tilespmem:s2+$0xA00] =	vst v1  }
0x56: {  	[tilespmem:s2+$0xA10] =	vst v1  }
0x57: {  	[tilespmem:s2+$0xA20] =	vst v1  }
0x58: {  	[tilespmem:s2+$0xA30] =	vst v1  }
0x59: {  	[tilespmem:s2+$0xA40] =	vst v1  }
0x5a: {  	[tilespmem:s2+$0xA50] =	vst v1  }
0x5b: {  	[tilespmem:s2+$0xA60] =	vst v1;
	s2 =	simm.s32 $0x0;
	s10 =	simm.s32 $0x200  }
.LBB2_8:
0x5c: {  	p1 =	sne.s32 s10, $0x2600;
	[tilespmem:s2+$0x1E70] =	vst v1  }
0x5d: {  	[tilespmem:s2+$0x1E00] =	vst v1  }
0x5e: {  	[tilespmem:s2+$0x1E10] =	vst v1  }
.Ltmp3:
0x5f: {  	[tilespmem:s2+$0x1E20] =	vst v1;
	(pc) =	sbr.rel @p1 .LBB2_8-.Ltmp3, $4  }
0x60: {  	[tilespmem:s2+$0x1E30] =	vst v1  }
0x61: {  	[tilespmem:s2+$0x1E40] =	vst v1  }
0x62: {  	[tilespmem:s2+$0x1E50] =	vst v1  }
0x63: {  	[tilespmem:s2+$0x1E60] =	vst v1;
	s2 =	sshra.s32 s10, $0x2;
	s10 =	sadd.s32 $0x200, s10  }
0x64: {  	[tilespmem:s2+$0x1E70] =	vst v1  }
0x65: {  	[tilespmem:s2+$0x1E00] =	vst v1  }
0x66: {  	[tilespmem:s2+$0x1E10] =	vst v1  }
.Ltmp4:
0x67: {  	[tilespmem:s2+$0x1E20] =	vst v1;
	(pc) =	sbr.rel .LBB2_10-.Ltmp4, $4  }
0x68: {  	[tilespmem:s2+$0x1E30] =	vst v1  }
0x69: {  	[tilespmem:s2+$0x1E40] =	vst v1  }
0x6a: {  	[tilespmem:s2+$0x1E50] =	vst v1  }
0x6b: {  	[tilespmem:s2+$0x1E60] =	vst v1  }
.LBB2_4:
0x6c: {  	s9 =	simm.s32 $0x0;
	s2 =	rddreg [dreg:$0x9]  }
0x6d: {  	[tilespmem:s9], [sflag:$0x11] =	stream.linear.gather [hbm4b:s2+s9], $0x1400, $0x38;
	[tilespmem:$0x1C600] =	vst v63  }
0x6e: {  	_ =	swait.ge [sflag:s23], $0x1400  }
0x6f: {  	s2 =	rddreg [dreg:$0x6]  }
0x70: {  	[sflag:s23] =	ssyncset.done $0x0;
	s10 =	rddreg [dreg:$0xa]  }
0x71: {  	[sflag:s23] =	ssyncadd.s32 $0xFFFFEC00;
	s2 =	sadd.s32 s2, s10;
	s10 =	simm.s32 $0x1400  }
0x72: {  	[tilespmem:s10], [sflag:$0x11] =	stream.linear.gather [hbm4b:s2+s9], $0x1400, $0x38;
	[tilespmem:$0x1C600] =	vst v63  }
0x73: {  	_ =	swait.ge [sflag:s23], $0x1400  }
0x74: {  	[sflag:s23] =	ssyncset.done $0x0  }
0x75: {  	[sflag:s23] =	ssyncadd.s32 $0xFFFFEC00  }
.LBB2_10:
0x76: {  	s2 =	simm.s32 $0x0  }
0x77: {  	[tilespmem:s22], [sflag:$0x1] =	stream.indirect.gather [hbm4b:s4+s25], $0x40, s2, s25, $0xb8;
	[tilespmem:$0x1C600] =	vst v63  }
0x78: {  	_ = 	snop  }
0x79: {  	[tilespmem:s26], [sflag:$0x2] =	stream.indirect.gather [hbm4b:s4+s25], $0x40, s25, s25, $0xb8;
	[tilespmem:$0x1C600] =	vst v63  }
0x7a: {  	s10 =	simm.s32 $0x100  }
0x7b: {  	[tilespmem:s29], [sflag:$0x3] =	stream.indirect.gather [hbm4b:s4+s25], $0x40, s10, s25, $0xb8;
	[tilespmem:$0x1C600] =	vst v63  }
0x7c: {  	s9 =	simm.s32 $0x180  }
0x7d: {  	[tilespmem:s31], [sflag:$0x4] =	stream.indirect.gather [hbm4b:s4+s25], $0x40, s9, s25, $0xb8;
	[tilespmem:$0x1C600] =	vst v63  }
0x7e: {  	s10 =	simm.s32 $0x200  }
0x7f: {  	[tilespmem:s3], [sflag:$0x5] =	stream.indirect.gather [hbm4b:s4+s25], $0x40, s10, s25, $0xb8;
	[tilespmem:$0x1C600] =	vst v63  }
0x80: {  	s9 =	simm.s32 $0x280  }
0x81: {  	[tilespmem:s13], [sflag:$0x6] =	stream.indirect.gather [hbm4b:s4+s25], $0x40, s9, s25, $0xb8;
	[tilespmem:$0x1C600] =	vst v63  }
0x82: {  	s10 =	simm.s32 $0x300  }
0x83: {  	[tilespmem:s8], [sflag:$0x7] =	stream.indirect.gather [hbm4b:s4+s25], $0x40, s10, s25, $0xb8;
	[tilespmem:$0x1C600] =	vst v63  }
0x84: {  	s9 =	simm.s32 $0x380  }
0x85: {  	[tilespmem:s24], [sflag:$0x8] =	stream.indirect.gather [hbm4b:s4+s25], $0x40, s9, s25, $0xb8;
	[tilespmem:$0x1C600] =	vst v63  }
0x86: {  	_ =	swait.ge [sflag:s16], $0x2000  }
0x87: {  	[sflag:s16] =	ssyncset.done $0x0  }
0x88: {  	s10 =	simm.s32 $0x1400;
	[sflag:s16] =	ssyncadd.s32 $0xFFFFE000  }
0x89: {  	[spmem:s1] =	stream.indirect.scatter.add.bf16 [tilespmem:s22], [sflag:$0x9], $0x40, s10, s25, $0xb8;
	[tilespmem:$0x1C600] =	vst v63  }
0x8a: {  	_ =	swait.ge [sflag:s17], $0x2000  }
0x8b: {  	[sflag:s17] =	ssyncset.done $0x0  }
0x8c: {  	s9 =	simm.s32 $0x1480;
	[sflag:s17] =	ssyncadd.s32 $0xFFFFE000  }
0x8d: {  	[spmem:s1] =	stream.indirect.scatter.add.bf16 [tilespmem:s26], [sflag:$0xA], $0x40, s9, s25, $0xb8;
	[tilespmem:$0x1C600] =	vst v63  }
0x8e: {  	_ =	swait.ge [sflag:s28], $0x2000  }
0x8f: {  	[sflag:s28] =	ssyncset.done $0x0  }
0x90: {  	s10 =	simm.s32 $0x1500;
	[sflag:s28] =	ssyncadd.s32 $0xFFFFE000  }
0x91: {  	[spmem:s1] =	stream.indirect.scatter.add.bf16 [tilespmem:s29], [sflag:$0xB], $0x40, s10, s25, $0xb8;
	[tilespmem:$0x1C600] =	vst v63  }
0x92: {  	_ =	swait.ge [sflag:s30], $0x2000  }
0x93: {  	[sflag:s30] =	ssyncset.done $0x0  }
0x94: {  	s9 =	simm.s32 $0x1580;
	[sflag:s30] =	ssyncadd.s32 $0xFFFFE000  }
0x95: {  	[spmem:s1] =	stream.indirect.scatter.add.bf16 [tilespmem:s31], [sflag:$0xC], $0x40, s9, s25, $0xb8;
	[tilespmem:$0x1C600] =	vst v63  }
0x96: {  	_ =	swait.ge [sflag:s18], $0x2000  }
0x97: {  	[sflag:s18] =	ssyncset.done $0x0  }
0x98: {  	s10 =	simm.s32 $0x1600;
	[sflag:s18] =	ssyncadd.s32 $0xFFFFE000  }
0x99: {  	[spmem:s1] =	stream.indirect.scatter.add.bf16 [tilespmem:s3], [sflag:$0xD], $0x40, s10, s25, $0xb8;
	[tilespmem:$0x1C600] =	vst v63  }
0x9a: {  	_ =	swait.ge [sflag:s0], $0x2000  }
0x9b: {  	[sflag:s0] =	ssyncset.done $0x0  }
0x9c: {  	s9 =	simm.s32 $0x1680;
	[sflag:s0] =	ssyncadd.s32 $0xFFFFE000  }
0x9d: {  	[spmem:s1] =	stream.indirect.scatter.add.bf16 [tilespmem:s13], [sflag:$0xE], $0x40, s9, s25, $0xb8;
	[tilespmem:$0x1C600] =	vst v63  }
0x9e: {  	_ =	swait.ge [sflag:s19], $0x2000  }
0x9f: {  	[sflag:s19] =	ssyncset.done $0x0  }
0xa0: {  	s10 =	simm.s32 $0x1700;
	[sflag:s19] =	ssyncadd.s32 $0xFFFFE000  }
0xa1: {  	[spmem:s1] =	stream.indirect.scatter.add.bf16 [tilespmem:s8], [sflag:$0xF], $0x40, s10, s25, $0xb8;
	[tilespmem:$0x1C600] =	vst v63  }
0xa2: {  	_ =	swait.ge [sflag:s11], $0x2000  }
0xa3: {  	[sflag:s11] =	ssyncset.done $0x0  }
0xa4: {  	s9 =	simm.s32 $0x1780;
	[sflag:s11] =	ssyncadd.s32 $0xFFFFE000  }
0xa5: {  	[spmem:s1] =	stream.indirect.scatter.add.bf16 [tilespmem:s24], [sflag:$0x10], $0x40, s9, s25, $0xb8;
	[tilespmem:$0x1C600] =	vst v63  }
0xa6: {  	_ =	swait.ge [sflag:s20], $0x2000  }
0xa7: {  	[sflag:s20] =	ssyncset.done $0x0  }
0xa8: {  	s10 =	simm.s32 $0x400;
	[sflag:s20] =	ssyncadd.s32 $0xFFFFE000  }
0xa9: {  	[tilespmem:s22], [sflag:$0x1] =	stream.indirect.gather [hbm4b:s4+s25], $0x40, s10, s25, $0xb8;
	[tilespmem:$0x1C600] =	vst v63  }
0xaa: {  	_ =	swait.ge [sflag:s21], $0x2000  }
0xab: {  	[sflag:s21] =	ssyncset.done $0x0  }
0xac: {  	s9 =	simm.s32 $0x480;
	[sflag:s21] =	ssyncadd.s32 $0xFFFFE000  }
0xad: {  	[tilespmem:s26], [sflag:$0x2] =	stream.indirect.gather [hbm4b:s4+s25], $0x40, s9, s25, $0xb8;
	[tilespmem:$0x1C600] =	vst v63  }
0xae: {  	_ =	swait.ge [sflag:s15], $0x2000  }
0xaf: {  	[sflag:s15] =	ssyncset.done $0x0  }
0xb0: {  	s10 =	simm.s32 $0x500;
	[sflag:s15] =	ssyncadd.s32 $0xFFFFE000  }
0xb1: {  	[tilespmem:s29], [sflag:$0x3] =	stream.indirect.gather [hbm4b:s4+s25], $0x40, s10, s25, $0xb8;
	[tilespmem:$0x1C600] =	vst v63  }
0xb2: {  	_ =	swait.ge [sflag:s14], $0x2000  }
0xb3: {  	[sflag:s14] =	ssyncset.done $0x0  }
0xb4: {  	s9 =	simm.s32 $0x580;
	[sflag:s14] =	ssyncadd.s32 $0xFFFFE000  }
0xb5: {  	[tilespmem:s31], [sflag:$0x4] =	stream.indirect.gather [hbm4b:s4+s25], $0x40, s9, s25, $0xb8;
	[tilespmem:$0x1C600] =	vst v63  }
0xb6: {  	_ =	swait.ge [sflag:s12], $0x2000  }
0xb7: {  	[sflag:s12] =	ssyncset.done $0x0  }
0xb8: {  	s10 =	simm.s32 $0x600;
	[sflag:s12] =	ssyncadd.s32 $0xFFFFE000  }
0xb9: {  	[tilespmem:s3], [sflag:$0x5] =	stream.indirect.gather [hbm4b:s4+s25], $0x40, s10, s25, $0xb8;
	[tilespmem:$0x1C600] =	vst v63  }
0xba: {  	_ =	swait.ge [sflag:s5], $0x2000  }
0xbb: {  	[sflag:s5] =	ssyncset.done $0x0  }
0xbc: {  	s9 =	simm.s32 $0x680;
	[sflag:s5] =	ssyncadd.s32 $0xFFFFE000  }
0xbd: {  	[tilespmem:s13], [sflag:$0x6] =	stream.indirect.gather [hbm4b:s4+s25], $0x40, s9, s25, $0xb8;
	[tilespmem:$0x1C600] =	vst v63  }
0xbe: {  	_ =	swait.ge [sflag:s6], $0x2000  }
0xbf: {  	[sflag:s6] =	ssyncset.done $0x0  }
0xc0: {  	s10 =	simm.s32 $0x700;
	[sflag:s6] =	ssyncadd.s32 $0xFFFFE000  }
0xc1: {  	[tilespmem:s8], [sflag:$0x7] =	stream.indirect.gather [hbm4b:s4+s25], $0x40, s10, s25, $0xb8;
	[tilespmem:$0x1C600] =	vst v63  }
0xc2: {  	_ =	swait.ge [sflag:s7], $0x2000  }
0xc3: {  	[sflag:s7] =	ssyncset.done $0x0  }
0xc4: {  	s2 =	simm.s32 $0x780;
	s10 =	simm.s32 $0x1000;
	[sflag:s7] =	ssyncadd.s32 $0xFFFFE000  }
.LBB2_11:
0xc5: {  	[tilespmem:s24], [sflag:$0x8] =	stream.indirect.gather [hbm4b:s4+s25], $0x40, s2, s25, $0xb8;
	[tilespmem:$0x1C600] =	vst v63  }
0xc6: {  	s2 =	smov.u32 s10  }
0xc7: {  	p1 =	sne.s32 s10, $0x3000;
	s10 =	sadd.s32 $0x1000, s10;
	_ =	swait.ge [sflag:s16], $0x2000  }
0xc8: {  	s2 =	sshra.s32 s2, $0x2;
	[sflag:s16] =	ssyncset.done $0x0  }
0xc9: {  	s9 =	sadd.s32 $0x1400, s2;
	[sflag:s16] =	ssyncadd.s32 $0xFFFFE000  }
0xca: {  	[spmem:s1] =	stream.indirect.scatter.add.bf16 [tilespmem:s22], [sflag:$0x9], $0x40, s9, s25, $0xb8;
	[tilespmem:$0x1C600] =	vst v63  }
0xcb: {  	_ =	swait.ge [sflag:s17], $0x2000  }
0xcc: {  	[sflag:s17] =	ssyncset.done $0x0  }
0xcd: {  	s9 =	sadd.s32 $0x1480, s2;
	[sflag:s17] =	ssyncadd.s32 $0xFFFFE000  }
0xce: {  	[spmem:s1] =	stream.indirect.scatter.add.bf16 [tilespmem:s26], [sflag:$0xA], $0x40, s9, s25, $0xb8;
	[tilespmem:$0x1C600] =	vst v63  }
0xcf: {  	_ =	swait.ge [sflag:s28], $0x2000  }
0xd0: {  	[sflag:s28] =	ssyncset.done $0x0  }
0xd1: {  	s9 =	sadd.s32 $0x1500, s2;
	[sflag:s28] =	ssyncadd.s32 $0xFFFFE000  }
0xd2: {  	[spmem:s1] =	stream.indirect.scatter.add.bf16 [tilespmem:s29], [sflag:$0xB], $0x40, s9, s25, $0xb8;
	[tilespmem:$0x1C600] =	vst v63  }
0xd3: {  	_ =	swait.ge [sflag:s30], $0x2000  }
0xd4: {  	[sflag:s30] =	ssyncset.done $0x0  }
0xd5: {  	s9 =	sadd.s32 $0x1580, s2;
	[sflag:s30] =	ssyncadd.s32 $0xFFFFE000  }
0xd6: {  	[spmem:s1] =	stream.indirect.scatter.add.bf16 [tilespmem:s31], [sflag:$0xC], $0x40, s9, s25, $0xb8;
	[tilespmem:$0x1C600] =	vst v63  }
0xd7: {  	_ =	swait.ge [sflag:s18], $0x2000  }
0xd8: {  	[sflag:s18] =	ssyncset.done $0x0  }
0xd9: {  	s9 =	sadd.s32 $0x1600, s2;
	[sflag:s18] =	ssyncadd.s32 $0xFFFFE000  }
0xda: {  	[spmem:s1] =	stream.indirect.scatter.add.bf16 [tilespmem:s3], [sflag:$0xD], $0x40, s9, s25, $0xb8;
	[tilespmem:$0x1C600] =	vst v63  }
0xdb: {  	_ =	swait.ge [sflag:s0], $0x2000  }
0xdc: {  	[sflag:s0] =	ssyncset.done $0x0  }
0xdd: {  	s9 =	sadd.s32 $0x1680, s2;
	[sflag:s0] =	ssyncadd.s32 $0xFFFFE000  }
0xde: {  	[spmem:s1] =	stream.indirect.scatter.add.bf16 [tilespmem:s13], [sflag:$0xE], $0x40, s9, s25, $0xb8;
	[tilespmem:$0x1C600] =	vst v63  }
0xdf: {  	_ =	swait.ge [sflag:s19], $0x2000  }
0xe0: {  	[sflag:s19] =	ssyncset.done $0x0  }
0xe1: {  	s9 =	sadd.s32 $0x1700, s2;
	[sflag:s19] =	ssyncadd.s32 $0xFFFFE000  }
0xe2: {  	[spmem:s1] =	stream.indirect.scatter.add.bf16 [tilespmem:s8], [sflag:$0xF], $0x40, s9, s25, $0xb8;
	[tilespmem:$0x1C600] =	vst v63  }
0xe3: {  	_ =	swait.ge [sflag:s11], $0x2000  }
0xe4: {  	[sflag:s11] =	ssyncset.done $0x0  }
0xe5: {  	s9 =	sadd.s32 $0x1780, s2;
	[sflag:s11] =	ssyncadd.s32 $0xFFFFE000  }
0xe6: {  	[spmem:s1] =	stream.indirect.scatter.add.bf16 [tilespmem:s24], [sflag:$0x10], $0x40, s9, s25, $0xb8;
	[tilespmem:$0x1C600] =	vst v63  }
0xe7: {  	_ =	swait.ge [sflag:s20], $0x2000  }
0xe8: {  	[sflag:s20] =	ssyncset.done $0x0  }
0xe9: {  	s9 =	sadd.s32 $0x400, s2;
	[sflag:s20] =	ssyncadd.s32 $0xFFFFE000  }
0xea: {  	[tilespmem:s22], [sflag:$0x1] =	stream.indirect.gather [hbm4b:s4+s25], $0x40, s9, s25, $0xb8;
	[tilespmem:$0x1C600] =	vst v63  }
0xeb: {  	_ =	swait.ge [sflag:s21], $0x2000  }
0xec: {  	[sflag:s21] =	ssyncset.done $0x0  }
0xed: {  	s9 =	sadd.s32 $0x480, s2;
	[sflag:s21] =	ssyncadd.s32 $0xFFFFE000  }
0xee: {  	[tilespmem:s26], [sflag:$0x2] =	stream.indirect.gather [hbm4b:s4+s25], $0x40, s9, s25, $0xb8;
	[tilespmem:$0x1C600] =	vst v63  }
0xef: {  	_ =	swait.ge [sflag:s15], $0x2000  }
0xf0: {  	[sflag:s15] =	ssyncset.done $0x0  }
0xf1: {  	s9 =	sadd.s32 $0x500, s2;
	[sflag:s15] =	ssyncadd.s32 $0xFFFFE000  }
0xf2: {  	[tilespmem:s29], [sflag:$0x3] =	stream.indirect.gather [hbm4b:s4+s25], $0x40, s9, s25, $0xb8;
	[tilespmem:$0x1C600] =	vst v63  }
0xf3: {  	_ =	swait.ge [sflag:s14], $0x2000  }
0xf4: {  	[sflag:s14] =	ssyncset.done $0x0  }
0xf5: {  	s9 =	sadd.s32 $0x580, s2;
	[sflag:s14] =	ssyncadd.s32 $0xFFFFE000  }
0xf6: {  	[tilespmem:s31], [sflag:$0x4] =	stream.indirect.gather [hbm4b:s4+s25], $0x40, s9, s25, $0xb8;
	[tilespmem:$0x1C600] =	vst v63  }
0xf7: {  	_ =	swait.ge [sflag:s12], $0x2000  }
0xf8: {  	[sflag:s12] =	ssyncset.done $0x0  }
0xf9: {  	s9 =	sadd.s32 $0x600, s2;
	[sflag:s12] =	ssyncadd.s32 $0xFFFFE000  }
0xfa: {  	[tilespmem:s3], [sflag:$0x5] =	stream.indirect.gather [hbm4b:s4+s25], $0x40, s9, s25, $0xb8;
	[tilespmem:$0x1C600] =	vst v63  }
0xfb: {  	_ =	swait.ge [sflag:s5], $0x2000  }
0xfc: {  	[sflag:s5] =	ssyncset.done $0x0  }
0xfd: {  	s9 =	sadd.s32 $0x680, s2;
	[sflag:s5] =	ssyncadd.s32 $0xFFFFE000  }
0xfe: {  	[tilespmem:s13], [sflag:$0x6] =	stream.indirect.gather [hbm4b:s4+s25], $0x40, s9, s25, $0xb8;
	[tilespmem:$0x1C600] =	vst v63  }
0xff: {  	_ =	swait.ge [sflag:s6], $0x2000  }
0x100: {  	[sflag:s6] =	ssyncset.done $0x0  }
.Ltmp5:
0x101: {  	s9 =	sadd.s32 $0x700, s2;
	[sflag:s6] =	ssyncadd.s32 $0xFFFFE000;
	(pc) =	sbr.rel @p1 .LBB2_11-.Ltmp5, $4  }
0x102: {  	[tilespmem:s8], [sflag:$0x7] =	stream.indirect.gather [hbm4b:s4+s25], $0x40, s9, s25, $0xb8;
	[tilespmem:$0x1C600] =	vst v63  }
0x103: {  	_ =	swait.ge [sflag:s7], $0x2000  }
0x104: {  	[sflag:s7] =	ssyncset.done $0x0  }
0x105: {  	s2 =	sadd.s32 $0x780, s2;
	[sflag:s7] =	ssyncadd.s32 $0xFFFFE000  }
0x106: {  	[tilespmem:s24], [sflag:$0x8] =	stream.indirect.gather [hbm4b:s4+s25], $0x40, s2, s25, $0xb8;
	[tilespmem:$0x1C600] =	vst v63  }
0x107: {  	_ =	swait.ge [sflag:s16], $0x2000  }
0x108: {  	[sflag:s16] =	ssyncset.done $0x0  }
0x109: {  	s9 =	simm.s32 $0x2400;
	[sflag:s16] =	ssyncadd.s32 $0xFFFFE000  }
0x10a: {  	[spmem:s1] =	stream.indirect.scatter.add.bf16 [tilespmem:s22], [sflag:$0x9], $0x40, s9, s25, $0xb8;
	[tilespmem:$0x1C600] =	vst v63  }
0x10b: {  	_ =	swait.ge [sflag:s17], $0x2000  }
0x10c: {  	[sflag:s17] =	ssyncset.done $0x0  }
0x10d: {  	s10 =	simm.s32 $0x2480;
	[sflag:s17] =	ssyncadd.s32 $0xFFFFE000  }
0x10e: {  	[spmem:s1] =	stream.indirect.scatter.add.bf16 [tilespmem:s26], [sflag:$0xA], $0x40, s10, s25, $0xb8;
	[tilespmem:$0x1C600] =	vst v63  }
0x10f: {  	_ =	swait.ge [sflag:s28], $0x2000  }
0x110: {  	[sflag:s28] =	ssyncset.done $0x0  }
0x111: {  	s9 =	simm.s32 $0x2500;
	[sflag:s28] =	ssyncadd.s32 $0xFFFFE000  }
0x112: {  	[spmem:s1] =	stream.indirect.scatter.add.bf16 [tilespmem:s29], [sflag:$0xB], $0x40, s9, s25, $0xb8;
	[tilespmem:$0x1C600] =	vst v63  }
0x113: {  	_ =	swait.ge [sflag:s30], $0x2000  }
0x114: {  	[sflag:s30] =	ssyncset.done $0x0  }
0x115: {  	s10 =	simm.s32 $0x2580;
	[sflag:s30] =	ssyncadd.s32 $0xFFFFE000  }
0x116: {  	[spmem:s1] =	stream.indirect.scatter.add.bf16 [tilespmem:s31], [sflag:$0xC], $0x40, s10, s25, $0xb8;
	[tilespmem:$0x1C600] =	vst v63  }
0x117: {  	_ =	swait.ge [sflag:s18], $0x2000  }
0x118: {  	[sflag:s18] =	ssyncset.done $0x0  }
0x119: {  	s9 =	simm.s32 $0x2600;
	[sflag:s18] =	ssyncadd.s32 $0xFFFFE000  }
0x11a: {  	[spmem:s1] =	stream.indirect.scatter.add.bf16 [tilespmem:s3], [sflag:$0xD], $0x40, s9, s25, $0xb8;
	[tilespmem:$0x1C600] =	vst v63  }
0x11b: {  	_ =	swait.ge [sflag:s0], $0x2000  }
0x11c: {  	[sflag:s0] =	ssyncset.done $0x0  }
0x11d: {  	s10 =	simm.s32 $0x2680;
	[sflag:s0] =	ssyncadd.s32 $0xFFFFE000  }
0x11e: {  	[spmem:s1] =	stream.indirect.scatter.add.bf16 [tilespmem:s13], [sflag:$0xE], $0x40, s10, s25, $0xb8;
	[tilespmem:$0x1C600] =	vst v63  }
0x11f: {  	_ =	swait.ge [sflag:s19], $0x2000  }
0x120: {  	[sflag:s19] =	ssyncset.done $0x0  }
0x121: {  	s9 =	simm.s32 $0x2700;
	[sflag:s19] =	ssyncadd.s32 $0xFFFFE000  }
0x122: {  	[spmem:s1] =	stream.indirect.scatter.add.bf16 [tilespmem:s8], [sflag:$0xF], $0x40, s9, s25, $0xb8;
	[tilespmem:$0x1C600] =	vst v63  }
0x123: {  	_ =	swait.ge [sflag:s11], $0x2000  }
0x124: {  	[sflag:s11] =	ssyncset.done $0x0  }
0x125: {  	s10 =	simm.s32 $0x2780;
	[sflag:s11] =	ssyncadd.s32 $0xFFFFE000  }
0x126: {  	[spmem:s1] =	stream.indirect.scatter.add.bf16 [tilespmem:s24], [sflag:$0x10], $0x40, s10, s25, $0xb8;
	[tilespmem:$0x1C600] =	vst v63  }
0x127: {  	_ =	swait.ge [sflag:s20], $0x2000  }
0x128: {  	[sflag:s20] =	ssyncset.done $0x0  }
0x129: {  	[sflag:s20] =	ssyncadd.s32 $0xFFFFE000  }
0x12a: {  	_ =	swait.ge [sflag:s21], $0x2000  }
0x12b: {  	[sflag:s21] =	ssyncset.done $0x0  }
0x12c: {  	[sflag:s21] =	ssyncadd.s32 $0xFFFFE000  }
0x12d: {  	_ =	swait.ge [sflag:s15], $0x2000  }
0x12e: {  	[sflag:s15] =	ssyncset.done $0x0  }
0x12f: {  	[sflag:s15] =	ssyncadd.s32 $0xFFFFE000  }
0x130: {  	_ =	swait.ge [sflag:s14], $0x2000  }
0x131: {  	[sflag:s14] =	ssyncset.done $0x0  }
0x132: {  	[sflag:s14] =	ssyncadd.s32 $0xFFFFE000  }
0x133: {  	_ =	swait.ge [sflag:s12], $0x2000  }
0x134: {  	[sflag:s12] =	ssyncset.done $0x0  }
0x135: {  	[sflag:s12] =	ssyncadd.s32 $0xFFFFE000  }
0x136: {  	_ =	swait.ge [sflag:s5], $0x2000  }
0x137: {  	[sflag:s5] =	ssyncset.done $0x0  }
0x138: {  	[sflag:s5] =	ssyncadd.s32 $0xFFFFE000  }
0x139: {  	_ =	swait.ge [sflag:s6], $0x2000  }
.Ltmp6:
0x13a: {  	[sflag:s6] =	ssyncset.done $0x0;
	(pc) =	sbr.rel @!p0 .LBB2_13-.Ltmp6, $4  }
0x13b: {  	[sflag:s6] =	ssyncadd.s32 $0xFFFFE000  }
0x13c: {  	_ =	swait.ge [sflag:s7], $0x2000  }
0x13d: {  	[sflag:s7] =	ssyncset.done $0x0  }
0x13e: {  	s10 =	simm.s32 $0x0;
	[sflag:s7] =	ssyncadd.s32 $0xFFFFE000  }
0x13f: {  	s2 =	sshra.s32 s10, $0x2;
	s10 =	sadd.s32 $0x200, s10  }
.LBB2_15:
0x140: {  	p1 =	sne.s32 s10, $0x4E00;
	[tilespmem:s2+$0x70] =	vst v1  }
0x141: {  	[tilespmem:s2+$0x0] =	vst v1  }
0x142: {  	[tilespmem:s2+$0x10] =	vst v1  }
.Ltmp7:
0x143: {  	[tilespmem:s2+$0x20] =	vst v1;
	(pc) =	sbr.rel @p1 .LBB2_15-.Ltmp7, $4  }
0x144: {  	[tilespmem:s2+$0x30] =	vst v1  }
0x145: {  	[tilespmem:s2+$0x40] =	vst v1  }
0x146: {  	[tilespmem:s2+$0x50] =	vst v1  }
0x147: {  	[tilespmem:s2+$0x60] =	vst v1;
	s2 =	sshra.s32 s10, $0x2;
	s10 =	sadd.s32 $0x200, s10  }
0x148: {  	[tilespmem:s2+$0x70] =	vst v1  }
0x149: {  	[tilespmem:s2+$0x0] =	vst v1  }
0x14a: {  	[tilespmem:s2+$0x10] =	vst v1  }
0x14b: {  	[tilespmem:s2+$0x20] =	vst v1  }
0x14c: {  	[tilespmem:s2+$0x30] =	vst v1  }
0x14d: {  	[tilespmem:s2+$0x40] =	vst v1  }
0x14e: {  	[tilespmem:s2+$0x50] =	vst v1  }
0x14f: {  	[tilespmem:s2+$0x60] =	vst v1;
	s2 =	simm.s32 $0x0;
	s10 =	simm.s32 $0x200  }
.LBB2_17:
0x150: {  	p1 =	sne.s32 s10, $0x4E00;
	[tilespmem:s2+$0x1470] =	vst v1  }
0x151: {  	[tilespmem:s2+$0x1400] =	vst v1  }
0x152: {  	[tilespmem:s2+$0x1410] =	vst v1  }
.Ltmp8:
0x153: {  	[tilespmem:s2+$0x1420] =	vst v1;
	(pc) =	sbr.rel @p1 .LBB2_17-.Ltmp8, $4  }
0x154: {  	[tilespmem:s2+$0x1430] =	vst v1  }
0x155: {  	[tilespmem:s2+$0x1440] =	vst v1  }
0x156: {  	[tilespmem:s2+$0x1450] =	vst v1  }
0x157: {  	[tilespmem:s2+$0x1460] =	vst v1;
	s2 =	sshra.s32 s10, $0x2;
	s10 =	sadd.s32 $0x200, s10  }
0x158: {  	[tilespmem:s2+$0x1470] =	vst v1  }
0x159: {  	[tilespmem:s2+$0x1400] =	vst v1  }
0x15a: {  	[tilespmem:s2+$0x1410] =	vst v1  }
.Ltmp9:
0x15b: {  	[tilespmem:s2+$0x1420] =	vst v1;
	(pc) =	sbr.rel .LBB2_19-.Ltmp9, $4  }
0x15c: {  	[tilespmem:s2+$0x1430] =	vst v1  }
0x15d: {  	[tilespmem:s2+$0x1440] =	vst v1  }
0x15e: {  	[tilespmem:s2+$0x1450] =	vst v1  }
0x15f: {  	[tilespmem:s2+$0x1460] =	vst v1  }
.LBB2_13:
0x160: {  	s9 =	simm.s32 $0x0;
	s2 =	rddreg [dreg:$0xd]  }
0x161: {  	[tilespmem:s9], [sflag:$0x11] =	stream.linear.gather [hbm4b:s2+s9], $0x1400, $0x38;
	[tilespmem:$0x1C600] =	vst v63  }
0x162: {  	_ =	swait.ge [sflag:s23], $0x1400  }
0x163: {  	s2 =	rddreg [dreg:$0xa]  }
0x164: {  	[sflag:s23] =	ssyncset.done $0x0;
	s10 =	rddreg [dreg:$0xc]  }
0x165: {  	[sflag:s23] =	ssyncadd.s32 $0xFFFFEC00;
	s2 =	sadd.s32 s10, s2;
	s10 =	simm.s32 $0x1400  }
0x166: {  	[tilespmem:s10], [sflag:$0x11] =	stream.linear.gather [hbm4b:s2+s9], $0x1400, $0x38;
	[tilespmem:$0x1C600] =	vst v63  }
0x167: {  	_ =	swait.ge [sflag:s23], $0x1400  }
0x168: {  	[sflag:s23] =	ssyncset.done $0x0  }
0x169: {  	[sflag:s23] =	ssyncadd.s32 $0xFFFFEC00  }
.LBB2_19:
0x16a: {  	s2 =	simm.s32 $0x0  }
0x16b: {  	[tilespmem:s22], [sflag:$0x1] =	stream.indirect.gather [hbm4b:s4+s25], $0x40, s2, s25, $0xb8;
	[tilespmem:$0x1C600] =	vst v63  }
0x16c: {  	_ = 	snop  }
0x16d: {  	[tilespmem:s26], [sflag:$0x2] =	stream.indirect.gather [hbm4b:s4+s25], $0x40, s25, s25, $0xb8;
	[tilespmem:$0x1C600] =	vst v63  }
0x16e: {  	s10 =	simm.s32 $0x100  }
0x16f: {  	[tilespmem:s29], [sflag:$0x3] =	stream.indirect.gather [hbm4b:s4+s25], $0x40, s10, s25, $0xb8;
	[tilespmem:$0x1C600] =	vst v63  }
0x170: {  	s9 =	simm.s32 $0x180  }
0x171: {  	[tilespmem:s31], [sflag:$0x4] =	stream.indirect.gather [hbm4b:s4+s25], $0x40, s9, s25, $0xb8;
	[tilespmem:$0x1C600] =	vst v63  }
0x172: {  	s10 =	simm.s32 $0x200  }
0x173: {  	[tilespmem:s3], [sflag:$0x5] =	stream.indirect.gather [hbm4b:s4+s25], $0x40, s10, s25, $0xb8;
	[tilespmem:$0x1C600] =	vst v63  }
0x174: {  	s9 =	simm.s32 $0x280  }
0x175: {  	[tilespmem:s13], [sflag:$0x6] =	stream.indirect.gather [hbm4b:s4+s25], $0x40, s9, s25, $0xb8;
	[tilespmem:$0x1C600] =	vst v63  }
0x176: {  	s10 =	simm.s32 $0x300  }
0x177: {  	[tilespmem:s8], [sflag:$0x7] =	stream.indirect.gather [hbm4b:s4+s25], $0x40, s10, s25, $0xb8;
	[tilespmem:$0x1C600] =	vst v63  }
0x178: {  	s9 =	simm.s32 $0x380  }
0x179: {  	[tilespmem:s24], [sflag:$0x8] =	stream.indirect.gather [hbm4b:s4+s25], $0x40, s9, s25, $0xb8;
	[tilespmem:$0x1C600] =	vst v63  }
0x17a: {  	_ =	swait.ge [sflag:s16], $0x2000  }
0x17b: {  	[sflag:s16] =	ssyncset.done $0x0  }
0x17c: {  	s10 =	simm.s32 $0x1400;
	[sflag:s16] =	ssyncadd.s32 $0xFFFFE000  }
0x17d: {  	[spmem:s1] =	stream.indirect.scatter.add.bf16 [tilespmem:s22], [sflag:$0x9], $0x40, s10, s25, $0xb8;
	[tilespmem:$0x1C600] =	vst v63  }
0x17e: {  	_ =	swait.ge [sflag:s17], $0x2000  }
0x17f: {  	[sflag:s17] =	ssyncset.done $0x0  }
0x180: {  	s9 =	simm.s32 $0x1480;
	[sflag:s17] =	ssyncadd.s32 $0xFFFFE000  }
0x181: {  	[spmem:s1] =	stream.indirect.scatter.add.bf16 [tilespmem:s26], [sflag:$0xA], $0x40, s9, s25, $0xb8;
	[tilespmem:$0x1C600] =	vst v63  }
0x182: {  	_ =	swait.ge [sflag:s28], $0x2000  }
0x183: {  	[sflag:s28] =	ssyncset.done $0x0  }
0x184: {  	s10 =	simm.s32 $0x1500;
	[sflag:s28] =	ssyncadd.s32 $0xFFFFE000  }
0x185: {  	[spmem:s1] =	stream.indirect.scatter.add.bf16 [tilespmem:s29], [sflag:$0xB], $0x40, s10, s25, $0xb8;
	[tilespmem:$0x1C600] =	vst v63  }
0x186: {  	_ =	swait.ge [sflag:s30], $0x2000  }
0x187: {  	[sflag:s30] =	ssyncset.done $0x0  }
0x188: {  	s9 =	simm.s32 $0x1580;
	[sflag:s30] =	ssyncadd.s32 $0xFFFFE000  }
0x189: {  	[spmem:s1] =	stream.indirect.scatter.add.bf16 [tilespmem:s31], [sflag:$0xC], $0x40, s9, s25, $0xb8;
	[tilespmem:$0x1C600] =	vst v63  }
0x18a: {  	_ =	swait.ge [sflag:s18], $0x2000  }
0x18b: {  	[sflag:s18] =	ssyncset.done $0x0  }
0x18c: {  	s10 =	simm.s32 $0x1600;
	[sflag:s18] =	ssyncadd.s32 $0xFFFFE000  }
0x18d: {  	[spmem:s1] =	stream.indirect.scatter.add.bf16 [tilespmem:s3], [sflag:$0xD], $0x40, s10, s25, $0xb8;
	[tilespmem:$0x1C600] =	vst v63  }
0x18e: {  	_ =	swait.ge [sflag:s0], $0x2000  }
0x18f: {  	[sflag:s0] =	ssyncset.done $0x0  }
0x190: {  	s9 =	simm.s32 $0x1680;
	[sflag:s0] =	ssyncadd.s32 $0xFFFFE000  }
0x191: {  	[spmem:s1] =	stream.indirect.scatter.add.bf16 [tilespmem:s13], [sflag:$0xE], $0x40, s9, s25, $0xb8;
	[tilespmem:$0x1C600] =	vst v63  }
0x192: {  	_ =	swait.ge [sflag:s19], $0x2000  }
0x193: {  	[sflag:s19] =	ssyncset.done $0x0  }
0x194: {  	s10 =	simm.s32 $0x1700;
	[sflag:s19] =	ssyncadd.s32 $0xFFFFE000  }
0x195: {  	[spmem:s1] =	stream.indirect.scatter.add.bf16 [tilespmem:s8], [sflag:$0xF], $0x40, s10, s25, $0xb8;
	[tilespmem:$0x1C600] =	vst v63  }
0x196: {  	_ =	swait.ge [sflag:s11], $0x2000  }
0x197: {  	[sflag:s11] =	ssyncset.done $0x0  }
0x198: {  	s9 =	simm.s32 $0x1780;
	[sflag:s11] =	ssyncadd.s32 $0xFFFFE000  }
0x199: {  	[spmem:s1] =	stream.indirect.scatter.add.bf16 [tilespmem:s24], [sflag:$0x10], $0x40, s9, s25, $0xb8;
	[tilespmem:$0x1C600] =	vst v63  }
0x19a: {  	_ =	swait.ge [sflag:s20], $0x2000  }
0x19b: {  	[sflag:s20] =	ssyncset.done $0x0  }
0x19c: {  	s10 =	simm.s32 $0x400;
	[sflag:s20] =	ssyncadd.s32 $0xFFFFE000  }
0x19d: {  	[tilespmem:s22], [sflag:$0x1] =	stream.indirect.gather [hbm4b:s4+s25], $0x40, s10, s25, $0xb8;
	[tilespmem:$0x1C600] =	vst v63  }
0x19e: {  	_ =	swait.ge [sflag:s21], $0x2000  }
0x19f: {  	[sflag:s21] =	ssyncset.done $0x0  }
0x1a0: {  	s9 =	simm.s32 $0x480;
	[sflag:s21] =	ssyncadd.s32 $0xFFFFE000  }
0x1a1: {  	[tilespmem:s26], [sflag:$0x2] =	stream.indirect.gather [hbm4b:s4+s25], $0x40, s9, s25, $0xb8;
	[tilespmem:$0x1C600] =	vst v63  }
0x1a2: {  	_ =	swait.ge [sflag:s15], $0x2000  }
0x1a3: {  	[sflag:s15] =	ssyncset.done $0x0  }
0x1a4: {  	s10 =	simm.s32 $0x500;
	[sflag:s15] =	ssyncadd.s32 $0xFFFFE000  }
0x1a5: {  	[tilespmem:s29], [sflag:$0x3] =	stream.indirect.gather [hbm4b:s4+s25], $0x40, s10, s25, $0xb8;
	[tilespmem:$0x1C600] =	vst v63  }
0x1a6: {  	_ =	swait.ge [sflag:s14], $0x2000  }
0x1a7: {  	[sflag:s14] =	ssyncset.done $0x0  }
0x1a8: {  	s9 =	simm.s32 $0x580;
	[sflag:s14] =	ssyncadd.s32 $0xFFFFE000  }
0x1a9: {  	[tilespmem:s31], [sflag:$0x4] =	stream.indirect.gather [hbm4b:s4+s25], $0x40, s9, s25, $0xb8;
	[tilespmem:$0x1C600] =	vst v63  }
0x1aa: {  	_ =	swait.ge [sflag:s12], $0x2000  }
0x1ab: {  	[sflag:s12] =	ssyncset.done $0x0  }
0x1ac: {  	s10 =	simm.s32 $0x600;
	[sflag:s12] =	ssyncadd.s32 $0xFFFFE000  }
0x1ad: {  	[tilespmem:s3], [sflag:$0x5] =	stream.indirect.gather [hbm4b:s4+s25], $0x40, s10, s25, $0xb8;
	[tilespmem:$0x1C600] =	vst v63  }
0x1ae: {  	_ =	swait.ge [sflag:s5], $0x2000  }
0x1af: {  	[sflag:s5] =	ssyncset.done $0x0  }
0x1b0: {  	s9 =	simm.s32 $0x680;
	[sflag:s5] =	ssyncadd.s32 $0xFFFFE000  }
0x1b1: {  	[tilespmem:s13], [sflag:$0x6] =	stream.indirect.gather [hbm4b:s4+s25], $0x40, s9, s25, $0xb8;
	[tilespmem:$0x1C600] =	vst v63  }
0x1b2: {  	_ =	swait.ge [sflag:s6], $0x2000  }
0x1b3: {  	[sflag:s6] =	ssyncset.done $0x0  }
0x1b4: {  	s10 =	simm.s32 $0x700;
	[sflag:s6] =	ssyncadd.s32 $0xFFFFE000  }
0x1b5: {  	[tilespmem:s8], [sflag:$0x7] =	stream.indirect.gather [hbm4b:s4+s25], $0x40, s10, s25, $0xb8;
	[tilespmem:$0x1C600] =	vst v63  }
0x1b6: {  	_ =	swait.ge [sflag:s7], $0x2000  }
0x1b7: {  	[sflag:s7] =	ssyncset.done $0x0  }
0x1b8: {  	s2 =	simm.s32 $0x780;
	s10 =	simm.s32 $0x1000;
	[sflag:s7] =	ssyncadd.s32 $0xFFFFE000  }
.LBB2_20:
0x1b9: {  	[tilespmem:s24], [sflag:$0x8] =	stream.indirect.gather [hbm4b:s4+s25], $0x40, s2, s25, $0xb8;
	[tilespmem:$0x1C600] =	vst v63  }
0x1ba: {  	s2 =	smov.u32 s10  }
0x1bb: {  	p1 =	sne.s32 s10, $0x3000;
	s10 =	sadd.s32 $0x1000, s10;
	_ =	swait.ge [sflag:s16], $0x2000  }
0x1bc: {  	s2 =	sshra.s32 s2, $0x2;
	[sflag:s16] =	ssyncset.done $0x0  }
0x1bd: {  	s9 =	sadd.s32 $0x1400, s2;
	[sflag:s16] =	ssyncadd.s32 $0xFFFFE000  }
0x1be: {  	[spmem:s1] =	stream.indirect.scatter.add.bf16 [tilespmem:s22], [sflag:$0x9], $0x40, s9, s25, $0xb8;
	[tilespmem:$0x1C600] =	vst v63  }
0x1bf: {  	_ =	swait.ge [sflag:s17], $0x2000  }
0x1c0: {  	[sflag:s17] =	ssyncset.done $0x0  }
0x1c1: {  	s9 =	sadd.s32 $0x1480, s2;
	[sflag:s17] =	ssyncadd.s32 $0xFFFFE000  }
0x1c2: {  	[spmem:s1] =	stream.indirect.scatter.add.bf16 [tilespmem:s26], [sflag:$0xA], $0x40, s9, s25, $0xb8;
	[tilespmem:$0x1C600] =	vst v63  }
0x1c3: {  	_ =	swait.ge [sflag:s28], $0x2000  }
0x1c4: {  	[sflag:s28] =	ssyncset.done $0x0  }
0x1c5: {  	s9 =	sadd.s32 $0x1500, s2;
	[sflag:s28] =	ssyncadd.s32 $0xFFFFE000  }
0x1c6: {  	[spmem:s1] =	stream.indirect.scatter.add.bf16 [tilespmem:s29], [sflag:$0xB], $0x40, s9, s25, $0xb8;
	[tilespmem:$0x1C600] =	vst v63  }
0x1c7: {  	_ =	swait.ge [sflag:s30], $0x2000  }
0x1c8: {  	[sflag:s30] =	ssyncset.done $0x0  }
0x1c9: {  	s9 =	sadd.s32 $0x1580, s2;
	[sflag:s30] =	ssyncadd.s32 $0xFFFFE000  }
0x1ca: {  	[spmem:s1] =	stream.indirect.scatter.add.bf16 [tilespmem:s31], [sflag:$0xC], $0x40, s9, s25, $0xb8;
	[tilespmem:$0x1C600] =	vst v63  }
0x1cb: {  	_ =	swait.ge [sflag:s18], $0x2000  }
0x1cc: {  	[sflag:s18] =	ssyncset.done $0x0  }
0x1cd: {  	s9 =	sadd.s32 $0x1600, s2;
	[sflag:s18] =	ssyncadd.s32 $0xFFFFE000  }
0x1ce: {  	[spmem:s1] =	stream.indirect.scatter.add.bf16 [tilespmem:s3], [sflag:$0xD], $0x40, s9, s25, $0xb8;
	[tilespmem:$0x1C600] =	vst v63  }
0x1cf: {  	_ =	swait.ge [sflag:s0], $0x2000  }
0x1d0: {  	[sflag:s0] =	ssyncset.done $0x0  }
0x1d1: {  	s9 =	sadd.s32 $0x1680, s2;
	[sflag:s0] =	ssyncadd.s32 $0xFFFFE000  }
0x1d2: {  	[spmem:s1] =	stream.indirect.scatter.add.bf16 [tilespmem:s13], [sflag:$0xE], $0x40, s9, s25, $0xb8;
	[tilespmem:$0x1C600] =	vst v63  }
0x1d3: {  	_ =	swait.ge [sflag:s19], $0x2000  }
0x1d4: {  	[sflag:s19] =	ssyncset.done $0x0  }
0x1d5: {  	s9 =	sadd.s32 $0x1700, s2;
	[sflag:s19] =	ssyncadd.s32 $0xFFFFE000  }
0x1d6: {  	[spmem:s1] =	stream.indirect.scatter.add.bf16 [tilespmem:s8], [sflag:$0xF], $0x40, s9, s25, $0xb8;
	[tilespmem:$0x1C600] =	vst v63  }
0x1d7: {  	_ =	swait.ge [sflag:s11], $0x2000  }
0x1d8: {  	[sflag:s11] =	ssyncset.done $0x0  }
0x1d9: {  	s9 =	sadd.s32 $0x1780, s2;
	[sflag:s11] =	ssyncadd.s32 $0xFFFFE000  }
0x1da: {  	[spmem:s1] =	stream.indirect.scatter.add.bf16 [tilespmem:s24], [sflag:$0x10], $0x40, s9, s25, $0xb8;
	[tilespmem:$0x1C600] =	vst v63  }
0x1db: {  	_ =	swait.ge [sflag:s20], $0x2000  }
0x1dc: {  	[sflag:s20] =	ssyncset.done $0x0  }
0x1dd: {  	s9 =	sadd.s32 $0x400, s2;
	[sflag:s20] =	ssyncadd.s32 $0xFFFFE000  }
0x1de: {  	[tilespmem:s22], [sflag:$0x1] =	stream.indirect.gather [hbm4b:s4+s25], $0x40, s9, s25, $0xb8;
	[tilespmem:$0x1C600] =	vst v63  }
0x1df: {  	_ =	swait.ge [sflag:s21], $0x2000  }
0x1e0: {  	[sflag:s21] =	ssyncset.done $0x0  }
0x1e1: {  	s9 =	sadd.s32 $0x480, s2;
	[sflag:s21] =	ssyncadd.s32 $0xFFFFE000  }
0x1e2: {  	[tilespmem:s26], [sflag:$0x2] =	stream.indirect.gather [hbm4b:s4+s25], $0x40, s9, s25, $0xb8;
	[tilespmem:$0x1C600] =	vst v63  }
0x1e3: {  	_ =	swait.ge [sflag:s15], $0x2000  }
0x1e4: {  	[sflag:s15] =	ssyncset.done $0x0  }
0x1e5: {  	s9 =	sadd.s32 $0x500, s2;
	[sflag:s15] =	ssyncadd.s32 $0xFFFFE000  }
0x1e6: {  	[tilespmem:s29], [sflag:$0x3] =	stream.indirect.gather [hbm4b:s4+s25], $0x40, s9, s25, $0xb8;
	[tilespmem:$0x1C600] =	vst v63  }
0x1e7: {  	_ =	swait.ge [sflag:s14], $0x2000  }
0x1e8: {  	[sflag:s14] =	ssyncset.done $0x0  }
0x1e9: {  	s9 =	sadd.s32 $0x580, s2;
	[sflag:s14] =	ssyncadd.s32 $0xFFFFE000  }
0x1ea: {  	[tilespmem:s31], [sflag:$0x4] =	stream.indirect.gather [hbm4b:s4+s25], $0x40, s9, s25, $0xb8;
	[tilespmem:$0x1C600] =	vst v63  }
0x1eb: {  	_ =	swait.ge [sflag:s12], $0x2000  }
0x1ec: {  	[sflag:s12] =	ssyncset.done $0x0  }
0x1ed: {  	s9 =	sadd.s32 $0x600, s2;
	[sflag:s12] =	ssyncadd.s32 $0xFFFFE000  }
0x1ee: {  	[tilespmem:s3], [sflag:$0x5] =	stream.indirect.gather [hbm4b:s4+s25], $0x40, s9, s25, $0xb8;
	[tilespmem:$0x1C600] =	vst v63  }
0x1ef: {  	_ =	swait.ge [sflag:s5], $0x2000  }
0x1f0: {  	[sflag:s5] =	ssyncset.done $0x0  }
0x1f1: {  	s9 =	sadd.s32 $0x680, s2;
	[sflag:s5] =	ssyncadd.s32 $0xFFFFE000  }
0x1f2: {  	[tilespmem:s13], [sflag:$0x6] =	stream.indirect.gather [hbm4b:s4+s25], $0x40, s9, s25, $0xb8;
	[tilespmem:$0x1C600] =	vst v63  }
0x1f3: {  	_ =	swait.ge [sflag:s6], $0x2000  }
0x1f4: {  	[sflag:s6] =	ssyncset.done $0x0  }
.Ltmp10:
0x1f5: {  	s9 =	sadd.s32 $0x700, s2;
	[sflag:s6] =	ssyncadd.s32 $0xFFFFE000;
	(pc) =	sbr.rel @p1 .LBB2_20-.Ltmp10, $4  }
0x1f6: {  	[tilespmem:s8], [sflag:$0x7] =	stream.indirect.gather [hbm4b:s4+s25], $0x40, s9, s25, $0xb8;
	[tilespmem:$0x1C600] =	vst v63  }
0x1f7: {  	_ =	swait.ge [sflag:s7], $0x2000  }
0x1f8: {  	[sflag:s7] =	ssyncset.done $0x0  }
0x1f9: {  	s2 =	sadd.s32 $0x780, s2;
	[sflag:s7] =	ssyncadd.s32 $0xFFFFE000  }
0x1fa: {  	[tilespmem:s24], [sflag:$0x8] =	stream.indirect.gather [hbm4b:s4+s25], $0x40, s2, s25, $0xb8;
	[tilespmem:$0x1C600] =	vst v63  }
0x1fb: {  	_ =	swait.ge [sflag:s16], $0x2000  }
0x1fc: {  	[sflag:s16] =	ssyncset.done $0x0  }
0x1fd: {  	s9 =	simm.s32 $0x2400;
	[sflag:s16] =	ssyncadd.s32 $0xFFFFE000  }
0x1fe: {  	[spmem:s1] =	stream.indirect.scatter.add.bf16 [tilespmem:s22], [sflag:$0x9], $0x40, s9, s25, $0xb8;
	[tilespmem:$0x1C600] =	vst v63  }
0x1ff: {  	_ =	swait.ge [sflag:s17], $0x2000  }
0x200: {  	[sflag:s17] =	ssyncset.done $0x0  }
0x201: {  	s10 =	simm.s32 $0x2480;
	[sflag:s17] =	ssyncadd.s32 $0xFFFFE000  }
0x202: {  	[spmem:s1] =	stream.indirect.scatter.add.bf16 [tilespmem:s26], [sflag:$0xA], $0x40, s10, s25, $0xb8;
	[tilespmem:$0x1C600] =	vst v63  }
0x203: {  	_ =	swait.ge [sflag:s28], $0x2000  }
0x204: {  	[sflag:s28] =	ssyncset.done $0x0  }
0x205: {  	s9 =	simm.s32 $0x2500;
	[sflag:s28] =	ssyncadd.s32 $0xFFFFE000  }
0x206: {  	[spmem:s1] =	stream.indirect.scatter.add.bf16 [tilespmem:s29], [sflag:$0xB], $0x40, s9, s25, $0xb8;
	[tilespmem:$0x1C600] =	vst v63  }
0x207: {  	_ =	swait.ge [sflag:s30], $0x2000  }
0x208: {  	[sflag:s30] =	ssyncset.done $0x0  }
0x209: {  	s10 =	simm.s32 $0x2580;
	[sflag:s30] =	ssyncadd.s32 $0xFFFFE000  }
0x20a: {  	[spmem:s1] =	stream.indirect.scatter.add.bf16 [tilespmem:s31], [sflag:$0xC], $0x40, s10, s25, $0xb8;
	[tilespmem:$0x1C600] =	vst v63  }
0x20b: {  	_ =	swait.ge [sflag:s18], $0x2000  }
0x20c: {  	[sflag:s18] =	ssyncset.done $0x0  }
0x20d: {  	s9 =	simm.s32 $0x2600;
	[sflag:s18] =	ssyncadd.s32 $0xFFFFE000  }
0x20e: {  	[spmem:s1] =	stream.indirect.scatter.add.bf16 [tilespmem:s3], [sflag:$0xD], $0x40, s9, s25, $0xb8;
	[tilespmem:$0x1C600] =	vst v63  }
0x20f: {  	_ =	swait.ge [sflag:s0], $0x2000  }
0x210: {  	[sflag:s0] =	ssyncset.done $0x0  }
0x211: {  	s10 =	simm.s32 $0x2680;
	[sflag:s0] =	ssyncadd.s32 $0xFFFFE000  }
0x212: {  	[spmem:s1] =	stream.indirect.scatter.add.bf16 [tilespmem:s13], [sflag:$0xE], $0x40, s10, s25, $0xb8;
	[tilespmem:$0x1C600] =	vst v63  }
0x213: {  	_ =	swait.ge [sflag:s19], $0x2000  }
0x214: {  	[sflag:s19] =	ssyncset.done $0x0  }
0x215: {  	s9 =	simm.s32 $0x2700;
	[sflag:s19] =	ssyncadd.s32 $0xFFFFE000  }
0x216: {  	[spmem:s1] =	stream.indirect.scatter.add.bf16 [tilespmem:s8], [sflag:$0xF], $0x40, s9, s25, $0xb8;
	[tilespmem:$0x1C600] =	vst v63  }
0x217: {  	_ =	swait.ge [sflag:s11], $0x2000  }
0x218: {  	[sflag:s11] =	ssyncset.done $0x0  }
0x219: {  	s10 =	simm.s32 $0x2780;
	[sflag:s11] =	ssyncadd.s32 $0xFFFFE000  }
0x21a: {  	[spmem:s1] =	stream.indirect.scatter.add.bf16 [tilespmem:s24], [sflag:$0x10], $0x40, s10, s25, $0xb8;
	[tilespmem:$0x1C600] =	vst v63  }
0x21b: {  	_ =	swait.ge [sflag:s20], $0x2000  }
0x21c: {  	[sflag:s20] =	ssyncset.done $0x0  }
0x21d: {  	[sflag:s20] =	ssyncadd.s32 $0xFFFFE000  }
0x21e: {  	_ =	swait.ge [sflag:s21], $0x2000  }
0x21f: {  	[sflag:s21] =	ssyncset.done $0x0  }
0x220: {  	[sflag:s21] =	ssyncadd.s32 $0xFFFFE000  }
0x221: {  	_ =	swait.ge [sflag:s15], $0x2000  }
0x222: {  	[sflag:s15] =	ssyncset.done $0x0  }
0x223: {  	[sflag:s15] =	ssyncadd.s32 $0xFFFFE000  }
0x224: {  	_ =	swait.ge [sflag:s14], $0x2000  }
0x225: {  	[sflag:s14] =	ssyncset.done $0x0  }
0x226: {  	[sflag:s14] =	ssyncadd.s32 $0xFFFFE000  }
0x227: {  	_ =	swait.ge [sflag:s12], $0x2000  }
0x228: {  	[sflag:s12] =	ssyncset.done $0x0  }
0x229: {  	[sflag:s12] =	ssyncadd.s32 $0xFFFFE000  }
0x22a: {  	_ =	swait.ge [sflag:s5], $0x2000  }
0x22b: {  	[sflag:s5] =	ssyncset.done $0x0  }
0x22c: {  	[sflag:s5] =	ssyncadd.s32 $0xFFFFE000  }
0x22d: {  	_ =	swait.ge [sflag:s6], $0x2000  }
0x22e: {  	[sflag:s6] =	ssyncset.done $0x0  }
0x22f: {  	[sflag:s6] =	ssyncadd.s32 $0xFFFFE000  }
0x230: {  	_ =	swait.ge [sflag:s7], $0x2000  }
0x231: {  	[sflag:s7] =	ssyncset.done $0x0  }
0x232: {  	[sflag:s7] =	ssyncadd.s32 $0xFFFFE000  }
0x233: {  	[bflag:$0x0] =	sbarrier.arrive $0xFFFF  }
0x234: {  	s9 =	rddreg [dreg:$0x3]  }
0x235: {  	[tilespmem:s22], [sflag:$0x11] =	stream.linear.gather [spmem:s9], $0x2000, $0x38;
	[tilespmem:$0x1C600] =	vst v63  }
0x236: {  	_ =	swait.ge [sflag:s23], $0x2000  }
0x237: {  	[sflag:s23] =	ssyncset.done $0x0  }
0x238: {  	s2 =	simm.s32 $0x0;
	s9 =	rddreg [dreg:$0xe];
	[sflag:s23] =	ssyncadd.s32 $0xFFFFE000  }
0x239: {  	[hbm4b:s9+s2] =	stream.linear.scatter [tilespmem:s22], [sflag:$0x11], $0x2000, $0x38;
	[tilespmem:$0x1C600] =	vst v63  }
0x23a: {  	_ =	swait.ge [sflag:s23], $0x2000  }
0x23b: {  	[sflag:s23] =	ssyncset.done $0x0  }
0x23c: {  	s10 =	rddreg [dreg:$0x4];
	[sflag:s23] =	ssyncadd.s32 $0xFFFFE000  }
0x23d: {  	[tilespmem:s26], [sflag:$0x11] =	stream.linear.gather [spmem:s10], $0x2000, $0x38;
	[tilespmem:$0x1C600] =	vst v63  }
0x23e: {  	_ =	swait.ge [sflag:s23], $0x2000  }
0x23f: {  	[sflag:s23] =	ssyncset.done $0x0  }
0x240: {  	s10 =	rddreg [dreg:$0xf];
	[sflag:s23] =	ssyncadd.s32 $0xFFFFE000  }
0x241: {  	[hbm4b:s10+s2] =	stream.linear.scatter [tilespmem:s26], [sflag:$0x11], $0x2000, $0x38;
	[tilespmem:$0x1C600] =	vst v63  }
0x242: {  	_ =	swait.ge [sflag:s23], $0x2000  }
0x243: {  	[sflag:s23] =	ssyncset.done $0x0  }
0x244: {  	s10 =	rddreg [dreg:$0x5];
	[sflag:s23] =	ssyncadd.s32 $0xFFFFE000  }
0x245: {  	[tilespmem:s29], [sflag:$0x11] =	stream.linear.gather [spmem:s10], $0x2000, $0x38;
	[tilespmem:$0x1C600] =	vst v63  }
0x246: {  	_ =	swait.ge [sflag:s23], $0x2000  }
0x247: {  	[sflag:s23] =	ssyncset.done $0x0  }
0x248: {  	s10 =	rddreg [dreg:$0x10];
	[sflag:s23] =	ssyncadd.s32 $0xFFFFE000  }
0x249: {  	[hbm4b:s10+s2] =	stream.linear.scatter [tilespmem:s29], [sflag:$0x11], $0x2000, $0x38;
	[tilespmem:$0x1C600] =	vst v63  }
0x24a: {  	_ =	swait.ge [sflag:s23], $0x2000  }
0x24b: {  	[sflag:s23] =	ssyncset.done $0x0  }
0x24c: {  	s10 =	rddreg [dreg:$0x7];
	[sflag:s23] =	ssyncadd.s32 $0xFFFFE000  }
0x24d: {  	[tilespmem:s31], [sflag:$0x11] =	stream.linear.gather [spmem:s10], $0x2000, $0x38;
	[tilespmem:$0x1C600] =	vst v63  }
0x24e: {  	_ =	swait.ge [sflag:s23], $0x2000  }
0x24f: {  	[sflag:s23] =	ssyncset.done $0x0  }
0x250: {  	s10 =	rddreg [dreg:$0x11];
	[sflag:s23] =	ssyncadd.s32 $0xFFFFE000  }
0x251: {  	[hbm4b:s10+s2] =	stream.linear.scatter [tilespmem:s31], [sflag:$0x11], $0x2000, $0x38;
	[tilespmem:$0x1C600] =	vst v63  }
0x252: {  	_ =	swait.ge [sflag:s23], $0x2000  }
0x253: {  	[sflag:s23] =	ssyncset.done $0x0  }
0x254: {  	s10 =	rddreg [dreg:$0x8];
	[sflag:s23] =	ssyncadd.s32 $0xFFFFE000  }
0x255: {  	[tilespmem:s22], [sflag:$0x11] =	stream.linear.gather [spmem:s10], $0x1E00, $0x38;
	[tilespmem:$0x1C600] =	vst v63  }
0x256: {  	_ =	swait.ge [sflag:s23], $0x1E00  }
0x257: {  	[sflag:s23] =	ssyncset.done $0x0  }
0x258: {  	s10 =	rddreg [dreg:$0x12];
	[sflag:s23] =	ssyncadd.s32 $0xFFFFE200  }
0x259: {  	[hbm4b:s10+s2] =	stream.linear.scatter [tilespmem:s22], [sflag:$0x11], $0x1E00, $0x38;
	[tilespmem:$0x1C600] =	vst v63  }
0x25a: {  	_ =	swait.ge [sflag:s23], $0x1E00  }
0x25b: {  	s2 =	rddreg [dreg:$0x14]  }
0x25c: {  	s10 =	rddreg [dreg:$0x13];
	s9 =	sadd.s32 $0x1, s2  }
0x25d: {  	p1 =	sne.s32 s9, s10  }
.Ltmp11:
0x25e: {  	_ = 	snop;
	(pc) =	sbr.rel @p1 .LBB2_1-.Ltmp11, $3  }
0x25f: {  	_ =	sdelay $0x1  }
0x260: {  	[sflag:s23] =	ssyncset.done $0x0  }
0x261: {  	[sflag:s23] =	ssyncadd.s32 $0xFFFFE200  }
0x262: {  	_ =	sfence.sel $0x180000  }
0x263: {  	[bflag:$0x0] =	sbarrier.arrive $0xFFFF  }
0x264: {  	_ =	strace $0x9000004A  }
0x265: {  	s0 =	stileid.u32;
	[bflag:$0x2] =	sbarrier.arrive $0xFFFF  }
0x266: {  	p0 =	sne.s32 s0, $0x0;
	s0 =	rddreg [dreg:$0x2]  }
0x267: {  	s0 =	sadd.s32 @!p0 $0x100000, s0  }
0x268: {  	[sflag:s0] =	ssyncadd.tile.s32 @!p0 $0x1;
	_ =	shalt  }
.Lfunc_end2:
_tile_overlayer_lowered:
.L_overlay_start_2:
0x269: {  	(tag) =	ssettag $0x2  }
0x26a: {  	s0 =	rddreg [dreg:$0x0];
	s2 =	stileid.u32  }
0x26b: {  	s1 =	rddreg [dreg:$0x1];
	p0 =	sne.s32 s2, $0x0  }
0x26c: {  	s3 =	rddreg [dreg:$0x2];
	[bflag:$0x3] =	sbarrier.arrive $0xFFFF;
	s2 =	simm.s32 @!p0 $0x1C11  }
0x26d: {  	[timem:s3], [sflag:s2] =	dma.local @!p0 [hbm:s0], s1  }
0x26e: {  	s0 =	simm.s32 @!p0 $0x11  }
0x26f: {  	_ =	swait.ge @!p0 [sflag:s0], s1  }
0x270: {  	s1 =	ssub.s32 @!p0 $0x0, s1;
	[sflag:s0] =	ssyncset.done @!p0 $0x0  }
0x271: {  	[sflag:s0] =	ssyncadd.s32 @!p0 s1  }
0x272: {  	[bflag:$0x3] =	sbarrier.arrive $0xFFFF  }
0x273: {  	_ =	shalt  }

</sc_bundles>
